<compile_context>
chip_gen: v7x
topology: tpu7x:2x2x1
jax: 0.10.2.dev20260603
libtpu: 0.0.44.dev20260713+nightly
codegen_flags: <defaults>
</compile_context>

<pallas_src>
import functools

import jax
import jax.numpy as jnp
from jax import lax
from jax.experimental import pallas as pl
from jax.experimental.pallas import tpu as pltpu
from jax.experimental.pallas import tpu_sc as plsc

N = 10000
E = 320000
B = 100
DIM_IN = 128
D1 = 100
DG = 20
D1P = 104
DGP = 32
D2D = 200
DH = 64
MLP1 = 128
MLP2 = 32
EPS = 1e-5

NTILES = 32
CH = 80
NIT = (E // NTILES) // CH
NSLOT = 5
IA = 3
GA = 2
SD = NSLOT - IA
N_ACC = N + 8
RC = 80
NRC = N // RC
RR = -(-NRC // 16)


def _pad_ones(q, d, dp):
    qp = jnp.pad(q, ((0, 0), (0, dp - d)))
    col = lax.broadcasted_iota(jnp.int32, qp.shape, 1)
    return jnp.where(col == d, 1.0, qp)


def _proj1_body(x_ref, w_ref, o_ref):
    q = jnp.dot(x_ref[...], w_ref[...], preferred_element_type=jnp.float32)
    o_ref[...] = _pad_ones(q, D1, D1P)


def _mid_body(p_ref, w_ref, b_ref, o_ref):
    acc = p_ref[0] + p_ref[1]
    deg = jnp.maximum(acc[:, D1:D1 + 1], 1.0)
    h1 = jnp.maximum(acc[:, :D1] * (1.0 / deg) + b_ref[...], 0.0)
    q2 = jnp.dot(h1, w_ref[...], preferred_element_type=jnp.float32)
    o_ref[...] = _pad_ones(q2, DG, DGP)


def _tail_body(p_ref, ids_ref, b2_ref, d2_ref, wpg_ref, bpg_ref, wp2_ref,
               bp2_ref, watt_ref, wf1_ref, bf1_ref, wf2_ref,
               bf2_ref, wf3_ref, bf3_ref, o_ref):
    acc = p_ref[0] + p_ref[1]
    deg = jnp.maximum(acc[:, DG:DG + 1], 1.0)
    h2 = jnp.maximum(acc[:, :DG] * (1.0 / deg) + b2_ref[...], 0.0)
    h2 = _pad_ones(h2, DG, DGP)

    ids = ids_ref[...]
    gid = lax.broadcasted_iota(jnp.int32, (B, N), 0)
    member = (gid == ids).astype(jnp.float32)
    s = jnp.dot(member, h2, preferred_element_type=jnp.float32)
    cnt = jnp.maximum(s[:, DG:DG + 1], 1.0)
    hgf = s * (1.0 / cnt)

    h_g = jnp.dot(hgf[:, :DG], wpg_ref[...], preferred_element_type=jnp.float32) + bpg_ref[...]
    d2 = d2_ref[...]
    h_d = jnp.dot(d2, wp2_ref[...], preferred_element_type=jnp.float32) + bp2_ref[...]
    t = jnp.dot(h_g, watt_ref[...], preferred_element_type=jnp.float32)
    score = jnp.sum(t * h_d, axis=1, keepdims=True)
    a = 1.0 / (1.0 + jnp.exp(-score))
    g2 = a * d2
    g2a = jnp.concatenate([g2, jnp.ones((B, 1), jnp.float32)], axis=1)

    out1 = bf1_ref[...]
    for i in range(DG + 1):
        ti = jnp.dot(g2a, wf1_ref[i], preferred_element_type=jnp.float32)
        out1 = out1 + hgf[:, i:i + 1] * ti
    mu = jnp.mean(out1, axis=0, keepdims=True)
    var = jnp.mean((out1 - mu) ** 2, axis=0, keepdims=True)
    out1 = jnp.maximum((out1 - mu) / jnp.sqrt(var + EPS), 0.0)

    out2 = jnp.dot(out1, wf2_ref[...], preferred_element_type=jnp.float32) + bf2_ref[...]
    mu2 = jnp.mean(out2, axis=0, keepdims=True)
    var2 = jnp.mean((out2 - mu2) ** 2, axis=0, keepdims=True)
    out2 = jnp.maximum((out2 - mu2) / jnp.sqrt(var2 + EPS), 0.0)

    o_ref[...] = jnp.dot(out2, wf3_ref[...], preferred_element_type=jnp.float32) + bf3_ref[...]


@functools.cache
def _make_agg(width, ch=CH, nit=NIT, local_q=False):
    assert nit % NSLOT == 0
    mesh = plsc.VectorSubcoreMesh(core_axis_name="c", subcore_axis_name="s")

    scratch = [
        pltpu.VMEM_SHARED((N_ACC, width), jnp.float32),
        [pltpu.VMEM((2, ch), jnp.int32) for _ in range(NSLOT)],
        [pltpu.VMEM((ch, width), jnp.float32) for _ in range(NSLOT)],
        [pltpu.SemaphoreType.DMA for _ in range(NSLOT)],
        [pltpu.SemaphoreType.DMA for _ in range(NSLOT)],
        [pltpu.SemaphoreType.DMA for _ in range(NSLOT)],
        pltpu.SemaphoreType.DMA,
    ]
    if local_q:
        scratch.append(pltpu.VMEM_SHARED((N, width), jnp.float32))

    @functools.partial(
        pl.kernel,
        out_type=jax.ShapeDtypeStruct((2, N, width), jnp.float32),
        mesh=mesh,
        scratch_types=scratch,
        compiler_params=pltpu.CompilerParams(use_tc_tiling_on_sc=False),
    )
    def agg(q_hbm, sd_hbm, zer_hbm, out_hbm,
            acc_sh, sd, rows, ssem, gsem, scsem, psem, *maybe_q_sh):
        c = lax.axis_index("c")
        s = lax.axis_index("s")
        wid = s * 2 + c
        cbase = wid * nit
        q_src = maybe_q_sh[0] if local_q else q_hbm

        def idx_load(k, b):
            pltpu.async_copy(sd_hbm.at[:, cbase + k], sd[b], ssem[b])

        def idx_wait(b):
            pltpu.make_async_copy(sd_hbm.at[:, 0], sd[b], ssem[b]).wait()

        def gather_start(b):
            pltpu.async_copy(q_src.at[sd[b].at[0]], rows[b], gsem[b])

        def gather_wait(b):
            pltpu.make_async_copy(q_src.at[sd[b].at[0]], rows[b], gsem[b]).wait()

        def scat_start(b):
            pltpu.async_copy(rows[b], acc_sh.at[sd[b].at[1]], scsem[b], add=True)

        def scat_wait(b):
            pltpu.make_async_copy(rows[b], acc_sh.at[sd[b].at[1]], scsem[b]).wait()

        for j in range(RR):
            idx = s + 16 * j
            @pl.when(idx < NRC)
            def _():
                pltpu.async_copy(zer_hbm, acc_sh.at[pl.ds(idx * RC, RC)], psem)
                if local_q:
                    pltpu.async_copy(
                        q_hbm.at[pl.ds(idx * RC, RC)],
                        maybe_q_sh[0].at[pl.ds(idx * RC, RC)], psem)
        for k in range(IA):
            idx_load(k, k)
        if not local_q:
            for k in range(GA):
                idx_wait(k)
                gather_start(k)
        for j in range(RR):
            idx = s + 16 * j
            @pl.when(idx < NRC)
            def _():
                pltpu.make_async_copy(
                    zer_hbm, acc_sh.at[pl.ds(idx * RC, RC)], psem).wait()
                if local_q:
                    pltpu.make_async_copy(
                        q_hbm.at[pl.ds(idx * RC, RC)],
                        maybe_q_sh[0].at[pl.ds(idx * RC, RC)], psem).wait()
        plsc.subcore_barrier()
        if local_q:
            for k in range(GA):
                idx_wait(k)
                gather_start(k)

        def body(i, carry):
            for u in range(NSLOT):
                k = NSLOT * i + u
                v = (u + IA) % NSLOT
                w = (u + GA) % NSLOT
                @pl.when(k >= SD)
                def _():
                    scat_wait(v)
                @pl.when(k + IA < nit)
                def _():
                    idx_load(k + IA, v)
                @pl.when(k + GA < nit)
                def _():
                    idx_wait(w)
                    gather_start(w)
                gather_wait(u)
                scat_start(u)
            return carry

        lax.fori_loop(0, nit // NSLOT, body, 0)
        for d in range(SD):
            scat_wait((nit - SD + d) % NSLOT)
        plsc.subcore_barrier()
        for j in range(RR):
            idx = s + 16 * j
            @pl.when(idx < NRC)
            def _():
                pltpu.async_copy(
                    acc_sh.at[pl.ds(idx * RC, RC)],
                    out_hbm.at[c, pl.ds(idx * RC, RC)], psem)
        for j in range(RR):
            idx = s + 16 * j
            @pl.when(idx < NRC)
            def _():
                pltpu.make_async_copy(
                    acc_sh.at[pl.ds(idx * RC, RC)],
                    out_hbm.at[c, pl.ds(idx * RC, RC)], psem).wait()

    return agg


def kernel(x, edge_index, node_graph_ids, desc_2d, desc_3d,
           W_gc1, b_gc1, W_gc2, b_gc2, W_pg, b_pg, W_p2, b_p2, W_att,
           W_fc1, b_fc1, W_fc2, b_fc2, W_fc3, b_fc3):
    f32 = jnp.float32
    sd = edge_index.reshape(2, -1, CH)
    ids2d = node_graph_ids.reshape(1, N)
    zer1 = jnp.zeros((RC, D1P), f32)
    zer2 = jnp.zeros((RC, DGP), f32)

    q1 = pl.pallas_call(
        _proj1_body,
        out_shape=jax.ShapeDtypeStruct((N, D1P), f32),
    )(x, W_gc1)

    p1 = _make_agg(D1P)(q1, sd, zer1)

    q2 = pl.pallas_call(
        _mid_body,
        out_shape=jax.ShapeDtypeStruct((N, DGP), f32),
    )(p1, W_gc2, b_gc1.reshape(1, D1))

    p2 = _make_agg(DGP, local_q=True)(q2, sd, zer2)

    out = pl.pallas_call(
        _tail_body,
        out_shape=jax.ShapeDtypeStruct((B, 1), f32),
    )(p2, ids2d, b_gc2.reshape(1, DG), desc_2d, W_pg, b_pg.reshape(1, DH),
      W_p2, b_p2.reshape(1, DH), W_att,
      W_fc1.reshape(DG + 1, D2D + 1, MLP1),
      b_fc1.reshape(1, MLP1), W_fc2, b_fc2.reshape(1, MLP2),
      W_fc3, b_fc3.reshape(1, 1))
    return out

# --- scband reference (transcript-rebuilt; emitter-appended) ---
"""Pipeline reference for scband-bi-attn-tfn-hg-2desc-net-84954453115068 (READ-ONLY COPY).

The authoritative reference and input builder live on the scoring server;
editing this copy changes nothing except your own understanding.
"""

import jax, jax.numpy as jnp
import numpy as np

N = 10000
E = 320000
B = 100
DIM_IN = 128
D1 = 100
DG = 20
DH = 64
D2D = 200
D3D = 300
MLP1 = 128
MLP2 = 32
FUSION = (DG + 1) * (D2D + 1)  # 21*201 = 4221
EPS = 1e-5


def _glorot(key, shape):
    fan_in, fan_out = shape[0], shape[1]
    lim = np.sqrt(6.0 / (fan_in + fan_out))
    return jax.random.uniform(key, shape, jnp.float32, -lim, lim)


def setup_inputs(seed: int = 0) -> dict:
    key = jax.random.key(seed)
    ks = jax.random.split(key, 24)
    x = jax.random.normal(ks[0], (N, DIM_IN), jnp.float32)
    edge_index = jax.random.randint(ks[1], (2, E), 0, N, jnp.int32)
    node_graph_ids = jnp.sort(jax.random.randint(ks[2], (N,), 0, B, jnp.int32))
    desc_2d = jax.random.normal(ks[3], (B, D2D), jnp.float32)
    desc_3d = jax.random.normal(ks[4], (B, D3D), jnp.float32)
    return {
        "x": x,
        "edge_index": edge_index,
        "node_graph_ids": node_graph_ids,
        "desc_2d": desc_2d,
        "desc_3d": desc_3d,
        "W_gc1": _glorot(ks[5], (DIM_IN, D1)), "b_gc1": jnp.zeros((D1,), jnp.float32),
        "W_gc2": _glorot(ks[6], (D1, DG)), "b_gc2": jnp.zeros((DG,), jnp.float32),
        "W_pg": _glorot(ks[7], (DG, DH)), "b_pg": jnp.zeros((DH,), jnp.float32),
        "W_p2": _glorot(ks[8], (D2D, DH)), "b_p2": jnp.zeros((DH,), jnp.float32),
        "W_att": _glorot(ks[9], (DH, DH)),
        "W_fc1": _glorot(ks[10], (FUSION, MLP1)), "b_fc1": jnp.zeros((MLP1,), jnp.float32),
        "W_fc2": _glorot(ks[11], (MLP1, MLP2)), "b_fc2": jnp.zeros((MLP2,), jnp.float32),
        "W_fc3": _glorot(ks[12], (MLP2, 1)), "b_fc3": jnp.zeros((1,), jnp.float32),
    }


def _gcn_layer(h, src, dst, W, b):
    # DGL update_all(copy_u('h','m'), mean reduce): mean of incoming messages per dst node
    m = jnp.take(h, src, axis=0)
    summed = jax.ops.segment_sum(m, dst, num_segments=N)
    deg = jax.ops.segment_sum(jnp.ones((E,), jnp.float32), dst, num_segments=N)
    mean = summed / jnp.maximum(deg, 1.0)[:, None]
    return mean @ W + b


def _batchnorm(x):
    # train-mode batch stats, gamma=1, beta=0 (freshly initialized BN)
    mu = jnp.mean(x, axis=0, keepdims=True)
    var = jnp.var(x, axis=0, keepdims=True)
    return (x - mu) / jnp.sqrt(var + EPS)


def reference(x, edge_index, node_graph_ids, desc_2d, desc_3d,
              W_gc1, b_gc1, W_gc2, b_gc2, W_pg, b_pg, W_p2, b_p2, W_att,
              W_fc1, b_fc1, W_fc2, b_fc2, W_fc3, b_fc3):
    src = edge_index[0]
    dst = edge_index[1]
    h = jax.nn.relu(_gcn_layer(x, src, dst, W_gc1, b_gc1))
    h = jax.nn.relu(_gcn_layer(h, src, dst, W_gc2, b_gc2))
    # dgl.mean_nodes: per-graph mean of node states
    g_sum = jax.ops.segment_sum(h, node_graph_ids, num_segments=B)
    g_cnt = jax.ops.segment_sum(jnp.ones((N,), jnp.float32), node_graph_ids, num_segments=B)
    hg = g_sum / jnp.maximum(g_cnt, 1.0)[:, None]
    h_g = hg @ W_pg + b_pg
    h_d = desc_2d @ W_p2 + b_p2
    t = h_g @ W_att
    s = jnp.sum(t * h_d, axis=-1)
    a = jax.nn.sigmoid(s)[:, None]
    desc_2d_gate = a * desc_2d
    ones = jnp.ones((B, 1), hg.dtype)
    hg1 = jnp.concatenate((hg, ones), axis=1)           # [B, 21]
    d1 = jnp.concatenate((desc_2d_gate, ones), axis=1)  # [B, 201]
    fusion = (hg1[:, :, None] * d1[:, None, :]).reshape(B, -1)  # [B, 4221]
    out = jax.nn.relu(_batchnorm(fusion @ W_fc1 + b_fc1))
    # dropout: eval mode -> identity
    out = jax.nn.relu(_batchnorm(out @ W_fc2 + b_fc2))
    out = out @ W_fc3 + b_fc3
    return out

if __name__ == "__main__":
    import jax
    _d = setup_inputs()
    print(jax.jit(kernel)(*tuple(_d.values())))

</pallas_src>

<mosaic_0001>
#map = affine_map<(d0, d1) -> (0, 0)>
#map1 = affine_map<(d0, d1) -> (0, 0, 0)>
module attributes {stable_mosaic.version = 14 : i64} {
  func.func @agg(%arg0: i32, %arg1: i32, %arg2: memref<10000x104xf32, #tpu.memory_space<hbm>>, %arg3: memref<2x4000x80xi32, #tpu.memory_space<hbm>>, %arg4: memref<80x104xf32, #tpu.memory_space<hbm>>, %arg5: memref<2x10000x104xf32, #tpu.memory_space<hbm>>, %arg6: memref<10008x104xf32, #tpu.memory_space<vmem_shared>>, %arg7: memref<2x80xi32, #tpu.memory_space<vmem>>, %arg8: memref<2x80xi32, #tpu.memory_space<vmem>>, %arg9: memref<2x80xi32, #tpu.memory_space<vmem>>, %arg10: memref<2x80xi32, #tpu.memory_space<vmem>>, %arg11: memref<2x80xi32, #tpu.memory_space<vmem>>, %arg12: memref<80x104xf32, #tpu.memory_space<vmem>>, %arg13: memref<80x104xf32, #tpu.memory_space<vmem>>, %arg14: memref<80x104xf32, #tpu.memory_space<vmem>>, %arg15: memref<80x104xf32, #tpu.memory_space<vmem>>, %arg16: memref<80x104xf32, #tpu.memory_space<vmem>>, %arg17: memref<!tpu.dma_semaphore, #tpu.memory_space<semaphore_mem>>, %arg18: memref<!tpu.dma_semaphore, #tpu.memory_space<semaphore_mem>>, %arg19: memref<!tpu.dma_semaphore, #tpu.memory_space<semaphore_mem>>, %arg20: memref<!tpu.dma_semaphore, #tpu.memory_space<semaphore_mem>>, %arg21: memref<!tpu.dma_semaphore, #tpu.memory_space<semaphore_mem>>, %arg22: memref<!tpu.dma_semaphore, #tpu.memory_space<semaphore_mem>>, %arg23: memref<!tpu.dma_semaphore, #tpu.memory_space<semaphore_mem>>, %arg24: memref<!tpu.dma_semaphore, #tpu.memory_space<semaphore_mem>>, %arg25: memref<!tpu.dma_semaphore, #tpu.memory_space<semaphore_mem>>, %arg26: memref<!tpu.dma_semaphore, #tpu.memory_space<semaphore_mem>>, %arg27: memref<!tpu.dma_semaphore, #tpu.memory_space<semaphore_mem>>, %arg28: memref<!tpu.dma_semaphore, #tpu.memory_space<semaphore_mem>>, %arg29: memref<!tpu.dma_semaphore, #tpu.memory_space<semaphore_mem>>, %arg30: memref<!tpu.dma_semaphore, #tpu.memory_space<semaphore_mem>>, %arg31: memref<!tpu.dma_semaphore, #tpu.memory_space<semaphore_mem>>, %arg32: memref<!tpu.dma_semaphore, #tpu.memory_space<semaphore_mem>>) attributes {dimension_semantics = [#tpu.dimension_semantics<core_parallel>, #tpu.dimension_semantics<subcore_parallel>], iteration_bounds = array<i64: 2, 16>, scalar_prefetch = 0 : i64, scratch_operands = 27 : i64, tpu.core_type = #tpu.core_type<sc_vector_subcore>, window_params = [{transform_indices = #map}, {transform_indices = #map1}, {transform_indices = #map}, {transform_indices = #map1}]} {
    %mul3A = arith.constant 2 : i32
    %mul3A_0 = arith.muli %arg1, %mul3A : i32
    %add3A = arith.addi %mul3A_0, %arg0 : i32
    %mul3A_1 = arith.constant 125 : i32
    %mul3A_2 = arith.muli %add3A, %mul3A_1 : i32
    %add3A_3 = arith.constant 0 : i32
    %add3A_4 = arith.addi %arg1, %add3A_3 : i32
    %lt3A = arith.constant 125 : i32
    %lt3A_5 = arith.cmpi slt, %add3A_4, %lt3A : i32
    %convert_element_type3A = arith.extui %lt3A_5 : i1 to i32
    %cond3A = arith.constant 0 : i32
    %cond3A_6 = arith.cmpi ne, %convert_element_type3A, %cond3A : i32
    scf.if %cond3A_6 {
      %mul3A_304 = arith.constant 80 : i32
      %mul3A_305 = arith.muli %add3A_4, %mul3A_304 : i32
      %dma_start3A_306 = arith.constant 0 : i32
      %dma_start3A_307 = tpu.memref_slice %arg6[%mul3A_305, %dma_start3A_306] : memref<10008x104xf32, #tpu.memory_space<vmem_shared>> -> memref<80x104xf32, #tpu.memory_space<vmem_shared>>
      tpu.enqueue_dma source(%arg4 : memref<80x104xf32, #tpu.memory_space<hbm>>) target(%dma_start3A_307 : memref<80x104xf32, #tpu.memory_space<vmem_shared>>) target_semaphore(%arg32 : memref<!tpu.dma_semaphore, #tpu.memory_space<semaphore_mem>>)
    } else {
    }
    %add3A_7 = arith.constant 16 : i32
    %add3A_8 = arith.addi %arg1, %add3A_7 : i32
    %lt3A_9 = arith.constant 125 : i32
    %lt3A_10 = arith.cmpi slt, %add3A_8, %lt3A_9 : i32
    %convert_element_type3A_11 = arith.extui %lt3A_10 : i1 to i32
    %cond3A_12 = arith.constant 0 : i32
    %cond3A_13 = arith.cmpi ne, %convert_element_type3A_11, %cond3A_12 : i32
    scf.if %cond3A_13 {
      %mul3A_304 = arith.constant 80 : i32
      %mul3A_305 = arith.muli %add3A_8, %mul3A_304 : i32
      %dma_start3A_306 = arith.constant 0 : i32
      %dma_start3A_307 = tpu.memref_slice %arg6[%mul3A_305, %dma_start3A_306] : memref<10008x104xf32, #tpu.memory_space<vmem_shared>> -> memref<80x104xf32, #tpu.memory_space<vmem_shared>>
      tpu.enqueue_dma source(%arg4 : memref<80x104xf32, #tpu.memory_space<hbm>>) target(%dma_start3A_307 : memref<80x104xf32, #tpu.memory_space<vmem_shared>>) target_semaphore(%arg32 : memref<!tpu.dma_semaphore, #tpu.memory_space<semaphore_mem>>)
    } else {
    }
    %add3A_14 = arith.constant 32 : i32
    %add3A_15 = arith.addi %arg1, %add3A_14 : i32
    %lt3A_16 = arith.constant 125 : i32
    %lt3A_17 = arith.cmpi slt, %add3A_15, %lt3A_16 : i32
    %convert_element_type3A_18 = arith.extui %lt3A_17 : i1 to i32
    %cond3A_19 = arith.constant 0 : i32
    %cond3A_20 = arith.cmpi ne, %convert_element_type3A_18, %cond3A_19 : i32
    scf.if %cond3A_20 {
      %mul3A_304 = arith.constant 80 : i32
      %mul3A_305 = arith.muli %add3A_15, %mul3A_304 : i32
      %dma_start3A_306 = arith.constant 0 : i32
      %dma_start3A_307 = tpu.memref_slice %arg6[%mul3A_305, %dma_start3A_306] : memref<10008x104xf32, #tpu.memory_space<vmem_shared>> -> memref<80x104xf32, #tpu.memory_space<vmem_shared>>
      tpu.enqueue_dma source(%arg4 : memref<80x104xf32, #tpu.memory_space<hbm>>) target(%dma_start3A_307 : memref<80x104xf32, #tpu.memory_space<vmem_shared>>) target_semaphore(%arg32 : memref<!tpu.dma_semaphore, #tpu.memory_space<semaphore_mem>>)
    } else {
    }
    %add3A_21 = arith.constant 48 : i32
    %add3A_22 = arith.addi %arg1, %add3A_21 : i32
    %lt3A_23 = arith.constant 125 : i32
    %lt3A_24 = arith.cmpi slt, %add3A_22, %lt3A_23 : i32
    %convert_element_type3A_25 = arith.extui %lt3A_24 : i1 to i32
    %cond3A_26 = arith.constant 0 : i32
    %cond3A_27 = arith.cmpi ne, %convert_element_type3A_25, %cond3A_26 : i32
    scf.if %cond3A_27 {
      %mul3A_304 = arith.constant 80 : i32
      %mul3A_305 = arith.muli %add3A_22, %mul3A_304 : i32
      %dma_start3A_306 = arith.constant 0 : i32
      %dma_start3A_307 = tpu.memref_slice %arg6[%mul3A_305, %dma_start3A_306] : memref<10008x104xf32, #tpu.memory_space<vmem_shared>> -> memref<80x104xf32, #tpu.memory_space<vmem_shared>>
      tpu.enqueue_dma source(%arg4 : memref<80x104xf32, #tpu.memory_space<hbm>>) target(%dma_start3A_307 : memref<80x104xf32, #tpu.memory_space<vmem_shared>>) target_semaphore(%arg32 : memref<!tpu.dma_semaphore, #tpu.memory_space<semaphore_mem>>)
    } else {
    }
    %add3A_28 = arith.constant 64 : i32
    %add3A_29 = arith.addi %arg1, %add3A_28 : i32
    %lt3A_30 = arith.constant 125 : i32
    %lt3A_31 = arith.cmpi slt, %add3A_29, %lt3A_30 : i32
    %convert_element_type3A_32 = arith.extui %lt3A_31 : i1 to i32
    %cond3A_33 = arith.constant 0 : i32
    %cond3A_34 = arith.cmpi ne, %convert_element_type3A_32, %cond3A_33 : i32
    scf.if %cond3A_34 {
      %mul3A_304 = arith.constant 80 : i32
      %mul3A_305 = arith.muli %add3A_29, %mul3A_304 : i32
      %dma_start3A_306 = arith.constant 0 : i32
      %dma_start3A_307 = tpu.memref_slice %arg6[%mul3A_305, %dma_start3A_306] : memref<10008x104xf32, #tpu.memory_space<vmem_shared>> -> memref<80x104xf32, #tpu.memory_space<vmem_shared>>
      tpu.enqueue_dma source(%arg4 : memref<80x104xf32, #tpu.memory_space<hbm>>) target(%dma_start3A_307 : memref<80x104xf32, #tpu.memory_space<vmem_shared>>) target_semaphore(%arg32 : memref<!tpu.dma_semaphore, #tpu.memory_space<semaphore_mem>>)
    } else {
    }
    %add3A_35 = arith.constant 80 : i32
    %add3A_36 = arith.addi %arg1, %add3A_35 : i32
    %lt3A_37 = arith.constant 125 : i32
    %lt3A_38 = arith.cmpi slt, %add3A_36, %lt3A_37 : i32
    %convert_element_type3A_39 = arith.extui %lt3A_38 : i1 to i32
    %cond3A_40 = arith.constant 0 : i32
    %cond3A_41 = arith.cmpi ne, %convert_element_type3A_39, %cond3A_40 : i32
    scf.if %cond3A_41 {
      %mul3A_304 = arith.constant 80 : i32
      %mul3A_305 = arith.muli %add3A_36, %mul3A_304 : i32
      %dma_start3A_306 = arith.constant 0 : i32
      %dma_start3A_307 = tpu.memref_slice %arg6[%mul3A_305, %dma_start3A_306] : memref<10008x104xf32, #tpu.memory_space<vmem_shared>> -> memref<80x104xf32, #tpu.memory_space<vmem_shared>>
      tpu.enqueue_dma source(%arg4 : memref<80x104xf32, #tpu.memory_space<hbm>>) target(%dma_start3A_307 : memref<80x104xf32, #tpu.memory_space<vmem_shared>>) target_semaphore(%arg32 : memref<!tpu.dma_semaphore, #tpu.memory_space<semaphore_mem>>)
    } else {
    }
    %add3A_42 = arith.constant 96 : i32
    %add3A_43 = arith.addi %arg1, %add3A_42 : i32
    %lt3A_44 = arith.constant 125 : i32
    %lt3A_45 = arith.cmpi slt, %add3A_43, %lt3A_44 : i32
    %convert_element_type3A_46 = arith.extui %lt3A_45 : i1 to i32
    %cond3A_47 = arith.constant 0 : i32
    %cond3A_48 = arith.cmpi ne, %convert_element_type3A_46, %cond3A_47 : i32
    scf.if %cond3A_48 {
      %mul3A_304 = arith.constant 80 : i32
      %mul3A_305 = arith.muli %add3A_43, %mul3A_304 : i32
      %dma_start3A_306 = arith.constant 0 : i32
      %dma_start3A_307 = tpu.memref_slice %arg6[%mul3A_305, %dma_start3A_306] : memref<10008x104xf32, #tpu.memory_space<vmem_shared>> -> memref<80x104xf32, #tpu.memory_space<vmem_shared>>
      tpu.enqueue_dma source(%arg4 : memref<80x104xf32, #tpu.memory_space<hbm>>) target(%dma_start3A_307 : memref<80x104xf32, #tpu.memory_space<vmem_shared>>) target_semaphore(%arg32 : memref<!tpu.dma_semaphore, #tpu.memory_space<semaphore_mem>>)
    } else {
    }
    %add3A_49 = arith.constant 112 : i32
    %add3A_50 = arith.addi %arg1, %add3A_49 : i32
    %lt3A_51 = arith.constant 125 : i32
    %lt3A_52 = arith.cmpi slt, %add3A_50, %lt3A_51 : i32
    %convert_element_type3A_53 = arith.extui %lt3A_52 : i1 to i32
    %cond3A_54 = arith.constant 0 : i32
    %cond3A_55 = arith.cmpi ne, %convert_element_type3A_53, %cond3A_54 : i32
    scf.if %cond3A_55 {
      %mul3A_304 = arith.constant 80 : i32
      %mul3A_305 = arith.muli %add3A_50, %mul3A_304 : i32
      %dma_start3A_306 = arith.constant 0 : i32
      %dma_start3A_307 = tpu.memref_slice %arg6[%mul3A_305, %dma_start3A_306] : memref<10008x104xf32, #tpu.memory_space<vmem_shared>> -> memref<80x104xf32, #tpu.memory_space<vmem_shared>>
      tpu.enqueue_dma source(%arg4 : memref<80x104xf32, #tpu.memory_space<hbm>>) target(%dma_start3A_307 : memref<80x104xf32, #tpu.memory_space<vmem_shared>>) target_semaphore(%arg32 : memref<!tpu.dma_semaphore, #tpu.memory_space<semaphore_mem>>)
    } else {
    }
    %add3A_56 = arith.constant 0 : i32
    %add3A_57 = arith.addi %mul3A_2, %add3A_56 : i32
    %dma_start3A = arith.constant 0 : i32
    %dma_start3A_58 = arith.constant 0 : i32
    %dma_start3A_59 = tpu.memref_slice %arg3[%dma_start3A, %add3A_57, %dma_start3A_58] : memref<2x4000x80xi32, #tpu.memory_space<hbm>> -> memref<2x1x80xi32, #tpu.memory_space<hbm>>
    %dma_start3A_60 = tpu.memref_squeeze %dma_start3A_59 : memref<2x1x80xi32, #tpu.memory_space<hbm>> -> memref<2x80xi32, #tpu.memory_space<hbm>>
    %dma_start3A_61 = arith.constant 0 : i32
    %dma_start3A_62 = arith.constant 0 : i32
    %dma_start3A_63 = tpu.memref_slice %arg3[%dma_start3A_61, %add3A_57, %dma_start3A_62] : memref<2x4000x80xi32, #tpu.memory_space<hbm>> -> memref<2x1x80xi32, #tpu.memory_space<hbm>>
    %dma_start3A_64 = tpu.memref_squeeze %dma_start3A_63 : memref<2x1x80xi32, #tpu.memory_space<hbm>> -> memref<2x80xi32, #tpu.memory_space<hbm>>
    tpu.enqueue_dma source(%dma_start3A_64 : memref<2x80xi32, #tpu.memory_space<hbm>>) target(%arg7 : memref<2x80xi32, #tpu.memory_space<vmem>>) target_semaphore(%arg17 : memref<!tpu.dma_semaphore, #tpu.memory_space<semaphore_mem>>)
    %add3A_65 = arith.constant 1 : i32
    %add3A_66 = arith.addi %mul3A_2, %add3A_65 : i32
    %dma_start3A_67 = arith.constant 0 : i32
    %dma_start3A_68 = arith.constant 0 : i32
    %dma_start3A_69 = tpu.memref_slice %arg3[%dma_start3A_67, %add3A_66, %dma_start3A_68] : memref<2x4000x80xi32, #tpu.memory_space<hbm>> -> memref<2x1x80xi32, #tpu.memory_space<hbm>>
    %dma_start3A_70 = tpu.memref_squeeze %dma_start3A_69 : memref<2x1x80xi32, #tpu.memory_space<hbm>> -> memref<2x80xi32, #tpu.memory_space<hbm>>
    %dma_start3A_71 = arith.constant 0 : i32
    %dma_start3A_72 = arith.constant 0 : i32
    %dma_start3A_73 = tpu.memref_slice %arg3[%dma_start3A_71, %add3A_66, %dma_start3A_72] : memref<2x4000x80xi32, #tpu.memory_space<hbm>> -> memref<2x1x80xi32, #tpu.memory_space<hbm>>
    %dma_start3A_74 = tpu.memref_squeeze %dma_start3A_73 : memref<2x1x80xi32, #tpu.memory_space<hbm>> -> memref<2x80xi32, #tpu.memory_space<hbm>>
    tpu.enqueue_dma source(%dma_start3A_74 : memref<2x80xi32, #tpu.memory_space<hbm>>) target(%arg8 : memref<2x80xi32, #tpu.memory_space<vmem>>) target_semaphore(%arg18 : memref<!tpu.dma_semaphore, #tpu.memory_space<semaphore_mem>>)
    %add3A_75 = arith.constant 2 : i32
    %add3A_76 = arith.addi %mul3A_2, %add3A_75 : i32
    %dma_start3A_77 = arith.constant 0 : i32
    %dma_start3A_78 = arith.constant 0 : i32
    %dma_start3A_79 = tpu.memref_slice %arg3[%dma_start3A_77, %add3A_76, %dma_start3A_78] : memref<2x4000x80xi32, #tpu.memory_space<hbm>> -> memref<2x1x80xi32, #tpu.memory_space<hbm>>
    %dma_start3A_80 = tpu.memref_squeeze %dma_start3A_79 : memref<2x1x80xi32, #tpu.memory_space<hbm>> -> memref<2x80xi32, #tpu.memory_space<hbm>>
    %dma_start3A_81 = arith.constant 0 : i32
    %dma_start3A_82 = arith.constant 0 : i32
    %dma_start3A_83 = tpu.memref_slice %arg3[%dma_start3A_81, %add3A_76, %dma_start3A_82] : memref<2x4000x80xi32, #tpu.memory_space<hbm>> -> memref<2x1x80xi32, #tpu.memory_space<hbm>>
    %dma_start3A_84 = tpu.memref_squeeze %dma_start3A_83 : memref<2x1x80xi32, #tpu.memory_space<hbm>> -> memref<2x80xi32, #tpu.memory_space<hbm>>
    tpu.enqueue_dma source(%dma_start3A_84 : memref<2x80xi32, #tpu.memory_space<hbm>>) target(%arg9 : memref<2x80xi32, #tpu.memory_space<vmem>>) target_semaphore(%arg19 : memref<!tpu.dma_semaphore, #tpu.memory_space<semaphore_mem>>)
    %dma_wait3A = arith.constant 0 : i32
    %dma_wait3A_85 = arith.constant 0 : i32
    %dma_wait3A_86 = arith.constant 0 : i32
    %dma_wait3A_87 = tpu.memref_slice %arg3[%dma_wait3A_85, %dma_wait3A, %dma_wait3A_86] : memref<2x4000x80xi32, #tpu.memory_space<hbm>> -> memref<2x1x80xi32, #tpu.memory_space<hbm>>
    %dma_wait3A_88 = tpu.memref_squeeze %dma_wait3A_87 : memref<2x1x80xi32, #tpu.memory_space<hbm>> -> memref<2x80xi32, #tpu.memory_space<hbm>>
    %dma_wait3A_89 = arith.constant 0 : i32
    %dma_wait3A_90 = arith.constant 0 : i32
    %dma_wait3A_91 = tpu.memref_slice %arg3[%dma_wait3A_89, %dma_wait3A, %dma_wait3A_90] : memref<2x4000x80xi32, #tpu.memory_space<hbm>> -> memref<2x1x80xi32, #tpu.memory_space<hbm>>
    %dma_wait3A_92 = tpu.memref_squeeze %dma_wait3A_91 : memref<2x1x80xi32, #tpu.memory_space<hbm>> -> memref<2x80xi32, #tpu.memory_space<hbm>>
    tpu.wait_dma2 semaphore(%arg17 : memref<!tpu.dma_semaphore, #tpu.memory_space<semaphore_mem>>) src(%dma_wait3A_92 : memref<2x80xi32, #tpu.memory_space<hbm>>) dst(%arg7 : memref<2x80xi32, #tpu.memory_space<vmem>>)
    %dma_start3A_93 = arith.constant 0 : i32
    %dma_start3A_94 = arith.constant 0 : i32
    %dma_start3A_95 = tpu.memref_slice %arg7[%dma_start3A_93, %dma_start3A_94] : memref<2x80xi32, #tpu.memory_space<vmem>> -> memref<1x80xi32, #tpu.memory_space<vmem>>
    %dma_start3A_96 = tpu.memref_squeeze %dma_start3A_95 : memref<1x80xi32, #tpu.memory_space<vmem>> -> memref<80xi32, #tpu.memory_space<vmem>>
    %dma_start3A_97 = arith.constant 0 : i32
    %dma_start3A_98 = arith.constant 0 : i32
    %dma_start3A_99 = tpu.memref_slice %arg2[%dma_start3A_97, %dma_start3A_98] : memref<10000x104xf32, #tpu.memory_space<hbm>> -> memref<10000x104xf32, #tpu.memory_space<hbm>>
    tpu.enqueue_indirect_dma source(%dma_start3A_99 : memref<10000x104xf32, #tpu.memory_space<hbm>>) target(%arg12 : memref<80x104xf32, #tpu.memory_space<vmem>>) offsets(%dma_start3A_96 : memref<80xi32, #tpu.memory_space<vmem>>) semaphore(%arg22 : memref<!tpu.dma_semaphore, #tpu.memory_space<semaphore_mem>>)
    %dma_wait3A_100 = arith.constant 0 : i32
    %dma_wait3A_101 = arith.constant 0 : i32
    %dma_wait3A_102 = arith.constant 0 : i32
    %dma_wait3A_103 = tpu.memref_slice %arg3[%dma_wait3A_101, %dma_wait3A_100, %dma_wait3A_102] : memref<2x4000x80xi32, #tpu.memory_space<hbm>> -> memref<2x1x80xi32, #tpu.memory_space<hbm>>
    %dma_wait3A_104 = tpu.memref_squeeze %dma_wait3A_103 : memref<2x1x80xi32, #tpu.memory_space<hbm>> -> memref<2x80xi32, #tpu.memory_space<hbm>>
    %dma_wait3A_105 = arith.constant 0 : i32
    %dma_wait3A_106 = arith.constant 0 : i32
    %dma_wait3A_107 = tpu.memref_slice %arg3[%dma_wait3A_105, %dma_wait3A_100, %dma_wait3A_106] : memref<2x4000x80xi32, #tpu.memory_space<hbm>> -> memref<2x1x80xi32, #tpu.memory_space<hbm>>
    %dma_wait3A_108 = tpu.memref_squeeze %dma_wait3A_107 : memref<2x1x80xi32, #tpu.memory_space<hbm>> -> memref<2x80xi32, #tpu.memory_space<hbm>>
    tpu.wait_dma2 semaphore(%arg18 : memref<!tpu.dma_semaphore, #tpu.memory_space<semaphore_mem>>) src(%dma_wait3A_108 : memref<2x80xi32, #tpu.memory_space<hbm>>) dst(%arg8 : memref<2x80xi32, #tpu.memory_space<vmem>>)
    %dma_start3A_109 = arith.constant 0 : i32
    %dma_start3A_110 = arith.constant 0 : i32
    %dma_start3A_111 = tpu.memref_slice %arg8[%dma_start3A_109, %dma_start3A_110] : memref<2x80xi32, #tpu.memory_space<vmem>> -> memref<1x80xi32, #tpu.memory_space<vmem>>
    %dma_start3A_112 = tpu.memref_squeeze %dma_start3A_111 : memref<1x80xi32, #tpu.memory_space<vmem>> -> memref<80xi32, #tpu.memory_space<vmem>>
    %dma_start3A_113 = arith.constant 0 : i32
    %dma_start3A_114 = arith.constant 0 : i32
    %dma_start3A_115 = tpu.memref_slice %arg2[%dma_start3A_113, %dma_start3A_114] : memref<10000x104xf32, #tpu.memory_space<hbm>> -> memref<10000x104xf32, #tpu.memory_space<hbm>>
    tpu.enqueue_indirect_dma source(%dma_start3A_115 : memref<10000x104xf32, #tpu.memory_space<hbm>>) target(%arg13 : memref<80x104xf32, #tpu.memory_space<vmem>>) offsets(%dma_start3A_112 : memref<80xi32, #tpu.memory_space<vmem>>) semaphore(%arg23 : memref<!tpu.dma_semaphore, #tpu.memory_space<semaphore_mem>>)
    %add3A_116 = arith.constant 0 : i32
    %add3A_117 = arith.addi %arg1, %add3A_116 : i32
    %lt3A_118 = arith.constant 125 : i32
    %lt3A_119 = arith.cmpi slt, %add3A_117, %lt3A_118 : i32
    %convert_element_type3A_120 = arith.extui %lt3A_119 : i1 to i32
    %cond3A_121 = arith.constant 0 : i32
    %cond3A_122 = arith.cmpi ne, %convert_element_type3A_120, %cond3A_121 : i32
    scf.if %cond3A_122 {
      %mul3A_304 = arith.constant 80 : i32
      %mul3A_305 = arith.muli %add3A_117, %mul3A_304 : i32
      %dma_wait3A_306 = arith.constant 0 : i32
      %dma_wait3A_307 = tpu.memref_slice %arg6[%mul3A_305, %dma_wait3A_306] : memref<10008x104xf32, #tpu.memory_space<vmem_shared>> -> memref<80x104xf32, #tpu.memory_space<vmem_shared>>
      tpu.wait_dma2 semaphore(%arg32 : memref<!tpu.dma_semaphore, #tpu.memory_space<semaphore_mem>>) src(%arg4 : memref<80x104xf32, #tpu.memory_space<hbm>>) dst(%dma_wait3A_307 : memref<80x104xf32, #tpu.memory_space<vmem_shared>>)
    } else {
    }
    %add3A_123 = arith.constant 16 : i32
    %add3A_124 = arith.addi %arg1, %add3A_123 : i32
    %lt3A_125 = arith.constant 125 : i32
    %lt3A_126 = arith.cmpi slt, %add3A_124, %lt3A_125 : i32
    %convert_element_type3A_127 = arith.extui %lt3A_126 : i1 to i32
    %cond3A_128 = arith.constant 0 : i32
    %cond3A_129 = arith.cmpi ne, %convert_element_type3A_127, %cond3A_128 : i32
    scf.if %cond3A_129 {
      %mul3A_304 = arith.constant 80 : i32
      %mul3A_305 = arith.muli %add3A_124, %mul3A_304 : i32
      %dma_wait3A_306 = arith.constant 0 : i32
      %dma_wait3A_307 = tpu.memref_slice %arg6[%mul3A_305, %dma_wait3A_306] : memref<10008x104xf32, #tpu.memory_space<vmem_shared>> -> memref<80x104xf32, #tpu.memory_space<vmem_shared>>
      tpu.wait_dma2 semaphore(%arg32 : memref<!tpu.dma_semaphore, #tpu.memory_space<semaphore_mem>>) src(%arg4 : memref<80x104xf32, #tpu.memory_space<hbm>>) dst(%dma_wait3A_307 : memref<80x104xf32, #tpu.memory_space<vmem_shared>>)
    } else {
    }
    %add3A_130 = arith.constant 32 : i32
    %add3A_131 = arith.addi %arg1, %add3A_130 : i32
    %lt3A_132 = arith.constant 125 : i32
    %lt3A_133 = arith.cmpi slt, %add3A_131, %lt3A_132 : i32
    %convert_element_type3A_134 = arith.extui %lt3A_133 : i1 to i32
    %cond3A_135 = arith.constant 0 : i32
    %cond3A_136 = arith.cmpi ne, %convert_element_type3A_134, %cond3A_135 : i32
    scf.if %cond3A_136 {
      %mul3A_304 = arith.constant 80 : i32
      %mul3A_305 = arith.muli %add3A_131, %mul3A_304 : i32
      %dma_wait3A_306 = arith.constant 0 : i32
      %dma_wait3A_307 = tpu.memref_slice %arg6[%mul3A_305, %dma_wait3A_306] : memref<10008x104xf32, #tpu.memory_space<vmem_shared>> -> memref<80x104xf32, #tpu.memory_space<vmem_shared>>
      tpu.wait_dma2 semaphore(%arg32 : memref<!tpu.dma_semaphore, #tpu.memory_space<semaphore_mem>>) src(%arg4 : memref<80x104xf32, #tpu.memory_space<hbm>>) dst(%dma_wait3A_307 : memref<80x104xf32, #tpu.memory_space<vmem_shared>>)
    } else {
    }
    %add3A_137 = arith.constant 48 : i32
    %add3A_138 = arith.addi %arg1, %add3A_137 : i32
    %lt3A_139 = arith.constant 125 : i32
    %lt3A_140 = arith.cmpi slt, %add3A_138, %lt3A_139 : i32
    %convert_element_type3A_141 = arith.extui %lt3A_140 : i1 to i32
    %cond3A_142 = arith.constant 0 : i32
    %cond3A_143 = arith.cmpi ne, %convert_element_type3A_141, %cond3A_142 : i32
    scf.if %cond3A_143 {
      %mul3A_304 = arith.constant 80 : i32
      %mul3A_305 = arith.muli %add3A_138, %mul3A_304 : i32
      %dma_wait3A_306 = arith.constant 0 : i32
      %dma_wait3A_307 = tpu.memref_slice %arg6[%mul3A_305, %dma_wait3A_306] : memref<10008x104xf32, #tpu.memory_space<vmem_shared>> -> memref<80x104xf32, #tpu.memory_space<vmem_shared>>
      tpu.wait_dma2 semaphore(%arg32 : memref<!tpu.dma_semaphore, #tpu.memory_space<semaphore_mem>>) src(%arg4 : memref<80x104xf32, #tpu.memory_space<hbm>>) dst(%dma_wait3A_307 : memref<80x104xf32, #tpu.memory_space<vmem_shared>>)
    } else {
    }
    %add3A_144 = arith.constant 64 : i32
    %add3A_145 = arith.addi %arg1, %add3A_144 : i32
    %lt3A_146 = arith.constant 125 : i32
    %lt3A_147 = arith.cmpi slt, %add3A_145, %lt3A_146 : i32
    %convert_element_type3A_148 = arith.extui %lt3A_147 : i1 to i32
    %cond3A_149 = arith.constant 0 : i32
    %cond3A_150 = arith.cmpi ne, %convert_element_type3A_148, %cond3A_149 : i32
    scf.if %cond3A_150 {
      %mul3A_304 = arith.constant 80 : i32
      %mul3A_305 = arith.muli %add3A_145, %mul3A_304 : i32
      %dma_wait3A_306 = arith.constant 0 : i32
      %dma_wait3A_307 = tpu.memref_slice %arg6[%mul3A_305, %dma_wait3A_306] : memref<10008x104xf32, #tpu.memory_space<vmem_shared>> -> memref<80x104xf32, #tpu.memory_space<vmem_shared>>
      tpu.wait_dma2 semaphore(%arg32 : memref<!tpu.dma_semaphore, #tpu.memory_space<semaphore_mem>>) src(%arg4 : memref<80x104xf32, #tpu.memory_space<hbm>>) dst(%dma_wait3A_307 : memref<80x104xf32, #tpu.memory_space<vmem_shared>>)
    } else {
    }
    %add3A_151 = arith.constant 80 : i32
    %add3A_152 = arith.addi %arg1, %add3A_151 : i32
    %lt3A_153 = arith.constant 125 : i32
    %lt3A_154 = arith.cmpi slt, %add3A_152, %lt3A_153 : i32
    %convert_element_type3A_155 = arith.extui %lt3A_154 : i1 to i32
    %cond3A_156 = arith.constant 0 : i32
    %cond3A_157 = arith.cmpi ne, %convert_element_type3A_155, %cond3A_156 : i32
    scf.if %cond3A_157 {
      %mul3A_304 = arith.constant 80 : i32
      %mul3A_305 = arith.muli %add3A_152, %mul3A_304 : i32
      %dma_wait3A_306 = arith.constant 0 : i32
      %dma_wait3A_307 = tpu.memref_slice %arg6[%mul3A_305, %dma_wait3A_306] : memref<10008x104xf32, #tpu.memory_space<vmem_shared>> -> memref<80x104xf32, #tpu.memory_space<vmem_shared>>
      tpu.wait_dma2 semaphore(%arg32 : memref<!tpu.dma_semaphore, #tpu.memory_space<semaphore_mem>>) src(%arg4 : memref<80x104xf32, #tpu.memory_space<hbm>>) dst(%dma_wait3A_307 : memref<80x104xf32, #tpu.memory_space<vmem_shared>>)
    } else {
    }
    %add3A_158 = arith.constant 96 : i32
    %add3A_159 = arith.addi %arg1, %add3A_158 : i32
    %lt3A_160 = arith.constant 125 : i32
    %lt3A_161 = arith.cmpi slt, %add3A_159, %lt3A_160 : i32
    %convert_element_type3A_162 = arith.extui %lt3A_161 : i1 to i32
    %cond3A_163 = arith.constant 0 : i32
    %cond3A_164 = arith.cmpi ne, %convert_element_type3A_162, %cond3A_163 : i32
    scf.if %cond3A_164 {
      %mul3A_304 = arith.constant 80 : i32
      %mul3A_305 = arith.muli %add3A_159, %mul3A_304 : i32
      %dma_wait3A_306 = arith.constant 0 : i32
      %dma_wait3A_307 = tpu.memref_slice %arg6[%mul3A_305, %dma_wait3A_306] : memref<10008x104xf32, #tpu.memory_space<vmem_shared>> -> memref<80x104xf32, #tpu.memory_space<vmem_shared>>
      tpu.wait_dma2 semaphore(%arg32 : memref<!tpu.dma_semaphore, #tpu.memory_space<semaphore_mem>>) src(%arg4 : memref<80x104xf32, #tpu.memory_space<hbm>>) dst(%dma_wait3A_307 : memref<80x104xf32, #tpu.memory_space<vmem_shared>>)
    } else {
    }
    %add3A_165 = arith.constant 112 : i32
    %add3A_166 = arith.addi %arg1, %add3A_165 : i32
    %lt3A_167 = arith.constant 125 : i32
    %lt3A_168 = arith.cmpi slt, %add3A_166, %lt3A_167 : i32
    %convert_element_type3A_169 = arith.extui %lt3A_168 : i1 to i32
    %cond3A_170 = arith.constant 0 : i32
    %cond3A_171 = arith.cmpi ne, %convert_element_type3A_169, %cond3A_170 : i32
    scf.if %cond3A_171 {
      %mul3A_304 = arith.constant 80 : i32
      %mul3A_305 = arith.muli %add3A_166, %mul3A_304 : i32
      %dma_wait3A_306 = arith.constant 0 : i32
      %dma_wait3A_307 = tpu.memref_slice %arg6[%mul3A_305, %dma_wait3A_306] : memref<10008x104xf32, #tpu.memory_space<vmem_shared>> -> memref<80x104xf32, #tpu.memory_space<vmem_shared>>
      tpu.wait_dma2 semaphore(%arg32 : memref<!tpu.dma_semaphore, #tpu.memory_space<semaphore_mem>>) src(%arg4 : memref<80x104xf32, #tpu.memory_space<hbm>>) dst(%dma_wait3A_307 : memref<80x104xf32, #tpu.memory_space<vmem_shared>>)
    } else {
    }
    %barrier3A = arith.constant 0 : index
    tpu.barrier barrier_id(%barrier3A)
    %scan3A = arith.constant 0 : i32
    %scan3A_172 = arith.constant 0 : i32
    %scan3A_173 = arith.constant 25 : i32
    %scan3A_174 = arith.addi %scan3A_172, %scan3A_173 : i32
    %scan3A_175 = arith.constant 1 : i32
    scf.for %scan3A_304 = %scan3A_172 to %scan3A_174 step %scan3A_175  : i32 {
      %mul3A_305 = arith.constant 5 : i32
      %mul3A_306 = arith.muli %mul3A_305, %scan3A_304 : i32
      %add3A_307 = arith.constant 0 : i32
      %add3A_308 = arith.addi %mul3A_306, %add3A_307 : i32
      %ge3A = arith.constant 2 : i32
      %ge3A_309 = arith.cmpi sge, %add3A_308, %ge3A : i32
      %convert_element_type3A_310 = arith.extui %ge3A_309 : i1 to i32
      %cond3A_311 = arith.constant 0 : i32
      %cond3A_312 = arith.cmpi ne, %convert_element_type3A_310, %cond3A_311 : i32
      scf.if %cond3A_312 {
        %dma_wait3A_489 = arith.constant 1 : i32
        %dma_wait3A_490 = arith.constant 0 : i32
        %dma_wait3A_491 = tpu.memref_slice %arg10[%dma_wait3A_489, %dma_wait3A_490] : memref<2x80xi32, #tpu.memory_space<vmem>> -> memref<1x80xi32, #tpu.memory_space<vmem>>
        %dma_wait3A_492 = tpu.memref_squeeze %dma_wait3A_491 : memref<1x80xi32, #tpu.memory_space<vmem>> -> memref<80xi32, #tpu.memory_space<vmem>>
        %dma_wait3A_493 = arith.constant 0 : i32
        %dma_wait3A_494 = arith.constant 0 : i32
        %dma_wait3A_495 = tpu.memref_slice %arg6[%dma_wait3A_493, %dma_wait3A_494] : memref<10008x104xf32, #tpu.memory_space<vmem_shared>> -> memref<10008x104xf32, #tpu.memory_space<vmem_shared>>
        tpu.wait_indirect_dma semaphore(%arg30 : memref<!tpu.dma_semaphore, #tpu.memory_space<semaphore_mem>>) src(%arg15 : memref<80x104xf32, #tpu.memory_space<vmem>>) dst(%dma_wait3A_495 : memref<10008x104xf32, #tpu.memory_space<vmem_shared>>)
      } else {
      }
      %add3A_313 = arith.constant 3 : i32
      %add3A_314 = arith.addi %add3A_308, %add3A_313 : i32
      %lt3A_315 = arith.constant 125 : i32
      %lt3A_316 = arith.cmpi slt, %add3A_314, %lt3A_315 : i32
      %convert_element_type3A_317 = arith.extui %lt3A_316 : i1 to i32
      %cond3A_318 = arith.constant 0 : i32
      %cond3A_319 = arith.cmpi ne, %convert_element_type3A_317, %cond3A_318 : i32
      scf.if %cond3A_319 {
        %add3A_489 = arith.constant 3 : i32
        %add3A_490 = arith.addi %add3A_308, %add3A_489 : i32
        %add3A_491 = arith.addi %mul3A_2, %add3A_490 : i32
        %dma_start3A_492 = arith.constant 0 : i32
        %dma_start3A_493 = arith.constant 0 : i32
        %dma_start3A_494 = tpu.memref_slice %arg3[%dma_start3A_492, %add3A_491, %dma_start3A_493] : memref<2x4000x80xi32, #tpu.memory_space<hbm>> -> memref<2x1x80xi32, #tpu.memory_space<hbm>>
        %dma_start3A_495 = tpu.memref_squeeze %dma_start3A_494 : memref<2x1x80xi32, #tpu.memory_space<hbm>> -> memref<2x80xi32, #tpu.memory_space<hbm>>
        %dma_start3A_496 = arith.constant 0 : i32
        %dma_start3A_497 = arith.constant 0 : i32
        %dma_start3A_498 = tpu.memref_slice %arg3[%dma_start3A_496, %add3A_491, %dma_start3A_497] : memref<2x4000x80xi32, #tpu.memory_space<hbm>> -> memref<2x1x80xi32, #tpu.memory_space<hbm>>
        %dma_start3A_499 = tpu.memref_squeeze %dma_start3A_498 : memref<2x1x80xi32, #tpu.memory_space<hbm>> -> memref<2x80xi32, #tpu.memory_space<hbm>>
        tpu.enqueue_dma source(%dma_start3A_499 : memref<2x80xi32, #tpu.memory_space<hbm>>) target(%arg10 : memref<2x80xi32, #tpu.memory_space<vmem>>) target_semaphore(%arg20 : memref<!tpu.dma_semaphore, #tpu.memory_space<semaphore_mem>>)
      } else {
      }
      %add3A_320 = arith.constant 2 : i32
      %add3A_321 = arith.addi %add3A_308, %add3A_320 : i32
      %lt3A_322 = arith.constant 125 : i32
      %lt3A_323 = arith.cmpi slt, %add3A_321, %lt3A_322 : i32
      %convert_element_type3A_324 = arith.extui %lt3A_323 : i1 to i32
      %cond3A_325 = arith.constant 0 : i32
      %cond3A_326 = arith.cmpi ne, %convert_element_type3A_324, %cond3A_325 : i32
      scf.if %cond3A_326 {
        %dma_wait3A_489 = arith.constant 0 : i32
        %dma_wait3A_490 = arith.constant 0 : i32
        %dma_wait3A_491 = arith.constant 0 : i32
        %dma_wait3A_492 = tpu.memref_slice %arg3[%dma_wait3A_490, %dma_wait3A_489, %dma_wait3A_491] : memref<2x4000x80xi32, #tpu.memory_space<hbm>> -> memref<2x1x80xi32, #tpu.memory_space<hbm>>
        %dma_wait3A_493 = tpu.memref_squeeze %dma_wait3A_492 : memref<2x1x80xi32, #tpu.memory_space<hbm>> -> memref<2x80xi32, #tpu.memory_space<hbm>>
        %dma_wait3A_494 = arith.constant 0 : i32
        %dma_wait3A_495 = arith.constant 0 : i32
        %dma_wait3A_496 = tpu.memref_slice %arg3[%dma_wait3A_494, %dma_wait3A_489, %dma_wait3A_495] : memref<2x4000x80xi32, #tpu.memory_space<hbm>> -> memref<2x1x80xi32, #tpu.memory_space<hbm>>
        %dma_wait3A_497 = tpu.memref_squeeze %dma_wait3A_496 : memref<2x1x80xi32, #tpu.memory_space<hbm>> -> memref<2x80xi32, #tpu.memory_space<hbm>>
        tpu.wait_dma2 semaphore(%arg19 : memref<!tpu.dma_semaphore, #tpu.memory_space<semaphore_mem>>) src(%dma_wait3A_497 : memref<2x80xi32, #tpu.memory_space<hbm>>) dst(%arg9 : memref<2x80xi32, #tpu.memory_space<vmem>>)
        %dma_start3A_498 = arith.constant 0 : i32
        %dma_start3A_499 = arith.constant 0 : i32
        %dma_start3A_500 = tpu.memref_slice %arg9[%dma_start3A_498, %dma_start3A_499] : memref<2x80xi32, #tpu.memory_space<vmem>> -> memref<1x80xi32, #tpu.memory_space<vmem>>
        %dma_start3A_501 = tpu.memref_squeeze %dma_start3A_500 : memref<1x80xi32, #tpu.memory_space<vmem>> -> memref<80xi32, #tpu.memory_space<vmem>>
        %dma_start3A_502 = arith.constant 0 : i32
        %dma_start3A_503 = arith.constant 0 : i32
        %dma_start3A_504 = tpu.memref_slice %arg2[%dma_start3A_502, %dma_start3A_503] : memref<10000x104xf32, #tpu.memory_space<hbm>> -> memref<10000x104xf32, #tpu.memory_space<hbm>>
        tpu.enqueue_indirect_dma source(%dma_start3A_504 : memref<10000x104xf32, #tpu.memory_space<hbm>>) target(%arg14 : memref<80x104xf32, #tpu.memory_space<vmem>>) offsets(%dma_start3A_501 : memref<80xi32, #tpu.memory_space<vmem>>) semaphore(%arg24 : memref<!tpu.dma_semaphore, #tpu.memory_space<semaphore_mem>>)
      } else {
      }
      %dma_wait3A_327 = arith.constant 0 : i32
      %dma_wait3A_328 = arith.constant 0 : i32
      %dma_wait3A_329 = tpu.memref_slice %arg7[%dma_wait3A_327, %dma_wait3A_328] : memref<2x80xi32, #tpu.memory_space<vmem>> -> memref<1x80xi32, #tpu.memory_space<vmem>>
      %dma_wait3A_330 = tpu.memref_squeeze %dma_wait3A_329 : memref<1x80xi32, #tpu.memory_space<vmem>> -> memref<80xi32, #tpu.memory_space<vmem>>
      %dma_wait3A_331 = arith.constant 0 : i32
      %dma_wait3A_332 = arith.constant 0 : i32
      %dma_wait3A_333 = tpu.memref_slice %arg2[%dma_wait3A_331, %dma_wait3A_332] : memref<10000x104xf32, #tpu.memory_space<hbm>> -> memref<10000x104xf32, #tpu.memory_space<hbm>>
      tpu.wait_indirect_dma semaphore(%arg22 : memref<!tpu.dma_semaphore, #tpu.memory_space<semaphore_mem>>) src(%dma_wait3A_333 : memref<10000x104xf32, #tpu.memory_space<hbm>>) dst(%arg12 : memref<80x104xf32, #tpu.memory_space<vmem>>)
      %dma_start3A_334 = arith.constant 1 : i32
      %dma_start3A_335 = arith.constant 0 : i32
      %dma_start3A_336 = tpu.memref_slice %arg7[%dma_start3A_334, %dma_start3A_335] : memref<2x80xi32, #tpu.memory_space<vmem>> -> memref<1x80xi32, #tpu.memory_space<vmem>>
      %dma_start3A_337 = tpu.memref_squeeze %dma_start3A_336 : memref<1x80xi32, #tpu.memory_space<vmem>> -> memref<80xi32, #tpu.memory_space<vmem>>
      %dma_start3A_338 = arith.constant 0 : i32
      %dma_start3A_339 = arith.constant 0 : i32
      %dma_start3A_340 = tpu.memref_slice %arg6[%dma_start3A_338, %dma_start3A_339] : memref<10008x104xf32, #tpu.memory_space<vmem_shared>> -> memref<10008x104xf32, #tpu.memory_space<vmem_shared>>
      tpu.enqueue_indirect_dma source(%arg12 : memref<80x104xf32, #tpu.memory_space<vmem>>) target(%dma_start3A_340 : memref<10008x104xf32, #tpu.memory_space<vmem_shared>>) offsets(%dma_start3A_337 : memref<80xi32, #tpu.memory_space<vmem>>) semaphore(%arg27 : memref<!tpu.dma_semaphore, #tpu.memory_space<semaphore_mem>>) {add = true}
      %mul3A_341 = arith.constant 5 : i32
      %mul3A_342 = arith.muli %mul3A_341, %scan3A_304 : i32
      %add3A_343 = arith.constant 1 : i32
      %add3A_344 = arith.addi %mul3A_342, %add3A_343 : i32
      %ge3A_345 = arith.constant 2 : i32
      %ge3A_346 = arith.cmpi sge, %add3A_344, %ge3A_345 : i32
      %convert_element_type3A_347 = arith.extui %ge3A_346 : i1 to i32
      %cond3A_348 = arith.constant 0 : i32
      %cond3A_349 = arith.cmpi ne, %convert_element_type3A_347, %cond3A_348 : i32
      scf.if %cond3A_349 {
        %dma_wait3A_489 = arith.constant 1 : i32
        %dma_wait3A_490 = arith.constant 0 : i32
        %dma_wait3A_491 = tpu.memref_slice %arg11[%dma_wait3A_489, %dma_wait3A_490] : memref<2x80xi32, #tpu.memory_space<vmem>> -> memref<1x80xi32, #tpu.memory_space<vmem>>
        %dma_wait3A_492 = tpu.memref_squeeze %dma_wait3A_491 : memref<1x80xi32, #tpu.memory_space<vmem>> -> memref<80xi32, #tpu.memory_space<vmem>>
        %dma_wait3A_493 = arith.constant 0 : i32
        %dma_wait3A_494 = arith.constant 0 : i32
        %dma_wait3A_495 = tpu.memref_slice %arg6[%dma_wait3A_493, %dma_wait3A_494] : memref<10008x104xf32, #tpu.memory_space<vmem_shared>> -> memref<10008x104xf32, #tpu.memory_space<vmem_shared>>
        tpu.wait_indirect_dma semaphore(%arg31 : memref<!tpu.dma_semaphore, #tpu.memory_space<semaphore_mem>>) src(%arg16 : memref<80x104xf32, #tpu.memory_space<vmem>>) dst(%dma_wait3A_495 : memref<10008x104xf32, #tpu.memory_space<vmem_shared>>)
      } else {
      }
      %add3A_350 = arith.constant 3 : i32
      %add3A_351 = arith.addi %add3A_344, %add3A_350 : i32
      %lt3A_352 = arith.constant 125 : i32
      %lt3A_353 = arith.cmpi slt, %add3A_351, %lt3A_352 : i32
      %convert_element_type3A_354 = arith.extui %lt3A_353 : i1 to i32
      %cond3A_355 = arith.constant 0 : i32
      %cond3A_356 = arith.cmpi ne, %convert_element_type3A_354, %cond3A_355 : i32
      scf.if %cond3A_356 {
        %add3A_489 = arith.constant 3 : i32
        %add3A_490 = arith.addi %add3A_344, %add3A_489 : i32
        %add3A_491 = arith.addi %mul3A_2, %add3A_490 : i32
        %dma_start3A_492 = arith.constant 0 : i32
        %dma_start3A_493 = arith.constant 0 : i32
        %dma_start3A_494 = tpu.memref_slice %arg3[%dma_start3A_492, %add3A_491, %dma_start3A_493] : memref<2x4000x80xi32, #tpu.memory_space<hbm>> -> memref<2x1x80xi32, #tpu.memory_space<hbm>>
        %dma_start3A_495 = tpu.memref_squeeze %dma_start3A_494 : memref<2x1x80xi32, #tpu.memory_space<hbm>> -> memref<2x80xi32, #tpu.memory_space<hbm>>
        %dma_start3A_496 = arith.constant 0 : i32
        %dma_start3A_497 = arith.constant 0 : i32
        %dma_start3A_498 = tpu.memref_slice %arg3[%dma_start3A_496, %add3A_491, %dma_start3A_497] : memref<2x4000x80xi32, #tpu.memory_space<hbm>> -> memref<2x1x80xi32, #tpu.memory_space<hbm>>
        %dma_start3A_499 = tpu.memref_squeeze %dma_start3A_498 : memref<2x1x80xi32, #tpu.memory_space<hbm>> -> memref<2x80xi32, #tpu.memory_space<hbm>>
        tpu.enqueue_dma source(%dma_start3A_499 : memref<2x80xi32, #tpu.memory_space<hbm>>) target(%arg11 : memref<2x80xi32, #tpu.memory_space<vmem>>) target_semaphore(%arg21 : memref<!tpu.dma_semaphore, #tpu.memory_space<semaphore_mem>>)
      } else {
      }
      %add3A_357 = arith.constant 2 : i32
      %add3A_358 = arith.addi %add3A_344, %add3A_357 : i32
      %lt3A_359 = arith.constant 125 : i32
      %lt3A_360 = arith.cmpi slt, %add3A_358, %lt3A_359 : i32
      %convert_element_type3A_361 = arith.extui %lt3A_360 : i1 to i32
      %cond3A_362 = arith.constant 0 : i32
      %cond3A_363 = arith.cmpi ne, %convert_element_type3A_361, %cond3A_362 : i32
      scf.if %cond3A_363 {
        %dma_wait3A_489 = arith.constant 0 : i32
        %dma_wait3A_490 = arith.constant 0 : i32
        %dma_wait3A_491 = arith.constant 0 : i32
        %dma_wait3A_492 = tpu.memref_slice %arg3[%dma_wait3A_490, %dma_wait3A_489, %dma_wait3A_491] : memref<2x4000x80xi32, #tpu.memory_space<hbm>> -> memref<2x1x80xi32, #tpu.memory_space<hbm>>
        %dma_wait3A_493 = tpu.memref_squeeze %dma_wait3A_492 : memref<2x1x80xi32, #tpu.memory_space<hbm>> -> memref<2x80xi32, #tpu.memory_space<hbm>>
        %dma_wait3A_494 = arith.constant 0 : i32
        %dma_wait3A_495 = arith.constant 0 : i32
        %dma_wait3A_496 = tpu.memref_slice %arg3[%dma_wait3A_494, %dma_wait3A_489, %dma_wait3A_495] : memref<2x4000x80xi32, #tpu.memory_space<hbm>> -> memref<2x1x80xi32, #tpu.memory_space<hbm>>
        %dma_wait3A_497 = tpu.memref_squeeze %dma_wait3A_496 : memref<2x1x80xi32, #tpu.memory_space<hbm>> -> memref<2x80xi32, #tpu.memory_space<hbm>>
        tpu.wait_dma2 semaphore(%arg20 : memref<!tpu.dma_semaphore, #tpu.memory_space<semaphore_mem>>) src(%dma_wait3A_497 : memref<2x80xi32, #tpu.memory_space<hbm>>) dst(%arg10 : memref<2x80xi32, #tpu.memory_space<vmem>>)
        %dma_start3A_498 = arith.constant 0 : i32
        %dma_start3A_499 = arith.constant 0 : i32
        %dma_start3A_500 = tpu.memref_slice %arg10[%dma_start3A_498, %dma_start3A_499] : memref<2x80xi32, #tpu.memory_space<vmem>> -> memref<1x80xi32, #tpu.memory_space<vmem>>
        %dma_start3A_501 = tpu.memref_squeeze %dma_start3A_500 : memref<1x80xi32, #tpu.memory_space<vmem>> -> memref<80xi32, #tpu.memory_space<vmem>>
        %dma_start3A_502 = arith.constant 0 : i32
        %dma_start3A_503 = arith.constant 0 : i32
        %dma_start3A_504 = tpu.memref_slice %arg2[%dma_start3A_502, %dma_start3A_503] : memref<10000x104xf32, #tpu.memory_space<hbm>> -> memref<10000x104xf32, #tpu.memory_space<hbm>>
        tpu.enqueue_indirect_dma source(%dma_start3A_504 : memref<10000x104xf32, #tpu.memory_space<hbm>>) target(%arg15 : memref<80x104xf32, #tpu.memory_space<vmem>>) offsets(%dma_start3A_501 : memref<80xi32, #tpu.memory_space<vmem>>) semaphore(%arg25 : memref<!tpu.dma_semaphore, #tpu.memory_space<semaphore_mem>>)
      } else {
      }
      %dma_wait3A_364 = arith.constant 0 : i32
      %dma_wait3A_365 = arith.constant 0 : i32
      %dma_wait3A_366 = tpu.memref_slice %arg8[%dma_wait3A_364, %dma_wait3A_365] : memref<2x80xi32, #tpu.memory_space<vmem>> -> memref<1x80xi32, #tpu.memory_space<vmem>>
      %dma_wait3A_367 = tpu.memref_squeeze %dma_wait3A_366 : memref<1x80xi32, #tpu.memory_space<vmem>> -> memref<80xi32, #tpu.memory_space<vmem>>
      %dma_wait3A_368 = arith.constant 0 : i32
      %dma_wait3A_369 = arith.constant 0 : i32
      %dma_wait3A_370 = tpu.memref_slice %arg2[%dma_wait3A_368, %dma_wait3A_369] : memref<10000x104xf32, #tpu.memory_space<hbm>> -> memref<10000x104xf32, #tpu.memory_space<hbm>>
      tpu.wait_indirect_dma semaphore(%arg23 : memref<!tpu.dma_semaphore, #tpu.memory_space<semaphore_mem>>) src(%dma_wait3A_370 : memref<10000x104xf32, #tpu.memory_space<hbm>>) dst(%arg13 : memref<80x104xf32, #tpu.memory_space<vmem>>)
      %dma_start3A_371 = arith.constant 1 : i32
      %dma_start3A_372 = arith.constant 0 : i32
      %dma_start3A_373 = tpu.memref_slice %arg8[%dma_start3A_371, %dma_start3A_372] : memref<2x80xi32, #tpu.memory_space<vmem>> -> memref<1x80xi32, #tpu.memory_space<vmem>>
      %dma_start3A_374 = tpu.memref_squeeze %dma_start3A_373 : memref<1x80xi32, #tpu.memory_space<vmem>> -> memref<80xi32, #tpu.memory_space<vmem>>
      %dma_start3A_375 = arith.constant 0 : i32
      %dma_start3A_376 = arith.constant 0 : i32
      %dma_start3A_377 = tpu.memref_slice %arg6[%dma_start3A_375, %dma_start3A_376] : memref<10008x104xf32, #tpu.memory_space<vmem_shared>> -> memref<10008x104xf32, #tpu.memory_space<vmem_shared>>
      tpu.enqueue_indirect_dma source(%arg13 : memref<80x104xf32, #tpu.memory_space<vmem>>) target(%dma_start3A_377 : memref<10008x104xf32, #tpu.memory_space<vmem_shared>>) offsets(%dma_start3A_374 : memref<80xi32, #tpu.memory_space<vmem>>) semaphore(%arg28 : memref<!tpu.dma_semaphore, #tpu.memory_space<semaphore_mem>>) {add = true}
      %mul3A_378 = arith.constant 5 : i32
      %mul3A_379 = arith.muli %mul3A_378, %scan3A_304 : i32
      %add3A_380 = arith.constant 2 : i32
      %add3A_381 = arith.addi %mul3A_379, %add3A_380 : i32
      %ge3A_382 = arith.constant 2 : i32
      %ge3A_383 = arith.cmpi sge, %add3A_381, %ge3A_382 : i32
      %convert_element_type3A_384 = arith.extui %ge3A_383 : i1 to i32
      %cond3A_385 = arith.constant 0 : i32
      %cond3A_386 = arith.cmpi ne, %convert_element_type3A_384, %cond3A_385 : i32
      scf.if %cond3A_386 {
        %dma_wait3A_489 = arith.constant 1 : i32
        %dma_wait3A_490 = arith.constant 0 : i32
        %dma_wait3A_491 = tpu.memref_slice %arg7[%dma_wait3A_489, %dma_wait3A_490] : memref<2x80xi32, #tpu.memory_space<vmem>> -> memref<1x80xi32, #tpu.memory_space<vmem>>
        %dma_wait3A_492 = tpu.memref_squeeze %dma_wait3A_491 : memref<1x80xi32, #tpu.memory_space<vmem>> -> memref<80xi32, #tpu.memory_space<vmem>>
        %dma_wait3A_493 = arith.constant 0 : i32
        %dma_wait3A_494 = arith.constant 0 : i32
        %dma_wait3A_495 = tpu.memref_slice %arg6[%dma_wait3A_493, %dma_wait3A_494] : memref<10008x104xf32, #tpu.memory_space<vmem_shared>> -> memref<10008x104xf32, #tpu.memory_space<vmem_shared>>
        tpu.wait_indirect_dma semaphore(%arg27 : memref<!tpu.dma_semaphore, #tpu.memory_space<semaphore_mem>>) src(%arg12 : memref<80x104xf32, #tpu.memory_space<vmem>>) dst(%dma_wait3A_495 : memref<10008x104xf32, #tpu.memory_space<vmem_shared>>)
      } else {
      }
      %add3A_387 = arith.constant 3 : i32
      %add3A_388 = arith.addi %add3A_381, %add3A_387 : i32
      %lt3A_389 = arith.constant 125 : i32
      %lt3A_390 = arith.cmpi slt, %add3A_388, %lt3A_389 : i32
      %convert_element_type3A_391 = arith.extui %lt3A_390 : i1 to i32
      %cond3A_392 = arith.constant 0 : i32
      %cond3A_393 = arith.cmpi ne, %convert_element_type3A_391, %cond3A_392 : i32
      scf.if %cond3A_393 {
        %add3A_489 = arith.constant 3 : i32
        %add3A_490 = arith.addi %add3A_381, %add3A_489 : i32
        %add3A_491 = arith.addi %mul3A_2, %add3A_490 : i32
        %dma_start3A_492 = arith.constant 0 : i32
        %dma_start3A_493 = arith.constant 0 : i32
        %dma_start3A_494 = tpu.memref_slice %arg3[%dma_start3A_492, %add3A_491, %dma_start3A_493] : memref<2x4000x80xi32, #tpu.memory_space<hbm>> -> memref<2x1x80xi32, #tpu.memory_space<hbm>>
        %dma_start3A_495 = tpu.memref_squeeze %dma_start3A_494 : memref<2x1x80xi32, #tpu.memory_space<hbm>> -> memref<2x80xi32, #tpu.memory_space<hbm>>
        %dma_start3A_496 = arith.constant 0 : i32
        %dma_start3A_497 = arith.constant 0 : i32
        %dma_start3A_498 = tpu.memref_slice %arg3[%dma_start3A_496, %add3A_491, %dma_start3A_497] : memref<2x4000x80xi32, #tpu.memory_space<hbm>> -> memref<2x1x80xi32, #tpu.memory_space<hbm>>
        %dma_start3A_499 = tpu.memref_squeeze %dma_start3A_498 : memref<2x1x80xi32, #tpu.memory_space<hbm>> -> memref<2x80xi32, #tpu.memory_space<hbm>>
        tpu.enqueue_dma source(%dma_start3A_499 : memref<2x80xi32, #tpu.memory_space<hbm>>) target(%arg7 : memref<2x80xi32, #tpu.memory_space<vmem>>) target_semaphore(%arg17 : memref<!tpu.dma_semaphore, #tpu.memory_space<semaphore_mem>>)
      } else {
      }
      %add3A_394 = arith.constant 2 : i32
      %add3A_395 = arith.addi %add3A_381, %add3A_394 : i32
      %lt3A_396 = arith.constant 125 : i32
      %lt3A_397 = arith.cmpi slt, %add3A_395, %lt3A_396 : i32
      %convert_element_type3A_398 = arith.extui %lt3A_397 : i1 to i32
      %cond3A_399 = arith.constant 0 : i32
      %cond3A_400 = arith.cmpi ne, %convert_element_type3A_398, %cond3A_399 : i32
      scf.if %cond3A_400 {
        %dma_wait3A_489 = arith.constant 0 : i32
        %dma_wait3A_490 = arith.constant 0 : i32
        %dma_wait3A_491 = arith.constant 0 : i32
        %dma_wait3A_492 = tpu.memref_slice %arg3[%dma_wait3A_490, %dma_wait3A_489, %dma_wait3A_491] : memref<2x4000x80xi32, #tpu.memory_space<hbm>> -> memref<2x1x80xi32, #tpu.memory_space<hbm>>
        %dma_wait3A_493 = tpu.memref_squeeze %dma_wait3A_492 : memref<2x1x80xi32, #tpu.memory_space<hbm>> -> memref<2x80xi32, #tpu.memory_space<hbm>>
        %dma_wait3A_494 = arith.constant 0 : i32
        %dma_wait3A_495 = arith.constant 0 : i32
        %dma_wait3A_496 = tpu.memref_slice %arg3[%dma_wait3A_494, %dma_wait3A_489, %dma_wait3A_495] : memref<2x4000x80xi32, #tpu.memory_space<hbm>> -> memref<2x1x80xi32, #tpu.memory_space<hbm>>
        %dma_wait3A_497 = tpu.memref_squeeze %dma_wait3A_496 : memref<2x1x80xi32, #tpu.memory_space<hbm>> -> memref<2x80xi32, #tpu.memory_space<hbm>>
        tpu.wait_dma2 semaphore(%arg21 : memref<!tpu.dma_semaphore, #tpu.memory_space<semaphore_mem>>) src(%dma_wait3A_497 : memref<2x80xi32, #tpu.memory_space<hbm>>) dst(%arg11 : memref<2x80xi32, #tpu.memory_space<vmem>>)
        %dma_start3A_498 = arith.constant 0 : i32
        %dma_start3A_499 = arith.constant 0 : i32
        %dma_start3A_500 = tpu.memref_slice %arg11[%dma_start3A_498, %dma_start3A_499] : memref<2x80xi32, #tpu.memory_space<vmem>> -> memref<1x80xi32, #tpu.memory_space<vmem>>
        %dma_start3A_501 = tpu.memref_squeeze %dma_start3A_500 : memref<1x80xi32, #tpu.memory_space<vmem>> -> memref<80xi32, #tpu.memory_space<vmem>>
        %dma_start3A_502 = arith.constant 0 : i32
        %dma_start3A_503 = arith.constant 0 : i32
        %dma_start3A_504 = tpu.memref_slice %arg2[%dma_start3A_502, %dma_start3A_503] : memref<10000x104xf32, #tpu.memory_space<hbm>> -> memref<10000x104xf32, #tpu.memory_space<hbm>>
        tpu.enqueue_indirect_dma source(%dma_start3A_504 : memref<10000x104xf32, #tpu.memory_space<hbm>>) target(%arg16 : memref<80x104xf32, #tpu.memory_space<vmem>>) offsets(%dma_start3A_501 : memref<80xi32, #tpu.memory_space<vmem>>) semaphore(%arg26 : memref<!tpu.dma_semaphore, #tpu.memory_space<semaphore_mem>>)
      } else {
      }
      %dma_wait3A_401 = arith.constant 0 : i32
      %dma_wait3A_402 = arith.constant 0 : i32
      %dma_wait3A_403 = tpu.memref_slice %arg9[%dma_wait3A_401, %dma_wait3A_402] : memref<2x80xi32, #tpu.memory_space<vmem>> -> memref<1x80xi32, #tpu.memory_space<vmem>>
      %dma_wait3A_404 = tpu.memref_squeeze %dma_wait3A_403 : memref<1x80xi32, #tpu.memory_space<vmem>> -> memref<80xi32, #tpu.memory_space<vmem>>
      %dma_wait3A_405 = arith.constant 0 : i32
      %dma_wait3A_406 = arith.constant 0 : i32
      %dma_wait3A_407 = tpu.memref_slice %arg2[%dma_wait3A_405, %dma_wait3A_406] : memref<10000x104xf32, #tpu.memory_space<hbm>> -> memref<10000x104xf32, #tpu.memory_space<hbm>>
      tpu.wait_indirect_dma semaphore(%arg24 : memref<!tpu.dma_semaphore, #tpu.memory_space<semaphore_mem>>) src(%dma_wait3A_407 : memref<10000x104xf32, #tpu.memory_space<hbm>>) dst(%arg14 : memref<80x104xf32, #tpu.memory_space<vmem>>)
      %dma_start3A_408 = arith.constant 1 : i32
      %dma_start3A_409 = arith.constant 0 : i32
      %dma_start3A_410 = tpu.memref_slice %arg9[%dma_start3A_408, %dma_start3A_409] : memref<2x80xi32, #tpu.memory_space<vmem>> -> memref<1x80xi32, #tpu.memory_space<vmem>>
      %dma_start3A_411 = tpu.memref_squeeze %dma_start3A_410 : memref<1x80xi32, #tpu.memory_space<vmem>> -> memref<80xi32, #tpu.memory_space<vmem>>
      %dma_start3A_412 = arith.constant 0 : i32
      %dma_start3A_413 = arith.constant 0 : i32
      %dma_start3A_414 = tpu.memref_slice %arg6[%dma_start3A_412, %dma_start3A_413] : memref<10008x104xf32, #tpu.memory_space<vmem_shared>> -> memref<10008x104xf32, #tpu.memory_space<vmem_shared>>
      tpu.enqueue_indirect_dma source(%arg14 : memref<80x104xf32, #tpu.memory_space<vmem>>) target(%dma_start3A_414 : memref<10008x104xf32, #tpu.memory_space<vmem_shared>>) offsets(%dma_start3A_411 : memref<80xi32, #tpu.memory_space<vmem>>) semaphore(%arg29 : memref<!tpu.dma_semaphore, #tpu.memory_space<semaphore_mem>>) {add = true}
      %mul3A_415 = arith.constant 5 : i32
      %mul3A_416 = arith.muli %mul3A_415, %scan3A_304 : i32
      %add3A_417 = arith.constant 3 : i32
      %add3A_418 = arith.addi %mul3A_416, %add3A_417 : i32
      %ge3A_419 = arith.constant 2 : i32
      %ge3A_420 = arith.cmpi sge, %add3A_418, %ge3A_419 : i32
      %convert_element_type3A_421 = arith.extui %ge3A_420 : i1 to i32
      %cond3A_422 = arith.constant 0 : i32
      %cond3A_423 = arith.cmpi ne, %convert_element_type3A_421, %cond3A_422 : i32
      scf.if %cond3A_423 {
        %dma_wait3A_489 = arith.constant 1 : i32
        %dma_wait3A_490 = arith.constant 0 : i32
        %dma_wait3A_491 = tpu.memref_slice %arg8[%dma_wait3A_489, %dma_wait3A_490] : memref<2x80xi32, #tpu.memory_space<vmem>> -> memref<1x80xi32, #tpu.memory_space<vmem>>
        %dma_wait3A_492 = tpu.memref_squeeze %dma_wait3A_491 : memref<1x80xi32, #tpu.memory_space<vmem>> -> memref<80xi32, #tpu.memory_space<vmem>>
        %dma_wait3A_493 = arith.constant 0 : i32
        %dma_wait3A_494 = arith.constant 0 : i32
        %dma_wait3A_495 = tpu.memref_slice %arg6[%dma_wait3A_493, %dma_wait3A_494] : memref<10008x104xf32, #tpu.memory_space<vmem_shared>> -> memref<10008x104xf32, #tpu.memory_space<vmem_shared>>
        tpu.wait_indirect_dma semaphore(%arg28 : memref<!tpu.dma_semaphore, #tpu.memory_space<semaphore_mem>>) src(%arg13 : memref<80x104xf32, #tpu.memory_space<vmem>>) dst(%dma_wait3A_495 : memref<10008x104xf32, #tpu.memory_space<vmem_shared>>)
      } else {
      }
      %add3A_424 = arith.constant 3 : i32
      %add3A_425 = arith.addi %add3A_418, %add3A_424 : i32
      %lt3A_426 = arith.constant 125 : i32
      %lt3A_427 = arith.cmpi slt, %add3A_425, %lt3A_426 : i32
      %convert_element_type3A_428 = arith.extui %lt3A_427 : i1 to i32
      %cond3A_429 = arith.constant 0 : i32
      %cond3A_430 = arith.cmpi ne, %convert_element_type3A_428, %cond3A_429 : i32
      scf.if %cond3A_430 {
        %add3A_489 = arith.constant 3 : i32
        %add3A_490 = arith.addi %add3A_418, %add3A_489 : i32
        %add3A_491 = arith.addi %mul3A_2, %add3A_490 : i32
        %dma_start3A_492 = arith.constant 0 : i32
        %dma_start3A_493 = arith.constant 0 : i32
        %dma_start3A_494 = tpu.memref_slice %arg3[%dma_start3A_492, %add3A_491, %dma_start3A_493] : memref<2x4000x80xi32, #tpu.memory_space<hbm>> -> memref<2x1x80xi32, #tpu.memory_space<hbm>>
        %dma_start3A_495 = tpu.memref_squeeze %dma_start3A_494 : memref<2x1x80xi32, #tpu.memory_space<hbm>> -> memref<2x80xi32, #tpu.memory_space<hbm>>
        %dma_start3A_496 = arith.constant 0 : i32
        %dma_start3A_497 = arith.constant 0 : i32
        %dma_start3A_498 = tpu.memref_slice %arg3[%dma_start3A_496, %add3A_491, %dma_start3A_497] : memref<2x4000x80xi32, #tpu.memory_space<hbm>> -> memref<2x1x80xi32, #tpu.memory_space<hbm>>
        %dma_start3A_499 = tpu.memref_squeeze %dma_start3A_498 : memref<2x1x80xi32, #tpu.memory_space<hbm>> -> memref<2x80xi32, #tpu.memory_space<hbm>>
        tpu.enqueue_dma source(%dma_start3A_499 : memref<2x80xi32, #tpu.memory_space<hbm>>) target(%arg8 : memref<2x80xi32, #tpu.memory_space<vmem>>) target_semaphore(%arg18 : memref<!tpu.dma_semaphore, #tpu.memory_space<semaphore_mem>>)
      } else {
      }
      %add3A_431 = arith.constant 2 : i32
      %add3A_432 = arith.addi %add3A_418, %add3A_431 : i32
      %lt3A_433 = arith.constant 125 : i32
      %lt3A_434 = arith.cmpi slt, %add3A_432, %lt3A_433 : i32
      %convert_element_type3A_435 = arith.extui %lt3A_434 : i1 to i32
      %cond3A_436 = arith.constant 0 : i32
      %cond3A_437 = arith.cmpi ne, %convert_element_type3A_435, %cond3A_436 : i32
      scf.if %cond3A_437 {
        %dma_wait3A_489 = arith.constant 0 : i32
        %dma_wait3A_490 = arith.constant 0 : i32
        %dma_wait3A_491 = arith.constant 0 : i32
        %dma_wait3A_492 = tpu.memref_slice %arg3[%dma_wait3A_490, %dma_wait3A_489, %dma_wait3A_491] : memref<2x4000x80xi32, #tpu.memory_space<hbm>> -> memref<2x1x80xi32, #tpu.memory_space<hbm>>
        %dma_wait3A_493 = tpu.memref_squeeze %dma_wait3A_492 : memref<2x1x80xi32, #tpu.memory_space<hbm>> -> memref<2x80xi32, #tpu.memory_space<hbm>>
        %dma_wait3A_494 = arith.constant 0 : i32
        %dma_wait3A_495 = arith.constant 0 : i32
        %dma_wait3A_496 = tpu.memref_slice %arg3[%dma_wait3A_494, %dma_wait3A_489, %dma_wait3A_495] : memref<2x4000x80xi32, #tpu.memory_space<hbm>> -> memref<2x1x80xi32, #tpu.memory_space<hbm>>
        %dma_wait3A_497 = tpu.memref_squeeze %dma_wait3A_496 : memref<2x1x80xi32, #tpu.memory_space<hbm>> -> memref<2x80xi32, #tpu.memory_space<hbm>>
        tpu.wait_dma2 semaphore(%arg17 : memref<!tpu.dma_semaphore, #tpu.memory_space<semaphore_mem>>) src(%dma_wait3A_497 : memref<2x80xi32, #tpu.memory_space<hbm>>) dst(%arg7 : memref<2x80xi32, #tpu.memory_space<vmem>>)
        %dma_start3A_498 = arith.constant 0 : i32
        %dma_start3A_499 = arith.constant 0 : i32
        %dma_start3A_500 = tpu.memref_slice %arg7[%dma_start3A_498, %dma_start3A_499] : memref<2x80xi32, #tpu.memory_space<vmem>> -> memref<1x80xi32, #tpu.memory_space<vmem>>
        %dma_start3A_501 = tpu.memref_squeeze %dma_start3A_500 : memref<1x80xi32, #tpu.memory_space<vmem>> -> memref<80xi32, #tpu.memory_space<vmem>>
        %dma_start3A_502 = arith.constant 0 : i32
        %dma_start3A_503 = arith.constant 0 : i32
        %dma_start3A_504 = tpu.memref_slice %arg2[%dma_start3A_502, %dma_start3A_503] : memref<10000x104xf32, #tpu.memory_space<hbm>> -> memref<10000x104xf32, #tpu.memory_space<hbm>>
        tpu.enqueue_indirect_dma source(%dma_start3A_504 : memref<10000x104xf32, #tpu.memory_space<hbm>>) target(%arg12 : memref<80x104xf32, #tpu.memory_space<vmem>>) offsets(%dma_start3A_501 : memref<80xi32, #tpu.memory_space<vmem>>) semaphore(%arg22 : memref<!tpu.dma_semaphore, #tpu.memory_space<semaphore_mem>>)
      } else {
      }
      %dma_wait3A_438 = arith.constant 0 : i32
      %dma_wait3A_439 = arith.constant 0 : i32
      %dma_wait3A_440 = tpu.memref_slice %arg10[%dma_wait3A_438, %dma_wait3A_439] : memref<2x80xi32, #tpu.memory_space<vmem>> -> memref<1x80xi32, #tpu.memory_space<vmem>>
      %dma_wait3A_441 = tpu.memref_squeeze %dma_wait3A_440 : memref<1x80xi32, #tpu.memory_space<vmem>> -> memref<80xi32, #tpu.memory_space<vmem>>
      %dma_wait3A_442 = arith.constant 0 : i32
      %dma_wait3A_443 = arith.constant 0 : i32
      %dma_wait3A_444 = tpu.memref_slice %arg2[%dma_wait3A_442, %dma_wait3A_443] : memref<10000x104xf32, #tpu.memory_space<hbm>> -> memref<10000x104xf32, #tpu.memory_space<hbm>>
      tpu.wait_indirect_dma semaphore(%arg25 : memref<!tpu.dma_semaphore, #tpu.memory_space<semaphore_mem>>) src(%dma_wait3A_444 : memref<10000x104xf32, #tpu.memory_space<hbm>>) dst(%arg15 : memref<80x104xf32, #tpu.memory_space<vmem>>)
      %dma_start3A_445 = arith.constant 1 : i32
      %dma_start3A_446 = arith.constant 0 : i32
      %dma_start3A_447 = tpu.memref_slice %arg10[%dma_start3A_445, %dma_start3A_446] : memref<2x80xi32, #tpu.memory_space<vmem>> -> memref<1x80xi32, #tpu.memory_space<vmem>>
      %dma_start3A_448 = tpu.memref_squeeze %dma_start3A_447 : memref<1x80xi32, #tpu.memory_space<vmem>> -> memref<80xi32, #tpu.memory_space<vmem>>
      %dma_start3A_449 = arith.constant 0 : i32
      %dma_start3A_450 = arith.constant 0 : i32
      %dma_start3A_451 = tpu.memref_slice %arg6[%dma_start3A_449, %dma_start3A_450] : memref<10008x104xf32, #tpu.memory_space<vmem_shared>> -> memref<10008x104xf32, #tpu.memory_space<vmem_shared>>
      tpu.enqueue_indirect_dma source(%arg15 : memref<80x104xf32, #tpu.memory_space<vmem>>) target(%dma_start3A_451 : memref<10008x104xf32, #tpu.memory_space<vmem_shared>>) offsets(%dma_start3A_448 : memref<80xi32, #tpu.memory_space<vmem>>) semaphore(%arg30 : memref<!tpu.dma_semaphore, #tpu.memory_space<semaphore_mem>>) {add = true}
      %mul3A_452 = arith.constant 5 : i32
      %mul3A_453 = arith.muli %mul3A_452, %scan3A_304 : i32
      %add3A_454 = arith.constant 4 : i32
      %add3A_455 = arith.addi %mul3A_453, %add3A_454 : i32
      %ge3A_456 = arith.constant 2 : i32
      %ge3A_457 = arith.cmpi sge, %add3A_455, %ge3A_456 : i32
      %convert_element_type3A_458 = arith.extui %ge3A_457 : i1 to i32
      %cond3A_459 = arith.constant 0 : i32
      %cond3A_460 = arith.cmpi ne, %convert_element_type3A_458, %cond3A_459 : i32
      scf.if %cond3A_460 {
        %dma_wait3A_489 = arith.constant 1 : i32
        %dma_wait3A_490 = arith.constant 0 : i32
        %dma_wait3A_491 = tpu.memref_slice %arg9[%dma_wait3A_489, %dma_wait3A_490] : memref<2x80xi32, #tpu.memory_space<vmem>> -> memref<1x80xi32, #tpu.memory_space<vmem>>
        %dma_wait3A_492 = tpu.memref_squeeze %dma_wait3A_491 : memref<1x80xi32, #tpu.memory_space<vmem>> -> memref<80xi32, #tpu.memory_space<vmem>>
        %dma_wait3A_493 = arith.constant 0 : i32
        %dma_wait3A_494 = arith.constant 0 : i32
        %dma_wait3A_495 = tpu.memref_slice %arg6[%dma_wait3A_493, %dma_wait3A_494] : memref<10008x104xf32, #tpu.memory_space<vmem_shared>> -> memref<10008x104xf32, #tpu.memory_space<vmem_shared>>
        tpu.wait_indirect_dma semaphore(%arg29 : memref<!tpu.dma_semaphore, #tpu.memory_space<semaphore_mem>>) src(%arg14 : memref<80x104xf32, #tpu.memory_space<vmem>>) dst(%dma_wait3A_495 : memref<10008x104xf32, #tpu.memory_space<vmem_shared>>)
      } else {
      }
      %add3A_461 = arith.constant 3 : i32
      %add3A_462 = arith.addi %add3A_455, %add3A_461 : i32
      %lt3A_463 = arith.constant 125 : i32
      %lt3A_464 = arith.cmpi slt, %add3A_462, %lt3A_463 : i32
      %convert_element_type3A_465 = arith.extui %lt3A_464 : i1 to i32
      %cond3A_466 = arith.constant 0 : i32
      %cond3A_467 = arith.cmpi ne, %convert_element_type3A_465, %cond3A_466 : i32
      scf.if %cond3A_467 {
        %add3A_489 = arith.constant 3 : i32
        %add3A_490 = arith.addi %add3A_455, %add3A_489 : i32
        %add3A_491 = arith.addi %mul3A_2, %add3A_490 : i32
        %dma_start3A_492 = arith.constant 0 : i32
        %dma_start3A_493 = arith.constant 0 : i32
        %dma_start3A_494 = tpu.memref_slice %arg3[%dma_start3A_492, %add3A_491, %dma_start3A_493] : memref<2x4000x80xi32, #tpu.memory_space<hbm>> -> memref<2x1x80xi32, #tpu.memory_space<hbm>>
        %dma_start3A_495 = tpu.memref_squeeze %dma_start3A_494 : memref<2x1x80xi32, #tpu.memory_space<hbm>> -> memref<2x80xi32, #tpu.memory_space<hbm>>
        %dma_start3A_496 = arith.constant 0 : i32
        %dma_start3A_497 = arith.constant 0 : i32
        %dma_start3A_498 = tpu.memref_slice %arg3[%dma_start3A_496, %add3A_491, %dma_start3A_497] : memref<2x4000x80xi32, #tpu.memory_space<hbm>> -> memref<2x1x80xi32, #tpu.memory_space<hbm>>
        %dma_start3A_499 = tpu.memref_squeeze %dma_start3A_498 : memref<2x1x80xi32, #tpu.memory_space<hbm>> -> memref<2x80xi32, #tpu.memory_space<hbm>>
        tpu.enqueue_dma source(%dma_start3A_499 : memref<2x80xi32, #tpu.memory_space<hbm>>) target(%arg9 : memref<2x80xi32, #tpu.memory_space<vmem>>) target_semaphore(%arg19 : memref<!tpu.dma_semaphore, #tpu.memory_space<semaphore_mem>>)
      } else {
      }
      %add3A_468 = arith.constant 2 : i32
      %add3A_469 = arith.addi %add3A_455, %add3A_468 : i32
      %lt3A_470 = arith.constant 125 : i32
      %lt3A_471 = arith.cmpi slt, %add3A_469, %lt3A_470 : i32
      %convert_element_type3A_472 = arith.extui %lt3A_471 : i1 to i32
      %cond3A_473 = arith.constant 0 : i32
      %cond3A_474 = arith.cmpi ne, %convert_element_type3A_472, %cond3A_473 : i32
      scf.if %cond3A_474 {
        %dma_wait3A_489 = arith.constant 0 : i32
        %dma_wait3A_490 = arith.constant 0 : i32
        %dma_wait3A_491 = arith.constant 0 : i32
        %dma_wait3A_492 = tpu.memref_slice %arg3[%dma_wait3A_490, %dma_wait3A_489, %dma_wait3A_491] : memref<2x4000x80xi32, #tpu.memory_space<hbm>> -> memref<2x1x80xi32, #tpu.memory_space<hbm>>
        %dma_wait3A_493 = tpu.memref_squeeze %dma_wait3A_492 : memref<2x1x80xi32, #tpu.memory_space<hbm>> -> memref<2x80xi32, #tpu.memory_space<hbm>>
        %dma_wait3A_494 = arith.constant 0 : i32
        %dma_wait3A_495 = arith.constant 0 : i32
        %dma_wait3A_496 = tpu.memref_slice %arg3[%dma_wait3A_494, %dma_wait3A_489, %dma_wait3A_495] : memref<2x4000x80xi32, #tpu.memory_space<hbm>> -> memref<2x1x80xi32, #tpu.memory_space<hbm>>
        %dma_wait3A_497 = tpu.memref_squeeze %dma_wait3A_496 : memref<2x1x80xi32, #tpu.memory_space<hbm>> -> memref<2x80xi32, #tpu.memory_space<hbm>>
        tpu.wait_dma2 semaphore(%arg18 : memref<!tpu.dma_semaphore, #tpu.memory_space<semaphore_mem>>) src(%dma_wait3A_497 : memref<2x80xi32, #tpu.memory_space<hbm>>) dst(%arg8 : memref<2x80xi32, #tpu.memory_space<vmem>>)
        %dma_start3A_498 = arith.constant 0 : i32
        %dma_start3A_499 = arith.constant 0 : i32
        %dma_start3A_500 = tpu.memref_slice %arg8[%dma_start3A_498, %dma_start3A_499] : memref<2x80xi32, #tpu.memory_space<vmem>> -> memref<1x80xi32, #tpu.memory_space<vmem>>
        %dma_start3A_501 = tpu.memref_squeeze %dma_start3A_500 : memref<1x80xi32, #tpu.memory_space<vmem>> -> memref<80xi32, #tpu.memory_space<vmem>>
        %dma_start3A_502 = arith.constant 0 : i32
        %dma_start3A_503 = arith.constant 0 : i32
        %dma_start3A_504 = tpu.memref_slice %arg2[%dma_start3A_502, %dma_start3A_503] : memref<10000x104xf32, #tpu.memory_space<hbm>> -> memref<10000x104xf32, #tpu.memory_space<hbm>>
        tpu.enqueue_indirect_dma source(%dma_start3A_504 : memref<10000x104xf32, #tpu.memory_space<hbm>>) target(%arg13 : memref<80x104xf32, #tpu.memory_space<vmem>>) offsets(%dma_start3A_501 : memref<80xi32, #tpu.memory_space<vmem>>) semaphore(%arg23 : memref<!tpu.dma_semaphore, #tpu.memory_space<semaphore_mem>>)
      } else {
      }
      %dma_wait3A_475 = arith.constant 0 : i32
      %dma_wait3A_476 = arith.constant 0 : i32
      %dma_wait3A_477 = tpu.memref_slice %arg11[%dma_wait3A_475, %dma_wait3A_476] : memref<2x80xi32, #tpu.memory_space<vmem>> -> memref<1x80xi32, #tpu.memory_space<vmem>>
      %dma_wait3A_478 = tpu.memref_squeeze %dma_wait3A_477 : memref<1x80xi32, #tpu.memory_space<vmem>> -> memref<80xi32, #tpu.memory_space<vmem>>
      %dma_wait3A_479 = arith.constant 0 : i32
      %dma_wait3A_480 = arith.constant 0 : i32
      %dma_wait3A_481 = tpu.memref_slice %arg2[%dma_wait3A_479, %dma_wait3A_480] : memref<10000x104xf32, #tpu.memory_space<hbm>> -> memref<10000x104xf32, #tpu.memory_space<hbm>>
      tpu.wait_indirect_dma semaphore(%arg26 : memref<!tpu.dma_semaphore, #tpu.memory_space<semaphore_mem>>) src(%dma_wait3A_481 : memref<10000x104xf32, #tpu.memory_space<hbm>>) dst(%arg16 : memref<80x104xf32, #tpu.memory_space<vmem>>)
      %dma_start3A_482 = arith.constant 1 : i32
      %dma_start3A_483 = arith.constant 0 : i32
      %dma_start3A_484 = tpu.memref_slice %arg11[%dma_start3A_482, %dma_start3A_483] : memref<2x80xi32, #tpu.memory_space<vmem>> -> memref<1x80xi32, #tpu.memory_space<vmem>>
      %dma_start3A_485 = tpu.memref_squeeze %dma_start3A_484 : memref<1x80xi32, #tpu.memory_space<vmem>> -> memref<80xi32, #tpu.memory_space<vmem>>
      %dma_start3A_486 = arith.constant 0 : i32
      %dma_start3A_487 = arith.constant 0 : i32
      %dma_start3A_488 = tpu.memref_slice %arg6[%dma_start3A_486, %dma_start3A_487] : memref<10008x104xf32, #tpu.memory_space<vmem_shared>> -> memref<10008x104xf32, #tpu.memory_space<vmem_shared>>
      tpu.enqueue_indirect_dma source(%arg16 : memref<80x104xf32, #tpu.memory_space<vmem>>) target(%dma_start3A_488 : memref<10008x104xf32, #tpu.memory_space<vmem_shared>>) offsets(%dma_start3A_485 : memref<80xi32, #tpu.memory_space<vmem>>) semaphore(%arg31 : memref<!tpu.dma_semaphore, #tpu.memory_space<semaphore_mem>>) {add = true}
    }
    %scan3A_176 = arith.constant 25 : i32
    %dma_wait3A_177 = arith.constant 1 : i32
    %dma_wait3A_178 = arith.constant 0 : i32
    %dma_wait3A_179 = tpu.memref_slice %arg10[%dma_wait3A_177, %dma_wait3A_178] : memref<2x80xi32, #tpu.memory_space<vmem>> -> memref<1x80xi32, #tpu.memory_space<vmem>>
    %dma_wait3A_180 = tpu.memref_squeeze %dma_wait3A_179 : memref<1x80xi32, #tpu.memory_space<vmem>> -> memref<80xi32, #tpu.memory_space<vmem>>
    %dma_wait3A_181 = arith.constant 0 : i32
    %dma_wait3A_182 = arith.constant 0 : i32
    %dma_wait3A_183 = tpu.memref_slice %arg6[%dma_wait3A_181, %dma_wait3A_182] : memref<10008x104xf32, #tpu.memory_space<vmem_shared>> -> memref<10008x104xf32, #tpu.memory_space<vmem_shared>>
    tpu.wait_indirect_dma semaphore(%arg30 : memref<!tpu.dma_semaphore, #tpu.memory_space<semaphore_mem>>) src(%arg15 : memref<80x104xf32, #tpu.memory_space<vmem>>) dst(%dma_wait3A_183 : memref<10008x104xf32, #tpu.memory_space<vmem_shared>>)
    %dma_wait3A_184 = arith.constant 1 : i32
    %dma_wait3A_185 = arith.constant 0 : i32
    %dma_wait3A_186 = tpu.memref_slice %arg11[%dma_wait3A_184, %dma_wait3A_185] : memref<2x80xi32, #tpu.memory_space<vmem>> -> memref<1x80xi32, #tpu.memory_space<vmem>>
    %dma_wait3A_187 = tpu.memref_squeeze %dma_wait3A_186 : memref<1x80xi32, #tpu.memory_space<vmem>> -> memref<80xi32, #tpu.memory_space<vmem>>
    %dma_wait3A_188 = arith.constant 0 : i32
    %dma_wait3A_189 = arith.constant 0 : i32
    %dma_wait3A_190 = tpu.memref_slice %arg6[%dma_wait3A_188, %dma_wait3A_189] : memref<10008x104xf32, #tpu.memory_space<vmem_shared>> -> memref<10008x104xf32, #tpu.memory_space<vmem_shared>>
    tpu.wait_indirect_dma semaphore(%arg31 : memref<!tpu.dma_semaphore, #tpu.memory_space<semaphore_mem>>) src(%arg16 : memref<80x104xf32, #tpu.memory_space<vmem>>) dst(%dma_wait3A_190 : memref<10008x104xf32, #tpu.memory_space<vmem_shared>>)
    %barrier3A_191 = arith.constant 0 : index
    tpu.barrier barrier_id(%barrier3A_191)
    %add3A_192 = arith.constant 0 : i32
    %add3A_193 = arith.addi %arg1, %add3A_192 : i32
    %lt3A_194 = arith.constant 125 : i32
    %lt3A_195 = arith.cmpi slt, %add3A_193, %lt3A_194 : i32
    %convert_element_type3A_196 = arith.extui %lt3A_195 : i1 to i32
    %cond3A_197 = arith.constant 0 : i32
    %cond3A_198 = arith.cmpi ne, %convert_element_type3A_196, %cond3A_197 : i32
    scf.if %cond3A_198 {
      %mul3A_304 = arith.constant 80 : i32
      %mul3A_305 = arith.muli %add3A_193, %mul3A_304 : i32
      %mul3A_306 = arith.constant 80 : i32
      %mul3A_307 = arith.muli %add3A_193, %mul3A_306 : i32
      %dma_start3A_308 = arith.constant 0 : i32
      %dma_start3A_309 = tpu.memref_slice %arg5[%arg0, %mul3A_307, %dma_start3A_308] : memref<2x10000x104xf32, #tpu.memory_space<hbm>> -> memref<1x80x104xf32, #tpu.memory_space<hbm>>
      %dma_start3A_310 = tpu.memref_squeeze %dma_start3A_309 : memref<1x80x104xf32, #tpu.memory_space<hbm>> -> memref<80x104xf32, #tpu.memory_space<hbm>>
      %dma_start3A_311 = arith.constant 0 : i32
      %dma_start3A_312 = tpu.memref_slice %arg6[%mul3A_305, %dma_start3A_311] : memref<10008x104xf32, #tpu.memory_space<vmem_shared>> -> memref<80x104xf32, #tpu.memory_space<vmem_shared>>
      tpu.enqueue_dma source(%dma_start3A_312 : memref<80x104xf32, #tpu.memory_space<vmem_shared>>) target(%dma_start3A_310 : memref<80x104xf32, #tpu.memory_space<hbm>>) target_semaphore(%arg32 : memref<!tpu.dma_semaphore, #tpu.memory_space<semaphore_mem>>)
    } else {
    }
    %add3A_199 = arith.constant 16 : i32
    %add3A_200 = arith.addi %arg1, %add3A_199 : i32
    %lt3A_201 = arith.constant 125 : i32
    %lt3A_202 = arith.cmpi slt, %add3A_200, %lt3A_201 : i32
    %convert_element_type3A_203 = arith.extui %lt3A_202 : i1 to i32
    %cond3A_204 = arith.constant 0 : i32
    %cond3A_205 = arith.cmpi ne, %convert_element_type3A_203, %cond3A_204 : i32
    scf.if %cond3A_205 {
      %mul3A_304 = arith.constant 80 : i32
      %mul3A_305 = arith.muli %add3A_200, %mul3A_304 : i32
      %mul3A_306 = arith.constant 80 : i32
      %mul3A_307 = arith.muli %add3A_200, %mul3A_306 : i32
      %dma_start3A_308 = arith.constant 0 : i32
      %dma_start3A_309 = tpu.memref_slice %arg5[%arg0, %mul3A_307, %dma_start3A_308] : memref<2x10000x104xf32, #tpu.memory_space<hbm>> -> memref<1x80x104xf32, #tpu.memory_space<hbm>>
      %dma_start3A_310 = tpu.memref_squeeze %dma_start3A_309 : memref<1x80x104xf32, #tpu.memory_space<hbm>> -> memref<80x104xf32, #tpu.memory_space<hbm>>
      %dma_start3A_311 = arith.constant 0 : i32
      %dma_start3A_312 = tpu.memref_slice %arg6[%mul3A_305, %dma_start3A_311] : memref<10008x104xf32, #tpu.memory_space<vmem_shared>> -> memref<80x104xf32, #tpu.memory_space<vmem_shared>>
      tpu.enqueue_dma source(%dma_start3A_312 : memref<80x104xf32, #tpu.memory_space<vmem_shared>>) target(%dma_start3A_310 : memref<80x104xf32, #tpu.memory_space<hbm>>) target_semaphore(%arg32 : memref<!tpu.dma_semaphore, #tpu.memory_space<semaphore_mem>>)
    } else {
    }
    %add3A_206 = arith.constant 32 : i32
    %add3A_207 = arith.addi %arg1, %add3A_206 : i32
    %lt3A_208 = arith.constant 125 : i32
    %lt3A_209 = arith.cmpi slt, %add3A_207, %lt3A_208 : i32
    %convert_element_type3A_210 = arith.extui %lt3A_209 : i1 to i32
    %cond3A_211 = arith.constant 0 : i32
    %cond3A_212 = arith.cmpi ne, %convert_element_type3A_210, %cond3A_211 : i32
    scf.if %cond3A_212 {
      %mul3A_304 = arith.constant 80 : i32
      %mul3A_305 = arith.muli %add3A_207, %mul3A_304 : i32
      %mul3A_306 = arith.constant 80 : i32
      %mul3A_307 = arith.muli %add3A_207, %mul3A_306 : i32
      %dma_start3A_308 = arith.constant 0 : i32
      %dma_start3A_309 = tpu.memref_slice %arg5[%arg0, %mul3A_307, %dma_start3A_308] : memref<2x10000x104xf32, #tpu.memory_space<hbm>> -> memref<1x80x104xf32, #tpu.memory_space<hbm>>
      %dma_start3A_310 = tpu.memref_squeeze %dma_start3A_309 : memref<1x80x104xf32, #tpu.memory_space<hbm>> -> memref<80x104xf32, #tpu.memory_space<hbm>>
      %dma_start3A_311 = arith.constant 0 : i32
      %dma_start3A_312 = tpu.memref_slice %arg6[%mul3A_305, %dma_start3A_311] : memref<10008x104xf32, #tpu.memory_space<vmem_shared>> -> memref<80x104xf32, #tpu.memory_space<vmem_shared>>
      tpu.enqueue_dma source(%dma_start3A_312 : memref<80x104xf32, #tpu.memory_space<vmem_shared>>) target(%dma_start3A_310 : memref<80x104xf32, #tpu.memory_space<hbm>>) target_semaphore(%arg32 : memref<!tpu.dma_semaphore, #tpu.memory_space<semaphore_mem>>)
    } else {
    }
    %add3A_213 = arith.constant 48 : i32
    %add3A_214 = arith.addi %arg1, %add3A_213 : i32
    %lt3A_215 = arith.constant 125 : i32
    %lt3A_216 = arith.cmpi slt, %add3A_214, %lt3A_215 : i32
    %convert_element_type3A_217 = arith.extui %lt3A_216 : i1 to i32
    %cond3A_218 = arith.constant 0 : i32
    %cond3A_219 = arith.cmpi ne, %convert_element_type3A_217, %cond3A_218 : i32
    scf.if %cond3A_219 {
      %mul3A_304 = arith.constant 80 : i32
      %mul3A_305 = arith.muli %add3A_214, %mul3A_304 : i32
      %mul3A_306 = arith.constant 80 : i32
      %mul3A_307 = arith.muli %add3A_214, %mul3A_306 : i32
      %dma_start3A_308 = arith.constant 0 : i32
      %dma_start3A_309 = tpu.memref_slice %arg5[%arg0, %mul3A_307, %dma_start3A_308] : memref<2x10000x104xf32, #tpu.memory_space<hbm>> -> memref<1x80x104xf32, #tpu.memory_space<hbm>>
      %dma_start3A_310 = tpu.memref_squeeze %dma_start3A_309 : memref<1x80x104xf32, #tpu.memory_space<hbm>> -> memref<80x104xf32, #tpu.memory_space<hbm>>
      %dma_start3A_311 = arith.constant 0 : i32
      %dma_start3A_312 = tpu.memref_slice %arg6[%mul3A_305, %dma_start3A_311] : memref<10008x104xf32, #tpu.memory_space<vmem_shared>> -> memref<80x104xf32, #tpu.memory_space<vmem_shared>>
      tpu.enqueue_dma source(%dma_start3A_312 : memref<80x104xf32, #tpu.memory_space<vmem_shared>>) target(%dma_start3A_310 : memref<80x104xf32, #tpu.memory_space<hbm>>) target_semaphore(%arg32 : memref<!tpu.dma_semaphore, #tpu.memory_space<semaphore_mem>>)
    } else {
    }
    %add3A_220 = arith.constant 64 : i32
    %add3A_221 = arith.addi %arg1, %add3A_220 : i32
    %lt3A_222 = arith.constant 125 : i32
    %lt3A_223 = arith.cmpi slt, %add3A_221, %lt3A_222 : i32
    %convert_element_type3A_224 = arith.extui %lt3A_223 : i1 to i32
    %cond3A_225 = arith.constant 0 : i32
    %cond3A_226 = arith.cmpi ne, %convert_element_type3A_224, %cond3A_225 : i32
    scf.if %cond3A_226 {
      %mul3A_304 = arith.constant 80 : i32
      %mul3A_305 = arith.muli %add3A_221, %mul3A_304 : i32
      %mul3A_306 = arith.constant 80 : i32
      %mul3A_307 = arith.muli %add3A_221, %mul3A_306 : i32
      %dma_start3A_308 = arith.constant 0 : i32
      %dma_start3A_309 = tpu.memref_slice %arg5[%arg0, %mul3A_307, %dma_start3A_308] : memref<2x10000x104xf32, #tpu.memory_space<hbm>> -> memref<1x80x104xf32, #tpu.memory_space<hbm>>
      %dma_start3A_310 = tpu.memref_squeeze %dma_start3A_309 : memref<1x80x104xf32, #tpu.memory_space<hbm>> -> memref<80x104xf32, #tpu.memory_space<hbm>>
      %dma_start3A_311 = arith.constant 0 : i32
      %dma_start3A_312 = tpu.memref_slice %arg6[%mul3A_305, %dma_start3A_311] : memref<10008x104xf32, #tpu.memory_space<vmem_shared>> -> memref<80x104xf32, #tpu.memory_space<vmem_shared>>
      tpu.enqueue_dma source(%dma_start3A_312 : memref<80x104xf32, #tpu.memory_space<vmem_shared>>) target(%dma_start3A_310 : memref<80x104xf32, #tpu.memory_space<hbm>>) target_semaphore(%arg32 : memref<!tpu.dma_semaphore, #tpu.memory_space<semaphore_mem>>)
    } else {
    }
    %add3A_227 = arith.constant 80 : i32
    %add3A_228 = arith.addi %arg1, %add3A_227 : i32
    %lt3A_229 = arith.constant 125 : i32
    %lt3A_230 = arith.cmpi slt, %add3A_228, %lt3A_229 : i32
    %convert_element_type3A_231 = arith.extui %lt3A_230 : i1 to i32
    %cond3A_232 = arith.constant 0 : i32
    %cond3A_233 = arith.cmpi ne, %convert_element_type3A_231, %cond3A_232 : i32
    scf.if %cond3A_233 {
      %mul3A_304 = arith.constant 80 : i32
      %mul3A_305 = arith.muli %add3A_228, %mul3A_304 : i32
      %mul3A_306 = arith.constant 80 : i32
      %mul3A_307 = arith.muli %add3A_228, %mul3A_306 : i32
      %dma_start3A_308 = arith.constant 0 : i32
      %dma_start3A_309 = tpu.memref_slice %arg5[%arg0, %mul3A_307, %dma_start3A_308] : memref<2x10000x104xf32, #tpu.memory_space<hbm>> -> memref<1x80x104xf32, #tpu.memory_space<hbm>>
      %dma_start3A_310 = tpu.memref_squeeze %dma_start3A_309 : memref<1x80x104xf32, #tpu.memory_space<hbm>> -> memref<80x104xf32, #tpu.memory_space<hbm>>
      %dma_start3A_311 = arith.constant 0 : i32
      %dma_start3A_312 = tpu.memref_slice %arg6[%mul3A_305, %dma_start3A_311] : memref<10008x104xf32, #tpu.memory_space<vmem_shared>> -> memref<80x104xf32, #tpu.memory_space<vmem_shared>>
      tpu.enqueue_dma source(%dma_start3A_312 : memref<80x104xf32, #tpu.memory_space<vmem_shared>>) target(%dma_start3A_310 : memref<80x104xf32, #tpu.memory_space<hbm>>) target_semaphore(%arg32 : memref<!tpu.dma_semaphore, #tpu.memory_space<semaphore_mem>>)
    } else {
    }
    %add3A_234 = arith.constant 96 : i32
    %add3A_235 = arith.addi %arg1, %add3A_234 : i32
    %lt3A_236 = arith.constant 125 : i32
    %lt3A_237 = arith.cmpi slt, %add3A_235, %lt3A_236 : i32
    %convert_element_type3A_238 = arith.extui %lt3A_237 : i1 to i32
    %cond3A_239 = arith.constant 0 : i32
    %cond3A_240 = arith.cmpi ne, %convert_element_type3A_238, %cond3A_239 : i32
    scf.if %cond3A_240 {
      %mul3A_304 = arith.constant 80 : i32
      %mul3A_305 = arith.muli %add3A_235, %mul3A_304 : i32
      %mul3A_306 = arith.constant 80 : i32
      %mul3A_307 = arith.muli %add3A_235, %mul3A_306 : i32
      %dma_start3A_308 = arith.constant 0 : i32
      %dma_start3A_309 = tpu.memref_slice %arg5[%arg0, %mul3A_307, %dma_start3A_308] : memref<2x10000x104xf32, #tpu.memory_space<hbm>> -> memref<1x80x104xf32, #tpu.memory_space<hbm>>
      %dma_start3A_310 = tpu.memref_squeeze %dma_start3A_309 : memref<1x80x104xf32, #tpu.memory_space<hbm>> -> memref<80x104xf32, #tpu.memory_space<hbm>>
      %dma_start3A_311 = arith.constant 0 : i32
      %dma_start3A_312 = tpu.memref_slice %arg6[%mul3A_305, %dma_start3A_311] : memref<10008x104xf32, #tpu.memory_space<vmem_shared>> -> memref<80x104xf32, #tpu.memory_space<vmem_shared>>
      tpu.enqueue_dma source(%dma_start3A_312 : memref<80x104xf32, #tpu.memory_space<vmem_shared>>) target(%dma_start3A_310 : memref<80x104xf32, #tpu.memory_space<hbm>>) target_semaphore(%arg32 : memref<!tpu.dma_semaphore, #tpu.memory_space<semaphore_mem>>)
    } else {
    }
    %add3A_241 = arith.constant 112 : i32
    %add3A_242 = arith.addi %arg1, %add3A_241 : i32
    %lt3A_243 = arith.constant 125 : i32
    %lt3A_244 = arith.cmpi slt, %add3A_242, %lt3A_243 : i32
    %convert_element_type3A_245 = arith.extui %lt3A_244 : i1 to i32
    %cond3A_246 = arith.constant 0 : i32
    %cond3A_247 = arith.cmpi ne, %convert_element_type3A_245, %cond3A_246 : i32
    scf.if %cond3A_247 {
      %mul3A_304 = arith.constant 80 : i32
      %mul3A_305 = arith.muli %add3A_242, %mul3A_304 : i32
      %mul3A_306 = arith.constant 80 : i32
      %mul3A_307 = arith.muli %add3A_242, %mul3A_306 : i32
      %dma_start3A_308 = arith.constant 0 : i32
      %dma_start3A_309 = tpu.memref_slice %arg5[%arg0, %mul3A_307, %dma_start3A_308] : memref<2x10000x104xf32, #tpu.memory_space<hbm>> -> memref<1x80x104xf32, #tpu.memory_space<hbm>>
      %dma_start3A_310 = tpu.memref_squeeze %dma_start3A_309 : memref<1x80x104xf32, #tpu.memory_space<hbm>> -> memref<80x104xf32, #tpu.memory_space<hbm>>
      %dma_start3A_311 = arith.constant 0 : i32
      %dma_start3A_312 = tpu.memref_slice %arg6[%mul3A_305, %dma_start3A_311] : memref<10008x104xf32, #tpu.memory_space<vmem_shared>> -> memref<80x104xf32, #tpu.memory_space<vmem_shared>>
      tpu.enqueue_dma source(%dma_start3A_312 : memref<80x104xf32, #tpu.memory_space<vmem_shared>>) target(%dma_start3A_310 : memref<80x104xf32, #tpu.memory_space<hbm>>) target_semaphore(%arg32 : memref<!tpu.dma_semaphore, #tpu.memory_space<semaphore_mem>>)
    } else {
    }
    %add3A_248 = arith.constant 0 : i32
    %add3A_249 = arith.addi %arg1, %add3A_248 : i32
    %lt3A_250 = arith.constant 125 : i32
    %lt3A_251 = arith.cmpi slt, %add3A_249, %lt3A_250 : i32
    %convert_element_type3A_252 = arith.extui %lt3A_251 : i1 to i32
    %cond3A_253 = arith.constant 0 : i32
    %cond3A_254 = arith.cmpi ne, %convert_element_type3A_252, %cond3A_253 : i32
    scf.if %cond3A_254 {
      %mul3A_304 = arith.constant 80 : i32
      %mul3A_305 = arith.muli %add3A_249, %mul3A_304 : i32
      %mul3A_306 = arith.constant 80 : i32
      %mul3A_307 = arith.muli %add3A_249, %mul3A_306 : i32
      %dma_wait3A_308 = arith.constant 0 : i32
      %dma_wait3A_309 = tpu.memref_slice %arg5[%arg0, %mul3A_307, %dma_wait3A_308] : memref<2x10000x104xf32, #tpu.memory_space<hbm>> -> memref<1x80x104xf32, #tpu.memory_space<hbm>>
      %dma_wait3A_310 = tpu.memref_squeeze %dma_wait3A_309 : memref<1x80x104xf32, #tpu.memory_space<hbm>> -> memref<80x104xf32, #tpu.memory_space<hbm>>
      %dma_wait3A_311 = arith.constant 0 : i32
      %dma_wait3A_312 = tpu.memref_slice %arg6[%mul3A_305, %dma_wait3A_311] : memref<10008x104xf32, #tpu.memory_space<vmem_shared>> -> memref<80x104xf32, #tpu.memory_space<vmem_shared>>
      tpu.wait_dma2 semaphore(%arg32 : memref<!tpu.dma_semaphore, #tpu.memory_space<semaphore_mem>>) src(%dma_wait3A_312 : memref<80x104xf32, #tpu.memory_space<vmem_shared>>) dst(%dma_wait3A_310 : memref<80x104xf32, #tpu.memory_space<hbm>>)
    } else {
    }
    %add3A_255 = arith.constant 16 : i32
    %add3A_256 = arith.addi %arg1, %add3A_255 : i32
    %lt3A_257 = arith.constant 125 : i32
    %lt3A_258 = arith.cmpi slt, %add3A_256, %lt3A_257 : i32
    %convert_element_type3A_259 = arith.extui %lt3A_258 : i1 to i32
    %cond3A_260 = arith.constant 0 : i32
    %cond3A_261 = arith.cmpi ne, %convert_element_type3A_259, %cond3A_260 : i32
    scf.if %cond3A_261 {
      %mul3A_304 = arith.constant 80 : i32
      %mul3A_305 = arith.muli %add3A_256, %mul3A_304 : i32
      %mul3A_306 = arith.constant 80 : i32
      %mul3A_307 = arith.muli %add3A_256, %mul3A_306 : i32
      %dma_wait3A_308 = arith.constant 0 : i32
      %dma_wait3A_309 = tpu.memref_slice %arg5[%arg0, %mul3A_307, %dma_wait3A_308] : memref<2x10000x104xf32, #tpu.memory_space<hbm>> -> memref<1x80x104xf32, #tpu.memory_space<hbm>>
      %dma_wait3A_310 = tpu.memref_squeeze %dma_wait3A_309 : memref<1x80x104xf32, #tpu.memory_space<hbm>> -> memref<80x104xf32, #tpu.memory_space<hbm>>
      %dma_wait3A_311 = arith.constant 0 : i32
      %dma_wait3A_312 = tpu.memref_slice %arg6[%mul3A_305, %dma_wait3A_311] : memref<10008x104xf32, #tpu.memory_space<vmem_shared>> -> memref<80x104xf32, #tpu.memory_space<vmem_shared>>
      tpu.wait_dma2 semaphore(%arg32 : memref<!tpu.dma_semaphore, #tpu.memory_space<semaphore_mem>>) src(%dma_wait3A_312 : memref<80x104xf32, #tpu.memory_space<vmem_shared>>) dst(%dma_wait3A_310 : memref<80x104xf32, #tpu.memory_space<hbm>>)
    } else {
    }
    %add3A_262 = arith.constant 32 : i32
    %add3A_263 = arith.addi %arg1, %add3A_262 : i32
    %lt3A_264 = arith.constant 125 : i32
    %lt3A_265 = arith.cmpi slt, %add3A_263, %lt3A_264 : i32
    %convert_element_type3A_266 = arith.extui %lt3A_265 : i1 to i32
    %cond3A_267 = arith.constant 0 : i32
    %cond3A_268 = arith.cmpi ne, %convert_element_type3A_266, %cond3A_267 : i32
    scf.if %cond3A_268 {
      %mul3A_304 = arith.constant 80 : i32
      %mul3A_305 = arith.muli %add3A_263, %mul3A_304 : i32
      %mul3A_306 = arith.constant 80 : i32
      %mul3A_307 = arith.muli %add3A_263, %mul3A_306 : i32
      %dma_wait3A_308 = arith.constant 0 : i32
      %dma_wait3A_309 = tpu.memref_slice %arg5[%arg0, %mul3A_307, %dma_wait3A_308] : memref<2x10000x104xf32, #tpu.memory_space<hbm>> -> memref<1x80x104xf32, #tpu.memory_space<hbm>>
      %dma_wait3A_310 = tpu.memref_squeeze %dma_wait3A_309 : memref<1x80x104xf32, #tpu.memory_space<hbm>> -> memref<80x104xf32, #tpu.memory_space<hbm>>
      %dma_wait3A_311 = arith.constant 0 : i32
      %dma_wait3A_312 = tpu.memref_slice %arg6[%mul3A_305, %dma_wait3A_311] : memref<10008x104xf32, #tpu.memory_space<vmem_shared>> -> memref<80x104xf32, #tpu.memory_space<vmem_shared>>
      tpu.wait_dma2 semaphore(%arg32 : memref<!tpu.dma_semaphore, #tpu.memory_space<semaphore_mem>>) src(%dma_wait3A_312 : memref<80x104xf32, #tpu.memory_space<vmem_shared>>) dst(%dma_wait3A_310 : memref<80x104xf32, #tpu.memory_space<hbm>>)
    } else {
    }
    %add3A_269 = arith.constant 48 : i32
    %add3A_270 = arith.addi %arg1, %add3A_269 : i32
    %lt3A_271 = arith.constant 125 : i32
    %lt3A_272 = arith.cmpi slt, %add3A_270, %lt3A_271 : i32
    %convert_element_type3A_273 = arith.extui %lt3A_272 : i1 to i32
    %cond3A_274 = arith.constant 0 : i32
    %cond3A_275 = arith.cmpi ne, %convert_element_type3A_273, %cond3A_274 : i32
    scf.if %cond3A_275 {
      %mul3A_304 = arith.constant 80 : i32
      %mul3A_305 = arith.muli %add3A_270, %mul3A_304 : i32
      %mul3A_306 = arith.constant 80 : i32
      %mul3A_307 = arith.muli %add3A_270, %mul3A_306 : i32
      %dma_wait3A_308 = arith.constant 0 : i32
      %dma_wait3A_309 = tpu.memref_slice %arg5[%arg0, %mul3A_307, %dma_wait3A_308] : memref<2x10000x104xf32, #tpu.memory_space<hbm>> -> memref<1x80x104xf32, #tpu.memory_space<hbm>>
      %dma_wait3A_310 = tpu.memref_squeeze %dma_wait3A_309 : memref<1x80x104xf32, #tpu.memory_space<hbm>> -> memref<80x104xf32, #tpu.memory_space<hbm>>
      %dma_wait3A_311 = arith.constant 0 : i32
      %dma_wait3A_312 = tpu.memref_slice %arg6[%mul3A_305, %dma_wait3A_311] : memref<10008x104xf32, #tpu.memory_space<vmem_shared>> -> memref<80x104xf32, #tpu.memory_space<vmem_shared>>
      tpu.wait_dma2 semaphore(%arg32 : memref<!tpu.dma_semaphore, #tpu.memory_space<semaphore_mem>>) src(%dma_wait3A_312 : memref<80x104xf32, #tpu.memory_space<vmem_shared>>) dst(%dma_wait3A_310 : memref<80x104xf32, #tpu.memory_space<hbm>>)
    } else {
    }
    %add3A_276 = arith.constant 64 : i32
    %add3A_277 = arith.addi %arg1, %add3A_276 : i32
    %lt3A_278 = arith.constant 125 : i32
    %lt3A_279 = arith.cmpi slt, %add3A_277, %lt3A_278 : i32
    %convert_element_type3A_280 = arith.extui %lt3A_279 : i1 to i32
    %cond3A_281 = arith.constant 0 : i32
    %cond3A_282 = arith.cmpi ne, %convert_element_type3A_280, %cond3A_281 : i32
    scf.if %cond3A_282 {
      %mul3A_304 = arith.constant 80 : i32
      %mul3A_305 = arith.muli %add3A_277, %mul3A_304 : i32
      %mul3A_306 = arith.constant 80 : i32
      %mul3A_307 = arith.muli %add3A_277, %mul3A_306 : i32
      %dma_wait3A_308 = arith.constant 0 : i32
      %dma_wait3A_309 = tpu.memref_slice %arg5[%arg0, %mul3A_307, %dma_wait3A_308] : memref<2x10000x104xf32, #tpu.memory_space<hbm>> -> memref<1x80x104xf32, #tpu.memory_space<hbm>>
      %dma_wait3A_310 = tpu.memref_squeeze %dma_wait3A_309 : memref<1x80x104xf32, #tpu.memory_space<hbm>> -> memref<80x104xf32, #tpu.memory_space<hbm>>
      %dma_wait3A_311 = arith.constant 0 : i32
      %dma_wait3A_312 = tpu.memref_slice %arg6[%mul3A_305, %dma_wait3A_311] : memref<10008x104xf32, #tpu.memory_space<vmem_shared>> -> memref<80x104xf32, #tpu.memory_space<vmem_shared>>
      tpu.wait_dma2 semaphore(%arg32 : memref<!tpu.dma_semaphore, #tpu.memory_space<semaphore_mem>>) src(%dma_wait3A_312 : memref<80x104xf32, #tpu.memory_space<vmem_shared>>) dst(%dma_wait3A_310 : memref<80x104xf32, #tpu.memory_space<hbm>>)
    } else {
    }
    %add3A_283 = arith.constant 80 : i32
    %add3A_284 = arith.addi %arg1, %add3A_283 : i32
    %lt3A_285 = arith.constant 125 : i32
    %lt3A_286 = arith.cmpi slt, %add3A_284, %lt3A_285 : i32
    %convert_element_type3A_287 = arith.extui %lt3A_286 : i1 to i32
    %cond3A_288 = arith.constant 0 : i32
    %cond3A_289 = arith.cmpi ne, %convert_element_type3A_287, %cond3A_288 : i32
    scf.if %cond3A_289 {
      %mul3A_304 = arith.constant 80 : i32
      %mul3A_305 = arith.muli %add3A_284, %mul3A_304 : i32
      %mul3A_306 = arith.constant 80 : i32
      %mul3A_307 = arith.muli %add3A_284, %mul3A_306 : i32
      %dma_wait3A_308 = arith.constant 0 : i32
      %dma_wait3A_309 = tpu.memref_slice %arg5[%arg0, %mul3A_307, %dma_wait3A_308] : memref<2x10000x104xf32, #tpu.memory_space<hbm>> -> memref<1x80x104xf32, #tpu.memory_space<hbm>>
      %dma_wait3A_310 = tpu.memref_squeeze %dma_wait3A_309 : memref<1x80x104xf32, #tpu.memory_space<hbm>> -> memref<80x104xf32, #tpu.memory_space<hbm>>
      %dma_wait3A_311 = arith.constant 0 : i32
      %dma_wait3A_312 = tpu.memref_slice %arg6[%mul3A_305, %dma_wait3A_311] : memref<10008x104xf32, #tpu.memory_space<vmem_shared>> -> memref<80x104xf32, #tpu.memory_space<vmem_shared>>
      tpu.wait_dma2 semaphore(%arg32 : memref<!tpu.dma_semaphore, #tpu.memory_space<semaphore_mem>>) src(%dma_wait3A_312 : memref<80x104xf32, #tpu.memory_space<vmem_shared>>) dst(%dma_wait3A_310 : memref<80x104xf32, #tpu.memory_space<hbm>>)
    } else {
    }
    %add3A_290 = arith.constant 96 : i32
    %add3A_291 = arith.addi %arg1, %add3A_290 : i32
    %lt3A_292 = arith.constant 125 : i32
    %lt3A_293 = arith.cmpi slt, %add3A_291, %lt3A_292 : i32
    %convert_element_type3A_294 = arith.extui %lt3A_293 : i1 to i32
    %cond3A_295 = arith.constant 0 : i32
    %cond3A_296 = arith.cmpi ne, %convert_element_type3A_294, %cond3A_295 : i32
    scf.if %cond3A_296 {
      %mul3A_304 = arith.constant 80 : i32
      %mul3A_305 = arith.muli %add3A_291, %mul3A_304 : i32
      %mul3A_306 = arith.constant 80 : i32
      %mul3A_307 = arith.muli %add3A_291, %mul3A_306 : i32
      %dma_wait3A_308 = arith.constant 0 : i32
      %dma_wait3A_309 = tpu.memref_slice %arg5[%arg0, %mul3A_307, %dma_wait3A_308] : memref<2x10000x104xf32, #tpu.memory_space<hbm>> -> memref<1x80x104xf32, #tpu.memory_space<hbm>>
      %dma_wait3A_310 = tpu.memref_squeeze %dma_wait3A_309 : memref<1x80x104xf32, #tpu.memory_space<hbm>> -> memref<80x104xf32, #tpu.memory_space<hbm>>
      %dma_wait3A_311 = arith.constant 0 : i32
      %dma_wait3A_312 = tpu.memref_slice %arg6[%mul3A_305, %dma_wait3A_311] : memref<10008x104xf32, #tpu.memory_space<vmem_shared>> -> memref<80x104xf32, #tpu.memory_space<vmem_shared>>
      tpu.wait_dma2 semaphore(%arg32 : memref<!tpu.dma_semaphore, #tpu.memory_space<semaphore_mem>>) src(%dma_wait3A_312 : memref<80x104xf32, #tpu.memory_space<vmem_shared>>) dst(%dma_wait3A_310 : memref<80x104xf32, #tpu.memory_space<hbm>>)
    } else {
    }
    %add3A_297 = arith.constant 112 : i32
    %add3A_298 = arith.addi %arg1, %add3A_297 : i32
    %lt3A_299 = arith.constant 125 : i32
    %lt3A_300 = arith.cmpi slt, %add3A_298, %lt3A_299 : i32
    %convert_element_type3A_301 = arith.extui %lt3A_300 : i1 to i32
    %cond3A_302 = arith.constant 0 : i32
    %cond3A_303 = arith.cmpi ne, %convert_element_type3A_301, %cond3A_302 : i32
    scf.if %cond3A_303 {
      %mul3A_304 = arith.constant 80 : i32
      %mul3A_305 = arith.muli %add3A_298, %mul3A_304 : i32
      %mul3A_306 = arith.constant 80 : i32
      %mul3A_307 = arith.muli %add3A_298, %mul3A_306 : i32
      %dma_wait3A_308 = arith.constant 0 : i32
      %dma_wait3A_309 = tpu.memref_slice %arg5[%arg0, %mul3A_307, %dma_wait3A_308] : memref<2x10000x104xf32, #tpu.memory_space<hbm>> -> memref<1x80x104xf32, #tpu.memory_space<hbm>>
      %dma_wait3A_310 = tpu.memref_squeeze %dma_wait3A_309 : memref<1x80x104xf32, #tpu.memory_space<hbm>> -> memref<80x104xf32, #tpu.memory_space<hbm>>
      %dma_wait3A_311 = arith.constant 0 : i32
      %dma_wait3A_312 = tpu.memref_slice %arg6[%mul3A_305, %dma_wait3A_311] : memref<10008x104xf32, #tpu.memory_space<vmem_shared>> -> memref<80x104xf32, #tpu.memory_space<vmem_shared>>
      tpu.wait_dma2 semaphore(%arg32 : memref<!tpu.dma_semaphore, #tpu.memory_space<semaphore_mem>>) src(%dma_wait3A_312 : memref<80x104xf32, #tpu.memory_space<vmem_shared>>) dst(%dma_wait3A_310 : memref<80x104xf32, #tpu.memory_space<hbm>>)
    } else {
    }
    return
  }
}

#map = affine_map<(d0, d1) -> (0, 0)>
#map1 = affine_map<(d0, d1) -> (0, 0, 0)>
module attributes {stable_mosaic.version = 14 : i64} {
  func.func @agg(%arg0: i32, %arg1: i32, %arg2: memref<10000x32xf32, #tpu.memory_space<hbm>>, %arg3: memref<2x4000x80xi32, #tpu.memory_space<hbm>>, %arg4: memref<80x32xf32, #tpu.memory_space<hbm>>, %arg5: memref<2x10000x32xf32, #tpu.memory_space<hbm>>, %arg6: memref<10008x32xf32, #tpu.memory_space<vmem_shared>>, %arg7: memref<2x80xi32, #tpu.memory_space<vmem>>, %arg8: memref<2x80xi32, #tpu.memory_space<vmem>>, %arg9: memref<2x80xi32, #tpu.memory_space<vmem>>, %arg10: memref<2x80xi32, #tpu.memory_space<vmem>>, %arg11: memref<2x80xi32, #tpu.memory_space<vmem>>, %arg12: memref<80x32xf32, #tpu.memory_space<vmem>>, %arg13: memref<80x32xf32, #tpu.memory_space<vmem>>, %arg14: memref<80x32xf32, #tpu.memory_space<vmem>>, %arg15: memref<80x32xf32, #tpu.memory_space<vmem>>, %arg16: memref<80x32xf32, #tpu.memory_space<vmem>>, %arg17: memref<!tpu.dma_semaphore, #tpu.memory_space<semaphore_mem>>, %arg18: memref<!tpu.dma_semaphore, #tpu.memory_space<semaphore_mem>>, %arg19: memref<!tpu.dma_semaphore, #tpu.memory_space<semaphore_mem>>, %arg20: memref<!tpu.dma_semaphore, #tpu.memory_space<semaphore_mem>>, %arg21: memref<!tpu.dma_semaphore, #tpu.memory_space<semaphore_mem>>, %arg22: memref<!tpu.dma_semaphore, #tpu.memory_space<semaphore_mem>>, %arg23: memref<!tpu.dma_semaphore, #tpu.memory_space<semaphore_mem>>, %arg24: memref<!tpu.dma_semaphore, #tpu.memory_space<semaphore_mem>>, %arg25: memref<!tpu.dma_semaphore, #tpu.memory_space<semaphore_mem>>, %arg26: memref<!tpu.dma_semaphore, #tpu.memory_space<semaphore_mem>>, %arg27: memref<!tpu.dma_semaphore, #tpu.memory_space<semaphore_mem>>, %arg28: memref<!tpu.dma_semaphore, #tpu.memory_space<semaphore_mem>>, %arg29: memref<!tpu.dma_semaphore, #tpu.memory_space<semaphore_mem>>, %arg30: memref<!tpu.dma_semaphore, #tpu.memory_space<semaphore_mem>>, %arg31: memref<!tpu.dma_semaphore, #tpu.memory_space<semaphore_mem>>, %arg32: memref<!tpu.dma_semaphore, #tpu.memory_space<semaphore_mem>>, %arg33: memref<10000x32xf32, #tpu.memory_space<vmem_shared>>) attributes {dimension_semantics = [#tpu.dimension_semantics<core_parallel>, #tpu.dimension_semantics<subcore_parallel>], iteration_bounds = array<i64: 2, 16>, scalar_prefetch = 0 : i64, scratch_operands = 28 : i64, tpu.core_type = #tpu.core_type<sc_vector_subcore>, window_params = [{transform_indices = #map}, {transform_indices = #map1}, {transform_indices = #map}, {transform_indices = #map1}]} {
    %mul3A = arith.constant 2 : i32
    %mul3A_0 = arith.muli %arg1, %mul3A : i32
    %add3A = arith.addi %mul3A_0, %arg0 : i32
    %mul3A_1 = arith.constant 125 : i32
    %mul3A_2 = arith.muli %add3A, %mul3A_1 : i32
    %add3A_3 = arith.constant 0 : i32
    %add3A_4 = arith.addi %arg1, %add3A_3 : i32
    %lt3A = arith.constant 125 : i32
    %lt3A_5 = arith.cmpi slt, %add3A_4, %lt3A : i32
    %convert_element_type3A = arith.extui %lt3A_5 : i1 to i32
    %cond3A = arith.constant 0 : i32
    %cond3A_6 = arith.cmpi ne, %convert_element_type3A, %cond3A : i32
    scf.if %cond3A_6 {
      %mul3A_304 = arith.constant 80 : i32
      %mul3A_305 = arith.muli %add3A_4, %mul3A_304 : i32
      %dma_start3A_306 = arith.constant 0 : i32
      %dma_start3A_307 = tpu.memref_slice %arg6[%mul3A_305, %dma_start3A_306] : memref<10008x32xf32, #tpu.memory_space<vmem_shared>> -> memref<80x32xf32, #tpu.memory_space<vmem_shared>>
      tpu.enqueue_dma source(%arg4 : memref<80x32xf32, #tpu.memory_space<hbm>>) target(%dma_start3A_307 : memref<80x32xf32, #tpu.memory_space<vmem_shared>>) target_semaphore(%arg32 : memref<!tpu.dma_semaphore, #tpu.memory_space<semaphore_mem>>)
      %mul3A_308 = arith.constant 80 : i32
      %mul3A_309 = arith.muli %add3A_4, %mul3A_308 : i32
      %mul3A_310 = arith.constant 80 : i32
      %mul3A_311 = arith.muli %add3A_4, %mul3A_310 : i32
      %dma_start3A_312 = arith.constant 0 : i32
      %dma_start3A_313 = tpu.memref_slice %arg33[%mul3A_311, %dma_start3A_312] : memref<10000x32xf32, #tpu.memory_space<vmem_shared>> -> memref<80x32xf32, #tpu.memory_space<vmem_shared>>
      %dma_start3A_314 = arith.constant 0 : i32
      %dma_start3A_315 = tpu.memref_slice %arg2[%mul3A_309, %dma_start3A_314] : memref<10000x32xf32, #tpu.memory_space<hbm>> -> memref<80x32xf32, #tpu.memory_space<hbm>>
      tpu.enqueue_dma source(%dma_start3A_315 : memref<80x32xf32, #tpu.memory_space<hbm>>) target(%dma_start3A_313 : memref<80x32xf32, #tpu.memory_space<vmem_shared>>) target_semaphore(%arg32 : memref<!tpu.dma_semaphore, #tpu.memory_space<semaphore_mem>>)
    } else {
    }
    %add3A_7 = arith.constant 16 : i32
    %add3A_8 = arith.addi %arg1, %add3A_7 : i32
    %lt3A_9 = arith.constant 125 : i32
    %lt3A_10 = arith.cmpi slt, %add3A_8, %lt3A_9 : i32
    %convert_element_type3A_11 = arith.extui %lt3A_10 : i1 to i32
    %cond3A_12 = arith.constant 0 : i32
    %cond3A_13 = arith.cmpi ne, %convert_element_type3A_11, %cond3A_12 : i32
    scf.if %cond3A_13 {
      %mul3A_304 = arith.constant 80 : i32
      %mul3A_305 = arith.muli %add3A_8, %mul3A_304 : i32
      %dma_start3A_306 = arith.constant 0 : i32
      %dma_start3A_307 = tpu.memref_slice %arg6[%mul3A_305, %dma_start3A_306] : memref<10008x32xf32, #tpu.memory_space<vmem_shared>> -> memref<80x32xf32, #tpu.memory_space<vmem_shared>>
      tpu.enqueue_dma source(%arg4 : memref<80x32xf32, #tpu.memory_space<hbm>>) target(%dma_start3A_307 : memref<80x32xf32, #tpu.memory_space<vmem_shared>>) target_semaphore(%arg32 : memref<!tpu.dma_semaphore, #tpu.memory_space<semaphore_mem>>)
      %mul3A_308 = arith.constant 80 : i32
      %mul3A_309 = arith.muli %add3A_8, %mul3A_308 : i32
      %mul3A_310 = arith.constant 80 : i32
      %mul3A_311 = arith.muli %add3A_8, %mul3A_310 : i32
      %dma_start3A_312 = arith.constant 0 : i32
      %dma_start3A_313 = tpu.memref_slice %arg33[%mul3A_311, %dma_start3A_312] : memref<10000x32xf32, #tpu.memory_space<vmem_shared>> -> memref<80x32xf32, #tpu.memory_space<vmem_shared>>
      %dma_start3A_314 = arith.constant 0 : i32
      %dma_start3A_315 = tpu.memref_slice %arg2[%mul3A_309, %dma_start3A_314] : memref<10000x32xf32, #tpu.memory_space<hbm>> -> memref<80x32xf32, #tpu.memory_space<hbm>>
      tpu.enqueue_dma source(%dma_start3A_315 : memref<80x32xf32, #tpu.memory_space<hbm>>) target(%dma_start3A_313 : memref<80x32xf32, #tpu.memory_space<vmem_shared>>) target_semaphore(%arg32 : memref<!tpu.dma_semaphore, #tpu.memory_space<semaphore_mem>>)
    } else {
    }
    %add3A_14 = arith.constant 32 : i32
    %add3A_15 = arith.addi %arg1, %add3A_14 : i32
    %lt3A_16 = arith.constant 125 : i32
    %lt3A_17 = arith.cmpi slt, %add3A_15, %lt3A_16 : i32
    %convert_element_type3A_18 = arith.extui %lt3A_17 : i1 to i32
    %cond3A_19 = arith.constant 0 : i32
    %cond3A_20 = arith.cmpi ne, %convert_element_type3A_18, %cond3A_19 : i32
    scf.if %cond3A_20 {
      %mul3A_304 = arith.constant 80 : i32
      %mul3A_305 = arith.muli %add3A_15, %mul3A_304 : i32
      %dma_start3A_306 = arith.constant 0 : i32
      %dma_start3A_307 = tpu.memref_slice %arg6[%mul3A_305, %dma_start3A_306] : memref<10008x32xf32, #tpu.memory_space<vmem_shared>> -> memref<80x32xf32, #tpu.memory_space<vmem_shared>>
      tpu.enqueue_dma source(%arg4 : memref<80x32xf32, #tpu.memory_space<hbm>>) target(%dma_start3A_307 : memref<80x32xf32, #tpu.memory_space<vmem_shared>>) target_semaphore(%arg32 : memref<!tpu.dma_semaphore, #tpu.memory_space<semaphore_mem>>)
      %mul3A_308 = arith.constant 80 : i32
      %mul3A_309 = arith.muli %add3A_15, %mul3A_308 : i32
      %mul3A_310 = arith.constant 80 : i32
      %mul3A_311 = arith.muli %add3A_15, %mul3A_310 : i32
      %dma_start3A_312 = arith.constant 0 : i32
      %dma_start3A_313 = tpu.memref_slice %arg33[%mul3A_311, %dma_start3A_312] : memref<10000x32xf32, #tpu.memory_space<vmem_shared>> -> memref<80x32xf32, #tpu.memory_space<vmem_shared>>
      %dma_start3A_314 = arith.constant 0 : i32
      %dma_start3A_315 = tpu.memref_slice %arg2[%mul3A_309, %dma_start3A_314] : memref<10000x32xf32, #tpu.memory_space<hbm>> -> memref<80x32xf32, #tpu.memory_space<hbm>>
      tpu.enqueue_dma source(%dma_start3A_315 : memref<80x32xf32, #tpu.memory_space<hbm>>) target(%dma_start3A_313 : memref<80x32xf32, #tpu.memory_space<vmem_shared>>) target_semaphore(%arg32 : memref<!tpu.dma_semaphore, #tpu.memory_space<semaphore_mem>>)
    } else {
    }
    %add3A_21 = arith.constant 48 : i32
    %add3A_22 = arith.addi %arg1, %add3A_21 : i32
    %lt3A_23 = arith.constant 125 : i32
    %lt3A_24 = arith.cmpi slt, %add3A_22, %lt3A_23 : i32
    %convert_element_type3A_25 = arith.extui %lt3A_24 : i1 to i32
    %cond3A_26 = arith.constant 0 : i32
    %cond3A_27 = arith.cmpi ne, %convert_element_type3A_25, %cond3A_26 : i32
    scf.if %cond3A_27 {
      %mul3A_304 = arith.constant 80 : i32
      %mul3A_305 = arith.muli %add3A_22, %mul3A_304 : i32
      %dma_start3A_306 = arith.constant 0 : i32
      %dma_start3A_307 = tpu.memref_slice %arg6[%mul3A_305, %dma_start3A_306] : memref<10008x32xf32, #tpu.memory_space<vmem_shared>> -> memref<80x32xf32, #tpu.memory_space<vmem_shared>>
      tpu.enqueue_dma source(%arg4 : memref<80x32xf32, #tpu.memory_space<hbm>>) target(%dma_start3A_307 : memref<80x32xf32, #tpu.memory_space<vmem_shared>>) target_semaphore(%arg32 : memref<!tpu.dma_semaphore, #tpu.memory_space<semaphore_mem>>)
      %mul3A_308 = arith.constant 80 : i32
      %mul3A_309 = arith.muli %add3A_22, %mul3A_308 : i32
      %mul3A_310 = arith.constant 80 : i32
      %mul3A_311 = arith.muli %add3A_22, %mul3A_310 : i32
      %dma_start3A_312 = arith.constant 0 : i32
      %dma_start3A_313 = tpu.memref_slice %arg33[%mul3A_311, %dma_start3A_312] : memref<10000x32xf32, #tpu.memory_space<vmem_shared>> -> memref<80x32xf32, #tpu.memory_space<vmem_shared>>
      %dma_start3A_314 = arith.constant 0 : i32
      %dma_start3A_315 = tpu.memref_slice %arg2[%mul3A_309, %dma_start3A_314] : memref<10000x32xf32, #tpu.memory_space<hbm>> -> memref<80x32xf32, #tpu.memory_space<hbm>>
      tpu.enqueue_dma source(%dma_start3A_315 : memref<80x32xf32, #tpu.memory_space<hbm>>) target(%dma_start3A_313 : memref<80x32xf32, #tpu.memory_space<vmem_shared>>) target_semaphore(%arg32 : memref<!tpu.dma_semaphore, #tpu.memory_space<semaphore_mem>>)
    } else {
    }
    %add3A_28 = arith.constant 64 : i32
    %add3A_29 = arith.addi %arg1, %add3A_28 : i32
    %lt3A_30 = arith.constant 125 : i32
    %lt3A_31 = arith.cmpi slt, %add3A_29, %lt3A_30 : i32
    %convert_element_type3A_32 = arith.extui %lt3A_31 : i1 to i32
    %cond3A_33 = arith.constant 0 : i32
    %cond3A_34 = arith.cmpi ne, %convert_element_type3A_32, %cond3A_33 : i32
    scf.if %cond3A_34 {
      %mul3A_304 = arith.constant 80 : i32
      %mul3A_305 = arith.muli %add3A_29, %mul3A_304 : i32
      %dma_start3A_306 = arith.constant 0 : i32
      %dma_start3A_307 = tpu.memref_slice %arg6[%mul3A_305, %dma_start3A_306] : memref<10008x32xf32, #tpu.memory_space<vmem_shared>> -> memref<80x32xf32, #tpu.memory_space<vmem_shared>>
      tpu.enqueue_dma source(%arg4 : memref<80x32xf32, #tpu.memory_space<hbm>>) target(%dma_start3A_307 : memref<80x32xf32, #tpu.memory_space<vmem_shared>>) target_semaphore(%arg32 : memref<!tpu.dma_semaphore, #tpu.memory_space<semaphore_mem>>)
      %mul3A_308 = arith.constant 80 : i32
      %mul3A_309 = arith.muli %add3A_29, %mul3A_308 : i32
      %mul3A_310 = arith.constant 80 : i32
      %mul3A_311 = arith.muli %add3A_29, %mul3A_310 : i32
      %dma_start3A_312 = arith.constant 0 : i32
      %dma_start3A_313 = tpu.memref_slice %arg33[%mul3A_311, %dma_start3A_312] : memref<10000x32xf32, #tpu.memory_space<vmem_shared>> -> memref<80x32xf32, #tpu.memory_space<vmem_shared>>
      %dma_start3A_314 = arith.constant 0 : i32
      %dma_start3A_315 = tpu.memref_slice %arg2[%mul3A_309, %dma_start3A_314] : memref<10000x32xf32, #tpu.memory_space<hbm>> -> memref<80x32xf32, #tpu.memory_space<hbm>>
      tpu.enqueue_dma source(%dma_start3A_315 : memref<80x32xf32, #tpu.memory_space<hbm>>) target(%dma_start3A_313 : memref<80x32xf32, #tpu.memory_space<vmem_shared>>) target_semaphore(%arg32 : memref<!tpu.dma_semaphore, #tpu.memory_space<semaphore_mem>>)
    } else {
    }
    %add3A_35 = arith.constant 80 : i32
    %add3A_36 = arith.addi %arg1, %add3A_35 : i32
    %lt3A_37 = arith.constant 125 : i32
    %lt3A_38 = arith.cmpi slt, %add3A_36, %lt3A_37 : i32
    %convert_element_type3A_39 = arith.extui %lt3A_38 : i1 to i32
    %cond3A_40 = arith.constant 0 : i32
    %cond3A_41 = arith.cmpi ne, %convert_element_type3A_39, %cond3A_40 : i32
    scf.if %cond3A_41 {
      %mul3A_304 = arith.constant 80 : i32
      %mul3A_305 = arith.muli %add3A_36, %mul3A_304 : i32
      %dma_start3A_306 = arith.constant 0 : i32
      %dma_start3A_307 = tpu.memref_slice %arg6[%mul3A_305, %dma_start3A_306] : memref<10008x32xf32, #tpu.memory_space<vmem_shared>> -> memref<80x32xf32, #tpu.memory_space<vmem_shared>>
      tpu.enqueue_dma source(%arg4 : memref<80x32xf32, #tpu.memory_space<hbm>>) target(%dma_start3A_307 : memref<80x32xf32, #tpu.memory_space<vmem_shared>>) target_semaphore(%arg32 : memref<!tpu.dma_semaphore, #tpu.memory_space<semaphore_mem>>)
      %mul3A_308 = arith.constant 80 : i32
      %mul3A_309 = arith.muli %add3A_36, %mul3A_308 : i32
      %mul3A_310 = arith.constant 80 : i32
      %mul3A_311 = arith.muli %add3A_36, %mul3A_310 : i32
      %dma_start3A_312 = arith.constant 0 : i32
      %dma_start3A_313 = tpu.memref_slice %arg33[%mul3A_311, %dma_start3A_312] : memref<10000x32xf32, #tpu.memory_space<vmem_shared>> -> memref<80x32xf32, #tpu.memory_space<vmem_shared>>
      %dma_start3A_314 = arith.constant 0 : i32
      %dma_start3A_315 = tpu.memref_slice %arg2[%mul3A_309, %dma_start3A_314] : memref<10000x32xf32, #tpu.memory_space<hbm>> -> memref<80x32xf32, #tpu.memory_space<hbm>>
      tpu.enqueue_dma source(%dma_start3A_315 : memref<80x32xf32, #tpu.memory_space<hbm>>) target(%dma_start3A_313 : memref<80x32xf32, #tpu.memory_space<vmem_shared>>) target_semaphore(%arg32 : memref<!tpu.dma_semaphore, #tpu.memory_space<semaphore_mem>>)
    } else {
    }
    %add3A_42 = arith.constant 96 : i32
    %add3A_43 = arith.addi %arg1, %add3A_42 : i32
    %lt3A_44 = arith.constant 125 : i32
    %lt3A_45 = arith.cmpi slt, %add3A_43, %lt3A_44 : i32
    %convert_element_type3A_46 = arith.extui %lt3A_45 : i1 to i32
    %cond3A_47 = arith.constant 0 : i32
    %cond3A_48 = arith.cmpi ne, %convert_element_type3A_46, %cond3A_47 : i32
    scf.if %cond3A_48 {
      %mul3A_304 = arith.constant 80 : i32
      %mul3A_305 = arith.muli %add3A_43, %mul3A_304 : i32
      %dma_start3A_306 = arith.constant 0 : i32
      %dma_start3A_307 = tpu.memref_slice %arg6[%mul3A_305, %dma_start3A_306] : memref<10008x32xf32, #tpu.memory_space<vmem_shared>> -> memref<80x32xf32, #tpu.memory_space<vmem_shared>>
      tpu.enqueue_dma source(%arg4 : memref<80x32xf32, #tpu.memory_space<hbm>>) target(%dma_start3A_307 : memref<80x32xf32, #tpu.memory_space<vmem_shared>>) target_semaphore(%arg32 : memref<!tpu.dma_semaphore, #tpu.memory_space<semaphore_mem>>)
      %mul3A_308 = arith.constant 80 : i32
      %mul3A_309 = arith.muli %add3A_43, %mul3A_308 : i32
      %mul3A_310 = arith.constant 80 : i32
      %mul3A_311 = arith.muli %add3A_43, %mul3A_310 : i32
      %dma_start3A_312 = arith.constant 0 : i32
      %dma_start3A_313 = tpu.memref_slice %arg33[%mul3A_311, %dma_start3A_312] : memref<10000x32xf32, #tpu.memory_space<vmem_shared>> -> memref<80x32xf32, #tpu.memory_space<vmem_shared>>
      %dma_start3A_314 = arith.constant 0 : i32
      %dma_start3A_315 = tpu.memref_slice %arg2[%mul3A_309, %dma_start3A_314] : memref<10000x32xf32, #tpu.memory_space<hbm>> -> memref<80x32xf32, #tpu.memory_space<hbm>>
      tpu.enqueue_dma source(%dma_start3A_315 : memref<80x32xf32, #tpu.memory_space<hbm>>) target(%dma_start3A_313 : memref<80x32xf32, #tpu.memory_space<vmem_shared>>) target_semaphore(%arg32 : memref<!tpu.dma_semaphore, #tpu.memory_space<semaphore_mem>>)
    } else {
    }
    %add3A_49 = arith.constant 112 : i32
    %add3A_50 = arith.addi %arg1, %add3A_49 : i32
    %lt3A_51 = arith.constant 125 : i32
    %lt3A_52 = arith.cmpi slt, %add3A_50, %lt3A_51 : i32
    %convert_element_type3A_53 = arith.extui %lt3A_52 : i1 to i32
    %cond3A_54 = arith.constant 0 : i32
    %cond3A_55 = arith.cmpi ne, %convert_element_type3A_53, %cond3A_54 : i32
    scf.if %cond3A_55 {
      %mul3A_304 = arith.constant 80 : i32
      %mul3A_305 = arith.muli %add3A_50, %mul3A_304 : i32
      %dma_start3A_306 = arith.constant 0 : i32
      %dma_start3A_307 = tpu.memref_slice %arg6[%mul3A_305, %dma_start3A_306] : memref<10008x32xf32, #tpu.memory_space<vmem_shared>> -> memref<80x32xf32, #tpu.memory_space<vmem_shared>>
      tpu.enqueue_dma source(%arg4 : memref<80x32xf32, #tpu.memory_space<hbm>>) target(%dma_start3A_307 : memref<80x32xf32, #tpu.memory_space<vmem_shared>>) target_semaphore(%arg32 : memref<!tpu.dma_semaphore, #tpu.memory_space<semaphore_mem>>)
      %mul3A_308 = arith.constant 80 : i32
      %mul3A_309 = arith.muli %add3A_50, %mul3A_308 : i32
      %mul3A_310 = arith.constant 80 : i32
      %mul3A_311 = arith.muli %add3A_50, %mul3A_310 : i32
      %dma_start3A_312 = arith.constant 0 : i32
      %dma_start3A_313 = tpu.memref_slice %arg33[%mul3A_311, %dma_start3A_312] : memref<10000x32xf32, #tpu.memory_space<vmem_shared>> -> memref<80x32xf32, #tpu.memory_space<vmem_shared>>
      %dma_start3A_314 = arith.constant 0 : i32
      %dma_start3A_315 = tpu.memref_slice %arg2[%mul3A_309, %dma_start3A_314] : memref<10000x32xf32, #tpu.memory_space<hbm>> -> memref<80x32xf32, #tpu.memory_space<hbm>>
      tpu.enqueue_dma source(%dma_start3A_315 : memref<80x32xf32, #tpu.memory_space<hbm>>) target(%dma_start3A_313 : memref<80x32xf32, #tpu.memory_space<vmem_shared>>) target_semaphore(%arg32 : memref<!tpu.dma_semaphore, #tpu.memory_space<semaphore_mem>>)
    } else {
    }
    %add3A_56 = arith.constant 0 : i32
    %add3A_57 = arith.addi %mul3A_2, %add3A_56 : i32
    %dma_start3A = arith.constant 0 : i32
    %dma_start3A_58 = arith.constant 0 : i32
    %dma_start3A_59 = tpu.memref_slice %arg3[%dma_start3A, %add3A_57, %dma_start3A_58] : memref<2x4000x80xi32, #tpu.memory_space<hbm>> -> memref<2x1x80xi32, #tpu.memory_space<hbm>>
    %dma_start3A_60 = tpu.memref_squeeze %dma_start3A_59 : memref<2x1x80xi32, #tpu.memory_space<hbm>> -> memref<2x80xi32, #tpu.memory_space<hbm>>
    %dma_start3A_61 = arith.constant 0 : i32
    %dma_start3A_62 = arith.constant 0 : i32
    %dma_start3A_63 = tpu.memref_slice %arg3[%dma_start3A_61, %add3A_57, %dma_start3A_62] : memref<2x4000x80xi32, #tpu.memory_space<hbm>> -> memref<2x1x80xi32, #tpu.memory_space<hbm>>
    %dma_start3A_64 = tpu.memref_squeeze %dma_start3A_63 : memref<2x1x80xi32, #tpu.memory_space<hbm>> -> memref<2x80xi32, #tpu.memory_space<hbm>>
    tpu.enqueue_dma source(%dma_start3A_64 : memref<2x80xi32, #tpu.memory_space<hbm>>) target(%arg7 : memref<2x80xi32, #tpu.memory_space<vmem>>) target_semaphore(%arg17 : memref<!tpu.dma_semaphore, #tpu.memory_space<semaphore_mem>>)
    %add3A_65 = arith.constant 1 : i32
    %add3A_66 = arith.addi %mul3A_2, %add3A_65 : i32
    %dma_start3A_67 = arith.constant 0 : i32
    %dma_start3A_68 = arith.constant 0 : i32
    %dma_start3A_69 = tpu.memref_slice %arg3[%dma_start3A_67, %add3A_66, %dma_start3A_68] : memref<2x4000x80xi32, #tpu.memory_space<hbm>> -> memref<2x1x80xi32, #tpu.memory_space<hbm>>
    %dma_start3A_70 = tpu.memref_squeeze %dma_start3A_69 : memref<2x1x80xi32, #tpu.memory_space<hbm>> -> memref<2x80xi32, #tpu.memory_space<hbm>>
    %dma_start3A_71 = arith.constant 0 : i32
    %dma_start3A_72 = arith.constant 0 : i32
    %dma_start3A_73 = tpu.memref_slice %arg3[%dma_start3A_71, %add3A_66, %dma_start3A_72] : memref<2x4000x80xi32, #tpu.memory_space<hbm>> -> memref<2x1x80xi32, #tpu.memory_space<hbm>>
    %dma_start3A_74 = tpu.memref_squeeze %dma_start3A_73 : memref<2x1x80xi32, #tpu.memory_space<hbm>> -> memref<2x80xi32, #tpu.memory_space<hbm>>
    tpu.enqueue_dma source(%dma_start3A_74 : memref<2x80xi32, #tpu.memory_space<hbm>>) target(%arg8 : memref<2x80xi32, #tpu.memory_space<vmem>>) target_semaphore(%arg18 : memref<!tpu.dma_semaphore, #tpu.memory_space<semaphore_mem>>)
    %add3A_75 = arith.constant 2 : i32
    %add3A_76 = arith.addi %mul3A_2, %add3A_75 : i32
    %dma_start3A_77 = arith.constant 0 : i32
    %dma_start3A_78 = arith.constant 0 : i32
    %dma_start3A_79 = tpu.memref_slice %arg3[%dma_start3A_77, %add3A_76, %dma_start3A_78] : memref<2x4000x80xi32, #tpu.memory_space<hbm>> -> memref<2x1x80xi32, #tpu.memory_space<hbm>>
    %dma_start3A_80 = tpu.memref_squeeze %dma_start3A_79 : memref<2x1x80xi32, #tpu.memory_space<hbm>> -> memref<2x80xi32, #tpu.memory_space<hbm>>
    %dma_start3A_81 = arith.constant 0 : i32
    %dma_start3A_82 = arith.constant 0 : i32
    %dma_start3A_83 = tpu.memref_slice %arg3[%dma_start3A_81, %add3A_76, %dma_start3A_82] : memref<2x4000x80xi32, #tpu.memory_space<hbm>> -> memref<2x1x80xi32, #tpu.memory_space<hbm>>
    %dma_start3A_84 = tpu.memref_squeeze %dma_start3A_83 : memref<2x1x80xi32, #tpu.memory_space<hbm>> -> memref<2x80xi32, #tpu.memory_space<hbm>>
    tpu.enqueue_dma source(%dma_start3A_84 : memref<2x80xi32, #tpu.memory_space<hbm>>) target(%arg9 : memref<2x80xi32, #tpu.memory_space<vmem>>) target_semaphore(%arg19 : memref<!tpu.dma_semaphore, #tpu.memory_space<semaphore_mem>>)
    %add3A_85 = arith.constant 0 : i32
    %add3A_86 = arith.addi %arg1, %add3A_85 : i32
    %lt3A_87 = arith.constant 125 : i32
    %lt3A_88 = arith.cmpi slt, %add3A_86, %lt3A_87 : i32
    %convert_element_type3A_89 = arith.extui %lt3A_88 : i1 to i32
    %cond3A_90 = arith.constant 0 : i32
    %cond3A_91 = arith.cmpi ne, %convert_element_type3A_89, %cond3A_90 : i32
    scf.if %cond3A_91 {
      %mul3A_304 = arith.constant 80 : i32
      %mul3A_305 = arith.muli %add3A_86, %mul3A_304 : i32
      %dma_wait3A_306 = arith.constant 0 : i32
      %dma_wait3A_307 = tpu.memref_slice %arg6[%mul3A_305, %dma_wait3A_306] : memref<10008x32xf32, #tpu.memory_space<vmem_shared>> -> memref<80x32xf32, #tpu.memory_space<vmem_shared>>
      tpu.wait_dma2 semaphore(%arg32 : memref<!tpu.dma_semaphore, #tpu.memory_space<semaphore_mem>>) src(%arg4 : memref<80x32xf32, #tpu.memory_space<hbm>>) dst(%dma_wait3A_307 : memref<80x32xf32, #tpu.memory_space<vmem_shared>>)
      %mul3A_308 = arith.constant 80 : i32
      %mul3A_309 = arith.muli %add3A_86, %mul3A_308 : i32
      %mul3A_310 = arith.constant 80 : i32
      %mul3A_311 = arith.muli %add3A_86, %mul3A_310 : i32
      %dma_wait3A_312 = arith.constant 0 : i32
      %dma_wait3A_313 = tpu.memref_slice %arg33[%mul3A_311, %dma_wait3A_312] : memref<10000x32xf32, #tpu.memory_space<vmem_shared>> -> memref<80x32xf32, #tpu.memory_space<vmem_shared>>
      %dma_wait3A_314 = arith.constant 0 : i32
      %dma_wait3A_315 = tpu.memref_slice %arg2[%mul3A_309, %dma_wait3A_314] : memref<10000x32xf32, #tpu.memory_space<hbm>> -> memref<80x32xf32, #tpu.memory_space<hbm>>
      tpu.wait_dma2 semaphore(%arg32 : memref<!tpu.dma_semaphore, #tpu.memory_space<semaphore_mem>>) src(%dma_wait3A_315 : memref<80x32xf32, #tpu.memory_space<hbm>>) dst(%dma_wait3A_313 : memref<80x32xf32, #tpu.memory_space<vmem_shared>>)
    } else {
    }
    %add3A_92 = arith.constant 16 : i32
    %add3A_93 = arith.addi %arg1, %add3A_92 : i32
    %lt3A_94 = arith.constant 125 : i32
    %lt3A_95 = arith.cmpi slt, %add3A_93, %lt3A_94 : i32
    %convert_element_type3A_96 = arith.extui %lt3A_95 : i1 to i32
    %cond3A_97 = arith.constant 0 : i32
    %cond3A_98 = arith.cmpi ne, %convert_element_type3A_96, %cond3A_97 : i32
    scf.if %cond3A_98 {
      %mul3A_304 = arith.constant 80 : i32
      %mul3A_305 = arith.muli %add3A_93, %mul3A_304 : i32
      %dma_wait3A_306 = arith.constant 0 : i32
      %dma_wait3A_307 = tpu.memref_slice %arg6[%mul3A_305, %dma_wait3A_306] : memref<10008x32xf32, #tpu.memory_space<vmem_shared>> -> memref<80x32xf32, #tpu.memory_space<vmem_shared>>
      tpu.wait_dma2 semaphore(%arg32 : memref<!tpu.dma_semaphore, #tpu.memory_space<semaphore_mem>>) src(%arg4 : memref<80x32xf32, #tpu.memory_space<hbm>>) dst(%dma_wait3A_307 : memref<80x32xf32, #tpu.memory_space<vmem_shared>>)
      %mul3A_308 = arith.constant 80 : i32
      %mul3A_309 = arith.muli %add3A_93, %mul3A_308 : i32
      %mul3A_310 = arith.constant 80 : i32
      %mul3A_311 = arith.muli %add3A_93, %mul3A_310 : i32
      %dma_wait3A_312 = arith.constant 0 : i32
      %dma_wait3A_313 = tpu.memref_slice %arg33[%mul3A_311, %dma_wait3A_312] : memref<10000x32xf32, #tpu.memory_space<vmem_shared>> -> memref<80x32xf32, #tpu.memory_space<vmem_shared>>
      %dma_wait3A_314 = arith.constant 0 : i32
      %dma_wait3A_315 = tpu.memref_slice %arg2[%mul3A_309, %dma_wait3A_314] : memref<10000x32xf32, #tpu.memory_space<hbm>> -> memref<80x32xf32, #tpu.memory_space<hbm>>
      tpu.wait_dma2 semaphore(%arg32 : memref<!tpu.dma_semaphore, #tpu.memory_space<semaphore_mem>>) src(%dma_wait3A_315 : memref<80x32xf32, #tpu.memory_space<hbm>>) dst(%dma_wait3A_313 : memref<80x32xf32, #tpu.memory_space<vmem_shared>>)
    } else {
    }
    %add3A_99 = arith.constant 32 : i32
    %add3A_100 = arith.addi %arg1, %add3A_99 : i32
    %lt3A_101 = arith.constant 125 : i32
    %lt3A_102 = arith.cmpi slt, %add3A_100, %lt3A_101 : i32
    %convert_element_type3A_103 = arith.extui %lt3A_102 : i1 to i32
    %cond3A_104 = arith.constant 0 : i32
    %cond3A_105 = arith.cmpi ne, %convert_element_type3A_103, %cond3A_104 : i32
    scf.if %cond3A_105 {
      %mul3A_304 = arith.constant 80 : i32
      %mul3A_305 = arith.muli %add3A_100, %mul3A_304 : i32
      %dma_wait3A_306 = arith.constant 0 : i32
      %dma_wait3A_307 = tpu.memref_slice %arg6[%mul3A_305, %dma_wait3A_306] : memref<10008x32xf32, #tpu.memory_space<vmem_shared>> -> memref<80x32xf32, #tpu.memory_space<vmem_shared>>
      tpu.wait_dma2 semaphore(%arg32 : memref<!tpu.dma_semaphore, #tpu.memory_space<semaphore_mem>>) src(%arg4 : memref<80x32xf32, #tpu.memory_space<hbm>>) dst(%dma_wait3A_307 : memref<80x32xf32, #tpu.memory_space<vmem_shared>>)
      %mul3A_308 = arith.constant 80 : i32
      %mul3A_309 = arith.muli %add3A_100, %mul3A_308 : i32
      %mul3A_310 = arith.constant 80 : i32
      %mul3A_311 = arith.muli %add3A_100, %mul3A_310 : i32
      %dma_wait3A_312 = arith.constant 0 : i32
      %dma_wait3A_313 = tpu.memref_slice %arg33[%mul3A_311, %dma_wait3A_312] : memref<10000x32xf32, #tpu.memory_space<vmem_shared>> -> memref<80x32xf32, #tpu.memory_space<vmem_shared>>
      %dma_wait3A_314 = arith.constant 0 : i32
      %dma_wait3A_315 = tpu.memref_slice %arg2[%mul3A_309, %dma_wait3A_314] : memref<10000x32xf32, #tpu.memory_space<hbm>> -> memref<80x32xf32, #tpu.memory_space<hbm>>
      tpu.wait_dma2 semaphore(%arg32 : memref<!tpu.dma_semaphore, #tpu.memory_space<semaphore_mem>>) src(%dma_wait3A_315 : memref<80x32xf32, #tpu.memory_space<hbm>>) dst(%dma_wait3A_313 : memref<80x32xf32, #tpu.memory_space<vmem_shared>>)
    } else {
    }
    %add3A_106 = arith.constant 48 : i32
    %add3A_107 = arith.addi %arg1, %add3A_106 : i32
    %lt3A_108 = arith.constant 125 : i32
    %lt3A_109 = arith.cmpi slt, %add3A_107, %lt3A_108 : i32
    %convert_element_type3A_110 = arith.extui %lt3A_109 : i1 to i32
    %cond3A_111 = arith.constant 0 : i32
    %cond3A_112 = arith.cmpi ne, %convert_element_type3A_110, %cond3A_111 : i32
    scf.if %cond3A_112 {
      %mul3A_304 = arith.constant 80 : i32
      %mul3A_305 = arith.muli %add3A_107, %mul3A_304 : i32
      %dma_wait3A_306 = arith.constant 0 : i32
      %dma_wait3A_307 = tpu.memref_slice %arg6[%mul3A_305, %dma_wait3A_306] : memref<10008x32xf32, #tpu.memory_space<vmem_shared>> -> memref<80x32xf32, #tpu.memory_space<vmem_shared>>
      tpu.wait_dma2 semaphore(%arg32 : memref<!tpu.dma_semaphore, #tpu.memory_space<semaphore_mem>>) src(%arg4 : memref<80x32xf32, #tpu.memory_space<hbm>>) dst(%dma_wait3A_307 : memref<80x32xf32, #tpu.memory_space<vmem_shared>>)
      %mul3A_308 = arith.constant 80 : i32
      %mul3A_309 = arith.muli %add3A_107, %mul3A_308 : i32
      %mul3A_310 = arith.constant 80 : i32
      %mul3A_311 = arith.muli %add3A_107, %mul3A_310 : i32
      %dma_wait3A_312 = arith.constant 0 : i32
      %dma_wait3A_313 = tpu.memref_slice %arg33[%mul3A_311, %dma_wait3A_312] : memref<10000x32xf32, #tpu.memory_space<vmem_shared>> -> memref<80x32xf32, #tpu.memory_space<vmem_shared>>
      %dma_wait3A_314 = arith.constant 0 : i32
      %dma_wait3A_315 = tpu.memref_slice %arg2[%mul3A_309, %dma_wait3A_314] : memref<10000x32xf32, #tpu.memory_space<hbm>> -> memref<80x32xf32, #tpu.memory_space<hbm>>
      tpu.wait_dma2 semaphore(%arg32 : memref<!tpu.dma_semaphore, #tpu.memory_space<semaphore_mem>>) src(%dma_wait3A_315 : memref<80x32xf32, #tpu.memory_space<hbm>>) dst(%dma_wait3A_313 : memref<80x32xf32, #tpu.memory_space<vmem_shared>>)
    } else {
    }
    %add3A_113 = arith.constant 64 : i32
    %add3A_114 = arith.addi %arg1, %add3A_113 : i32
    %lt3A_115 = arith.constant 125 : i32
    %lt3A_116 = arith.cmpi slt, %add3A_114, %lt3A_115 : i32
    %convert_element_type3A_117 = arith.extui %lt3A_116 : i1 to i32
    %cond3A_118 = arith.constant 0 : i32
    %cond3A_119 = arith.cmpi ne, %convert_element_type3A_117, %cond3A_118 : i32
    scf.if %cond3A_119 {
      %mul3A_304 = arith.constant 80 : i32
      %mul3A_305 = arith.muli %add3A_114, %mul3A_304 : i32
      %dma_wait3A_306 = arith.constant 0 : i32
      %dma_wait3A_307 = tpu.memref_slice %arg6[%mul3A_305, %dma_wait3A_306] : memref<10008x32xf32, #tpu.memory_space<vmem_shared>> -> memref<80x32xf32, #tpu.memory_space<vmem_shared>>
      tpu.wait_dma2 semaphore(%arg32 : memref<!tpu.dma_semaphore, #tpu.memory_space<semaphore_mem>>) src(%arg4 : memref<80x32xf32, #tpu.memory_space<hbm>>) dst(%dma_wait3A_307 : memref<80x32xf32, #tpu.memory_space<vmem_shared>>)
      %mul3A_308 = arith.constant 80 : i32
      %mul3A_309 = arith.muli %add3A_114, %mul3A_308 : i32
      %mul3A_310 = arith.constant 80 : i32
      %mul3A_311 = arith.muli %add3A_114, %mul3A_310 : i32
      %dma_wait3A_312 = arith.constant 0 : i32
      %dma_wait3A_313 = tpu.memref_slice %arg33[%mul3A_311, %dma_wait3A_312] : memref<10000x32xf32, #tpu.memory_space<vmem_shared>> -> memref<80x32xf32, #tpu.memory_space<vmem_shared>>
      %dma_wait3A_314 = arith.constant 0 : i32
      %dma_wait3A_315 = tpu.memref_slice %arg2[%mul3A_309, %dma_wait3A_314] : memref<10000x32xf32, #tpu.memory_space<hbm>> -> memref<80x32xf32, #tpu.memory_space<hbm>>
      tpu.wait_dma2 semaphore(%arg32 : memref<!tpu.dma_semaphore, #tpu.memory_space<semaphore_mem>>) src(%dma_wait3A_315 : memref<80x32xf32, #tpu.memory_space<hbm>>) dst(%dma_wait3A_313 : memref<80x32xf32, #tpu.memory_space<vmem_shared>>)
    } else {
    }
    %add3A_120 = arith.constant 80 : i32
    %add3A_121 = arith.addi %arg1, %add3A_120 : i32
    %lt3A_122 = arith.constant 125 : i32
    %lt3A_123 = arith.cmpi slt, %add3A_121, %lt3A_122 : i32
    %convert_element_type3A_124 = arith.extui %lt3A_123 : i1 to i32
    %cond3A_125 = arith.constant 0 : i32
    %cond3A_126 = arith.cmpi ne, %convert_element_type3A_124, %cond3A_125 : i32
    scf.if %cond3A_126 {
      %mul3A_304 = arith.constant 80 : i32
      %mul3A_305 = arith.muli %add3A_121, %mul3A_304 : i32
      %dma_wait3A_306 = arith.constant 0 : i32
      %dma_wait3A_307 = tpu.memref_slice %arg6[%mul3A_305, %dma_wait3A_306] : memref<10008x32xf32, #tpu.memory_space<vmem_shared>> -> memref<80x32xf32, #tpu.memory_space<vmem_shared>>
      tpu.wait_dma2 semaphore(%arg32 : memref<!tpu.dma_semaphore, #tpu.memory_space<semaphore_mem>>) src(%arg4 : memref<80x32xf32, #tpu.memory_space<hbm>>) dst(%dma_wait3A_307 : memref<80x32xf32, #tpu.memory_space<vmem_shared>>)
      %mul3A_308 = arith.constant 80 : i32
      %mul3A_309 = arith.muli %add3A_121, %mul3A_308 : i32
      %mul3A_310 = arith.constant 80 : i32
      %mul3A_311 = arith.muli %add3A_121, %mul3A_310 : i32
      %dma_wait3A_312 = arith.constant 0 : i32
      %dma_wait3A_313 = tpu.memref_slice %arg33[%mul3A_311, %dma_wait3A_312] : memref<10000x32xf32, #tpu.memory_space<vmem_shared>> -> memref<80x32xf32, #tpu.memory_space<vmem_shared>>
      %dma_wait3A_314 = arith.constant 0 : i32
      %dma_wait3A_315 = tpu.memref_slice %arg2[%mul3A_309, %dma_wait3A_314] : memref<10000x32xf32, #tpu.memory_space<hbm>> -> memref<80x32xf32, #tpu.memory_space<hbm>>
      tpu.wait_dma2 semaphore(%arg32 : memref<!tpu.dma_semaphore, #tpu.memory_space<semaphore_mem>>) src(%dma_wait3A_315 : memref<80x32xf32, #tpu.memory_space<hbm>>) dst(%dma_wait3A_313 : memref<80x32xf32, #tpu.memory_space<vmem_shared>>)
    } else {
    }
    %add3A_127 = arith.constant 96 : i32
    %add3A_128 = arith.addi %arg1, %add3A_127 : i32
    %lt3A_129 = arith.constant 125 : i32
    %lt3A_130 = arith.cmpi slt, %add3A_128, %lt3A_129 : i32
    %convert_element_type3A_131 = arith.extui %lt3A_130 : i1 to i32
    %cond3A_132 = arith.constant 0 : i32
    %cond3A_133 = arith.cmpi ne, %convert_element_type3A_131, %cond3A_132 : i32
    scf.if %cond3A_133 {
      %mul3A_304 = arith.constant 80 : i32
      %mul3A_305 = arith.muli %add3A_128, %mul3A_304 : i32
      %dma_wait3A_306 = arith.constant 0 : i32
      %dma_wait3A_307 = tpu.memref_slice %arg6[%mul3A_305, %dma_wait3A_306] : memref<10008x32xf32, #tpu.memory_space<vmem_shared>> -> memref<80x32xf32, #tpu.memory_space<vmem_shared>>
      tpu.wait_dma2 semaphore(%arg32 : memref<!tpu.dma_semaphore, #tpu.memory_space<semaphore_mem>>) src(%arg4 : memref<80x32xf32, #tpu.memory_space<hbm>>) dst(%dma_wait3A_307 : memref<80x32xf32, #tpu.memory_space<vmem_shared>>)
      %mul3A_308 = arith.constant 80 : i32
      %mul3A_309 = arith.muli %add3A_128, %mul3A_308 : i32
      %mul3A_310 = arith.constant 80 : i32
      %mul3A_311 = arith.muli %add3A_128, %mul3A_310 : i32
      %dma_wait3A_312 = arith.constant 0 : i32
      %dma_wait3A_313 = tpu.memref_slice %arg33[%mul3A_311, %dma_wait3A_312] : memref<10000x32xf32, #tpu.memory_space<vmem_shared>> -> memref<80x32xf32, #tpu.memory_space<vmem_shared>>
      %dma_wait3A_314 = arith.constant 0 : i32
      %dma_wait3A_315 = tpu.memref_slice %arg2[%mul3A_309, %dma_wait3A_314] : memref<10000x32xf32, #tpu.memory_space<hbm>> -> memref<80x32xf32, #tpu.memory_space<hbm>>
      tpu.wait_dma2 semaphore(%arg32 : memref<!tpu.dma_semaphore, #tpu.memory_space<semaphore_mem>>) src(%dma_wait3A_315 : memref<80x32xf32, #tpu.memory_space<hbm>>) dst(%dma_wait3A_313 : memref<80x32xf32, #tpu.memory_space<vmem_shared>>)
    } else {
    }
    %add3A_134 = arith.constant 112 : i32
    %add3A_135 = arith.addi %arg1, %add3A_134 : i32
    %lt3A_136 = arith.constant 125 : i32
    %lt3A_137 = arith.cmpi slt, %add3A_135, %lt3A_136 : i32
    %convert_element_type3A_138 = arith.extui %lt3A_137 : i1 to i32
    %cond3A_139 = arith.constant 0 : i32
    %cond3A_140 = arith.cmpi ne, %convert_element_type3A_138, %cond3A_139 : i32
    scf.if %cond3A_140 {
      %mul3A_304 = arith.constant 80 : i32
      %mul3A_305 = arith.muli %add3A_135, %mul3A_304 : i32
      %dma_wait3A_306 = arith.constant 0 : i32
      %dma_wait3A_307 = tpu.memref_slice %arg6[%mul3A_305, %dma_wait3A_306] : memref<10008x32xf32, #tpu.memory_space<vmem_shared>> -> memref<80x32xf32, #tpu.memory_space<vmem_shared>>
      tpu.wait_dma2 semaphore(%arg32 : memref<!tpu.dma_semaphore, #tpu.memory_space<semaphore_mem>>) src(%arg4 : memref<80x32xf32, #tpu.memory_space<hbm>>) dst(%dma_wait3A_307 : memref<80x32xf32, #tpu.memory_space<vmem_shared>>)
      %mul3A_308 = arith.constant 80 : i32
      %mul3A_309 = arith.muli %add3A_135, %mul3A_308 : i32
      %mul3A_310 = arith.constant 80 : i32
      %mul3A_311 = arith.muli %add3A_135, %mul3A_310 : i32
      %dma_wait3A_312 = arith.constant 0 : i32
      %dma_wait3A_313 = tpu.memref_slice %arg33[%mul3A_311, %dma_wait3A_312] : memref<10000x32xf32, #tpu.memory_space<vmem_shared>> -> memref<80x32xf32, #tpu.memory_space<vmem_shared>>
      %dma_wait3A_314 = arith.constant 0 : i32
      %dma_wait3A_315 = tpu.memref_slice %arg2[%mul3A_309, %dma_wait3A_314] : memref<10000x32xf32, #tpu.memory_space<hbm>> -> memref<80x32xf32, #tpu.memory_space<hbm>>
      tpu.wait_dma2 semaphore(%arg32 : memref<!tpu.dma_semaphore, #tpu.memory_space<semaphore_mem>>) src(%dma_wait3A_315 : memref<80x32xf32, #tpu.memory_space<hbm>>) dst(%dma_wait3A_313 : memref<80x32xf32, #tpu.memory_space<vmem_shared>>)
    } else {
    }
    %barrier3A = arith.constant 0 : index
    tpu.barrier barrier_id(%barrier3A)
    %dma_wait3A = arith.constant 0 : i32
    %dma_wait3A_141 = arith.constant 0 : i32
    %dma_wait3A_142 = arith.constant 0 : i32
    %dma_wait3A_143 = tpu.memref_slice %arg3[%dma_wait3A_141, %dma_wait3A, %dma_wait3A_142] : memref<2x4000x80xi32, #tpu.memory_space<hbm>> -> memref<2x1x80xi32, #tpu.memory_space<hbm>>
    %dma_wait3A_144 = tpu.memref_squeeze %dma_wait3A_143 : memref<2x1x80xi32, #tpu.memory_space<hbm>> -> memref<2x80xi32, #tpu.memory_space<hbm>>
    %dma_wait3A_145 = arith.constant 0 : i32
    %dma_wait3A_146 = arith.constant 0 : i32
    %dma_wait3A_147 = tpu.memref_slice %arg3[%dma_wait3A_145, %dma_wait3A, %dma_wait3A_146] : memref<2x4000x80xi32, #tpu.memory_space<hbm>> -> memref<2x1x80xi32, #tpu.memory_space<hbm>>
    %dma_wait3A_148 = tpu.memref_squeeze %dma_wait3A_147 : memref<2x1x80xi32, #tpu.memory_space<hbm>> -> memref<2x80xi32, #tpu.memory_space<hbm>>
    tpu.wait_dma2 semaphore(%arg17 : memref<!tpu.dma_semaphore, #tpu.memory_space<semaphore_mem>>) src(%dma_wait3A_148 : memref<2x80xi32, #tpu.memory_space<hbm>>) dst(%arg7 : memref<2x80xi32, #tpu.memory_space<vmem>>)
    %dma_start3A_149 = arith.constant 0 : i32
    %dma_start3A_150 = arith.constant 0 : i32
    %dma_start3A_151 = tpu.memref_slice %arg7[%dma_start3A_149, %dma_start3A_150] : memref<2x80xi32, #tpu.memory_space<vmem>> -> memref<1x80xi32, #tpu.memory_space<vmem>>
    %dma_start3A_152 = tpu.memref_squeeze %dma_start3A_151 : memref<1x80xi32, #tpu.memory_space<vmem>> -> memref<80xi32, #tpu.memory_space<vmem>>
    %dma_start3A_153 = arith.constant 0 : i32
    %dma_start3A_154 = arith.constant 0 : i32
    %dma_start3A_155 = tpu.memref_slice %arg33[%dma_start3A_153, %dma_start3A_154] : memref<10000x32xf32, #tpu.memory_space<vmem_shared>> -> memref<10000x32xf32, #tpu.memory_space<vmem_shared>>
    tpu.enqueue_indirect_dma source(%dma_start3A_155 : memref<10000x32xf32, #tpu.memory_space<vmem_shared>>) target(%arg12 : memref<80x32xf32, #tpu.memory_space<vmem>>) offsets(%dma_start3A_152 : memref<80xi32, #tpu.memory_space<vmem>>) semaphore(%arg22 : memref<!tpu.dma_semaphore, #tpu.memory_space<semaphore_mem>>)
    %dma_wait3A_156 = arith.constant 0 : i32
    %dma_wait3A_157 = arith.constant 0 : i32
    %dma_wait3A_158 = arith.constant 0 : i32
    %dma_wait3A_159 = tpu.memref_slice %arg3[%dma_wait3A_157, %dma_wait3A_156, %dma_wait3A_158] : memref<2x4000x80xi32, #tpu.memory_space<hbm>> -> memref<2x1x80xi32, #tpu.memory_space<hbm>>
    %dma_wait3A_160 = tpu.memref_squeeze %dma_wait3A_159 : memref<2x1x80xi32, #tpu.memory_space<hbm>> -> memref<2x80xi32, #tpu.memory_space<hbm>>
    %dma_wait3A_161 = arith.constant 0 : i32
    %dma_wait3A_162 = arith.constant 0 : i32
    %dma_wait3A_163 = tpu.memref_slice %arg3[%dma_wait3A_161, %dma_wait3A_156, %dma_wait3A_162] : memref<2x4000x80xi32, #tpu.memory_space<hbm>> -> memref<2x1x80xi32, #tpu.memory_space<hbm>>
    %dma_wait3A_164 = tpu.memref_squeeze %dma_wait3A_163 : memref<2x1x80xi32, #tpu.memory_space<hbm>> -> memref<2x80xi32, #tpu.memory_space<hbm>>
    tpu.wait_dma2 semaphore(%arg18 : memref<!tpu.dma_semaphore, #tpu.memory_space<semaphore_mem>>) src(%dma_wait3A_164 : memref<2x80xi32, #tpu.memory_space<hbm>>) dst(%arg8 : memref<2x80xi32, #tpu.memory_space<vmem>>)
    %dma_start3A_165 = arith.constant 0 : i32
    %dma_start3A_166 = arith.constant 0 : i32
    %dma_start3A_167 = tpu.memref_slice %arg8[%dma_start3A_165, %dma_start3A_166] : memref<2x80xi32, #tpu.memory_space<vmem>> -> memref<1x80xi32, #tpu.memory_space<vmem>>
    %dma_start3A_168 = tpu.memref_squeeze %dma_start3A_167 : memref<1x80xi32, #tpu.memory_space<vmem>> -> memref<80xi32, #tpu.memory_space<vmem>>
    %dma_start3A_169 = arith.constant 0 : i32
    %dma_start3A_170 = arith.constant 0 : i32
    %dma_start3A_171 = tpu.memref_slice %arg33[%dma_start3A_169, %dma_start3A_170] : memref<10000x32xf32, #tpu.memory_space<vmem_shared>> -> memref<10000x32xf32, #tpu.memory_space<vmem_shared>>
    tpu.enqueue_indirect_dma source(%dma_start3A_171 : memref<10000x32xf32, #tpu.memory_space<vmem_shared>>) target(%arg13 : memref<80x32xf32, #tpu.memory_space<vmem>>) offsets(%dma_start3A_168 : memref<80xi32, #tpu.memory_space<vmem>>) semaphore(%arg23 : memref<!tpu.dma_semaphore, #tpu.memory_space<semaphore_mem>>)
    %scan3A = arith.constant 0 : i32
    %scan3A_172 = arith.constant 0 : i32
    %scan3A_173 = arith.constant 25 : i32
    %scan3A_174 = arith.addi %scan3A_172, %scan3A_173 : i32
    %scan3A_175 = arith.constant 1 : i32
    scf.for %scan3A_304 = %scan3A_172 to %scan3A_174 step %scan3A_175  : i32 {
      %mul3A_305 = arith.constant 5 : i32
      %mul3A_306 = arith.muli %mul3A_305, %scan3A_304 : i32
      %add3A_307 = arith.constant 0 : i32
      %add3A_308 = arith.addi %mul3A_306, %add3A_307 : i32
      %ge3A = arith.constant 2 : i32
      %ge3A_309 = arith.cmpi sge, %add3A_308, %ge3A : i32
      %convert_element_type3A_310 = arith.extui %ge3A_309 : i1 to i32
      %cond3A_311 = arith.constant 0 : i32
      %cond3A_312 = arith.cmpi ne, %convert_element_type3A_310, %cond3A_311 : i32
      scf.if %cond3A_312 {
        %dma_wait3A_489 = arith.constant 1 : i32
        %dma_wait3A_490 = arith.constant 0 : i32
        %dma_wait3A_491 = tpu.memref_slice %arg10[%dma_wait3A_489, %dma_wait3A_490] : memref<2x80xi32, #tpu.memory_space<vmem>> -> memref<1x80xi32, #tpu.memory_space<vmem>>
        %dma_wait3A_492 = tpu.memref_squeeze %dma_wait3A_491 : memref<1x80xi32, #tpu.memory_space<vmem>> -> memref<80xi32, #tpu.memory_space<vmem>>
        %dma_wait3A_493 = arith.constant 0 : i32
        %dma_wait3A_494 = arith.constant 0 : i32
        %dma_wait3A_495 = tpu.memref_slice %arg6[%dma_wait3A_493, %dma_wait3A_494] : memref<10008x32xf32, #tpu.memory_space<vmem_shared>> -> memref<10008x32xf32, #tpu.memory_space<vmem_shared>>
        tpu.wait_indirect_dma semaphore(%arg30 : memref<!tpu.dma_semaphore, #tpu.memory_space<semaphore_mem>>) src(%arg15 : memref<80x32xf32, #tpu.memory_space<vmem>>) dst(%dma_wait3A_495 : memref<10008x32xf32, #tpu.memory_space<vmem_shared>>)
      } else {
      }
      %add3A_313 = arith.constant 3 : i32
      %add3A_314 = arith.addi %add3A_308, %add3A_313 : i32
      %lt3A_315 = arith.constant 125 : i32
      %lt3A_316 = arith.cmpi slt, %add3A_314, %lt3A_315 : i32
      %convert_element_type3A_317 = arith.extui %lt3A_316 : i1 to i32
      %cond3A_318 = arith.constant 0 : i32
      %cond3A_319 = arith.cmpi ne, %convert_element_type3A_317, %cond3A_318 : i32
      scf.if %cond3A_319 {
        %add3A_489 = arith.constant 3 : i32
        %add3A_490 = arith.addi %add3A_308, %add3A_489 : i32
        %add3A_491 = arith.addi %mul3A_2, %add3A_490 : i32
        %dma_start3A_492 = arith.constant 0 : i32
        %dma_start3A_493 = arith.constant 0 : i32
        %dma_start3A_494 = tpu.memref_slice %arg3[%dma_start3A_492, %add3A_491, %dma_start3A_493] : memref<2x4000x80xi32, #tpu.memory_space<hbm>> -> memref<2x1x80xi32, #tpu.memory_space<hbm>>
        %dma_start3A_495 = tpu.memref_squeeze %dma_start3A_494 : memref<2x1x80xi32, #tpu.memory_space<hbm>> -> memref<2x80xi32, #tpu.memory_space<hbm>>
        %dma_start3A_496 = arith.constant 0 : i32
        %dma_start3A_497 = arith.constant 0 : i32
        %dma_start3A_498 = tpu.memref_slice %arg3[%dma_start3A_496, %add3A_491, %dma_start3A_497] : memref<2x4000x80xi32, #tpu.memory_space<hbm>> -> memref<2x1x80xi32, #tpu.memory_space<hbm>>
        %dma_start3A_499 = tpu.memref_squeeze %dma_start3A_498 : memref<2x1x80xi32, #tpu.memory_space<hbm>> -> memref<2x80xi32, #tpu.memory_space<hbm>>
        tpu.enqueue_dma source(%dma_start3A_499 : memref<2x80xi32, #tpu.memory_space<hbm>>) target(%arg10 : memref<2x80xi32, #tpu.memory_space<vmem>>) target_semaphore(%arg20 : memref<!tpu.dma_semaphore, #tpu.memory_space<semaphore_mem>>)
      } else {
      }
      %add3A_320 = arith.constant 2 : i32
      %add3A_321 = arith.addi %add3A_308, %add3A_320 : i32
      %lt3A_322 = arith.constant 125 : i32
      %lt3A_323 = arith.cmpi slt, %add3A_321, %lt3A_322 : i32
      %convert_element_type3A_324 = arith.extui %lt3A_323 : i1 to i32
      %cond3A_325 = arith.constant 0 : i32
      %cond3A_326 = arith.cmpi ne, %convert_element_type3A_324, %cond3A_325 : i32
      scf.if %cond3A_326 {
        %dma_wait3A_489 = arith.constant 0 : i32
        %dma_wait3A_490 = arith.constant 0 : i32
        %dma_wait3A_491 = arith.constant 0 : i32
        %dma_wait3A_492 = tpu.memref_slice %arg3[%dma_wait3A_490, %dma_wait3A_489, %dma_wait3A_491] : memref<2x4000x80xi32, #tpu.memory_space<hbm>> -> memref<2x1x80xi32, #tpu.memory_space<hbm>>
        %dma_wait3A_493 = tpu.memref_squeeze %dma_wait3A_492 : memref<2x1x80xi32, #tpu.memory_space<hbm>> -> memref<2x80xi32, #tpu.memory_space<hbm>>
        %dma_wait3A_494 = arith.constant 0 : i32
        %dma_wait3A_495 = arith.constant 0 : i32
        %dma_wait3A_496 = tpu.memref_slice %arg3[%dma_wait3A_494, %dma_wait3A_489, %dma_wait3A_495] : memref<2x4000x80xi32, #tpu.memory_space<hbm>> -> memref<2x1x80xi32, #tpu.memory_space<hbm>>
        %dma_wait3A_497 = tpu.memref_squeeze %dma_wait3A_496 : memref<2x1x80xi32, #tpu.memory_space<hbm>> -> memref<2x80xi32, #tpu.memory_space<hbm>>
        tpu.wait_dma2 semaphore(%arg19 : memref<!tpu.dma_semaphore, #tpu.memory_space<semaphore_mem>>) src(%dma_wait3A_497 : memref<2x80xi32, #tpu.memory_space<hbm>>) dst(%arg9 : memref<2x80xi32, #tpu.memory_space<vmem>>)
        %dma_start3A_498 = arith.constant 0 : i32
        %dma_start3A_499 = arith.constant 0 : i32
        %dma_start3A_500 = tpu.memref_slice %arg9[%dma_start3A_498, %dma_start3A_499] : memref<2x80xi32, #tpu.memory_space<vmem>> -> memref<1x80xi32, #tpu.memory_space<vmem>>
        %dma_start3A_501 = tpu.memref_squeeze %dma_start3A_500 : memref<1x80xi32, #tpu.memory_space<vmem>> -> memref<80xi32, #tpu.memory_space<vmem>>
        %dma_start3A_502 = arith.constant 0 : i32
        %dma_start3A_503 = arith.constant 0 : i32
        %dma_start3A_504 = tpu.memref_slice %arg33[%dma_start3A_502, %dma_start3A_503] : memref<10000x32xf32, #tpu.memory_space<vmem_shared>> -> memref<10000x32xf32, #tpu.memory_space<vmem_shared>>
        tpu.enqueue_indirect_dma source(%dma_start3A_504 : memref<10000x32xf32, #tpu.memory_space<vmem_shared>>) target(%arg14 : memref<80x32xf32, #tpu.memory_space<vmem>>) offsets(%dma_start3A_501 : memref<80xi32, #tpu.memory_space<vmem>>) semaphore(%arg24 : memref<!tpu.dma_semaphore, #tpu.memory_space<semaphore_mem>>)
      } else {
      }
      %dma_wait3A_327 = arith.constant 0 : i32
      %dma_wait3A_328 = arith.constant 0 : i32
      %dma_wait3A_329 = tpu.memref_slice %arg7[%dma_wait3A_327, %dma_wait3A_328] : memref<2x80xi32, #tpu.memory_space<vmem>> -> memref<1x80xi32, #tpu.memory_space<vmem>>
      %dma_wait3A_330 = tpu.memref_squeeze %dma_wait3A_329 : memref<1x80xi32, #tpu.memory_space<vmem>> -> memref<80xi32, #tpu.memory_space<vmem>>
      %dma_wait3A_331 = arith.constant 0 : i32
      %dma_wait3A_332 = arith.constant 0 : i32
      %dma_wait3A_333 = tpu.memref_slice %arg33[%dma_wait3A_331, %dma_wait3A_332] : memref<10000x32xf32, #tpu.memory_space<vmem_shared>> -> memref<10000x32xf32, #tpu.memory_space<vmem_shared>>
      tpu.wait_indirect_dma semaphore(%arg22 : memref<!tpu.dma_semaphore, #tpu.memory_space<semaphore_mem>>) src(%dma_wait3A_333 : memref<10000x32xf32, #tpu.memory_space<vmem_shared>>) dst(%arg12 : memref<80x32xf32, #tpu.memory_space<vmem>>)
      %dma_start3A_334 = arith.constant 1 : i32
      %dma_start3A_335 = arith.constant 0 : i32
      %dma_start3A_336 = tpu.memref_slice %arg7[%dma_start3A_334, %dma_start3A_335] : memref<2x80xi32, #tpu.memory_space<vmem>> -> memref<1x80xi32, #tpu.memory_space<vmem>>
      %dma_start3A_337 = tpu.memref_squeeze %dma_start3A_336 : memref<1x80xi32, #tpu.memory_space<vmem>> -> memref<80xi32, #tpu.memory_space<vmem>>
      %dma_start3A_338 = arith.constant 0 : i32
      %dma_start3A_339 = arith.constant 0 : i32
      %dma_start3A_340 = tpu.memref_slice %arg6[%dma_start3A_338, %dma_start3A_339] : memref<10008x32xf32, #tpu.memory_space<vmem_shared>> -> memref<10008x32xf32, #tpu.memory_space<vmem_shared>>
      tpu.enqueue_indirect_dma source(%arg12 : memref<80x32xf32, #tpu.memory_space<vmem>>) target(%dma_start3A_340 : memref<10008x32xf32, #tpu.memory_space<vmem_shared>>) offsets(%dma_start3A_337 : memref<80xi32, #tpu.memory_space<vmem>>) semaphore(%arg27 : memref<!tpu.dma_semaphore, #tpu.memory_space<semaphore_mem>>) {add = true}
      %mul3A_341 = arith.constant 5 : i32
      %mul3A_342 = arith.muli %mul3A_341, %scan3A_304 : i32
      %add3A_343 = arith.constant 1 : i32
      %add3A_344 = arith.addi %mul3A_342, %add3A_343 : i32
      %ge3A_345 = arith.constant 2 : i32
      %ge3A_346 = arith.cmpi sge, %add3A_344, %ge3A_345 : i32
      %convert_element_type3A_347 = arith.extui %ge3A_346 : i1 to i32
      %cond3A_348 = arith.constant 0 : i32
      %cond3A_349 = arith.cmpi ne, %convert_element_type3A_347, %cond3A_348 : i32
      scf.if %cond3A_349 {
        %dma_wait3A_489 = arith.constant 1 : i32
        %dma_wait3A_490 = arith.constant 0 : i32
        %dma_wait3A_491 = tpu.memref_slice %arg11[%dma_wait3A_489, %dma_wait3A_490] : memref<2x80xi32, #tpu.memory_space<vmem>> -> memref<1x80xi32, #tpu.memory_space<vmem>>
        %dma_wait3A_492 = tpu.memref_squeeze %dma_wait3A_491 : memref<1x80xi32, #tpu.memory_space<vmem>> -> memref<80xi32, #tpu.memory_space<vmem>>
        %dma_wait3A_493 = arith.constant 0 : i32
        %dma_wait3A_494 = arith.constant 0 : i32
        %dma_wait3A_495 = tpu.memref_slice %arg6[%dma_wait3A_493, %dma_wait3A_494] : memref<10008x32xf32, #tpu.memory_space<vmem_shared>> -> memref<10008x32xf32, #tpu.memory_space<vmem_shared>>
        tpu.wait_indirect_dma semaphore(%arg31 : memref<!tpu.dma_semaphore, #tpu.memory_space<semaphore_mem>>) src(%arg16 : memref<80x32xf32, #tpu.memory_space<vmem>>) dst(%dma_wait3A_495 : memref<10008x32xf32, #tpu.memory_space<vmem_shared>>)
      } else {
      }
      %add3A_350 = arith.constant 3 : i32
      %add3A_351 = arith.addi %add3A_344, %add3A_350 : i32
      %lt3A_352 = arith.constant 125 : i32
      %lt3A_353 = arith.cmpi slt, %add3A_351, %lt3A_352 : i32
      %convert_element_type3A_354 = arith.extui %lt3A_353 : i1 to i32
      %cond3A_355 = arith.constant 0 : i32
      %cond3A_356 = arith.cmpi ne, %convert_element_type3A_354, %cond3A_355 : i32
      scf.if %cond3A_356 {
        %add3A_489 = arith.constant 3 : i32
        %add3A_490 = arith.addi %add3A_344, %add3A_489 : i32
        %add3A_491 = arith.addi %mul3A_2, %add3A_490 : i32
        %dma_start3A_492 = arith.constant 0 : i32
        %dma_start3A_493 = arith.constant 0 : i32
        %dma_start3A_494 = tpu.memref_slice %arg3[%dma_start3A_492, %add3A_491, %dma_start3A_493] : memref<2x4000x80xi32, #tpu.memory_space<hbm>> -> memref<2x1x80xi32, #tpu.memory_space<hbm>>
        %dma_start3A_495 = tpu.memref_squeeze %dma_start3A_494 : memref<2x1x80xi32, #tpu.memory_space<hbm>> -> memref<2x80xi32, #tpu.memory_space<hbm>>
        %dma_start3A_496 = arith.constant 0 : i32
        %dma_start3A_497 = arith.constant 0 : i32
        %dma_start3A_498 = tpu.memref_slice %arg3[%dma_start3A_496, %add3A_491, %dma_start3A_497] : memref<2x4000x80xi32, #tpu.memory_space<hbm>> -> memref<2x1x80xi32, #tpu.memory_space<hbm>>
        %dma_start3A_499 = tpu.memref_squeeze %dma_start3A_498 : memref<2x1x80xi32, #tpu.memory_space<hbm>> -> memref<2x80xi32, #tpu.memory_space<hbm>>
        tpu.enqueue_dma source(%dma_start3A_499 : memref<2x80xi32, #tpu.memory_space<hbm>>) target(%arg11 : memref<2x80xi32, #tpu.memory_space<vmem>>) target_semaphore(%arg21 : memref<!tpu.dma_semaphore, #tpu.memory_space<semaphore_mem>>)
      } else {
      }
      %add3A_357 = arith.constant 2 : i32
      %add3A_358 = arith.addi %add3A_344, %add3A_357 : i32
      %lt3A_359 = arith.constant 125 : i32
      %lt3A_360 = arith.cmpi slt, %add3A_358, %lt3A_359 : i32
      %convert_element_type3A_361 = arith.extui %lt3A_360 : i1 to i32
      %cond3A_362 = arith.constant 0 : i32
      %cond3A_363 = arith.cmpi ne, %convert_element_type3A_361, %cond3A_362 : i32
      scf.if %cond3A_363 {
        %dma_wait3A_489 = arith.constant 0 : i32
        %dma_wait3A_490 = arith.constant 0 : i32
        %dma_wait3A_491 = arith.constant 0 : i32
        %dma_wait3A_492 = tpu.memref_slice %arg3[%dma_wait3A_490, %dma_wait3A_489, %dma_wait3A_491] : memref<2x4000x80xi32, #tpu.memory_space<hbm>> -> memref<2x1x80xi32, #tpu.memory_space<hbm>>
        %dma_wait3A_493 = tpu.memref_squeeze %dma_wait3A_492 : memref<2x1x80xi32, #tpu.memory_space<hbm>> -> memref<2x80xi32, #tpu.memory_space<hbm>>
        %dma_wait3A_494 = arith.constant 0 : i32
        %dma_wait3A_495 = arith.constant 0 : i32
        %dma_wait3A_496 = tpu.memref_slice %arg3[%dma_wait3A_494, %dma_wait3A_489, %dma_wait3A_495] : memref<2x4000x80xi32, #tpu.memory_space<hbm>> -> memref<2x1x80xi32, #tpu.memory_space<hbm>>
        %dma_wait3A_497 = tpu.memref_squeeze %dma_wait3A_496 : memref<2x1x80xi32, #tpu.memory_space<hbm>> -> memref<2x80xi32, #tpu.memory_space<hbm>>
        tpu.wait_dma2 semaphore(%arg20 : memref<!tpu.dma_semaphore, #tpu.memory_space<semaphore_mem>>) src(%dma_wait3A_497 : memref<2x80xi32, #tpu.memory_space<hbm>>) dst(%arg10 : memref<2x80xi32, #tpu.memory_space<vmem>>)
        %dma_start3A_498 = arith.constant 0 : i32
        %dma_start3A_499 = arith.constant 0 : i32
        %dma_start3A_500 = tpu.memref_slice %arg10[%dma_start3A_498, %dma_start3A_499] : memref<2x80xi32, #tpu.memory_space<vmem>> -> memref<1x80xi32, #tpu.memory_space<vmem>>
        %dma_start3A_501 = tpu.memref_squeeze %dma_start3A_500 : memref<1x80xi32, #tpu.memory_space<vmem>> -> memref<80xi32, #tpu.memory_space<vmem>>
        %dma_start3A_502 = arith.constant 0 : i32
        %dma_start3A_503 = arith.constant 0 : i32
        %dma_start3A_504 = tpu.memref_slice %arg33[%dma_start3A_502, %dma_start3A_503] : memref<10000x32xf32, #tpu.memory_space<vmem_shared>> -> memref<10000x32xf32, #tpu.memory_space<vmem_shared>>
        tpu.enqueue_indirect_dma source(%dma_start3A_504 : memref<10000x32xf32, #tpu.memory_space<vmem_shared>>) target(%arg15 : memref<80x32xf32, #tpu.memory_space<vmem>>) offsets(%dma_start3A_501 : memref<80xi32, #tpu.memory_space<vmem>>) semaphore(%arg25 : memref<!tpu.dma_semaphore, #tpu.memory_space<semaphore_mem>>)
      } else {
      }
      %dma_wait3A_364 = arith.constant 0 : i32
      %dma_wait3A_365 = arith.constant 0 : i32
      %dma_wait3A_366 = tpu.memref_slice %arg8[%dma_wait3A_364, %dma_wait3A_365] : memref<2x80xi32, #tpu.memory_space<vmem>> -> memref<1x80xi32, #tpu.memory_space<vmem>>
      %dma_wait3A_367 = tpu.memref_squeeze %dma_wait3A_366 : memref<1x80xi32, #tpu.memory_space<vmem>> -> memref<80xi32, #tpu.memory_space<vmem>>
      %dma_wait3A_368 = arith.constant 0 : i32
      %dma_wait3A_369 = arith.constant 0 : i32
      %dma_wait3A_370 = tpu.memref_slice %arg33[%dma_wait3A_368, %dma_wait3A_369] : memref<10000x32xf32, #tpu.memory_space<vmem_shared>> -> memref<10000x32xf32, #tpu.memory_space<vmem_shared>>
      tpu.wait_indirect_dma semaphore(%arg23 : memref<!tpu.dma_semaphore, #tpu.memory_space<semaphore_mem>>) src(%dma_wait3A_370 : memref<10000x32xf32, #tpu.memory_space<vmem_shared>>) dst(%arg13 : memref<80x32xf32, #tpu.memory_space<vmem>>)
      %dma_start3A_371 = arith.constant 1 : i32
      %dma_start3A_372 = arith.constant 0 : i32
      %dma_start3A_373 = tpu.memref_slice %arg8[%dma_start3A_371, %dma_start3A_372] : memref<2x80xi32, #tpu.memory_space<vmem>> -> memref<1x80xi32, #tpu.memory_space<vmem>>
      %dma_start3A_374 = tpu.memref_squeeze %dma_start3A_373 : memref<1x80xi32, #tpu.memory_space<vmem>> -> memref<80xi32, #tpu.memory_space<vmem>>
      %dma_start3A_375 = arith.constant 0 : i32
      %dma_start3A_376 = arith.constant 0 : i32
      %dma_start3A_377 = tpu.memref_slice %arg6[%dma_start3A_375, %dma_start3A_376] : memref<10008x32xf32, #tpu.memory_space<vmem_shared>> -> memref<10008x32xf32, #tpu.memory_space<vmem_shared>>
      tpu.enqueue_indirect_dma source(%arg13 : memref<80x32xf32, #tpu.memory_space<vmem>>) target(%dma_start3A_377 : memref<10008x32xf32, #tpu.memory_space<vmem_shared>>) offsets(%dma_start3A_374 : memref<80xi32, #tpu.memory_space<vmem>>) semaphore(%arg28 : memref<!tpu.dma_semaphore, #tpu.memory_space<semaphore_mem>>) {add = true}
      %mul3A_378 = arith.constant 5 : i32
      %mul3A_379 = arith.muli %mul3A_378, %scan3A_304 : i32
      %add3A_380 = arith.constant 2 : i32
      %add3A_381 = arith.addi %mul3A_379, %add3A_380 : i32
      %ge3A_382 = arith.constant 2 : i32
      %ge3A_383 = arith.cmpi sge, %add3A_381, %ge3A_382 : i32
      %convert_element_type3A_384 = arith.extui %ge3A_383 : i1 to i32
      %cond3A_385 = arith.constant 0 : i32
      %cond3A_386 = arith.cmpi ne, %convert_element_type3A_384, %cond3A_385 : i32
      scf.if %cond3A_386 {
        %dma_wait3A_489 = arith.constant 1 : i32
        %dma_wait3A_490 = arith.constant 0 : i32
        %dma_wait3A_491 = tpu.memref_slice %arg7[%dma_wait3A_489, %dma_wait3A_490] : memref<2x80xi32, #tpu.memory_space<vmem>> -> memref<1x80xi32, #tpu.memory_space<vmem>>
        %dma_wait3A_492 = tpu.memref_squeeze %dma_wait3A_491 : memref<1x80xi32, #tpu.memory_space<vmem>> -> memref<80xi32, #tpu.memory_space<vmem>>
        %dma_wait3A_493 = arith.constant 0 : i32
        %dma_wait3A_494 = arith.constant 0 : i32
        %dma_wait3A_495 = tpu.memref_slice %arg6[%dma_wait3A_493, %dma_wait3A_494] : memref<10008x32xf32, #tpu.memory_space<vmem_shared>> -> memref<10008x32xf32, #tpu.memory_space<vmem_shared>>
        tpu.wait_indirect_dma semaphore(%arg27 : memref<!tpu.dma_semaphore, #tpu.memory_space<semaphore_mem>>) src(%arg12 : memref<80x32xf32, #tpu.memory_space<vmem>>) dst(%dma_wait3A_495 : memref<10008x32xf32, #tpu.memory_space<vmem_shared>>)
      } else {
      }
      %add3A_387 = arith.constant 3 : i32
      %add3A_388 = arith.addi %add3A_381, %add3A_387 : i32
      %lt3A_389 = arith.constant 125 : i32
      %lt3A_390 = arith.cmpi slt, %add3A_388, %lt3A_389 : i32
      %convert_element_type3A_391 = arith.extui %lt3A_390 : i1 to i32
      %cond3A_392 = arith.constant 0 : i32
      %cond3A_393 = arith.cmpi ne, %convert_element_type3A_391, %cond3A_392 : i32
      scf.if %cond3A_393 {
        %add3A_489 = arith.constant 3 : i32
        %add3A_490 = arith.addi %add3A_381, %add3A_489 : i32
        %add3A_491 = arith.addi %mul3A_2, %add3A_490 : i32
        %dma_start3A_492 = arith.constant 0 : i32
        %dma_start3A_493 = arith.constant 0 : i32
        %dma_start3A_494 = tpu.memref_slice %arg3[%dma_start3A_492, %add3A_491, %dma_start3A_493] : memref<2x4000x80xi32, #tpu.memory_space<hbm>> -> memref<2x1x80xi32, #tpu.memory_space<hbm>>
        %dma_start3A_495 = tpu.memref_squeeze %dma_start3A_494 : memref<2x1x80xi32, #tpu.memory_space<hbm>> -> memref<2x80xi32, #tpu.memory_space<hbm>>
        %dma_start3A_496 = arith.constant 0 : i32
        %dma_start3A_497 = arith.constant 0 : i32
        %dma_start3A_498 = tpu.memref_slice %arg3[%dma_start3A_496, %add3A_491, %dma_start3A_497] : memref<2x4000x80xi32, #tpu.memory_space<hbm>> -> memref<2x1x80xi32, #tpu.memory_space<hbm>>
        %dma_start3A_499 = tpu.memref_squeeze %dma_start3A_498 : memref<2x1x80xi32, #tpu.memory_space<hbm>> -> memref<2x80xi32, #tpu.memory_space<hbm>>
        tpu.enqueue_dma source(%dma_start3A_499 : memref<2x80xi32, #tpu.memory_space<hbm>>) target(%arg7 : memref<2x80xi32, #tpu.memory_space<vmem>>) target_semaphore(%arg17 : memref<!tpu.dma_semaphore, #tpu.memory_space<semaphore_mem>>)
      } else {
      }
      %add3A_394 = arith.constant 2 : i32
      %add3A_395 = arith.addi %add3A_381, %add3A_394 : i32
      %lt3A_396 = arith.constant 125 : i32
      %lt3A_397 = arith.cmpi slt, %add3A_395, %lt3A_396 : i32
      %convert_element_type3A_398 = arith.extui %lt3A_397 : i1 to i32
      %cond3A_399 = arith.constant 0 : i32
      %cond3A_400 = arith.cmpi ne, %convert_element_type3A_398, %cond3A_399 : i32
      scf.if %cond3A_400 {
        %dma_wait3A_489 = arith.constant 0 : i32
        %dma_wait3A_490 = arith.constant 0 : i32
        %dma_wait3A_491 = arith.constant 0 : i32
        %dma_wait3A_492 = tpu.memref_slice %arg3[%dma_wait3A_490, %dma_wait3A_489, %dma_wait3A_491] : memref<2x4000x80xi32, #tpu.memory_space<hbm>> -> memref<2x1x80xi32, #tpu.memory_space<hbm>>
        %dma_wait3A_493 = tpu.memref_squeeze %dma_wait3A_492 : memref<2x1x80xi32, #tpu.memory_space<hbm>> -> memref<2x80xi32, #tpu.memory_space<hbm>>
        %dma_wait3A_494 = arith.constant 0 : i32
        %dma_wait3A_495 = arith.constant 0 : i32
        %dma_wait3A_496 = tpu.memref_slice %arg3[%dma_wait3A_494, %dma_wait3A_489, %dma_wait3A_495] : memref<2x4000x80xi32, #tpu.memory_space<hbm>> -> memref<2x1x80xi32, #tpu.memory_space<hbm>>
        %dma_wait3A_497 = tpu.memref_squeeze %dma_wait3A_496 : memref<2x1x80xi32, #tpu.memory_space<hbm>> -> memref<2x80xi32, #tpu.memory_space<hbm>>
        tpu.wait_dma2 semaphore(%arg21 : memref<!tpu.dma_semaphore, #tpu.memory_space<semaphore_mem>>) src(%dma_wait3A_497 : memref<2x80xi32, #tpu.memory_space<hbm>>) dst(%arg11 : memref<2x80xi32, #tpu.memory_space<vmem>>)
        %dma_start3A_498 = arith.constant 0 : i32
        %dma_start3A_499 = arith.constant 0 : i32
        %dma_start3A_500 = tpu.memref_slice %arg11[%dma_start3A_498, %dma_start3A_499] : memref<2x80xi32, #tpu.memory_space<vmem>> -> memref<1x80xi32, #tpu.memory_space<vmem>>
        %dma_start3A_501 = tpu.memref_squeeze %dma_start3A_500 : memref<1x80xi32, #tpu.memory_space<vmem>> -> memref<80xi32, #tpu.memory_space<vmem>>
        %dma_start3A_502 = arith.constant 0 : i32
        %dma_start3A_503 = arith.constant 0 : i32
        %dma_start3A_504 = tpu.memref_slice %arg33[%dma_start3A_502, %dma_start3A_503] : memref<10000x32xf32, #tpu.memory_space<vmem_shared>> -> memref<10000x32xf32, #tpu.memory_space<vmem_shared>>
        tpu.enqueue_indirect_dma source(%dma_start3A_504 : memref<10000x32xf32, #tpu.memory_space<vmem_shared>>) target(%arg16 : memref<80x32xf32, #tpu.memory_space<vmem>>) offsets(%dma_start3A_501 : memref<80xi32, #tpu.memory_space<vmem>>) semaphore(%arg26 : memref<!tpu.dma_semaphore, #tpu.memory_space<semaphore_mem>>)
      } else {
      }
      %dma_wait3A_401 = arith.constant 0 : i32
      %dma_wait3A_402 = arith.constant 0 : i32
      %dma_wait3A_403 = tpu.memref_slice %arg9[%dma_wait3A_401, %dma_wait3A_402] : memref<2x80xi32, #tpu.memory_space<vmem>> -> memref<1x80xi32, #tpu.memory_space<vmem>>
      %dma_wait3A_404 = tpu.memref_squeeze %dma_wait3A_403 : memref<1x80xi32, #tpu.memory_space<vmem>> -> memref<80xi32, #tpu.memory_space<vmem>>
      %dma_wait3A_405 = arith.constant 0 : i32
      %dma_wait3A_406 = arith.constant 0 : i32
      %dma_wait3A_407 = tpu.memref_slice %arg33[%dma_wait3A_405, %dma_wait3A_406] : memref<10000x32xf32, #tpu.memory_space<vmem_shared>> -> memref<10000x32xf32, #tpu.memory_space<vmem_shared>>
      tpu.wait_indirect_dma semaphore(%arg24 : memref<!tpu.dma_semaphore, #tpu.memory_space<semaphore_mem>>) src(%dma_wait3A_407 : memref<10000x32xf32, #tpu.memory_space<vmem_shared>>) dst(%arg14 : memref<80x32xf32, #tpu.memory_space<vmem>>)
      %dma_start3A_408 = arith.constant 1 : i32
      %dma_start3A_409 = arith.constant 0 : i32
      %dma_start3A_410 = tpu.memref_slice %arg9[%dma_start3A_408, %dma_start3A_409] : memref<2x80xi32, #tpu.memory_space<vmem>> -> memref<1x80xi32, #tpu.memory_space<vmem>>
      %dma_start3A_411 = tpu.memref_squeeze %dma_start3A_410 : memref<1x80xi32, #tpu.memory_space<vmem>> -> memref<80xi32, #tpu.memory_space<vmem>>
      %dma_start3A_412 = arith.constant 0 : i32
      %dma_start3A_413 = arith.constant 0 : i32
      %dma_start3A_414 = tpu.memref_slice %arg6[%dma_start3A_412, %dma_start3A_413] : memref<10008x32xf32, #tpu.memory_space<vmem_shared>> -> memref<10008x32xf32, #tpu.memory_space<vmem_shared>>
      tpu.enqueue_indirect_dma source(%arg14 : memref<80x32xf32, #tpu.memory_space<vmem>>) target(%dma_start3A_414 : memref<10008x32xf32, #tpu.memory_space<vmem_shared>>) offsets(%dma_start3A_411 : memref<80xi32, #tpu.memory_space<vmem>>) semaphore(%arg29 : memref<!tpu.dma_semaphore, #tpu.memory_space<semaphore_mem>>) {add = true}
      %mul3A_415 = arith.constant 5 : i32
      %mul3A_416 = arith.muli %mul3A_415, %scan3A_304 : i32
      %add3A_417 = arith.constant 3 : i32
      %add3A_418 = arith.addi %mul3A_416, %add3A_417 : i32
      %ge3A_419 = arith.constant 2 : i32
      %ge3A_420 = arith.cmpi sge, %add3A_418, %ge3A_419 : i32
      %convert_element_type3A_421 = arith.extui %ge3A_420 : i1 to i32
      %cond3A_422 = arith.constant 0 : i32
      %cond3A_423 = arith.cmpi ne, %convert_element_type3A_421, %cond3A_422 : i32
      scf.if %cond3A_423 {
        %dma_wait3A_489 = arith.constant 1 : i32
        %dma_wait3A_490 = arith.constant 0 : i32
        %dma_wait3A_491 = tpu.memref_slice %arg8[%dma_wait3A_489, %dma_wait3A_490] : memref<2x80xi32, #tpu.memory_space<vmem>> -> memref<1x80xi32, #tpu.memory_space<vmem>>
        %dma_wait3A_492 = tpu.memref_squeeze %dma_wait3A_491 : memref<1x80xi32, #tpu.memory_space<vmem>> -> memref<80xi32, #tpu.memory_space<vmem>>
        %dma_wait3A_493 = arith.constant 0 : i32
        %dma_wait3A_494 = arith.constant 0 : i32
        %dma_wait3A_495 = tpu.memref_slice %arg6[%dma_wait3A_493, %dma_wait3A_494] : memref<10008x32xf32, #tpu.memory_space<vmem_shared>> -> memref<10008x32xf32, #tpu.memory_space<vmem_shared>>
        tpu.wait_indirect_dma semaphore(%arg28 : memref<!tpu.dma_semaphore, #tpu.memory_space<semaphore_mem>>) src(%arg13 : memref<80x32xf32, #tpu.memory_space<vmem>>) dst(%dma_wait3A_495 : memref<10008x32xf32, #tpu.memory_space<vmem_shared>>)
      } else {
      }
      %add3A_424 = arith.constant 3 : i32
      %add3A_425 = arith.addi %add3A_418, %add3A_424 : i32
      %lt3A_426 = arith.constant 125 : i32
      %lt3A_427 = arith.cmpi slt, %add3A_425, %lt3A_426 : i32
      %convert_element_type3A_428 = arith.extui %lt3A_427 : i1 to i32
      %cond3A_429 = arith.constant 0 : i32
      %cond3A_430 = arith.cmpi ne, %convert_element_type3A_428, %cond3A_429 : i32
      scf.if %cond3A_430 {
        %add3A_489 = arith.constant 3 : i32
        %add3A_490 = arith.addi %add3A_418, %add3A_489 : i32
        %add3A_491 = arith.addi %mul3A_2, %add3A_490 : i32
        %dma_start3A_492 = arith.constant 0 : i32
        %dma_start3A_493 = arith.constant 0 : i32
        %dma_start3A_494 = tpu.memref_slice %arg3[%dma_start3A_492, %add3A_491, %dma_start3A_493] : memref<2x4000x80xi32, #tpu.memory_space<hbm>> -> memref<2x1x80xi32, #tpu.memory_space<hbm>>
        %dma_start3A_495 = tpu.memref_squeeze %dma_start3A_494 : memref<2x1x80xi32, #tpu.memory_space<hbm>> -> memref<2x80xi32, #tpu.memory_space<hbm>>
        %dma_start3A_496 = arith.constant 0 : i32
        %dma_start3A_497 = arith.constant 0 : i32
        %dma_start3A_498 = tpu.memref_slice %arg3[%dma_start3A_496, %add3A_491, %dma_start3A_497] : memref<2x4000x80xi32, #tpu.memory_space<hbm>> -> memref<2x1x80xi32, #tpu.memory_space<hbm>>
        %dma_start3A_499 = tpu.memref_squeeze %dma_start3A_498 : memref<2x1x80xi32, #tpu.memory_space<hbm>> -> memref<2x80xi32, #tpu.memory_space<hbm>>
        tpu.enqueue_dma source(%dma_start3A_499 : memref<2x80xi32, #tpu.memory_space<hbm>>) target(%arg8 : memref<2x80xi32, #tpu.memory_space<vmem>>) target_semaphore(%arg18 : memref<!tpu.dma_semaphore, #tpu.memory_space<semaphore_mem>>)
      } else {
      }
      %add3A_431 = arith.constant 2 : i32
      %add3A_432 = arith.addi %add3A_418, %add3A_431 : i32
      %lt3A_433 = arith.constant 125 : i32
      %lt3A_434 = arith.cmpi slt, %add3A_432, %lt3A_433 : i32
      %convert_element_type3A_435 = arith.extui %lt3A_434 : i1 to i32
      %cond3A_436 = arith.constant 0 : i32
      %cond3A_437 = arith.cmpi ne, %convert_element_type3A_435, %cond3A_436 : i32
      scf.if %cond3A_437 {
        %dma_wait3A_489 = arith.constant 0 : i32
        %dma_wait3A_490 = arith.constant 0 : i32
        %dma_wait3A_491 = arith.constant 0 : i32
        %dma_wait3A_492 = tpu.memref_slice %arg3[%dma_wait3A_490, %dma_wait3A_489, %dma_wait3A_491] : memref<2x4000x80xi32, #tpu.memory_space<hbm>> -> memref<2x1x80xi32, #tpu.memory_space<hbm>>
        %dma_wait3A_493 = tpu.memref_squeeze %dma_wait3A_492 : memref<2x1x80xi32, #tpu.memory_space<hbm>> -> memref<2x80xi32, #tpu.memory_space<hbm>>
        %dma_wait3A_494 = arith.constant 0 : i32
        %dma_wait3A_495 = arith.constant 0 : i32
        %dma_wait3A_496 = tpu.memref_slice %arg3[%dma_wait3A_494, %dma_wait3A_489, %dma_wait3A_495] : memref<2x4000x80xi32, #tpu.memory_space<hbm>> -> memref<2x1x80xi32, #tpu.memory_space<hbm>>
        %dma_wait3A_497 = tpu.memref_squeeze %dma_wait3A_496 : memref<2x1x80xi32, #tpu.memory_space<hbm>> -> memref<2x80xi32, #tpu.memory_space<hbm>>
        tpu.wait_dma2 semaphore(%arg17 : memref<!tpu.dma_semaphore, #tpu.memory_space<semaphore_mem>>) src(%dma_wait3A_497 : memref<2x80xi32, #tpu.memory_space<hbm>>) dst(%arg7 : memref<2x80xi32, #tpu.memory_space<vmem>>)
        %dma_start3A_498 = arith.constant 0 : i32
        %dma_start3A_499 = arith.constant 0 : i32
        %dma_start3A_500 = tpu.memref_slice %arg7[%dma_start3A_498, %dma_start3A_499] : memref<2x80xi32, #tpu.memory_space<vmem>> -> memref<1x80xi32, #tpu.memory_space<vmem>>
        %dma_start3A_501 = tpu.memref_squeeze %dma_start3A_500 : memref<1x80xi32, #tpu.memory_space<vmem>> -> memref<80xi32, #tpu.memory_space<vmem>>
        %dma_start3A_502 = arith.constant 0 : i32
        %dma_start3A_503 = arith.constant 0 : i32
        %dma_start3A_504 = tpu.memref_slice %arg33[%dma_start3A_502, %dma_start3A_503] : memref<10000x32xf32, #tpu.memory_space<vmem_shared>> -> memref<10000x32xf32, #tpu.memory_space<vmem_shared>>
        tpu.enqueue_indirect_dma source(%dma_start3A_504 : memref<10000x32xf32, #tpu.memory_space<vmem_shared>>) target(%arg12 : memref<80x32xf32, #tpu.memory_space<vmem>>) offsets(%dma_start3A_501 : memref<80xi32, #tpu.memory_space<vmem>>) semaphore(%arg22 : memref<!tpu.dma_semaphore, #tpu.memory_space<semaphore_mem>>)
      } else {
      }
      %dma_wait3A_438 = arith.constant 0 : i32
      %dma_wait3A_439 = arith.constant 0 : i32
      %dma_wait3A_440 = tpu.memref_slice %arg10[%dma_wait3A_438, %dma_wait3A_439] : memref<2x80xi32, #tpu.memory_space<vmem>> -> memref<1x80xi32, #tpu.memory_space<vmem>>
      %dma_wait3A_441 = tpu.memref_squeeze %dma_wait3A_440 : memref<1x80xi32, #tpu.memory_space<vmem>> -> memref<80xi32, #tpu.memory_space<vmem>>
      %dma_wait3A_442 = arith.constant 0 : i32
      %dma_wait3A_443 = arith.constant 0 : i32
      %dma_wait3A_444 = tpu.memref_slice %arg33[%dma_wait3A_442, %dma_wait3A_443] : memref<10000x32xf32, #tpu.memory_space<vmem_shared>> -> memref<10000x32xf32, #tpu.memory_space<vmem_shared>>
      tpu.wait_indirect_dma semaphore(%arg25 : memref<!tpu.dma_semaphore, #tpu.memory_space<semaphore_mem>>) src(%dma_wait3A_444 : memref<10000x32xf32, #tpu.memory_space<vmem_shared>>) dst(%arg15 : memref<80x32xf32, #tpu.memory_space<vmem>>)
      %dma_start3A_445 = arith.constant 1 : i32
      %dma_start3A_446 = arith.constant 0 : i32
      %dma_start3A_447 = tpu.memref_slice %arg10[%dma_start3A_445, %dma_start3A_446] : memref<2x80xi32, #tpu.memory_space<vmem>> -> memref<1x80xi32, #tpu.memory_space<vmem>>
      %dma_start3A_448 = tpu.memref_squeeze %dma_start3A_447 : memref<1x80xi32, #tpu.memory_space<vmem>> -> memref<80xi32, #tpu.memory_space<vmem>>
      %dma_start3A_449 = arith.constant 0 : i32
      %dma_start3A_450 = arith.constant 0 : i32
      %dma_start3A_451 = tpu.memref_slice %arg6[%dma_start3A_449, %dma_start3A_450] : memref<10008x32xf32, #tpu.memory_space<vmem_shared>> -> memref<10008x32xf32, #tpu.memory_space<vmem_shared>>
      tpu.enqueue_indirect_dma source(%arg15 : memref<80x32xf32, #tpu.memory_space<vmem>>) target(%dma_start3A_451 : memref<10008x32xf32, #tpu.memory_space<vmem_shared>>) offsets(%dma_start3A_448 : memref<80xi32, #tpu.memory_space<vmem>>) semaphore(%arg30 : memref<!tpu.dma_semaphore, #tpu.memory_space<semaphore_mem>>) {add = true}
      %mul3A_452 = arith.constant 5 : i32
      %mul3A_453 = arith.muli %mul3A_452, %scan3A_304 : i32
      %add3A_454 = arith.constant 4 : i32
      %add3A_455 = arith.addi %mul3A_453, %add3A_454 : i32
      %ge3A_456 = arith.constant 2 : i32
      %ge3A_457 = arith.cmpi sge, %add3A_455, %ge3A_456 : i32
      %convert_element_type3A_458 = arith.extui %ge3A_457 : i1 to i32
      %cond3A_459 = arith.constant 0 : i32
      %cond3A_460 = arith.cmpi ne, %convert_element_type3A_458, %cond3A_459 : i32
      scf.if %cond3A_460 {
        %dma_wait3A_489 = arith.constant 1 : i32
        %dma_wait3A_490 = arith.constant 0 : i32
        %dma_wait3A_491 = tpu.memref_slice %arg9[%dma_wait3A_489, %dma_wait3A_490] : memref<2x80xi32, #tpu.memory_space<vmem>> -> memref<1x80xi32, #tpu.memory_space<vmem>>
        %dma_wait3A_492 = tpu.memref_squeeze %dma_wait3A_491 : memref<1x80xi32, #tpu.memory_space<vmem>> -> memref<80xi32, #tpu.memory_space<vmem>>
        %dma_wait3A_493 = arith.constant 0 : i32
        %dma_wait3A_494 = arith.constant 0 : i32
        %dma_wait3A_495 = tpu.memref_slice %arg6[%dma_wait3A_493, %dma_wait3A_494] : memref<10008x32xf32, #tpu.memory_space<vmem_shared>> -> memref<10008x32xf32, #tpu.memory_space<vmem_shared>>
        tpu.wait_indirect_dma semaphore(%arg29 : memref<!tpu.dma_semaphore, #tpu.memory_space<semaphore_mem>>) src(%arg14 : memref<80x32xf32, #tpu.memory_space<vmem>>) dst(%dma_wait3A_495 : memref<10008x32xf32, #tpu.memory_space<vmem_shared>>)
      } else {
      }
      %add3A_461 = arith.constant 3 : i32
      %add3A_462 = arith.addi %add3A_455, %add3A_461 : i32
      %lt3A_463 = arith.constant 125 : i32
      %lt3A_464 = arith.cmpi slt, %add3A_462, %lt3A_463 : i32
      %convert_element_type3A_465 = arith.extui %lt3A_464 : i1 to i32
      %cond3A_466 = arith.constant 0 : i32
      %cond3A_467 = arith.cmpi ne, %convert_element_type3A_465, %cond3A_466 : i32
      scf.if %cond3A_467 {
        %add3A_489 = arith.constant 3 : i32
        %add3A_490 = arith.addi %add3A_455, %add3A_489 : i32
        %add3A_491 = arith.addi %mul3A_2, %add3A_490 : i32
        %dma_start3A_492 = arith.constant 0 : i32
        %dma_start3A_493 = arith.constant 0 : i32
        %dma_start3A_494 = tpu.memref_slice %arg3[%dma_start3A_492, %add3A_491, %dma_start3A_493] : memref<2x4000x80xi32, #tpu.memory_space<hbm>> -> memref<2x1x80xi32, #tpu.memory_space<hbm>>
        %dma_start3A_495 = tpu.memref_squeeze %dma_start3A_494 : memref<2x1x80xi32, #tpu.memory_space<hbm>> -> memref<2x80xi32, #tpu.memory_space<hbm>>
        %dma_start3A_496 = arith.constant 0 : i32
        %dma_start3A_497 = arith.constant 0 : i32
        %dma_start3A_498 = tpu.memref_slice %arg3[%dma_start3A_496, %add3A_491, %dma_start3A_497] : memref<2x4000x80xi32, #tpu.memory_space<hbm>> -> memref<2x1x80xi32, #tpu.memory_space<hbm>>
        %dma_start3A_499 = tpu.memref_squeeze %dma_start3A_498 : memref<2x1x80xi32, #tpu.memory_space<hbm>> -> memref<2x80xi32, #tpu.memory_space<hbm>>
        tpu.enqueue_dma source(%dma_start3A_499 : memref<2x80xi32, #tpu.memory_space<hbm>>) target(%arg9 : memref<2x80xi32, #tpu.memory_space<vmem>>) target_semaphore(%arg19 : memref<!tpu.dma_semaphore, #tpu.memory_space<semaphore_mem>>)
      } else {
      }
      %add3A_468 = arith.constant 2 : i32
      %add3A_469 = arith.addi %add3A_455, %add3A_468 : i32
      %lt3A_470 = arith.constant 125 : i32
      %lt3A_471 = arith.cmpi slt, %add3A_469, %lt3A_470 : i32
      %convert_element_type3A_472 = arith.extui %lt3A_471 : i1 to i32
      %cond3A_473 = arith.constant 0 : i32
      %cond3A_474 = arith.cmpi ne, %convert_element_type3A_472, %cond3A_473 : i32
      scf.if %cond3A_474 {
        %dma_wait3A_489 = arith.constant 0 : i32
        %dma_wait3A_490 = arith.constant 0 : i32
        %dma_wait3A_491 = arith.constant 0 : i32
        %dma_wait3A_492 = tpu.memref_slice %arg3[%dma_wait3A_490, %dma_wait3A_489, %dma_wait3A_491] : memref<2x4000x80xi32, #tpu.memory_space<hbm>> -> memref<2x1x80xi32, #tpu.memory_space<hbm>>
        %dma_wait3A_493 = tpu.memref_squeeze %dma_wait3A_492 : memref<2x1x80xi32, #tpu.memory_space<hbm>> -> memref<2x80xi32, #tpu.memory_space<hbm>>
        %dma_wait3A_494 = arith.constant 0 : i32
        %dma_wait3A_495 = arith.constant 0 : i32
        %dma_wait3A_496 = tpu.memref_slice %arg3[%dma_wait3A_494, %dma_wait3A_489, %dma_wait3A_495] : memref<2x4000x80xi32, #tpu.memory_space<hbm>> -> memref<2x1x80xi32, #tpu.memory_space<hbm>>
        %dma_wait3A_497 = tpu.memref_squeeze %dma_wait3A_496 : memref<2x1x80xi32, #tpu.memory_space<hbm>> -> memref<2x80xi32, #tpu.memory_space<hbm>>
        tpu.wait_dma2 semaphore(%arg18 : memref<!tpu.dma_semaphore, #tpu.memory_space<semaphore_mem>>) src(%dma_wait3A_497 : memref<2x80xi32, #tpu.memory_space<hbm>>) dst(%arg8 : memref<2x80xi32, #tpu.memory_space<vmem>>)
        %dma_start3A_498 = arith.constant 0 : i32
        %dma_start3A_499 = arith.constant 0 : i32
        %dma_start3A_500 = tpu.memref_slice %arg8[%dma_start3A_498, %dma_start3A_499] : memref<2x80xi32, #tpu.memory_space<vmem>> -> memref<1x80xi32, #tpu.memory_space<vmem>>
        %dma_start3A_501 = tpu.memref_squeeze %dma_start3A_500 : memref<1x80xi32, #tpu.memory_space<vmem>> -> memref<80xi32, #tpu.memory_space<vmem>>
        %dma_start3A_502 = arith.constant 0 : i32
        %dma_start3A_503 = arith.constant 0 : i32
        %dma_start3A_504 = tpu.memref_slice %arg33[%dma_start3A_502, %dma_start3A_503] : memref<10000x32xf32, #tpu.memory_space<vmem_shared>> -> memref<10000x32xf32, #tpu.memory_space<vmem_shared>>
        tpu.enqueue_indirect_dma source(%dma_start3A_504 : memref<10000x32xf32, #tpu.memory_space<vmem_shared>>) target(%arg13 : memref<80x32xf32, #tpu.memory_space<vmem>>) offsets(%dma_start3A_501 : memref<80xi32, #tpu.memory_space<vmem>>) semaphore(%arg23 : memref<!tpu.dma_semaphore, #tpu.memory_space<semaphore_mem>>)
      } else {
      }
      %dma_wait3A_475 = arith.constant 0 : i32
      %dma_wait3A_476 = arith.constant 0 : i32
      %dma_wait3A_477 = tpu.memref_slice %arg11[%dma_wait3A_475, %dma_wait3A_476] : memref<2x80xi32, #tpu.memory_space<vmem>> -> memref<1x80xi32, #tpu.memory_space<vmem>>
      %dma_wait3A_478 = tpu.memref_squeeze %dma_wait3A_477 : memref<1x80xi32, #tpu.memory_space<vmem>> -> memref<80xi32, #tpu.memory_space<vmem>>
      %dma_wait3A_479 = arith.constant 0 : i32
      %dma_wait3A_480 = arith.constant 0 : i32
      %dma_wait3A_481 = tpu.memref_slice %arg33[%dma_wait3A_479, %dma_wait3A_480] : memref<10000x32xf32, #tpu.memory_space<vmem_shared>> -> memref<10000x32xf32, #tpu.memory_space<vmem_shared>>
      tpu.wait_indirect_dma semaphore(%arg26 : memref<!tpu.dma_semaphore, #tpu.memory_space<semaphore_mem>>) src(%dma_wait3A_481 : memref<10000x32xf32, #tpu.memory_space<vmem_shared>>) dst(%arg16 : memref<80x32xf32, #tpu.memory_space<vmem>>)
      %dma_start3A_482 = arith.constant 1 : i32
      %dma_start3A_483 = arith.constant 0 : i32
      %dma_start3A_484 = tpu.memref_slice %arg11[%dma_start3A_482, %dma_start3A_483] : memref<2x80xi32, #tpu.memory_space<vmem>> -> memref<1x80xi32, #tpu.memory_space<vmem>>
      %dma_start3A_485 = tpu.memref_squeeze %dma_start3A_484 : memref<1x80xi32, #tpu.memory_space<vmem>> -> memref<80xi32, #tpu.memory_space<vmem>>
      %dma_start3A_486 = arith.constant 0 : i32
      %dma_start3A_487 = arith.constant 0 : i32
      %dma_start3A_488 = tpu.memref_slice %arg6[%dma_start3A_486, %dma_start3A_487] : memref<10008x32xf32, #tpu.memory_space<vmem_shared>> -> memref<10008x32xf32, #tpu.memory_space<vmem_shared>>
      tpu.enqueue_indirect_dma source(%arg16 : memref<80x32xf32, #tpu.memory_space<vmem>>) target(%dma_start3A_488 : memref<10008x32xf32, #tpu.memory_space<vmem_shared>>) offsets(%dma_start3A_485 : memref<80xi32, #tpu.memory_space<vmem>>) semaphore(%arg31 : memref<!tpu.dma_semaphore, #tpu.memory_space<semaphore_mem>>) {add = true}
    }
    %scan3A_176 = arith.constant 25 : i32
    %dma_wait3A_177 = arith.constant 1 : i32
    %dma_wait3A_178 = arith.constant 0 : i32
    %dma_wait3A_179 = tpu.memref_slice %arg10[%dma_wait3A_177, %dma_wait3A_178] : memref<2x80xi32, #tpu.memory_space<vmem>> -> memref<1x80xi32, #tpu.memory_space<vmem>>
    %dma_wait3A_180 = tpu.memref_squeeze %dma_wait3A_179 : memref<1x80xi32, #tpu.memory_space<vmem>> -> memref<80xi32, #tpu.memory_space<vmem>>
    %dma_wait3A_181 = arith.constant 0 : i32
    %dma_wait3A_182 = arith.constant 0 : i32
    %dma_wait3A_183 = tpu.memref_slice %arg6[%dma_wait3A_181, %dma_wait3A_182] : memref<10008x32xf32, #tpu.memory_space<vmem_shared>> -> memref<10008x32xf32, #tpu.memory_space<vmem_shared>>
    tpu.wait_indirect_dma semaphore(%arg30 : memref<!tpu.dma_semaphore, #tpu.memory_space<semaphore_mem>>) src(%arg15 : memref<80x32xf32, #tpu.memory_space<vmem>>) dst(%dma_wait3A_183 : memref<10008x32xf32, #tpu.memory_space<vmem_shared>>)
    %dma_wait3A_184 = arith.constant 1 : i32
    %dma_wait3A_185 = arith.constant 0 : i32
    %dma_wait3A_186 = tpu.memref_slice %arg11[%dma_wait3A_184, %dma_wait3A_185] : memref<2x80xi32, #tpu.memory_space<vmem>> -> memref<1x80xi32, #tpu.memory_space<vmem>>
    %dma_wait3A_187 = tpu.memref_squeeze %dma_wait3A_186 : memref<1x80xi32, #tpu.memory_space<vmem>> -> memref<80xi32, #tpu.memory_space<vmem>>
    %dma_wait3A_188 = arith.constant 0 : i32
    %dma_wait3A_189 = arith.constant 0 : i32
    %dma_wait3A_190 = tpu.memref_slice %arg6[%dma_wait3A_188, %dma_wait3A_189] : memref<10008x32xf32, #tpu.memory_space<vmem_shared>> -> memref<10008x32xf32, #tpu.memory_space<vmem_shared>>
    tpu.wait_indirect_dma semaphore(%arg31 : memref<!tpu.dma_semaphore, #tpu.memory_space<semaphore_mem>>) src(%arg16 : memref<80x32xf32, #tpu.memory_space<vmem>>) dst(%dma_wait3A_190 : memref<10008x32xf32, #tpu.memory_space<vmem_shared>>)
    %barrier3A_191 = arith.constant 0 : index
    tpu.barrier barrier_id(%barrier3A_191)
    %add3A_192 = arith.constant 0 : i32
    %add3A_193 = arith.addi %arg1, %add3A_192 : i32
    %lt3A_194 = arith.constant 125 : i32
    %lt3A_195 = arith.cmpi slt, %add3A_193, %lt3A_194 : i32
    %convert_element_type3A_196 = arith.extui %lt3A_195 : i1 to i32
    %cond3A_197 = arith.constant 0 : i32
    %cond3A_198 = arith.cmpi ne, %convert_element_type3A_196, %cond3A_197 : i32
    scf.if %cond3A_198 {
      %mul3A_304 = arith.constant 80 : i32
      %mul3A_305 = arith.muli %add3A_193, %mul3A_304 : i32
      %mul3A_306 = arith.constant 80 : i32
      %mul3A_307 = arith.muli %add3A_193, %mul3A_306 : i32
      %dma_start3A_308 = arith.constant 0 : i32
      %dma_start3A_309 = tpu.memref_slice %arg5[%arg0, %mul3A_307, %dma_start3A_308] : memref<2x10000x32xf32, #tpu.memory_space<hbm>> -> memref<1x80x32xf32, #tpu.memory_space<hbm>>
      %dma_start3A_310 = tpu.memref_squeeze %dma_start3A_309 : memref<1x80x32xf32, #tpu.memory_space<hbm>> -> memref<80x32xf32, #tpu.memory_space<hbm>>
      %dma_start3A_311 = arith.constant 0 : i32
      %dma_start3A_312 = tpu.memref_slice %arg6[%mul3A_305, %dma_start3A_311] : memref<10008x32xf32, #tpu.memory_space<vmem_shared>> -> memref<80x32xf32, #tpu.memory_space<vmem_shared>>
      tpu.enqueue_dma source(%dma_start3A_312 : memref<80x32xf32, #tpu.memory_space<vmem_shared>>) target(%dma_start3A_310 : memref<80x32xf32, #tpu.memory_space<hbm>>) target_semaphore(%arg32 : memref<!tpu.dma_semaphore, #tpu.memory_space<semaphore_mem>>)
    } else {
    }
    %add3A_199 = arith.constant 16 : i32
    %add3A_200 = arith.addi %arg1, %add3A_199 : i32
    %lt3A_201 = arith.constant 125 : i32
    %lt3A_202 = arith.cmpi slt, %add3A_200, %lt3A_201 : i32
    %convert_element_type3A_203 = arith.extui %lt3A_202 : i1 to i32
    %cond3A_204 = arith.constant 0 : i32
    %cond3A_205 = arith.cmpi ne, %convert_element_type3A_203, %cond3A_204 : i32
    scf.if %cond3A_205 {
      %mul3A_304 = arith.constant 80 : i32
      %mul3A_305 = arith.muli %add3A_200, %mul3A_304 : i32
      %mul3A_306 = arith.constant 80 : i32
      %mul3A_307 = arith.muli %add3A_200, %mul3A_306 : i32
      %dma_start3A_308 = arith.constant 0 : i32
      %dma_start3A_309 = tpu.memref_slice %arg5[%arg0, %mul3A_307, %dma_start3A_308] : memref<2x10000x32xf32, #tpu.memory_space<hbm>> -> memref<1x80x32xf32, #tpu.memory_space<hbm>>
      %dma_start3A_310 = tpu.memref_squeeze %dma_start3A_309 : memref<1x80x32xf32, #tpu.memory_space<hbm>> -> memref<80x32xf32, #tpu.memory_space<hbm>>
      %dma_start3A_311 = arith.constant 0 : i32
      %dma_start3A_312 = tpu.memref_slice %arg6[%mul3A_305, %dma_start3A_311] : memref<10008x32xf32, #tpu.memory_space<vmem_shared>> -> memref<80x32xf32, #tpu.memory_space<vmem_shared>>
      tpu.enqueue_dma source(%dma_start3A_312 : memref<80x32xf32, #tpu.memory_space<vmem_shared>>) target(%dma_start3A_310 : memref<80x32xf32, #tpu.memory_space<hbm>>) target_semaphore(%arg32 : memref<!tpu.dma_semaphore, #tpu.memory_space<semaphore_mem>>)
    } else {
    }
    %add3A_206 = arith.constant 32 : i32
    %add3A_207 = arith.addi %arg1, %add3A_206 : i32
    %lt3A_208 = arith.constant 125 : i32
    %lt3A_209 = arith.cmpi slt, %add3A_207, %lt3A_208 : i32
    %convert_element_type3A_210 = arith.extui %lt3A_209 : i1 to i32
    %cond3A_211 = arith.constant 0 : i32
    %cond3A_212 = arith.cmpi ne, %convert_element_type3A_210, %cond3A_211 : i32
    scf.if %cond3A_212 {
      %mul3A_304 = arith.constant 80 : i32
      %mul3A_305 = arith.muli %add3A_207, %mul3A_304 : i32
      %mul3A_306 = arith.constant 80 : i32
      %mul3A_307 = arith.muli %add3A_207, %mul3A_306 : i32
      %dma_start3A_308 = arith.constant 0 : i32
      %dma_start3A_309 = tpu.memref_slice %arg5[%arg0, %mul3A_307, %dma_start3A_308] : memref<2x10000x32xf32, #tpu.memory_space<hbm>> -> memref<1x80x32xf32, #tpu.memory_space<hbm>>
      %dma_start3A_310 = tpu.memref_squeeze %dma_start3A_309 : memref<1x80x32xf32, #tpu.memory_space<hbm>> -> memref<80x32xf32, #tpu.memory_space<hbm>>
      %dma_start3A_311 = arith.constant 0 : i32
      %dma_start3A_312 = tpu.memref_slice %arg6[%mul3A_305, %dma_start3A_311] : memref<10008x32xf32, #tpu.memory_space<vmem_shared>> -> memref<80x32xf32, #tpu.memory_space<vmem_shared>>
      tpu.enqueue_dma source(%dma_start3A_312 : memref<80x32xf32, #tpu.memory_space<vmem_shared>>) target(%dma_start3A_310 : memref<80x32xf32, #tpu.memory_space<hbm>>) target_semaphore(%arg32 : memref<!tpu.dma_semaphore, #tpu.memory_space<semaphore_mem>>)
    } else {
    }
    %add3A_213 = arith.constant 48 : i32
    %add3A_214 = arith.addi %arg1, %add3A_213 : i32
    %lt3A_215 = arith.constant 125 : i32
    %lt3A_216 = arith.cmpi slt, %add3A_214, %lt3A_215 : i32
    %convert_element_type3A_217 = arith.extui %lt3A_216 : i1 to i32
    %cond3A_218 = arith.constant 0 : i32
    %cond3A_219 = arith.cmpi ne, %convert_element_type3A_217, %cond3A_218 : i32
    scf.if %cond3A_219 {
      %mul3A_304 = arith.constant 80 : i32
      %mul3A_305 = arith.muli %add3A_214, %mul3A_304 : i32
      %mul3A_306 = arith.constant 80 : i32
      %mul3A_307 = arith.muli %add3A_214, %mul3A_306 : i32
      %dma_start3A_308 = arith.constant 0 : i32
      %dma_start3A_309 = tpu.memref_slice %arg5[%arg0, %mul3A_307, %dma_start3A_308] : memref<2x10000x32xf32, #tpu.memory_space<hbm>> -> memref<1x80x32xf32, #tpu.memory_space<hbm>>
      %dma_start3A_310 = tpu.memref_squeeze %dma_start3A_309 : memref<1x80x32xf32, #tpu.memory_space<hbm>> -> memref<80x32xf32, #tpu.memory_space<hbm>>
      %dma_start3A_311 = arith.constant 0 : i32
      %dma_start3A_312 = tpu.memref_slice %arg6[%mul3A_305, %dma_start3A_311] : memref<10008x32xf32, #tpu.memory_space<vmem_shared>> -> memref<80x32xf32, #tpu.memory_space<vmem_shared>>
      tpu.enqueue_dma source(%dma_start3A_312 : memref<80x32xf32, #tpu.memory_space<vmem_shared>>) target(%dma_start3A_310 : memref<80x32xf32, #tpu.memory_space<hbm>>) target_semaphore(%arg32 : memref<!tpu.dma_semaphore, #tpu.memory_space<semaphore_mem>>)
    } else {
    }
    %add3A_220 = arith.constant 64 : i32
    %add3A_221 = arith.addi %arg1, %add3A_220 : i32
    %lt3A_222 = arith.constant 125 : i32
    %lt3A_223 = arith.cmpi slt, %add3A_221, %lt3A_222 : i32
    %convert_element_type3A_224 = arith.extui %lt3A_223 : i1 to i32
    %cond3A_225 = arith.constant 0 : i32
    %cond3A_226 = arith.cmpi ne, %convert_element_type3A_224, %cond3A_225 : i32
    scf.if %cond3A_226 {
      %mul3A_304 = arith.constant 80 : i32
      %mul3A_305 = arith.muli %add3A_221, %mul3A_304 : i32
      %mul3A_306 = arith.constant 80 : i32
      %mul3A_307 = arith.muli %add3A_221, %mul3A_306 : i32
      %dma_start3A_308 = arith.constant 0 : i32
      %dma_start3A_309 = tpu.memref_slice %arg5[%arg0, %mul3A_307, %dma_start3A_308] : memref<2x10000x32xf32, #tpu.memory_space<hbm>> -> memref<1x80x32xf32, #tpu.memory_space<hbm>>
      %dma_start3A_310 = tpu.memref_squeeze %dma_start3A_309 : memref<1x80x32xf32, #tpu.memory_space<hbm>> -> memref<80x32xf32, #tpu.memory_space<hbm>>
      %dma_start3A_311 = arith.constant 0 : i32
      %dma_start3A_312 = tpu.memref_slice %arg6[%mul3A_305, %dma_start3A_311] : memref<10008x32xf32, #tpu.memory_space<vmem_shared>> -> memref<80x32xf32, #tpu.memory_space<vmem_shared>>
      tpu.enqueue_dma source(%dma_start3A_312 : memref<80x32xf32, #tpu.memory_space<vmem_shared>>) target(%dma_start3A_310 : memref<80x32xf32, #tpu.memory_space<hbm>>) target_semaphore(%arg32 : memref<!tpu.dma_semaphore, #tpu.memory_space<semaphore_mem>>)
    } else {
    }
    %add3A_227 = arith.constant 80 : i32
    %add3A_228 = arith.addi %arg1, %add3A_227 : i32
    %lt3A_229 = arith.constant 125 : i32
    %lt3A_230 = arith.cmpi slt, %add3A_228, %lt3A_229 : i32
    %convert_element_type3A_231 = arith.extui %lt3A_230 : i1 to i32
    %cond3A_232 = arith.constant 0 : i32
    %cond3A_233 = arith.cmpi ne, %convert_element_type3A_231, %cond3A_232 : i32
    scf.if %cond3A_233 {
      %mul3A_304 = arith.constant 80 : i32
      %mul3A_305 = arith.muli %add3A_228, %mul3A_304 : i32
      %mul3A_306 = arith.constant 80 : i32
      %mul3A_307 = arith.muli %add3A_228, %mul3A_306 : i32
      %dma_start3A_308 = arith.constant 0 : i32
      %dma_start3A_309 = tpu.memref_slice %arg5[%arg0, %mul3A_307, %dma_start3A_308] : memref<2x10000x32xf32, #tpu.memory_space<hbm>> -> memref<1x80x32xf32, #tpu.memory_space<hbm>>
      %dma_start3A_310 = tpu.memref_squeeze %dma_start3A_309 : memref<1x80x32xf32, #tpu.memory_space<hbm>> -> memref<80x32xf32, #tpu.memory_space<hbm>>
      %dma_start3A_311 = arith.constant 0 : i32
      %dma_start3A_312 = tpu.memref_slice %arg6[%mul3A_305, %dma_start3A_311] : memref<10008x32xf32, #tpu.memory_space<vmem_shared>> -> memref<80x32xf32, #tpu.memory_space<vmem_shared>>
      tpu.enqueue_dma source(%dma_start3A_312 : memref<80x32xf32, #tpu.memory_space<vmem_shared>>) target(%dma_start3A_310 : memref<80x32xf32, #tpu.memory_space<hbm>>) target_semaphore(%arg32 : memref<!tpu.dma_semaphore, #tpu.memory_space<semaphore_mem>>)
    } else {
    }
    %add3A_234 = arith.constant 96 : i32
    %add3A_235 = arith.addi %arg1, %add3A_234 : i32
    %lt3A_236 = arith.constant 125 : i32
    %lt3A_237 = arith.cmpi slt, %add3A_235, %lt3A_236 : i32
    %convert_element_type3A_238 = arith.extui %lt3A_237 : i1 to i32
    %cond3A_239 = arith.constant 0 : i32
    %cond3A_240 = arith.cmpi ne, %convert_element_type3A_238, %cond3A_239 : i32
    scf.if %cond3A_240 {
      %mul3A_304 = arith.constant 80 : i32
      %mul3A_305 = arith.muli %add3A_235, %mul3A_304 : i32
      %mul3A_306 = arith.constant 80 : i32
      %mul3A_307 = arith.muli %add3A_235, %mul3A_306 : i32
      %dma_start3A_308 = arith.constant 0 : i32
      %dma_start3A_309 = tpu.memref_slice %arg5[%arg0, %mul3A_307, %dma_start3A_308] : memref<2x10000x32xf32, #tpu.memory_space<hbm>> -> memref<1x80x32xf32, #tpu.memory_space<hbm>>
      %dma_start3A_310 = tpu.memref_squeeze %dma_start3A_309 : memref<1x80x32xf32, #tpu.memory_space<hbm>> -> memref<80x32xf32, #tpu.memory_space<hbm>>
      %dma_start3A_311 = arith.constant 0 : i32
      %dma_start3A_312 = tpu.memref_slice %arg6[%mul3A_305, %dma_start3A_311] : memref<10008x32xf32, #tpu.memory_space<vmem_shared>> -> memref<80x32xf32, #tpu.memory_space<vmem_shared>>
      tpu.enqueue_dma source(%dma_start3A_312 : memref<80x32xf32, #tpu.memory_space<vmem_shared>>) target(%dma_start3A_310 : memref<80x32xf32, #tpu.memory_space<hbm>>) target_semaphore(%arg32 : memref<!tpu.dma_semaphore, #tpu.memory_space<semaphore_mem>>)
    } else {
    }
    %add3A_241 = arith.constant 112 : i32
    %add3A_242 = arith.addi %arg1, %add3A_241 : i32
    %lt3A_243 = arith.constant 125 : i32
    %lt3A_244 = arith.cmpi slt, %add3A_242, %lt3A_243 : i32
    %convert_element_type3A_245 = arith.extui %lt3A_244 : i1 to i32
    %cond3A_246 = arith.constant 0 : i32
    %cond3A_247 = arith.cmpi ne, %convert_element_type3A_245, %cond3A_246 : i32
    scf.if %cond3A_247 {
      %mul3A_304 = arith.constant 80 : i32
      %mul3A_305 = arith.muli %add3A_242, %mul3A_304 : i32
      %mul3A_306 = arith.constant 80 : i32
      %mul3A_307 = arith.muli %add3A_242, %mul3A_306 : i32
      %dma_start3A_308 = arith.constant 0 : i32
      %dma_start3A_309 = tpu.memref_slice %arg5[%arg0, %mul3A_307, %dma_start3A_308] : memref<2x10000x32xf32, #tpu.memory_space<hbm>> -> memref<1x80x32xf32, #tpu.memory_space<hbm>>
      %dma_start3A_310 = tpu.memref_squeeze %dma_start3A_309 : memref<1x80x32xf32, #tpu.memory_space<hbm>> -> memref<80x32xf32, #tpu.memory_space<hbm>>
      %dma_start3A_311 = arith.constant 0 : i32
      %dma_start3A_312 = tpu.memref_slice %arg6[%mul3A_305, %dma_start3A_311] : memref<10008x32xf32, #tpu.memory_space<vmem_shared>> -> memref<80x32xf32, #tpu.memory_space<vmem_shared>>
      tpu.enqueue_dma source(%dma_start3A_312 : memref<80x32xf32, #tpu.memory_space<vmem_shared>>) target(%dma_start3A_310 : memref<80x32xf32, #tpu.memory_space<hbm>>) target_semaphore(%arg32 : memref<!tpu.dma_semaphore, #tpu.memory_space<semaphore_mem>>)
    } else {
    }
    %add3A_248 = arith.constant 0 : i32
    %add3A_249 = arith.addi %arg1, %add3A_248 : i32
    %lt3A_250 = arith.constant 125 : i32
    %lt3A_251 = arith.cmpi slt, %add3A_249, %lt3A_250 : i32
    %convert_element_type3A_252 = arith.extui %lt3A_251 : i1 to i32
    %cond3A_253 = arith.constant 0 : i32
    %cond3A_254 = arith.cmpi ne, %convert_element_type3A_252, %cond3A_253 : i32
    scf.if %cond3A_254 {
      %mul3A_304 = arith.constant 80 : i32
      %mul3A_305 = arith.muli %add3A_249, %mul3A_304 : i32
      %mul3A_306 = arith.constant 80 : i32
      %mul3A_307 = arith.muli %add3A_249, %mul3A_306 : i32
      %dma_wait3A_308 = arith.constant 0 : i32
      %dma_wait3A_309 = tpu.memref_slice %arg5[%arg0, %mul3A_307, %dma_wait3A_308] : memref<2x10000x32xf32, #tpu.memory_space<hbm>> -> memref<1x80x32xf32, #tpu.memory_space<hbm>>
      %dma_wait3A_310 = tpu.memref_squeeze %dma_wait3A_309 : memref<1x80x32xf32, #tpu.memory_space<hbm>> -> memref<80x32xf32, #tpu.memory_space<hbm>>
      %dma_wait3A_311 = arith.constant 0 : i32
      %dma_wait3A_312 = tpu.memref_slice %arg6[%mul3A_305, %dma_wait3A_311] : memref<10008x32xf32, #tpu.memory_space<vmem_shared>> -> memref<80x32xf32, #tpu.memory_space<vmem_shared>>
      tpu.wait_dma2 semaphore(%arg32 : memref<!tpu.dma_semaphore, #tpu.memory_space<semaphore_mem>>) src(%dma_wait3A_312 : memref<80x32xf32, #tpu.memory_space<vmem_shared>>) dst(%dma_wait3A_310 : memref<80x32xf32, #tpu.memory_space<hbm>>)
    } else {
    }
    %add3A_255 = arith.constant 16 : i32
    %add3A_256 = arith.addi %arg1, %add3A_255 : i32
    %lt3A_257 = arith.constant 125 : i32
    %lt3A_258 = arith.cmpi slt, %add3A_256, %lt3A_257 : i32
    %convert_element_type3A_259 = arith.extui %lt3A_258 : i1 to i32
    %cond3A_260 = arith.constant 0 : i32
    %cond3A_261 = arith.cmpi ne, %convert_element_type3A_259, %cond3A_260 : i32
    scf.if %cond3A_261 {
      %mul3A_304 = arith.constant 80 : i32
      %mul3A_305 = arith.muli %add3A_256, %mul3A_304 : i32
      %mul3A_306 = arith.constant 80 : i32
      %mul3A_307 = arith.muli %add3A_256, %mul3A_306 : i32
      %dma_wait3A_308 = arith.constant 0 : i32
      %dma_wait3A_309 = tpu.memref_slice %arg5[%arg0, %mul3A_307, %dma_wait3A_308] : memref<2x10000x32xf32, #tpu.memory_space<hbm>> -> memref<1x80x32xf32, #tpu.memory_space<hbm>>
      %dma_wait3A_310 = tpu.memref_squeeze %dma_wait3A_309 : memref<1x80x32xf32, #tpu.memory_space<hbm>> -> memref<80x32xf32, #tpu.memory_space<hbm>>
      %dma_wait3A_311 = arith.constant 0 : i32
      %dma_wait3A_312 = tpu.memref_slice %arg6[%mul3A_305, %dma_wait3A_311] : memref<10008x32xf32, #tpu.memory_space<vmem_shared>> -> memref<80x32xf32, #tpu.memory_space<vmem_shared>>
      tpu.wait_dma2 semaphore(%arg32 : memref<!tpu.dma_semaphore, #tpu.memory_space<semaphore_mem>>) src(%dma_wait3A_312 : memref<80x32xf32, #tpu.memory_space<vmem_shared>>) dst(%dma_wait3A_310 : memref<80x32xf32, #tpu.memory_space<hbm>>)
    } else {
    }
    %add3A_262 = arith.constant 32 : i32
    %add3A_263 = arith.addi %arg1, %add3A_262 : i32
    %lt3A_264 = arith.constant 125 : i32
    %lt3A_265 = arith.cmpi slt, %add3A_263, %lt3A_264 : i32
    %convert_element_type3A_266 = arith.extui %lt3A_265 : i1 to i32
    %cond3A_267 = arith.constant 0 : i32
    %cond3A_268 = arith.cmpi ne, %convert_element_type3A_266, %cond3A_267 : i32
    scf.if %cond3A_268 {
      %mul3A_304 = arith.constant 80 : i32
      %mul3A_305 = arith.muli %add3A_263, %mul3A_304 : i32
      %mul3A_306 = arith.constant 80 : i32
      %mul3A_307 = arith.muli %add3A_263, %mul3A_306 : i32
      %dma_wait3A_308 = arith.constant 0 : i32
      %dma_wait3A_309 = tpu.memref_slice %arg5[%arg0, %mul3A_307, %dma_wait3A_308] : memref<2x10000x32xf32, #tpu.memory_space<hbm>> -> memref<1x80x32xf32, #tpu.memory_space<hbm>>
      %dma_wait3A_310 = tpu.memref_squeeze %dma_wait3A_309 : memref<1x80x32xf32, #tpu.memory_space<hbm>> -> memref<80x32xf32, #tpu.memory_space<hbm>>
      %dma_wait3A_311 = arith.constant 0 : i32
      %dma_wait3A_312 = tpu.memref_slice %arg6[%mul3A_305, %dma_wait3A_311] : memref<10008x32xf32, #tpu.memory_space<vmem_shared>> -> memref<80x32xf32, #tpu.memory_space<vmem_shared>>
      tpu.wait_dma2 semaphore(%arg32 : memref<!tpu.dma_semaphore, #tpu.memory_space<semaphore_mem>>) src(%dma_wait3A_312 : memref<80x32xf32, #tpu.memory_space<vmem_shared>>) dst(%dma_wait3A_310 : memref<80x32xf32, #tpu.memory_space<hbm>>)
    } else {
    }
    %add3A_269 = arith.constant 48 : i32
    %add3A_270 = arith.addi %arg1, %add3A_269 : i32
    %lt3A_271 = arith.constant 125 : i32
    %lt3A_272 = arith.cmpi slt, %add3A_270, %lt3A_271 : i32
    %convert_element_type3A_273 = arith.extui %lt3A_272 : i1 to i32
    %cond3A_274 = arith.constant 0 : i32
    %cond3A_275 = arith.cmpi ne, %convert_element_type3A_273, %cond3A_274 : i32
    scf.if %cond3A_275 {
      %mul3A_304 = arith.constant 80 : i32
      %mul3A_305 = arith.muli %add3A_270, %mul3A_304 : i32
      %mul3A_306 = arith.constant 80 : i32
      %mul3A_307 = arith.muli %add3A_270, %mul3A_306 : i32
      %dma_wait3A_308 = arith.constant 0 : i32
      %dma_wait3A_309 = tpu.memref_slice %arg5[%arg0, %mul3A_307, %dma_wait3A_308] : memref<2x10000x32xf32, #tpu.memory_space<hbm>> -> memref<1x80x32xf32, #tpu.memory_space<hbm>>
      %dma_wait3A_310 = tpu.memref_squeeze %dma_wait3A_309 : memref<1x80x32xf32, #tpu.memory_space<hbm>> -> memref<80x32xf32, #tpu.memory_space<hbm>>
      %dma_wait3A_311 = arith.constant 0 : i32
      %dma_wait3A_312 = tpu.memref_slice %arg6[%mul3A_305, %dma_wait3A_311] : memref<10008x32xf32, #tpu.memory_space<vmem_shared>> -> memref<80x32xf32, #tpu.memory_space<vmem_shared>>
      tpu.wait_dma2 semaphore(%arg32 : memref<!tpu.dma_semaphore, #tpu.memory_space<semaphore_mem>>) src(%dma_wait3A_312 : memref<80x32xf32, #tpu.memory_space<vmem_shared>>) dst(%dma_wait3A_310 : memref<80x32xf32, #tpu.memory_space<hbm>>)
    } else {
    }
    %add3A_276 = arith.constant 64 : i32
    %add3A_277 = arith.addi %arg1, %add3A_276 : i32
    %lt3A_278 = arith.constant 125 : i32
    %lt3A_279 = arith.cmpi slt, %add3A_277, %lt3A_278 : i32
    %convert_element_type3A_280 = arith.extui %lt3A_279 : i1 to i32
    %cond3A_281 = arith.constant 0 : i32
    %cond3A_282 = arith.cmpi ne, %convert_element_type3A_280, %cond3A_281 : i32
    scf.if %cond3A_282 {
      %mul3A_304 = arith.constant 80 : i32
      %mul3A_305 = arith.muli %add3A_277, %mul3A_304 : i32
      %mul3A_306 = arith.constant 80 : i32
      %mul3A_307 = arith.muli %add3A_277, %mul3A_306 : i32
      %dma_wait3A_308 = arith.constant 0 : i32
      %dma_wait3A_309 = tpu.memref_slice %arg5[%arg0, %mul3A_307, %dma_wait3A_308] : memref<2x10000x32xf32, #tpu.memory_space<hbm>> -> memref<1x80x32xf32, #tpu.memory_space<hbm>>
      %dma_wait3A_310 = tpu.memref_squeeze %dma_wait3A_309 : memref<1x80x32xf32, #tpu.memory_space<hbm>> -> memref<80x32xf32, #tpu.memory_space<hbm>>
      %dma_wait3A_311 = arith.constant 0 : i32
      %dma_wait3A_312 = tpu.memref_slice %arg6[%mul3A_305, %dma_wait3A_311] : memref<10008x32xf32, #tpu.memory_space<vmem_shared>> -> memref<80x32xf32, #tpu.memory_space<vmem_shared>>
      tpu.wait_dma2 semaphore(%arg32 : memref<!tpu.dma_semaphore, #tpu.memory_space<semaphore_mem>>) src(%dma_wait3A_312 : memref<80x32xf32, #tpu.memory_space<vmem_shared>>) dst(%dma_wait3A_310 : memref<80x32xf32, #tpu.memory_space<hbm>>)
    } else {
    }
    %add3A_283 = arith.constant 80 : i32
    %add3A_284 = arith.addi %arg1, %add3A_283 : i32
    %lt3A_285 = arith.constant 125 : i32
    %lt3A_286 = arith.cmpi slt, %add3A_284, %lt3A_285 : i32
    %convert_element_type3A_287 = arith.extui %lt3A_286 : i1 to i32
    %cond3A_288 = arith.constant 0 : i32
    %cond3A_289 = arith.cmpi ne, %convert_element_type3A_287, %cond3A_288 : i32
    scf.if %cond3A_289 {
      %mul3A_304 = arith.constant 80 : i32
      %mul3A_305 = arith.muli %add3A_284, %mul3A_304 : i32
      %mul3A_306 = arith.constant 80 : i32
      %mul3A_307 = arith.muli %add3A_284, %mul3A_306 : i32
      %dma_wait3A_308 = arith.constant 0 : i32
      %dma_wait3A_309 = tpu.memref_slice %arg5[%arg0, %mul3A_307, %dma_wait3A_308] : memref<2x10000x32xf32, #tpu.memory_space<hbm>> -> memref<1x80x32xf32, #tpu.memory_space<hbm>>
      %dma_wait3A_310 = tpu.memref_squeeze %dma_wait3A_309 : memref<1x80x32xf32, #tpu.memory_space<hbm>> -> memref<80x32xf32, #tpu.memory_space<hbm>>
      %dma_wait3A_311 = arith.constant 0 : i32
      %dma_wait3A_312 = tpu.memref_slice %arg6[%mul3A_305, %dma_wait3A_311] : memref<10008x32xf32, #tpu.memory_space<vmem_shared>> -> memref<80x32xf32, #tpu.memory_space<vmem_shared>>
      tpu.wait_dma2 semaphore(%arg32 : memref<!tpu.dma_semaphore, #tpu.memory_space<semaphore_mem>>) src(%dma_wait3A_312 : memref<80x32xf32, #tpu.memory_space<vmem_shared>>) dst(%dma_wait3A_310 : memref<80x32xf32, #tpu.memory_space<hbm>>)
    } else {
    }
    %add3A_290 = arith.constant 96 : i32
    %add3A_291 = arith.addi %arg1, %add3A_290 : i32
    %lt3A_292 = arith.constant 125 : i32
    %lt3A_293 = arith.cmpi slt, %add3A_291, %lt3A_292 : i32
    %convert_element_type3A_294 = arith.extui %lt3A_293 : i1 to i32
    %cond3A_295 = arith.constant 0 : i32
    %cond3A_296 = arith.cmpi ne, %convert_element_type3A_294, %cond3A_295 : i32
    scf.if %cond3A_296 {
      %mul3A_304 = arith.constant 80 : i32
      %mul3A_305 = arith.muli %add3A_291, %mul3A_304 : i32
      %mul3A_306 = arith.constant 80 : i32
      %mul3A_307 = arith.muli %add3A_291, %mul3A_306 : i32
      %dma_wait3A_308 = arith.constant 0 : i32
      %dma_wait3A_309 = tpu.memref_slice %arg5[%arg0, %mul3A_307, %dma_wait3A_308] : memref<2x10000x32xf32, #tpu.memory_space<hbm>> -> memref<1x80x32xf32, #tpu.memory_space<hbm>>
      %dma_wait3A_310 = tpu.memref_squeeze %dma_wait3A_309 : memref<1x80x32xf32, #tpu.memory_space<hbm>> -> memref<80x32xf32, #tpu.memory_space<hbm>>
      %dma_wait3A_311 = arith.constant 0 : i32
      %dma_wait3A_312 = tpu.memref_slice %arg6[%mul3A_305, %dma_wait3A_311] : memref<10008x32xf32, #tpu.memory_space<vmem_shared>> -> memref<80x32xf32, #tpu.memory_space<vmem_shared>>
      tpu.wait_dma2 semaphore(%arg32 : memref<!tpu.dma_semaphore, #tpu.memory_space<semaphore_mem>>) src(%dma_wait3A_312 : memref<80x32xf32, #tpu.memory_space<vmem_shared>>) dst(%dma_wait3A_310 : memref<80x32xf32, #tpu.memory_space<hbm>>)
    } else {
    }
    %add3A_297 = arith.constant 112 : i32
    %add3A_298 = arith.addi %arg1, %add3A_297 : i32
    %lt3A_299 = arith.constant 125 : i32
    %lt3A_300 = arith.cmpi slt, %add3A_298, %lt3A_299 : i32
    %convert_element_type3A_301 = arith.extui %lt3A_300 : i1 to i32
    %cond3A_302 = arith.constant 0 : i32
    %cond3A_303 = arith.cmpi ne, %convert_element_type3A_301, %cond3A_302 : i32
    scf.if %cond3A_303 {
      %mul3A_304 = arith.constant 80 : i32
      %mul3A_305 = arith.muli %add3A_298, %mul3A_304 : i32
      %mul3A_306 = arith.constant 80 : i32
      %mul3A_307 = arith.muli %add3A_298, %mul3A_306 : i32
      %dma_wait3A_308 = arith.constant 0 : i32
      %dma_wait3A_309 = tpu.memref_slice %arg5[%arg0, %mul3A_307, %dma_wait3A_308] : memref<2x10000x32xf32, #tpu.memory_space<hbm>> -> memref<1x80x32xf32, #tpu.memory_space<hbm>>
      %dma_wait3A_310 = tpu.memref_squeeze %dma_wait3A_309 : memref<1x80x32xf32, #tpu.memory_space<hbm>> -> memref<80x32xf32, #tpu.memory_space<hbm>>
      %dma_wait3A_311 = arith.constant 0 : i32
      %dma_wait3A_312 = tpu.memref_slice %arg6[%mul3A_305, %dma_wait3A_311] : memref<10008x32xf32, #tpu.memory_space<vmem_shared>> -> memref<80x32xf32, #tpu.memory_space<vmem_shared>>
      tpu.wait_dma2 semaphore(%arg32 : memref<!tpu.dma_semaphore, #tpu.memory_space<semaphore_mem>>) src(%dma_wait3A_312 : memref<80x32xf32, #tpu.memory_space<vmem_shared>>) dst(%dma_wait3A_310 : memref<80x32xf32, #tpu.memory_space<hbm>>)
    } else {
    }
    return
  }
}

module attributes {stable_mosaic.version = 14 : i64} {
  func.func @_proj1_body(%arg0: memref<10000x128xf32, #tpu.memory_space<vmem>>, %arg1: memref<128x100xf32, #tpu.memory_space<vmem>>, %arg2: memref<10000x104xf32, #tpu.memory_space<vmem>>) attributes {dimension_semantics = [], scalar_prefetch = 0 : i64, scratch_operands = 0 : i64, tpu.core_type = #tpu.core_type<tc>} {
    %get3A = arith.constant 0 : index
    %get3A_0 = arith.constant 0 : index
    %get3A_1 = vector.load %arg0[%get3A, %get3A_0] : memref<10000x128xf32, #tpu.memory_space<vmem>>, vector<10000x128xf32>
    %get3A_2 = arith.constant 0 : index
    %get3A_3 = arith.constant 0 : index
    %get3A_4 = vector.load %arg1[%get3A_2, %get3A_3] : memref<128x100xf32, #tpu.memory_space<vmem>>, vector<128x100xf32>
    %dot_general3A = arith.constant dense<0.000000e+00> : vector<10000x100xf32>
    %dot_general3A_5 = tpu.matmul %get3A_1, %get3A_4, %dot_general3A {dimension_numbers = #tpu.dot_dimension_numbers<[1], [0], [0], [1], [0, 0, 1, 1], [], []>, transpose_lhs_hint = false} : vector<10000x128xf32>, vector<128x100xf32>, vector<10000x100xf32> -> vector<10000x100xf32>
    %jit3A = arith.constant 0 : i32
    %convert_element_type3A = arith.sitofp %jit3A : i32 to f32
    %pad3A = vector.broadcast %convert_element_type3A : f32 to vector<10000x4xf32>
    %pad3A_6 = tpu.concatenate %dot_general3A_5, %pad3A in 1 : vector<10000x100xf32>, vector<10000x4xf32> -> vector<10000x104xf32>
    %iota3A = tpu.iota {dimensions = array<i32: 1>} : vector<10000x104xi32>
    %eq3A = arith.constant 100 : i32
    %eq3A_7 = vector.broadcast %eq3A : i32 to vector<10000x104xi32>
    %eq3A_8 = arith.cmpi eq, %iota3A, %eq3A_7 : vector<10000x104xi32>
    %jit3A_9 = arith.constant 1.000000e+00 : f32
    %broadcast_in_dim3A = vector.broadcast %jit3A_9 : f32 to vector<10000x104xf32>
    %select_n3A = arith.select %eq3A_8, %broadcast_in_dim3A, %pad3A_6 : vector<10000x104xi1>, vector<10000x104xf32>
    %swap3A = arith.constant 0 : index
    %swap3A_10 = arith.constant 0 : index
    %swap3A_11 = vector.load %arg2[%swap3A, %swap3A_10] : memref<10000x104xf32, #tpu.memory_space<vmem>>, vector<10000x104xf32>
    tpu.vector_store %arg2[%swap3A, %swap3A_10], %select_n3A {strides = array<i32>} : memref<10000x104xf32, #tpu.memory_space<vmem>>, vector<10000x104xf32>,
    return
  }
}

module attributes {stable_mosaic.version = 14 : i64} {
  func.func @_mid_body(%arg0: memref<2x10000x104xf32, #tpu.memory_space<vmem>>, %arg1: memref<100x20xf32, #tpu.memory_space<vmem>>, %arg2: memref<1x100xf32, #tpu.memory_space<vmem>>, %arg3: memref<10000x32xf32, #tpu.memory_space<vmem>>) attributes {dimension_semantics = [], scalar_prefetch = 0 : i64, scratch_operands = 0 : i64, tpu.core_type = #tpu.core_type<tc>} {
    %get3A = arith.constant 0 : index
    %get3A_0 = arith.constant 0 : index
    %get3A_1 = arith.constant 0 : index
    %get3A_2 = vector.load %arg0[%get3A, %get3A_0, %get3A_1] : memref<2x10000x104xf32, #tpu.memory_space<vmem>>, vector<1x10000x104xf32>
    %get3A_3 = vector.shape_cast %get3A_2 : vector<1x10000x104xf32> to vector<10000x104xf32>
    %get3A_4 = arith.constant 1 : index
    %get3A_5 = arith.constant 0 : index
    %get3A_6 = arith.constant 0 : index
    %get3A_7 = vector.load %arg0[%get3A_4, %get3A_5, %get3A_6] : memref<2x10000x104xf32, #tpu.memory_space<vmem>>, vector<1x10000x104xf32>
    %get3A_8 = vector.shape_cast %get3A_7 : vector<1x10000x104xf32> to vector<10000x104xf32>
    %add3A = arith.addf %get3A_3, %get3A_8 : vector<10000x104xf32>
    %slice3A = vector.extract_strided_slice %add3A {offsets = [0, 100], sizes = [10000, 1], strides = [1, 1]} : vector<10000x104xf32> to vector<10000x1xf32>
    %max3A = arith.constant 1.000000e+00 : f32
    %max3A_9 = vector.broadcast %max3A : f32 to vector<10000x1xf32>
    %max3A_10 = arith.maximumf %slice3A, %max3A_9 : vector<10000x1xf32>
    %slice3A_11 = vector.extract_strided_slice %add3A {offsets = [0, 0], sizes = [10000, 100], strides = [1, 1]} : vector<10000x104xf32> to vector<10000x100xf32>
    %div3A = arith.constant 1.000000e+00 : f32
    %div3A_12 = vector.broadcast %div3A : f32 to vector<10000x1xf32>
    %div3A_13 = arith.divf %div3A_12, %max3A_10 : vector<10000x1xf32>
    %mul3A = vector.broadcast %div3A_13 : vector<10000x1xf32> to vector<10000x100xf32>
    %mul3A_14 = arith.mulf %slice3A_11, %mul3A : vector<10000x100xf32>
    %get3A_15 = arith.constant 0 : index
    %get3A_16 = arith.constant 0 : index
    %get3A_17 = vector.load %arg2[%get3A_15, %get3A_16] : memref<1x100xf32, #tpu.memory_space<vmem>>, vector<1x100xf32>
    %add3A_18 = vector.broadcast %get3A_17 : vector<1x100xf32> to vector<10000x100xf32>
    %add3A_19 = arith.addf %mul3A_14, %add3A_18 : vector<10000x100xf32>
    %max3A_20 = arith.constant 0.000000e+00 : f32
    %max3A_21 = vector.broadcast %max3A_20 : f32 to vector<10000x100xf32>
    %max3A_22 = arith.maximumf %add3A_19, %max3A_21 : vector<10000x100xf32>
    %get3A_23 = arith.constant 0 : index
    %get3A_24 = arith.constant 0 : index
    %get3A_25 = vector.load %arg1[%get3A_23, %get3A_24] : memref<100x20xf32, #tpu.memory_space<vmem>>, vector<100x20xf32>
    %dot_general3A = arith.constant dense<0.000000e+00> : vector<10000x20xf32>
    %dot_general3A_26 = tpu.matmul %max3A_22, %get3A_25, %dot_general3A {dimension_numbers = #tpu.dot_dimension_numbers<[1], [0], [0], [1], [0, 0, 1, 1], [], []>, transpose_lhs_hint = false} : vector<10000x100xf32>, vector<100x20xf32>, vector<10000x20xf32> -> vector<10000x20xf32>
    %jit3A = arith.constant 0 : i32
    %convert_element_type3A = arith.sitofp %jit3A : i32 to f32
    %pad3A = vector.broadcast %convert_element_type3A : f32 to vector<10000x12xf32>
    %pad3A_27 = tpu.concatenate %dot_general3A_26, %pad3A in 1 : vector<10000x20xf32>, vector<10000x12xf32> -> vector<10000x32xf32>
    %iota3A = tpu.iota {dimensions = array<i32: 1>} : vector<10000x32xi32>
    %eq3A = arith.constant 20 : i32
    %eq3A_28 = vector.broadcast %eq3A : i32 to vector<10000x32xi32>
    %eq3A_29 = arith.cmpi eq, %iota3A, %eq3A_28 : vector<10000x32xi32>
    %jit3A_30 = arith.constant 1.000000e+00 : f32
    %broadcast_in_dim3A = vector.broadcast %jit3A_30 : f32 to vector<10000x32xf32>
    %select_n3A = arith.select %eq3A_29, %broadcast_in_dim3A, %pad3A_27 : vector<10000x32xi1>, vector<10000x32xf32>
    %swap3A = arith.constant 0 : index
    %swap3A_31 = arith.constant 0 : index
    %swap3A_32 = vector.load %arg3[%swap3A, %swap3A_31] : memref<10000x32xf32, #tpu.memory_space<vmem>>, vector<10000x32xf32>
    tpu.vector_store %arg3[%swap3A, %swap3A_31], %select_n3A {strides = array<i32>} : memref<10000x32xf32, #tpu.memory_space<vmem>>, vector<10000x32xf32>,
    return
  }
}

module attributes {stable_mosaic.version = 14 : i64} {
  func.func @_tail_body(%arg0: memref<2x10000x32xf32, #tpu.memory_space<vmem>>, %arg1: memref<1x10000xi32, #tpu.memory_space<vmem>>, %arg2: memref<1x20xf32, #tpu.memory_space<vmem>>, %arg3: memref<100x200xf32, #tpu.memory_space<vmem>>, %arg4: memref<20x64xf32, #tpu.memory_space<vmem>>, %arg5: memref<1x64xf32, #tpu.memory_space<vmem>>, %arg6: memref<200x64xf32, #tpu.memory_space<vmem>>, %arg7: memref<1x64xf32, #tpu.memory_space<vmem>>, %arg8: memref<64x64xf32, #tpu.memory_space<vmem>>, %arg9: memref<21x201x128xf32, #tpu.memory_space<vmem>>, %arg10: memref<1x128xf32, #tpu.memory_space<vmem>>, %arg11: memref<128x32xf32, #tpu.memory_space<vmem>>, %arg12: memref<1x32xf32, #tpu.memory_space<vmem>>, %arg13: memref<32x1xf32, #tpu.memory_space<vmem>>, %arg14: memref<1x1xf32, #tpu.memory_space<vmem>>, %arg15: memref<100x1xf32, #tpu.memory_space<vmem>>) attributes {dimension_semantics = [], scalar_prefetch = 0 : i64, scratch_operands = 0 : i64, tpu.core_type = #tpu.core_type<tc>} {
    %get3A = arith.constant 0 : index
    %get3A_0 = arith.constant 0 : index
    %get3A_1 = arith.constant 0 : index
    %get3A_2 = vector.load %arg0[%get3A, %get3A_0, %get3A_1] : memref<2x10000x32xf32, #tpu.memory_space<vmem>>, vector<1x10000x32xf32>
    %get3A_3 = vector.shape_cast %get3A_2 : vector<1x10000x32xf32> to vector<10000x32xf32>
    %get3A_4 = arith.constant 1 : index
    %get3A_5 = arith.constant 0 : index
    %get3A_6 = arith.constant 0 : index
    %get3A_7 = vector.load %arg0[%get3A_4, %get3A_5, %get3A_6] : memref<2x10000x32xf32, #tpu.memory_space<vmem>>, vector<1x10000x32xf32>
    %get3A_8 = vector.shape_cast %get3A_7 : vector<1x10000x32xf32> to vector<10000x32xf32>
    %add3A = arith.addf %get3A_3, %get3A_8 : vector<10000x32xf32>
    %slice3A = vector.extract_strided_slice %add3A {offsets = [0, 20], sizes = [10000, 1], strides = [1, 1]} : vector<10000x32xf32> to vector<10000x1xf32>
    %max3A = arith.constant 1.000000e+00 : f32
    %max3A_9 = vector.broadcast %max3A : f32 to vector<10000x1xf32>
    %max3A_10 = arith.maximumf %slice3A, %max3A_9 : vector<10000x1xf32>
    %slice3A_11 = vector.extract_strided_slice %add3A {offsets = [0, 0], sizes = [10000, 20], strides = [1, 1]} : vector<10000x32xf32> to vector<10000x20xf32>
    %div3A = arith.constant 1.000000e+00 : f32
    %div3A_12 = vector.broadcast %div3A : f32 to vector<10000x1xf32>
    %div3A_13 = arith.divf %div3A_12, %max3A_10 : vector<10000x1xf32>
    %mul3A = vector.broadcast %div3A_13 : vector<10000x1xf32> to vector<10000x20xf32>
    %mul3A_14 = arith.mulf %slice3A_11, %mul3A : vector<10000x20xf32>
    %get3A_15 = arith.constant 0 : index
    %get3A_16 = arith.constant 0 : index
    %get3A_17 = vector.load %arg2[%get3A_15, %get3A_16] : memref<1x20xf32, #tpu.memory_space<vmem>>, vector<1x20xf32>
    %add3A_18 = vector.broadcast %get3A_17 : vector<1x20xf32> to vector<10000x20xf32>
    %add3A_19 = arith.addf %mul3A_14, %add3A_18 : vector<10000x20xf32>
    %max3A_20 = arith.constant 0.000000e+00 : f32
    %max3A_21 = vector.broadcast %max3A_20 : f32 to vector<10000x20xf32>
    %max3A_22 = arith.maximumf %add3A_19, %max3A_21 : vector<10000x20xf32>
    %jit3A = arith.constant 0 : i32
    %convert_element_type3A = arith.sitofp %jit3A : i32 to f32
    %pad3A = vector.broadcast %convert_element_type3A : f32 to vector<10000x12xf32>
    %pad3A_23 = tpu.concatenate %max3A_22, %pad3A in 1 : vector<10000x20xf32>, vector<10000x12xf32> -> vector<10000x32xf32>
    %iota3A = tpu.iota {dimensions = array<i32: 1>} : vector<10000x32xi32>
    %eq3A = arith.constant 20 : i32
    %eq3A_24 = vector.broadcast %eq3A : i32 to vector<10000x32xi32>
    %eq3A_25 = arith.cmpi eq, %iota3A, %eq3A_24 : vector<10000x32xi32>
    %jit3A_26 = arith.constant 1.000000e+00 : f32
    %broadcast_in_dim3A = vector.broadcast %jit3A_26 : f32 to vector<10000x32xf32>
    %select_n3A = arith.select %eq3A_25, %broadcast_in_dim3A, %pad3A_23 : vector<10000x32xi1>, vector<10000x32xf32>
    %get3A_27 = arith.constant 0 : index
    %get3A_28 = arith.constant 0 : index
    %get3A_29 = vector.load %arg1[%get3A_27, %get3A_28] : memref<1x10000xi32, #tpu.memory_space<vmem>>, vector<1x10000xi32>
    %iota3A_30 = tpu.iota {dimensions = array<i32: 0>} : vector<100x10000xi32>
    %eq3A_31 = vector.broadcast %get3A_29 : vector<1x10000xi32> to vector<100x10000xi32>
    %eq3A_32 = arith.cmpi eq, %iota3A_30, %eq3A_31 : vector<100x10000xi32>
    %convert_element_type3A_33 = arith.extui %eq3A_32 : vector<100x10000xi1> to vector<100x10000xi32>
    %convert_element_type3A_34 = arith.sitofp %convert_element_type3A_33 : vector<100x10000xi32> to vector<100x10000xf32>
    %dot_general3A = arith.constant dense<0.000000e+00> : vector<100x32xf32>
    %dot_general3A_35 = tpu.matmul %convert_element_type3A_34, %select_n3A, %dot_general3A {dimension_numbers = #tpu.dot_dimension_numbers<[1], [0], [0], [1], [0, 0, 1, 1], [], []>, transpose_lhs_hint = false} : vector<100x10000xf32>, vector<10000x32xf32>, vector<100x32xf32> -> vector<100x32xf32>
    %slice3A_36 = vector.extract_strided_slice %dot_general3A_35 {offsets = [0, 20], sizes = [100, 1], strides = [1, 1]} : vector<100x32xf32> to vector<100x1xf32>
    %max3A_37 = arith.constant 1.000000e+00 : f32
    %max3A_38 = vector.broadcast %max3A_37 : f32 to vector<100x1xf32>
    %max3A_39 = arith.maximumf %slice3A_36, %max3A_38 : vector<100x1xf32>
    %div3A_40 = arith.constant 1.000000e+00 : f32
    %div3A_41 = vector.broadcast %div3A_40 : f32 to vector<100x1xf32>
    %div3A_42 = arith.divf %div3A_41, %max3A_39 : vector<100x1xf32>
    %mul3A_43 = vector.broadcast %div3A_42 : vector<100x1xf32> to vector<100x32xf32>
    %mul3A_44 = arith.mulf %dot_general3A_35, %mul3A_43 : vector<100x32xf32>
    %slice3A_45 = vector.extract_strided_slice %mul3A_44 {offsets = [0, 0], sizes = [100, 20], strides = [1, 1]} : vector<100x32xf32> to vector<100x20xf32>
    %get3A_46 = arith.constant 0 : index
    %get3A_47 = arith.constant 0 : index
    %get3A_48 = vector.load %arg4[%get3A_46, %get3A_47] : memref<20x64xf32, #tpu.memory_space<vmem>>, vector<20x64xf32>
    %dot_general3A_49 = arith.constant dense<0.000000e+00> : vector<100x64xf32>
    %dot_general3A_50 = tpu.matmul %slice3A_45, %get3A_48, %dot_general3A_49 {dimension_numbers = #tpu.dot_dimension_numbers<[1], [0], [0], [1], [0, 0, 1, 1], [], []>, transpose_lhs_hint = false} : vector<100x20xf32>, vector<20x64xf32>, vector<100x64xf32> -> vector<100x64xf32>
    %get3A_51 = arith.constant 0 : index
    %get3A_52 = arith.constant 0 : index
    %get3A_53 = vector.load %arg5[%get3A_51, %get3A_52] : memref<1x64xf32, #tpu.memory_space<vmem>>, vector<1x64xf32>
    %add3A_54 = vector.broadcast %get3A_53 : vector<1x64xf32> to vector<100x64xf32>
    %add3A_55 = arith.addf %dot_general3A_50, %add3A_54 : vector<100x64xf32>
    %get3A_56 = arith.constant 0 : index
    %get3A_57 = arith.constant 0 : index
    %get3A_58 = vector.load %arg3[%get3A_56, %get3A_57] : memref<100x200xf32, #tpu.memory_space<vmem>>, vector<100x200xf32>
    %get3A_59 = arith.constant 0 : index
    %get3A_60 = arith.constant 0 : index
    %get3A_61 = vector.load %arg6[%get3A_59, %get3A_60] : memref<200x64xf32, #tpu.memory_space<vmem>>, vector<200x64xf32>
    %dot_general3A_62 = arith.constant dense<0.000000e+00> : vector<100x64xf32>
    %dot_general3A_63 = tpu.matmul %get3A_58, %get3A_61, %dot_general3A_62 {dimension_numbers = #tpu.dot_dimension_numbers<[1], [0], [0], [1], [0, 0, 1, 1], [], []>, transpose_lhs_hint = false} : vector<100x200xf32>, vector<200x64xf32>, vector<100x64xf32> -> vector<100x64xf32>
    %get3A_64 = arith.constant 0 : index
    %get3A_65 = arith.constant 0 : index
    %get3A_66 = vector.load %arg7[%get3A_64, %get3A_65] : memref<1x64xf32, #tpu.memory_space<vmem>>, vector<1x64xf32>
    %add3A_67 = vector.broadcast %get3A_66 : vector<1x64xf32> to vector<100x64xf32>
    %add3A_68 = arith.addf %dot_general3A_63, %add3A_67 : vector<100x64xf32>
    %get3A_69 = arith.constant 0 : index
    %get3A_70 = arith.constant 0 : index
    %get3A_71 = vector.load %arg8[%get3A_69, %get3A_70] : memref<64x64xf32, #tpu.memory_space<vmem>>, vector<64x64xf32>
    %dot_general3A_72 = arith.constant dense<0.000000e+00> : vector<100x64xf32>
    %dot_general3A_73 = tpu.matmul %add3A_55, %get3A_71, %dot_general3A_72 {dimension_numbers = #tpu.dot_dimension_numbers<[1], [0], [0], [1], [0, 0, 1, 1], [], []>, transpose_lhs_hint = false} : vector<100x64xf32>, vector<64x64xf32>, vector<100x64xf32> -> vector<100x64xf32>
    %mul3A_74 = arith.mulf %dot_general3A_73, %add3A_68 : vector<100x64xf32>
    %reduce_sum3A = arith.constant dense<0.000000e+00> : vector<100xf32>
    %reduce_sum3A_75 = vector.multi_reduction <add>, %mul3A_74, %reduce_sum3A [1] : vector<100x64xf32> to vector<100xf32>
    %broadcast_in_dim3A_76 = vector.shape_cast %reduce_sum3A_75 : vector<100xf32> to vector<100x1xf32>
    %neg3A = arith.constant 0.000000e+00 : f32
    %neg3A_77 = vector.broadcast %neg3A : f32 to vector<100x1xf32>
    %neg3A_78 = arith.subf %neg3A_77, %broadcast_in_dim3A_76 : vector<100x1xf32>
    %exp3A = math.exp %neg3A_78 : vector<100x1xf32>
    %add3A_79 = arith.constant 1.000000e+00 : f32
    %add3A_80 = vector.broadcast %add3A_79 : f32 to vector<100x1xf32>
    %add3A_81 = arith.addf %add3A_80, %exp3A : vector<100x1xf32>
    %div3A_82 = arith.constant 1.000000e+00 : f32
    %div3A_83 = vector.broadcast %div3A_82 : f32 to vector<100x1xf32>
    %div3A_84 = arith.divf %div3A_83, %add3A_81 : vector<100x1xf32>
    %mul3A_85 = vector.broadcast %div3A_84 : vector<100x1xf32> to vector<100x200xf32>
    %mul3A_86 = arith.mulf %mul3A_85, %get3A_58 : vector<100x200xf32>
    %broadcast_in_dim3A_87 = arith.constant 1.000000e+00 : f32
    %broadcast_in_dim3A_88 = vector.broadcast %broadcast_in_dim3A_87 : f32 to vector<100x1xf32>
    %concatenate3A = tpu.concatenate %mul3A_86, %broadcast_in_dim3A_88 in 1 : vector<100x200xf32>, vector<100x1xf32> -> vector<100x201xf32>
    %get3A_89 = arith.constant 0 : index
    %get3A_90 = arith.constant 0 : index
    %get3A_91 = vector.load %arg10[%get3A_89, %get3A_90] : memref<1x128xf32, #tpu.memory_space<vmem>>, vector<1x128xf32>
    %get3A_92 = arith.constant 0 : index
    %get3A_93 = arith.constant 0 : index
    %get3A_94 = arith.constant 0 : index
    %get3A_95 = vector.load %arg9[%get3A_92, %get3A_93, %get3A_94] : memref<21x201x128xf32, #tpu.memory_space<vmem>>, vector<1x201x128xf32>
    %get3A_96 = vector.shape_cast %get3A_95 : vector<1x201x128xf32> to vector<201x128xf32>
    %dot_general3A_97 = arith.constant dense<0.000000e+00> : vector<100x128xf32>
    %dot_general3A_98 = tpu.matmul %concatenate3A, %get3A_96, %dot_general3A_97 {dimension_numbers = #tpu.dot_dimension_numbers<[1], [0], [0], [1], [0, 0, 1, 1], [], []>, transpose_lhs_hint = false} : vector<100x201xf32>, vector<201x128xf32>, vector<100x128xf32> -> vector<100x128xf32>
    %slice3A_99 = vector.extract_strided_slice %mul3A_44 {offsets = [0, 0], sizes = [100, 1], strides = [1, 1]} : vector<100x32xf32> to vector<100x1xf32>
    %mul3A_100 = vector.broadcast %slice3A_99 : vector<100x1xf32> to vector<100x128xf32>
    %mul3A_101 = arith.mulf %mul3A_100, %dot_general3A_98 : vector<100x128xf32>
    %add3A_102 = vector.broadcast %get3A_91 : vector<1x128xf32> to vector<100x128xf32>
    %add3A_103 = arith.addf %add3A_102, %mul3A_101 : vector<100x128xf32>
    %get3A_104 = arith.constant 1 : index
    %get3A_105 = arith.constant 0 : index
    %get3A_106 = arith.constant 0 : index
    %get3A_107 = vector.load %arg9[%get3A_104, %get3A_105, %get3A_106] : memref<21x201x128xf32, #tpu.memory_space<vmem>>, vector<1x201x128xf32>
    %get3A_108 = vector.shape_cast %get3A_107 : vector<1x201x128xf32> to vector<201x128xf32>
    %dot_general3A_109 = arith.constant dense<0.000000e+00> : vector<100x128xf32>
    %dot_general3A_110 = tpu.matmul %concatenate3A, %get3A_108, %dot_general3A_109 {dimension_numbers = #tpu.dot_dimension_numbers<[1], [0], [0], [1], [0, 0, 1, 1], [], []>, transpose_lhs_hint = false} : vector<100x201xf32>, vector<201x128xf32>, vector<100x128xf32> -> vector<100x128xf32>
    %slice3A_111 = vector.extract_strided_slice %mul3A_44 {offsets = [0, 1], sizes = [100, 1], strides = [1, 1]} : vector<100x32xf32> to vector<100x1xf32>
    %mul3A_112 = vector.broadcast %slice3A_111 : vector<100x1xf32> to vector<100x128xf32>
    %mul3A_113 = arith.mulf %mul3A_112, %dot_general3A_110 : vector<100x128xf32>
    %add3A_114 = arith.addf %add3A_103, %mul3A_113 : vector<100x128xf32>
    %get3A_115 = arith.constant 2 : index
    %get3A_116 = arith.constant 0 : index
    %get3A_117 = arith.constant 0 : index
    %get3A_118 = vector.load %arg9[%get3A_115, %get3A_116, %get3A_117] : memref<21x201x128xf32, #tpu.memory_space<vmem>>, vector<1x201x128xf32>
    %get3A_119 = vector.shape_cast %get3A_118 : vector<1x201x128xf32> to vector<201x128xf32>
    %dot_general3A_120 = arith.constant dense<0.000000e+00> : vector<100x128xf32>
    %dot_general3A_121 = tpu.matmul %concatenate3A, %get3A_119, %dot_general3A_120 {dimension_numbers = #tpu.dot_dimension_numbers<[1], [0], [0], [1], [0, 0, 1, 1], [], []>, transpose_lhs_hint = false} : vector<100x201xf32>, vector<201x128xf32>, vector<100x128xf32> -> vector<100x128xf32>
    %slice3A_122 = vector.extract_strided_slice %mul3A_44 {offsets = [0, 2], sizes = [100, 1], strides = [1, 1]} : vector<100x32xf32> to vector<100x1xf32>
    %mul3A_123 = vector.broadcast %slice3A_122 : vector<100x1xf32> to vector<100x128xf32>
    %mul3A_124 = arith.mulf %mul3A_123, %dot_general3A_121 : vector<100x128xf32>
    %add3A_125 = arith.addf %add3A_114, %mul3A_124 : vector<100x128xf32>
    %get3A_126 = arith.constant 3 : index
    %get3A_127 = arith.constant 0 : index
    %get3A_128 = arith.constant 0 : index
    %get3A_129 = vector.load %arg9[%get3A_126, %get3A_127, %get3A_128] : memref<21x201x128xf32, #tpu.memory_space<vmem>>, vector<1x201x128xf32>
    %get3A_130 = vector.shape_cast %get3A_129 : vector<1x201x128xf32> to vector<201x128xf32>
    %dot_general3A_131 = arith.constant dense<0.000000e+00> : vector<100x128xf32>
    %dot_general3A_132 = tpu.matmul %concatenate3A, %get3A_130, %dot_general3A_131 {dimension_numbers = #tpu.dot_dimension_numbers<[1], [0], [0], [1], [0, 0, 1, 1], [], []>, transpose_lhs_hint = false} : vector<100x201xf32>, vector<201x128xf32>, vector<100x128xf32> -> vector<100x128xf32>
    %slice3A_133 = vector.extract_strided_slice %mul3A_44 {offsets = [0, 3], sizes = [100, 1], strides = [1, 1]} : vector<100x32xf32> to vector<100x1xf32>
    %mul3A_134 = vector.broadcast %slice3A_133 : vector<100x1xf32> to vector<100x128xf32>
    %mul3A_135 = arith.mulf %mul3A_134, %dot_general3A_132 : vector<100x128xf32>
    %add3A_136 = arith.addf %add3A_125, %mul3A_135 : vector<100x128xf32>
    %get3A_137 = arith.constant 4 : index
    %get3A_138 = arith.constant 0 : index
    %get3A_139 = arith.constant 0 : index
    %get3A_140 = vector.load %arg9[%get3A_137, %get3A_138, %get3A_139] : memref<21x201x128xf32, #tpu.memory_space<vmem>>, vector<1x201x128xf32>
    %get3A_141 = vector.shape_cast %get3A_140 : vector<1x201x128xf32> to vector<201x128xf32>
    %dot_general3A_142 = arith.constant dense<0.000000e+00> : vector<100x128xf32>
    %dot_general3A_143 = tpu.matmul %concatenate3A, %get3A_141, %dot_general3A_142 {dimension_numbers = #tpu.dot_dimension_numbers<[1], [0], [0], [1], [0, 0, 1, 1], [], []>, transpose_lhs_hint = false} : vector<100x201xf32>, vector<201x128xf32>, vector<100x128xf32> -> vector<100x128xf32>
    %slice3A_144 = vector.extract_strided_slice %mul3A_44 {offsets = [0, 4], sizes = [100, 1], strides = [1, 1]} : vector<100x32xf32> to vector<100x1xf32>
    %mul3A_145 = vector.broadcast %slice3A_144 : vector<100x1xf32> to vector<100x128xf32>
    %mul3A_146 = arith.mulf %mul3A_145, %dot_general3A_143 : vector<100x128xf32>
    %add3A_147 = arith.addf %add3A_136, %mul3A_146 : vector<100x128xf32>
    %get3A_148 = arith.constant 5 : index
    %get3A_149 = arith.constant 0 : index
    %get3A_150 = arith.constant 0 : index
    %get3A_151 = vector.load %arg9[%get3A_148, %get3A_149, %get3A_150] : memref<21x201x128xf32, #tpu.memory_space<vmem>>, vector<1x201x128xf32>
    %get3A_152 = vector.shape_cast %get3A_151 : vector<1x201x128xf32> to vector<201x128xf32>
    %dot_general3A_153 = arith.constant dense<0.000000e+00> : vector<100x128xf32>
    %dot_general3A_154 = tpu.matmul %concatenate3A, %get3A_152, %dot_general3A_153 {dimension_numbers = #tpu.dot_dimension_numbers<[1], [0], [0], [1], [0, 0, 1, 1], [], []>, transpose_lhs_hint = false} : vector<100x201xf32>, vector<201x128xf32>, vector<100x128xf32> -> vector<100x128xf32>
    %slice3A_155 = vector.extract_strided_slice %mul3A_44 {offsets = [0, 5], sizes = [100, 1], strides = [1, 1]} : vector<100x32xf32> to vector<100x1xf32>
    %mul3A_156 = vector.broadcast %slice3A_155 : vector<100x1xf32> to vector<100x128xf32>
    %mul3A_157 = arith.mulf %mul3A_156, %dot_general3A_154 : vector<100x128xf32>
    %add3A_158 = arith.addf %add3A_147, %mul3A_157 : vector<100x128xf32>
    %get3A_159 = arith.constant 6 : index
    %get3A_160 = arith.constant 0 : index
    %get3A_161 = arith.constant 0 : index
    %get3A_162 = vector.load %arg9[%get3A_159, %get3A_160, %get3A_161] : memref<21x201x128xf32, #tpu.memory_space<vmem>>, vector<1x201x128xf32>
    %get3A_163 = vector.shape_cast %get3A_162 : vector<1x201x128xf32> to vector<201x128xf32>
    %dot_general3A_164 = arith.constant dense<0.000000e+00> : vector<100x128xf32>
    %dot_general3A_165 = tpu.matmul %concatenate3A, %get3A_163, %dot_general3A_164 {dimension_numbers = #tpu.dot_dimension_numbers<[1], [0], [0], [1], [0, 0, 1, 1], [], []>, transpose_lhs_hint = false} : vector<100x201xf32>, vector<201x128xf32>, vector<100x128xf32> -> vector<100x128xf32>
    %slice3A_166 = vector.extract_strided_slice %mul3A_44 {offsets = [0, 6], sizes = [100, 1], strides = [1, 1]} : vector<100x32xf32> to vector<100x1xf32>
    %mul3A_167 = vector.broadcast %slice3A_166 : vector<100x1xf32> to vector<100x128xf32>
    %mul3A_168 = arith.mulf %mul3A_167, %dot_general3A_165 : vector<100x128xf32>
    %add3A_169 = arith.addf %add3A_158, %mul3A_168 : vector<100x128xf32>
    %get3A_170 = arith.constant 7 : index
    %get3A_171 = arith.constant 0 : index
    %get3A_172 = arith.constant 0 : index
    %get3A_173 = vector.load %arg9[%get3A_170, %get3A_171, %get3A_172] : memref<21x201x128xf32, #tpu.memory_space<vmem>>, vector<1x201x128xf32>
    %get3A_174 = vector.shape_cast %get3A_173 : vector<1x201x128xf32> to vector<201x128xf32>
    %dot_general3A_175 = arith.constant dense<0.000000e+00> : vector<100x128xf32>
    %dot_general3A_176 = tpu.matmul %concatenate3A, %get3A_174, %dot_general3A_175 {dimension_numbers = #tpu.dot_dimension_numbers<[1], [0], [0], [1], [0, 0, 1, 1], [], []>, transpose_lhs_hint = false} : vector<100x201xf32>, vector<201x128xf32>, vector<100x128xf32> -> vector<100x128xf32>
    %slice3A_177 = vector.extract_strided_slice %mul3A_44 {offsets = [0, 7], sizes = [100, 1], strides = [1, 1]} : vector<100x32xf32> to vector<100x1xf32>
    %mul3A_178 = vector.broadcast %slice3A_177 : vector<100x1xf32> to vector<100x128xf32>
    %mul3A_179 = arith.mulf %mul3A_178, %dot_general3A_176 : vector<100x128xf32>
    %add3A_180 = arith.addf %add3A_169, %mul3A_179 : vector<100x128xf32>
    %get3A_181 = arith.constant 8 : index
    %get3A_182 = arith.constant 0 : index
    %get3A_183 = arith.constant 0 : index
    %get3A_184 = vector.load %arg9[%get3A_181, %get3A_182, %get3A_183] : memref<21x201x128xf32, #tpu.memory_space<vmem>>, vector<1x201x128xf32>
    %get3A_185 = vector.shape_cast %get3A_184 : vector<1x201x128xf32> to vector<201x128xf32>
    %dot_general3A_186 = arith.constant dense<0.000000e+00> : vector<100x128xf32>
    %dot_general3A_187 = tpu.matmul %concatenate3A, %get3A_185, %dot_general3A_186 {dimension_numbers = #tpu.dot_dimension_numbers<[1], [0], [0], [1], [0, 0, 1, 1], [], []>, transpose_lhs_hint = false} : vector<100x201xf32>, vector<201x128xf32>, vector<100x128xf32> -> vector<100x128xf32>
    %slice3A_188 = vector.extract_strided_slice %mul3A_44 {offsets = [0, 8], sizes = [100, 1], strides = [1, 1]} : vector<100x32xf32> to vector<100x1xf32>
    %mul3A_189 = vector.broadcast %slice3A_188 : vector<100x1xf32> to vector<100x128xf32>
    %mul3A_190 = arith.mulf %mul3A_189, %dot_general3A_187 : vector<100x128xf32>
    %add3A_191 = arith.addf %add3A_180, %mul3A_190 : vector<100x128xf32>
    %get3A_192 = arith.constant 9 : index
    %get3A_193 = arith.constant 0 : index
    %get3A_194 = arith.constant 0 : index
    %get3A_195 = vector.load %arg9[%get3A_192, %get3A_193, %get3A_194] : memref<21x201x128xf32, #tpu.memory_space<vmem>>, vector<1x201x128xf32>
    %get3A_196 = vector.shape_cast %get3A_195 : vector<1x201x128xf32> to vector<201x128xf32>
    %dot_general3A_197 = arith.constant dense<0.000000e+00> : vector<100x128xf32>
    %dot_general3A_198 = tpu.matmul %concatenate3A, %get3A_196, %dot_general3A_197 {dimension_numbers = #tpu.dot_dimension_numbers<[1], [0], [0], [1], [0, 0, 1, 1], [], []>, transpose_lhs_hint = false} : vector<100x201xf32>, vector<201x128xf32>, vector<100x128xf32> -> vector<100x128xf32>
    %slice3A_199 = vector.extract_strided_slice %mul3A_44 {offsets = [0, 9], sizes = [100, 1], strides = [1, 1]} : vector<100x32xf32> to vector<100x1xf32>
    %mul3A_200 = vector.broadcast %slice3A_199 : vector<100x1xf32> to vector<100x128xf32>
    %mul3A_201 = arith.mulf %mul3A_200, %dot_general3A_198 : vector<100x128xf32>
    %add3A_202 = arith.addf %add3A_191, %mul3A_201 : vector<100x128xf32>
    %get3A_203 = arith.constant 10 : index
    %get3A_204 = arith.constant 0 : index
    %get3A_205 = arith.constant 0 : index
    %get3A_206 = vector.load %arg9[%get3A_203, %get3A_204, %get3A_205] : memref<21x201x128xf32, #tpu.memory_space<vmem>>, vector<1x201x128xf32>
    %get3A_207 = vector.shape_cast %get3A_206 : vector<1x201x128xf32> to vector<201x128xf32>
    %dot_general3A_208 = arith.constant dense<0.000000e+00> : vector<100x128xf32>
    %dot_general3A_209 = tpu.matmul %concatenate3A, %get3A_207, %dot_general3A_208 {dimension_numbers = #tpu.dot_dimension_numbers<[1], [0], [0], [1], [0, 0, 1, 1], [], []>, transpose_lhs_hint = false} : vector<100x201xf32>, vector<201x128xf32>, vector<100x128xf32> -> vector<100x128xf32>
    %slice3A_210 = vector.extract_strided_slice %mul3A_44 {offsets = [0, 10], sizes = [100, 1], strides = [1, 1]} : vector<100x32xf32> to vector<100x1xf32>
    %mul3A_211 = vector.broadcast %slice3A_210 : vector<100x1xf32> to vector<100x128xf32>
    %mul3A_212 = arith.mulf %mul3A_211, %dot_general3A_209 : vector<100x128xf32>
    %add3A_213 = arith.addf %add3A_202, %mul3A_212 : vector<100x128xf32>
    %get3A_214 = arith.constant 11 : index
    %get3A_215 = arith.constant 0 : index
    %get3A_216 = arith.constant 0 : index
    %get3A_217 = vector.load %arg9[%get3A_214, %get3A_215, %get3A_216] : memref<21x201x128xf32, #tpu.memory_space<vmem>>, vector<1x201x128xf32>
    %get3A_218 = vector.shape_cast %get3A_217 : vector<1x201x128xf32> to vector<201x128xf32>
    %dot_general3A_219 = arith.constant dense<0.000000e+00> : vector<100x128xf32>
    %dot_general3A_220 = tpu.matmul %concatenate3A, %get3A_218, %dot_general3A_219 {dimension_numbers = #tpu.dot_dimension_numbers<[1], [0], [0], [1], [0, 0, 1, 1], [], []>, transpose_lhs_hint = false} : vector<100x201xf32>, vector<201x128xf32>, vector<100x128xf32> -> vector<100x128xf32>
    %slice3A_221 = vector.extract_strided_slice %mul3A_44 {offsets = [0, 11], sizes = [100, 1], strides = [1, 1]} : vector<100x32xf32> to vector<100x1xf32>
    %mul3A_222 = vector.broadcast %slice3A_221 : vector<100x1xf32> to vector<100x128xf32>
    %mul3A_223 = arith.mulf %mul3A_222, %dot_general3A_220 : vector<100x128xf32>
    %add3A_224 = arith.addf %add3A_213, %mul3A_223 : vector<100x128xf32>
    %get3A_225 = arith.constant 12 : index
    %get3A_226 = arith.constant 0 : index
    %get3A_227 = arith.constant 0 : index
    %get3A_228 = vector.load %arg9[%get3A_225, %get3A_226, %get3A_227] : memref<21x201x128xf32, #tpu.memory_space<vmem>>, vector<1x201x128xf32>
    %get3A_229 = vector.shape_cast %get3A_228 : vector<1x201x128xf32> to vector<201x128xf32>
    %dot_general3A_230 = arith.constant dense<0.000000e+00> : vector<100x128xf32>
    %dot_general3A_231 = tpu.matmul %concatenate3A, %get3A_229, %dot_general3A_230 {dimension_numbers = #tpu.dot_dimension_numbers<[1], [0], [0], [1], [0, 0, 1, 1], [], []>, transpose_lhs_hint = false} : vector<100x201xf32>, vector<201x128xf32>, vector<100x128xf32> -> vector<100x128xf32>
    %slice3A_232 = vector.extract_strided_slice %mul3A_44 {offsets = [0, 12], sizes = [100, 1], strides = [1, 1]} : vector<100x32xf32> to vector<100x1xf32>
    %mul3A_233 = vector.broadcast %slice3A_232 : vector<100x1xf32> to vector<100x128xf32>
    %mul3A_234 = arith.mulf %mul3A_233, %dot_general3A_231 : vector<100x128xf32>
    %add3A_235 = arith.addf %add3A_224, %mul3A_234 : vector<100x128xf32>
    %get3A_236 = arith.constant 13 : index
    %get3A_237 = arith.constant 0 : index
    %get3A_238 = arith.constant 0 : index
    %get3A_239 = vector.load %arg9[%get3A_236, %get3A_237, %get3A_238] : memref<21x201x128xf32, #tpu.memory_space<vmem>>, vector<1x201x128xf32>
    %get3A_240 = vector.shape_cast %get3A_239 : vector<1x201x128xf32> to vector<201x128xf32>
    %dot_general3A_241 = arith.constant dense<0.000000e+00> : vector<100x128xf32>
    %dot_general3A_242 = tpu.matmul %concatenate3A, %get3A_240, %dot_general3A_241 {dimension_numbers = #tpu.dot_dimension_numbers<[1], [0], [0], [1], [0, 0, 1, 1], [], []>, transpose_lhs_hint = false} : vector<100x201xf32>, vector<201x128xf32>, vector<100x128xf32> -> vector<100x128xf32>
    %slice3A_243 = vector.extract_strided_slice %mul3A_44 {offsets = [0, 13], sizes = [100, 1], strides = [1, 1]} : vector<100x32xf32> to vector<100x1xf32>
    %mul3A_244 = vector.broadcast %slice3A_243 : vector<100x1xf32> to vector<100x128xf32>
    %mul3A_245 = arith.mulf %mul3A_244, %dot_general3A_242 : vector<100x128xf32>
    %add3A_246 = arith.addf %add3A_235, %mul3A_245 : vector<100x128xf32>
    %get3A_247 = arith.constant 14 : index
    %get3A_248 = arith.constant 0 : index
    %get3A_249 = arith.constant 0 : index
    %get3A_250 = vector.load %arg9[%get3A_247, %get3A_248, %get3A_249] : memref<21x201x128xf32, #tpu.memory_space<vmem>>, vector<1x201x128xf32>
    %get3A_251 = vector.shape_cast %get3A_250 : vector<1x201x128xf32> to vector<201x128xf32>
    %dot_general3A_252 = arith.constant dense<0.000000e+00> : vector<100x128xf32>
    %dot_general3A_253 = tpu.matmul %concatenate3A, %get3A_251, %dot_general3A_252 {dimension_numbers = #tpu.dot_dimension_numbers<[1], [0], [0], [1], [0, 0, 1, 1], [], []>, transpose_lhs_hint = false} : vector<100x201xf32>, vector<201x128xf32>, vector<100x128xf32> -> vector<100x128xf32>
    %slice3A_254 = vector.extract_strided_slice %mul3A_44 {offsets = [0, 14], sizes = [100, 1], strides = [1, 1]} : vector<100x32xf32> to vector<100x1xf32>
    %mul3A_255 = vector.broadcast %slice3A_254 : vector<100x1xf32> to vector<100x128xf32>
    %mul3A_256 = arith.mulf %mul3A_255, %dot_general3A_253 : vector<100x128xf32>
    %add3A_257 = arith.addf %add3A_246, %mul3A_256 : vector<100x128xf32>
    %get3A_258 = arith.constant 15 : index
    %get3A_259 = arith.constant 0 : index
    %get3A_260 = arith.constant 0 : index
    %get3A_261 = vector.load %arg9[%get3A_258, %get3A_259, %get3A_260] : memref<21x201x128xf32, #tpu.memory_space<vmem>>, vector<1x201x128xf32>
    %get3A_262 = vector.shape_cast %get3A_261 : vector<1x201x128xf32> to vector<201x128xf32>
    %dot_general3A_263 = arith.constant dense<0.000000e+00> : vector<100x128xf32>
    %dot_general3A_264 = tpu.matmul %concatenate3A, %get3A_262, %dot_general3A_263 {dimension_numbers = #tpu.dot_dimension_numbers<[1], [0], [0], [1], [0, 0, 1, 1], [], []>, transpose_lhs_hint = false} : vector<100x201xf32>, vector<201x128xf32>, vector<100x128xf32> -> vector<100x128xf32>
    %slice3A_265 = vector.extract_strided_slice %mul3A_44 {offsets = [0, 15], sizes = [100, 1], strides = [1, 1]} : vector<100x32xf32> to vector<100x1xf32>
    %mul3A_266 = vector.broadcast %slice3A_265 : vector<100x1xf32> to vector<100x128xf32>
    %mul3A_267 = arith.mulf %mul3A_266, %dot_general3A_264 : vector<100x128xf32>
    %add3A_268 = arith.addf %add3A_257, %mul3A_267 : vector<100x128xf32>
    %get3A_269 = arith.constant 16 : index
    %get3A_270 = arith.constant 0 : index
    %get3A_271 = arith.constant 0 : index
    %get3A_272 = vector.load %arg9[%get3A_269, %get3A_270, %get3A_271] : memref<21x201x128xf32, #tpu.memory_space<vmem>>, vector<1x201x128xf32>
    %get3A_273 = vector.shape_cast %get3A_272 : vector<1x201x128xf32> to vector<201x128xf32>
    %dot_general3A_274 = arith.constant dense<0.000000e+00> : vector<100x128xf32>
    %dot_general3A_275 = tpu.matmul %concatenate3A, %get3A_273, %dot_general3A_274 {dimension_numbers = #tpu.dot_dimension_numbers<[1], [0], [0], [1], [0, 0, 1, 1], [], []>, transpose_lhs_hint = false} : vector<100x201xf32>, vector<201x128xf32>, vector<100x128xf32> -> vector<100x128xf32>
    %slice3A_276 = vector.extract_strided_slice %mul3A_44 {offsets = [0, 16], sizes = [100, 1], strides = [1, 1]} : vector<100x32xf32> to vector<100x1xf32>
    %mul3A_277 = vector.broadcast %slice3A_276 : vector<100x1xf32> to vector<100x128xf32>
    %mul3A_278 = arith.mulf %mul3A_277, %dot_general3A_275 : vector<100x128xf32>
    %add3A_279 = arith.addf %add3A_268, %mul3A_278 : vector<100x128xf32>
    %get3A_280 = arith.constant 17 : index
    %get3A_281 = arith.constant 0 : index
    %get3A_282 = arith.constant 0 : index
    %get3A_283 = vector.load %arg9[%get3A_280, %get3A_281, %get3A_282] : memref<21x201x128xf32, #tpu.memory_space<vmem>>, vector<1x201x128xf32>
    %get3A_284 = vector.shape_cast %get3A_283 : vector<1x201x128xf32> to vector<201x128xf32>
    %dot_general3A_285 = arith.constant dense<0.000000e+00> : vector<100x128xf32>
    %dot_general3A_286 = tpu.matmul %concatenate3A, %get3A_284, %dot_general3A_285 {dimension_numbers = #tpu.dot_dimension_numbers<[1], [0], [0], [1], [0, 0, 1, 1], [], []>, transpose_lhs_hint = false} : vector<100x201xf32>, vector<201x128xf32>, vector<100x128xf32> -> vector<100x128xf32>
    %slice3A_287 = vector.extract_strided_slice %mul3A_44 {offsets = [0, 17], sizes = [100, 1], strides = [1, 1]} : vector<100x32xf32> to vector<100x1xf32>
    %mul3A_288 = vector.broadcast %slice3A_287 : vector<100x1xf32> to vector<100x128xf32>
    %mul3A_289 = arith.mulf %mul3A_288, %dot_general3A_286 : vector<100x128xf32>
    %add3A_290 = arith.addf %add3A_279, %mul3A_289 : vector<100x128xf32>
    %get3A_291 = arith.constant 18 : index
    %get3A_292 = arith.constant 0 : index
    %get3A_293 = arith.constant 0 : index
    %get3A_294 = vector.load %arg9[%get3A_291, %get3A_292, %get3A_293] : memref<21x201x128xf32, #tpu.memory_space<vmem>>, vector<1x201x128xf32>
    %get3A_295 = vector.shape_cast %get3A_294 : vector<1x201x128xf32> to vector<201x128xf32>
    %dot_general3A_296 = arith.constant dense<0.000000e+00> : vector<100x128xf32>
    %dot_general3A_297 = tpu.matmul %concatenate3A, %get3A_295, %dot_general3A_296 {dimension_numbers = #tpu.dot_dimension_numbers<[1], [0], [0], [1], [0, 0, 1, 1], [], []>, transpose_lhs_hint = false} : vector<100x201xf32>, vector<201x128xf32>, vector<100x128xf32> -> vector<100x128xf32>
    %slice3A_298 = vector.extract_strided_slice %mul3A_44 {offsets = [0, 18], sizes = [100, 1], strides = [1, 1]} : vector<100x32xf32> to vector<100x1xf32>
    %mul3A_299 = vector.broadcast %slice3A_298 : vector<100x1xf32> to vector<100x128xf32>
    %mul3A_300 = arith.mulf %mul3A_299, %dot_general3A_297 : vector<100x128xf32>
    %add3A_301 = arith.addf %add3A_290, %mul3A_300 : vector<100x128xf32>
    %get3A_302 = arith.constant 19 : index
    %get3A_303 = arith.constant 0 : index
    %get3A_304 = arith.constant 0 : index
    %get3A_305 = vector.load %arg9[%get3A_302, %get3A_303, %get3A_304] : memref<21x201x128xf32, #tpu.memory_space<vmem>>, vector<1x201x128xf32>
    %get3A_306 = vector.shape_cast %get3A_305 : vector<1x201x128xf32> to vector<201x128xf32>
    %dot_general3A_307 = arith.constant dense<0.000000e+00> : vector<100x128xf32>
    %dot_general3A_308 = tpu.matmul %concatenate3A, %get3A_306, %dot_general3A_307 {dimension_numbers = #tpu.dot_dimension_numbers<[1], [0], [0], [1], [0, 0, 1, 1], [], []>, transpose_lhs_hint = false} : vector<100x201xf32>, vector<201x128xf32>, vector<100x128xf32> -> vector<100x128xf32>
    %slice3A_309 = vector.extract_strided_slice %mul3A_44 {offsets = [0, 19], sizes = [100, 1], strides = [1, 1]} : vector<100x32xf32> to vector<100x1xf32>
    %mul3A_310 = vector.broadcast %slice3A_309 : vector<100x1xf32> to vector<100x128xf32>
    %mul3A_311 = arith.mulf %mul3A_310, %dot_general3A_308 : vector<100x128xf32>
    %add3A_312 = arith.addf %add3A_301, %mul3A_311 : vector<100x128xf32>
    %get3A_313 = arith.constant 20 : index
    %get3A_314 = arith.constant 0 : index
    %get3A_315 = arith.constant 0 : index
    %get3A_316 = vector.load %arg9[%get3A_313, %get3A_314, %get3A_315] : memref<21x201x128xf32, #tpu.memory_space<vmem>>, vector<1x201x128xf32>
    %get3A_317 = vector.shape_cast %get3A_316 : vector<1x201x128xf32> to vector<201x128xf32>
    %dot_general3A_318 = arith.constant dense<0.000000e+00> : vector<100x128xf32>
    %dot_general3A_319 = tpu.matmul %concatenate3A, %get3A_317, %dot_general3A_318 {dimension_numbers = #tpu.dot_dimension_numbers<[1], [0], [0], [1], [0, 0, 1, 1], [], []>, transpose_lhs_hint = false} : vector<100x201xf32>, vector<201x128xf32>, vector<100x128xf32> -> vector<100x128xf32>
    %slice3A_320 = vector.extract_strided_slice %mul3A_44 {offsets = [0, 20], sizes = [100, 1], strides = [1, 1]} : vector<100x32xf32> to vector<100x1xf32>
    %mul3A_321 = vector.broadcast %slice3A_320 : vector<100x1xf32> to vector<100x128xf32>
    %mul3A_322 = arith.mulf %mul3A_321, %dot_general3A_319 : vector<100x128xf32>
    %add3A_323 = arith.addf %add3A_312, %mul3A_322 : vector<100x128xf32>
    %reduce_sum3A_324 = arith.constant dense<0.000000e+00> : vector<128xf32>
    %reduce_sum3A_325 = vector.multi_reduction <add>, %add3A_323, %reduce_sum3A_324 [0] : vector<100x128xf32> to vector<128xf32>
    %broadcast_in_dim3A_326 = vector.shape_cast %reduce_sum3A_325 : vector<128xf32> to vector<1x128xf32>
    %div3A_327 = arith.constant 1.000000e+02 : f32
    %div3A_328 = vector.broadcast %div3A_327 : f32 to vector<1x128xf32>
    %div3A_329 = arith.divf %broadcast_in_dim3A_326, %div3A_328 : vector<1x128xf32>
    %sub3A = vector.broadcast %div3A_329 : vector<1x128xf32> to vector<100x128xf32>
    %sub3A_330 = arith.subf %add3A_323, %sub3A : vector<100x128xf32>
    %integer_pow3A = arith.mulf %sub3A_330, %sub3A_330 : vector<100x128xf32>
    %reduce_sum3A_331 = arith.constant dense<0.000000e+00> : vector<128xf32>
    %reduce_sum3A_332 = vector.multi_reduction <add>, %integer_pow3A, %reduce_sum3A_331 [0] : vector<100x128xf32> to vector<128xf32>
    %broadcast_in_dim3A_333 = vector.shape_cast %reduce_sum3A_332 : vector<128xf32> to vector<1x128xf32>
    %div3A_334 = arith.constant 1.000000e+02 : f32
    %div3A_335 = vector.broadcast %div3A_334 : f32 to vector<1x128xf32>
    %div3A_336 = arith.divf %broadcast_in_dim3A_333, %div3A_335 : vector<1x128xf32>
    %sub3A_337 = vector.broadcast %div3A_329 : vector<1x128xf32> to vector<100x128xf32>
    %sub3A_338 = arith.subf %add3A_323, %sub3A_337 : vector<100x128xf32>
    %add3A_339 = arith.constant 9.99999974E-6 : f32
    %add3A_340 = vector.broadcast %add3A_339 : f32 to vector<1x128xf32>
    %add3A_341 = arith.addf %div3A_336, %add3A_340 : vector<1x128xf32>
    %sqrt3A = math.sqrt %add3A_341 : vector<1x128xf32>
    %div3A_342 = vector.broadcast %sqrt3A : vector<1x128xf32> to vector<100x128xf32>
    %div3A_343 = arith.divf %sub3A_338, %div3A_342 : vector<100x128xf32>
    %max3A_344 = arith.constant 0.000000e+00 : f32
    %max3A_345 = vector.broadcast %max3A_344 : f32 to vector<100x128xf32>
    %max3A_346 = arith.maximumf %div3A_343, %max3A_345 : vector<100x128xf32>
    %get3A_347 = arith.constant 0 : index
    %get3A_348 = arith.constant 0 : index
    %get3A_349 = vector.load %arg11[%get3A_347, %get3A_348] : memref<128x32xf32, #tpu.memory_space<vmem>>, vector<128x32xf32>
    %dot_general3A_350 = arith.constant dense<0.000000e+00> : vector<100x32xf32>
    %dot_general3A_351 = tpu.matmul %max3A_346, %get3A_349, %dot_general3A_350 {dimension_numbers = #tpu.dot_dimension_numbers<[1], [0], [0], [1], [0, 0, 1, 1], [], []>, transpose_lhs_hint = false} : vector<100x128xf32>, vector<128x32xf32>, vector<100x32xf32> -> vector<100x32xf32>
    %get3A_352 = arith.constant 0 : index
    %get3A_353 = arith.constant 0 : index
    %get3A_354 = vector.load %arg12[%get3A_352, %get3A_353] : memref<1x32xf32, #tpu.memory_space<vmem>>, vector<1x32xf32>
    %add3A_355 = vector.broadcast %get3A_354 : vector<1x32xf32> to vector<100x32xf32>
    %add3A_356 = arith.addf %dot_general3A_351, %add3A_355 : vector<100x32xf32>
    %reduce_sum3A_357 = arith.constant dense<0.000000e+00> : vector<32xf32>
    %reduce_sum3A_358 = vector.multi_reduction <add>, %add3A_356, %reduce_sum3A_357 [0] : vector<100x32xf32> to vector<32xf32>
    %broadcast_in_dim3A_359 = vector.shape_cast %reduce_sum3A_358 : vector<32xf32> to vector<1x32xf32>
    %div3A_360 = arith.constant 1.000000e+02 : f32
    %div3A_361 = vector.broadcast %div3A_360 : f32 to vector<1x32xf32>
    %div3A_362 = arith.divf %broadcast_in_dim3A_359, %div3A_361 : vector<1x32xf32>
    %sub3A_363 = vector.broadcast %div3A_362 : vector<1x32xf32> to vector<100x32xf32>
    %sub3A_364 = arith.subf %add3A_356, %sub3A_363 : vector<100x32xf32>
    %integer_pow3A_365 = arith.mulf %sub3A_364, %sub3A_364 : vector<100x32xf32>
    %reduce_sum3A_366 = arith.constant dense<0.000000e+00> : vector<32xf32>
    %reduce_sum3A_367 = vector.multi_reduction <add>, %integer_pow3A_365, %reduce_sum3A_366 [0] : vector<100x32xf32> to vector<32xf32>
    %broadcast_in_dim3A_368 = vector.shape_cast %reduce_sum3A_367 : vector<32xf32> to vector<1x32xf32>
    %div3A_369 = arith.constant 1.000000e+02 : f32
    %div3A_370 = vector.broadcast %div3A_369 : f32 to vector<1x32xf32>
    %div3A_371 = arith.divf %broadcast_in_dim3A_368, %div3A_370 : vector<1x32xf32>
    %sub3A_372 = vector.broadcast %div3A_362 : vector<1x32xf32> to vector<100x32xf32>
    %sub3A_373 = arith.subf %add3A_356, %sub3A_372 : vector<100x32xf32>
    %add3A_374 = arith.constant 9.99999974E-6 : f32
    %add3A_375 = vector.broadcast %add3A_374 : f32 to vector<1x32xf32>
    %add3A_376 = arith.addf %div3A_371, %add3A_375 : vector<1x32xf32>
    %sqrt3A_377 = math.sqrt %add3A_376 : vector<1x32xf32>
    %div3A_378 = vector.broadcast %sqrt3A_377 : vector<1x32xf32> to vector<100x32xf32>
    %div3A_379 = arith.divf %sub3A_373, %div3A_378 : vector<100x32xf32>
    %max3A_380 = arith.constant 0.000000e+00 : f32
    %max3A_381 = vector.broadcast %max3A_380 : f32 to vector<100x32xf32>
    %max3A_382 = arith.maximumf %div3A_379, %max3A_381 : vector<100x32xf32>
    %get3A_383 = arith.constant 0 : index
    %get3A_384 = arith.constant 0 : index
    %get3A_385 = vector.load %arg13[%get3A_383, %get3A_384] : memref<32x1xf32, #tpu.memory_space<vmem>>, vector<32x1xf32>
    %dot_general3A_386 = arith.constant dense<0.000000e+00> : vector<100x1xf32>
    %dot_general3A_387 = tpu.matmul %max3A_382, %get3A_385, %dot_general3A_386 {dimension_numbers = #tpu.dot_dimension_numbers<[1], [0], [0], [1], [0, 0, 1, 1], [], []>, transpose_lhs_hint = false} : vector<100x32xf32>, vector<32x1xf32>, vector<100x1xf32> -> vector<100x1xf32>
    %get3A_388 = arith.constant 0 : index
    %get3A_389 = arith.constant 0 : index
    %get3A_390 = vector.load %arg14[%get3A_388, %get3A_389] : memref<1x1xf32, #tpu.memory_space<vmem>>, vector<1x1xf32>
    %add3A_391 = vector.broadcast %get3A_390 : vector<1x1xf32> to vector<100x1xf32>
    %add3A_392 = arith.addf %dot_general3A_387, %add3A_391 : vector<100x1xf32>
    %swap3A = arith.constant 0 : index
    %swap3A_393 = arith.constant 0 : index
    %swap3A_394 = vector.load %arg15[%swap3A, %swap3A_393] : memref<100x1xf32, #tpu.memory_space<vmem>>, vector<100x1xf32>
    tpu.vector_store %arg15[%swap3A, %swap3A_393], %add3A_392 {strides = array<i32>} : memref<100x1xf32, #tpu.memory_space<vmem>>, vector<100x1xf32>,
    return
  }
}

</mosaic_0001>

<sc_bundles>
// kernel: kernel.10.cloned.1.call-start
scs
__scs_entry_jumppad:
0x0: {  	(pc) =	sbr.rel $0x88, $3  }
0x1: {  	(tag) =	ssettag $0x0;
	lr =	simm.s32 $0x1  }
0x2: {  	[smem:$0x3F8E] =	sst lr;
	_ =	strace $0xD0000000  }
0x3: {  	_ = 	snop  }
0x4: {  	_ = 	snop  }
0x5: {  	_ = 	snop  }
0x6: {  	_ = 	snop  }
0x7: {  	_ = 	snop  }
__scs_overlays_trampoline_lowered:
0x8: {  	[smem:$0x3F9D] =	sst s0  }
0x9: {  	[smem:$0x3F9E] =	sst s1  }
0xa: {  	[smem:$0x3F9F] =	sst s2  }
0xb: {  	[smem:$0x3FA0] =	sst s3  }
0xc: {  	[smem:$0x3FA1] =	sst s4  }
0xd: {  	[smem:$0x3FA2] =	sst s5  }
0xe: {  	[smem:$0x3FA3] =	sst s6  }
0xf: {  	[smem:$0x3FA4] =	sst s7  }
0x10: {  	[smem:$0x3FA5] =	sst s8  }
0x11: {  	[smem:$0x3FA6] =	sst s9;
	s0 =	simm.s32 @!p0 $0x0  }
0x12: {  	s1 =	sld [smem:$0x3F8C];
	s0 =	simm.s32 @p0 $0x1  }
0x13: {  	[smem:$0x3FA7] =	sst s0;
	s0 =	simm.s32 @!p1 $0x0  }
0x14: {  	s2 =	sld [smem:$0x3F8B];
	s0 =	simm.s32 @p1 $0x1  }
0x15: {  	[smem:$0x3FA8] =	sst s0;
	s0 =	simm.s32 @!p2 $0x0  }
0x16: {  	s3 =	sld [smem:$0x3FDB];
	s0 =	simm.s32 @p2 $0x1  }
0x17: {  	s4 =	simm.s32 $0x1BF5;
	[smem:$0x3FAA] =	sst s0  }
0x18: {  	s0 =	sld [smem:$0x3F8D];
	_ =	swait.ge [sflag:s4], $0x0  }
0x19: {  	s7 =	sld [smem:$0x3F8E]  }
0x1a: {  	s8 =	sadd.s32 $0xFFFFE003, lr  }
0x1b: {  	s9 =	sadd.s32 $0xFFFFFEF7, lr;
	s5 =	simm.s32 $0xFFFFFFFF;
	p2 =	slt.u32 s8, $0xFFFFF086  }
0x1c: {  	p1 =	slt.u32 s9, $0xF7A;
	s5 =	simm.s32 @!p2 $0x0  }
0x1d: {  	s5 =	simm.s32 @p1 $0x1;
	p0 =	seq.s32 s7, s2  }
0x1e: {  	s7 =	smul.u32 @!p0 $0xF7A, s2;
	p2 =	seq.s32 @!p0 s5, $0x0  }
0x1f: {  	s9 =	smul.u32 $0xF7A, s1;
	s8 =	simm.s32 @!p0 $0x1BF5;
	p2 =	por !p2, p0  }
0x20: {  	[sflag:s8] =	ssyncset.s32 @!p0 $0xFFFFF086;
	s6 =	sadd.s32 @!p0 s3, s7;
	s7 =	simm.s32 @!p0 $0x108  }
0x21: {  	s3 =	sadd.s32 s3, s9;
	s6 =	sadd.s32 @!p0 $0x88, s6;
	s7 =	simm.s32 @p2 $0x1082  }
0x22: {  	[simem:s7], [sflag:s8] =	dma.local @!p0 [hbm:s6], $0xF7A  }
0x23: {  	s9 =	sor.u32 $0xD0000000, s2;
	s6 =	simm.s32 $0x108;
	_ =	swait.ge @!p0 [sflag:s8], $0x0  }
0x24: {  	s3 =	sadd.s32 $0x88, s3;
	s6 =	simm.s32 @!p1 $0x1082;
	[sflag:s4] =	ssyncset.s32 $0xFFFFF086  }
0x25: {  	[simem:s6], [sflag:s4] =	dma.local [hbm:s3], $0xF7A  }
0x26: {  	[smem:$0x3F8E] =	sst s1;
	(tag) =	ssettag s2;
	_ =	strace s9  }
0x27: {  	s1 =	sld [smem:$0x3F9E]  }
0x28: {  	s2 =	sld [smem:$0x3F9F]  }
0x29: {  	s4 =	sld [smem:$0x3FA1]  }
0x2a: {  	p0 =	seq.s32 s5, $0x0;
	s5 =	sld [smem:$0x3FA2]  }
0x2b: {  	s6 =	sld [smem:$0x3FA3]  }
0x2c: {  	s7 =	sld [smem:$0x3FA4]  }
0x2d: {  	s3 =	simm.s32 $0x108;
	s8 =	sld [smem:$0x3FA5]  }
0x2e: {  	s3 =	simm.s32 @!p0 $0x1082;
	s9 =	sld [smem:$0x3FA6]  }
0x2f: {  	lr =	sadd.s32 s0, s3;
	s0 =	sld [smem:$0x3F9D]  }
0x30: {  	s3 =	sld [smem:$0x3FA0]  }
0x31: {  	[smem:$0x3FA9] =	sst s10  }
0x32: {  	s10 =	sld [smem:$0x3FA7];
	_ =	sdelay $0x3  }
0x33: {  	p0 =	seq.s32 s10, $0x1;
	s10 =	sld [smem:$0x3FA9];
	_ =	sdelay $0x3  }
0x34: {  	[smem:$0x3FA9] =	sst s10  }
0x35: {  	s10 =	sld [smem:$0x3FA8];
	_ =	sdelay $0x3  }
0x36: {  	p1 =	seq.s32 s10, $0x1;
	s10 =	sld [smem:$0x3FA9];
	_ =	sdelay $0x3  }
0x37: {  	[smem:$0x3FA9] =	sst s10  }
0x38: {  	s10 =	sld [smem:$0x3FAA]  }
0x39: {  	_ = 	snop;
	(pc) =	sbr.ind lr, $3  }
0x3a: {  	_ = 	snop  }
0x3b: {  	_ = 	snop  }
0x3c: {  	p2 =	seq.s32 s10, $0x1;
	s10 =	sld [smem:$0x3FA9]  }
0x3d: {  	_ =	shalt  }
0x3e: {  	_ =	shalt  }
0x3f: {  	_ =	shalt  }
0x40: {  	_ =	shalt  }
0x41: {  	_ =	shalt  }
0x42: {  	_ =	shalt  }
0x43: {  	_ =	shalt  }
0x44: {  	_ =	shalt  }
0x45: {  	_ =	shalt  }
0x46: {  	_ =	shalt  }
0x47: {  	_ =	shalt  }
0x48: {  	_ =	shalt  }
0x49: {  	_ =	shalt  }
0x4a: {  	_ =	shalt  }
0x4b: {  	_ =	shalt  }
0x4c: {  	_ =	shalt  }
0x4d: {  	_ =	shalt  }
0x4e: {  	_ =	shalt  }
0x4f: {  	_ =	shalt  }
0x50: {  	_ =	shalt  }
0x51: {  	_ =	shalt  }
0x52: {  	_ =	shalt  }
0x53: {  	_ =	shalt  }
0x54: {  	_ =	shalt  }
0x55: {  	_ =	shalt  }
0x56: {  	_ =	shalt  }
0x57: {  	_ =	shalt  }
0x58: {  	_ =	shalt  }
0x59: {  	_ =	shalt  }
0x5a: {  	_ =	shalt  }
0x5b: {  	_ =	shalt  }
0x5c: {  	_ =	shalt  }
0x5d: {  	_ =	shalt  }
0x5e: {  	_ =	shalt  }
0x5f: {  	_ =	shalt  }
0x60: {  	_ =	shalt  }
0x61: {  	_ =	shalt  }
0x62: {  	_ =	shalt  }
0x63: {  	_ =	shalt  }
0x64: {  	_ =	shalt  }
0x65: {  	_ =	shalt  }
0x66: {  	_ =	shalt  }
0x67: {  	_ =	shalt  }
0x68: {  	_ =	shalt  }
0x69: {  	_ =	shalt  }
0x6a: {  	_ =	shalt  }
0x6b: {  	_ =	shalt  }
0x6c: {  	_ =	shalt  }
0x6d: {  	_ =	shalt  }
0x6e: {  	_ =	shalt  }
0x6f: {  	_ =	shalt  }
0x70: {  	_ =	shalt  }
0x71: {  	_ =	shalt  }
0x72: {  	_ =	shalt  }
0x73: {  	_ =	shalt  }
0x74: {  	_ =	shalt  }
0x75: {  	_ =	shalt  }
0x76: {  	_ =	shalt  }
0x77: {  	_ =	shalt  }
0x78: {  	_ =	shalt  }
0x79: {  	_ =	shalt  }
0x7a: {  	_ =	shalt  }
0x7b: {  	_ =	shalt  }
0x7c: {  	_ =	shalt  }
0x7d: {  	_ =	shalt  }
0x7e: {  	_ =	shalt  }
0x7f: {  	_ =	shalt  }
0x80: {  	_ =	shalt  }
0x81: {  	_ =	shalt  }
0x82: {  	_ =	shalt  }
0x83: {  	_ =	shalt  }
0x84: {  	_ =	shalt  }
0x85: {  	_ =	shalt  }
0x86: {  	_ =	shalt  }
0x87: {  	_ =	shalt  }
.Lfunc_end0:
.L_simem_size_0:
called_computation.1_lowered:
.L_overlay_start_0:
0x88: {  	s2 =	sld [smem:$0x3FD9]  }
0x89: {  	s3 =	sld [smem:$0x3FFE];
	_ =	sdelay $0x1  }
0x8a: {  	s1 =	srdreg.scid  }
0x8b: {  	s0 =	sand.u32 $0x1, s1  }
0x8c: {  	s16 =	sshll.u32 s0, $0xA;
	s2 =	sadd.s32 s3, s2  }
0x8d: {  	s2 =	sadd.s32 s2, s16  }
0x8e: {  	[smem:$0x3FB5] =	sst s2  }
0x8f: {  	_ = 	snop  }
0x90: {  	(tm) =	ssettm $0x1  }
0x91: {  	s17 =	sld [smem:$0x3FFB];
	_ =	sdelay $0x3  }
0x92: {  	_ =	strace s17  }
0x93: {  	s2 =	sld [smem:$0x3FFC];
	_ =	sdelay $0x3  }
0x94: {  	_ =	strace s2  }
0x95: {  	s2 =	sld [smem:$0x3FFD];
	_ =	sdelay $0x3  }
0x96: {  	_ =	strace s2  }
0x97: {  	_ =	strace $0x8FFFFFFF  }
0x98: {  	s18 =	sld [smem:$0x3FDB];
	_ =	sdelay $0x1  }
0x99: {  	s19 =	simm.s32 $_scs_section_size  }
0x9a: {  	s4 =	simm.s32 $_size__tile_overlayer_lowered;
	s5 =	simm.s32 $_tile_overlayer_lowered  }
0x9b: {  	s22 =	simm.s32 $0x1BFF;
	s21 =	sshll.u32 s5, $0x1;
	s2 =	sadd.s32 s19, s18  }
0x9c: {  	s6 =	simm.s32 $0x0;
	s20 =	sshll.u32 s4, $0x1;
	s4 =	sadd.s32 s21, s2  }
0x9d: {  	[timem:s6], [sflag:s22] =	dma.local [hbm:s4], s20  }
0x9e: {  	_ =	swait.ge [sflag:s22], s20  }
0x9f: {  	s3 =	ssub.s32 $0x0, s20;
	[sflag:s22] =	ssyncset.done $0x0  }
0xa0: {  	[sflag:s22] =	ssyncadd.s32 s3;
	_ =	sdelay $0x1  }
0xa1: {  	s23 =	simm.s32 $0x1B8B  }
0xa2: {  	_ =	swait.ge [sflag:s23], $0x1  }
0xa3: {  	[sflag:s23] =	ssyncset.done $0x0  }
0xa4: {  	s25 =	simm.s32 $0x1B8E;
	s24 =	sld [smem:$0x3FFE];
	[sflag:s23] =	ssyncadd.s32 $0xFFFFFFFF  }
0xa5: {  	s26 =	simm.s32 $execute0_lowered;
	[smem:$0x3FD2] =	sst s25  }
0xa6: {  	s4 =	sshll.u32 s26, $0x1;
	_ =	strace $0x80000049;
	[dreg:$0x1] =	wrdreg $0xFFFFFFFF  }
0xa7: {  	s28 =	simm.s32 $_size_execute0_lowered;
	s2 =	sadd.s32 s2, s4;
	[dreg:$0x0] =	wrdreg $0x0  }
0xa8: {  	s4 =	sshll.u32 s28, $0x1;
	[dreg:$0x2] =	wrdreg s2  }
0xa9: {  	[dreg:$0x3] =	wrdreg s4  }
0xaa: {  	[dreg:$0x4] =	wrdreg $0xC0  }
0xab: {  	_ =	task [dreg:s6], $0x5FFFF  }
0xac: {  	[dreg:$0x1] =	wrdreg $0xFFFFFFFF  }
0xad: {  	[dreg:$0x0] =	wrdreg $0x60  }
0xae: {  	[dreg:$0x2] =	wrdreg s24  }
0xaf: {  	[dreg:$0x3] =	wrdreg $0x0  }
0xb0: {  	[dreg:$0x4] =	wrdreg $0x83500  }
0xb1: {  	[dreg:$0x5] =	wrdreg $0x9  }
0xb2: {  	_ =	task.clear_ibuf [dreg:s6], $0x6FFFF;
	_ =	strace $0x90000049  }
0xb3: {  	s29 =	simm.s32 $0x9;
	_ =	strace $0x8000004B  }
0xb4: {  	_ =	swait.ge [sflag:s29], $0x1  }
0xb5: {  	[sflag:s29] =	ssyncadd.s32 $0xFFFFFFFF  }
0xb6: {  	_ =	strace $0x9000004B  }
0xb7: {  	_ =	sfence  }
0xb8: {  	s30 =	sld [smem:$0x0];
	_ =	sdelay $0x2  }
0xb9: {  	s31 =	sshll.u32 s1, $0xD;
	s1 =	sshrl.u32 s1, $0x2  }
0xba: {  	s3 =	sand.u32 $0x4000, s31;
	s1 =	sadd.s32 s1, s30  }
0xbb: {  	s0 =	sor.u32 s3, s0;
	s1 =	sshll.u32 s1, $0x11  }
0xbc: {  	s0 =	sor.u32 s1, s0  }
0xbd: {  	s0 =	sadd.s32 $0x8F2B, s0  }
0xbe: {  	[sflag:s0] =	ssyncadd.remote.s32 $0x1  }
0xbf: {  	_ =	sfence.sel $0xFFFF  }
0xc0: {  	[dreg:$0x0] =	wrdreg $0xFFFFFFFF;
	(pc) =	sbr.abs _section_cstart, $3  }
0xc1: {  	[dreg:$0x1] =	wrdreg $0xFFFFFFFF  }
0xc2: {  	_ =	task.clear_ibuf [dreg:s6], $0x2FFFF;
	_ =	strace $0x9FFFFFFF  }
0xc3: {  	(tm) =	ssettm $0x7FFFFFFF  }
tec
execute0_lowered:
.L_overlay_start_1:
0x0: {  	(tag) =	ssettag $0x1  }
0x1: {  	s1 =	rddreg [dreg:$0x0]  }
0x2: {  	s2 =	rddreg [dreg:$0x1]  }
0x3: {  	s3 =	rddreg [dreg:$0x2];
	s0 =	srdreg.scid  }
0x4: {  	s4 =	stileid.u32;
	s20 =	simm.s32 $0x0;
	s28 =	simm.s32 $0x4E80  }
0x5: {  	s30 =	simm.s32 $0x5010;
	s31 =	simm.s32 $0x3;
	s29 =	simm.s32 $0x5150  }
0x6: {  	s10 =	sand.u32 $0x1, s0;
	s5 =	smul.u32 $0xA00, s4;
	[smem:$0x7FF] =	sst s20  }
0x7: {  	s14 =	sadd.s32 $0x16400, s1;
	s7 =	sshll.u32 s4, $0x1;
	s0 =	ssub.s32 $0x2, s10  }
0x8: {  	p0 =	sgt.u32 s4, $0xC;
	s15 =	sor.u32 s10, s7;
	s6 =	sshrl.u32 s0, $0x1  }
0x9: {  	s22 =	sshrl.u32 s5, $0x3;
	s9 =	sadd.s32 $0x1E000, s5;
	s13 =	sadd.s32 $0x3C000, s5  }
0xa: {  	s0 =	ssub.s32 s0, s6;
	s6 =	sadd.s32 $0xA000, s5;
	s7 =	sadd.s32 s14, s22  }
0xb: {  	s24 =	sshrl.u32 s9, $0x3;
	s8 =	sshrl.u32 s6, $0x3;
	[dreg:$0xa] =	wrdreg s7  }
0xc: {  	s7 =	sadd.s32 $0x28000, s5;
	s23 =	sadd.s32 s14, s8;
	s8 =	sadd.s32 $0x14000, s5  }
0xd: {  	s12 =	sshrl.u32 s7, $0x3;
	[dreg:$0xb] =	wrdreg s23;
	s11 =	sshrl.u32 s8, $0x3  }
0xe: {  	s25 =	sadd.s32 s14, s12;
	s12 =	sadd.s32 $0x32000, s5;
	s11 =	sadd.s32 s14, s11  }
0xf: {  	s16 =	sshrl.u32 s12, $0x3;
	[dreg:$0xc] =	wrdreg s11;
	s11 =	sadd.s32 s14, s24  }
0x10: {  	s26 =	sshrl.u32 s13, $0x3;
	s16 =	sadd.s32 s14, s16;
	[dreg:$0xd] =	wrdreg s11  }
0x11: {  	s11 =	sadd.s32 $0x46000, s5;
	[dreg:$0xf] =	wrdreg s16;
	s16 =	sadd.s32 s14, s26  }
0x12: {  	s17 =	sshrl.u32 s11, $0x3;
	[dreg:$0x10] =	wrdreg s16;
	s16 =	smul.u32 $0x4E2, s15  }
0x13: {  	[dreg:$0xe] =	wrdreg s25;
	s15 =	smul.u32 $0x2710, s15;
	s14 =	sadd.s32 s14, s17  }
0x14: {  	s0 =	smax.u32 s0, $0x1;
	[dreg:$0x11] =	wrdreg s14;
	s14 =	smul.u32 $0x4E200, s10  }
0x15: {  	s15 =	sshrl.u32 s15, $0x3;
	_ =	strace $0x8000004A;
	[dreg:$0x4] =	wrdreg s28  }
0x16: {  	s10 =	smul.u32 $0x4E2, s10;
	[smem:$0x7F5] =	sst s0;
	s18 =	sadd.s32 s5, s14  }
0x17: {  	s19 =	sadd.s32 s14, s6;
	s21 =	sadd.s32 s14, s8;
	s23 =	sadd.s32 s14, s9  }
0x18: {  	s25 =	sadd.s32 s14, s7;
	s28 =	sadd.s32 s14, s12;
	s17 =	sshrl.u32 s18, $0x3  }
0x19: {  	s18 =	sadd.s32 $0x20400, s1;
	s19 =	sshrl.u32 s19, $0x3;
	s22 =	sshrl.u32 s21, $0x3  }
0x1a: {  	s24 =	sshrl.u32 s23, $0x3;
	s26 =	sshrl.u32 s25, $0x3;
	s23 =	simm.s32 $0x6F50  }
0x1b: {  	s21 =	sadd.s32 s14, s13;
	s17 =	sadd.s32 s18, s17;
	[dreg:$0x5] =	wrdreg s23  }
0x1c: {  	s14 =	sadd.s32 s14, s11;
	s23 =	sadd.s32 s9, s2;
	[dreg:$0x12] =	wrdreg s17  }
0x1d: {  	s14 =	sshrl.u32 s14, $0x3;
	s17 =	sadd.s32 s18, s19;
	[smem:$0x7EE] =	sst s23  }
0x1e: {  	s25 =	smul.u32 $0x9C4, s4;
	s14 =	sadd.s32 s18, s14;
	[dreg:$0x13] =	wrdreg s17  }
0x1f: {  	s19 =	sshrl.u32 s28, $0x3;
	s28 =	simm.s32 $0x4FC0;
	[dreg:$0x19] =	wrdreg s14  }
0x20: {  	s17 =	sadd.s32 s18, s22;
	s22 =	sshrl.u32 s21, $0x3;
	[dreg:$0x7] =	wrdreg s28  }
0x21: {  	s21 =	sadd.s32 s8, s2;
	s28 =	sadd.s32 s12, s3;
	[dreg:$0x14] =	wrdreg s17  }
0x22: {  	s17 =	sadd.s32 s18, s24;
	s24 =	sadd.s32 $0x2A00, s1;
	[dreg:$0x1f] =	wrdreg s21  }
0x23: {  	s1 =	sadd.s32 $0x20200, s1;
	[dreg:$0x15] =	wrdreg s17;
	s17 =	sadd.s32 s18, s26  }
0x24: {  	s16 =	sadd.s32 s24, s16;
	s15 =	sadd.s32 s24, s15;
	[dreg:$0x1b] =	wrdreg s1  }
0x25: {  	s26 =	simm.s32 $0x4F20;
	s14 =	sadd.s32 s25, s24;
	[dreg:$0x16] =	wrdreg s17  }
0x26: {  	s1 =	sadd.s32 s5, s3;
	s24 =	sadd.s32 s9, s3;
	[dreg:$0x1a] =	wrdreg s16  }
0x27: {  	s25 =	sadd.s32 s7, s2;
	s7 =	sadd.s32 s7, s3;
	[dreg:$0x6] =	wrdreg s26  }
0x28: {  	s9 =	simm.s32 $0x5;
	s17 =	sadd.s32 s18, s19;
	[smem:$0x7EF] =	sst s25  }
0x29: {  	s16 =	simm.s32 $0x5100;
	s19 =	sadd.s32 s6, s2;
	[dreg:$0x17] =	wrdreg s17  }
0x2a: {  	s26 =	sadd.s32 s12, s2;
	s12 =	sadd.s32 s13, s2;
	[dreg:$0x8] =	wrdreg s16  }
0x2b: {  	s13 =	sadd.s32 s13, s3;
	s24 =	sshrl.u32 s24, $0x3;
	[dreg:$0x1e] =	wrdreg s19  }
0x2c: {  	s25 =	sshrl.u32 s7, $0x3;
	s7 =	simm.s32 $0x7;
	[smem:$0x7F0] =	sst s26  }
0x2d: {  	s17 =	sadd.s32 s18, s22;
	s22 =	sadd.s32 s10, s14;
	[smem:$0x7F1] =	sst s12  }
0x2e: {  	s18 =	sadd.s32 s5, s2;
	s5 =	sadd.s32 s6, s3;
	[smem:$0x7F9] =	sst s24  }
0x2f: {  	s6 =	sadd.s32 s8, s3;
	s16 =	sadd.s32 s11, s2;
	[smem:$0x7FA] =	sst s25  }
0x30: {  	s11 =	sadd.s32 s11, s3;
	s19 =	sshrl.u32 s1, $0x3;
	[dreg:$0x18] =	wrdreg s17  }
0x31: {  	s26 =	sshrl.u32 s28, $0x3;
	s28 =	sshrl.u32 s13, $0x3;
	[dreg:$0x1d] =	wrdreg s18  }
0x32: {  	s1 =	simm.s32 $0x6;
	s8 =	simm.s32 $0xB;
	[smem:$0x7F2] =	sst s16  }
0x33: {  	s10 =	simm.s32 $0x8;
	s17 =	sshll.u32 s4, $0x6;
	[smem:$0x7F6] =	sst s19  }
0x34: {  	s18 =	sadd.s32 $0x14, s15;
	s21 =	sshrl.u32 s5, $0x3;
	[smem:$0x7FB] =	sst s26  }
0x35: {  	s23 =	sshrl.u32 s6, $0x3;
	[smem:$0x7FC] =	sst s28;
	s0 =	sshrl.u32 @!p0 s11, $0x3  }
0x36: {  	s16 =	simm.s32 $0x50;
	s5 =	simm.s32 $0x50B0;
	[smem:$0x7F4] =	sst s18  }
0x37: {  	s6 =	simm.s32 $0x4;
	s19 =	simm.s32 $0xC;
	[smem:$0x7F7] =	sst s21  }
0x38: {  	s11 =	simm.s32 $0xA;
	s26 =	simm.s32 $0x4F70;
	[smem:$0x7F8] =	sst s23  }
0x39: {  	s14 =	sor.u32 $0x1C10, s17;
	s17 =	sadd.s32 $0xA, s15;
	[smem:$0x7FD] =	sst s0  }
0x3a: {  	s21 =	simm.s32 $0x10;
	s0 =	simm.s32 $0x6550;
	[smem:$0x7F3] =	sst s17  }
0x3b: {  	s18 =	simm.s32 $0x7950;
	s17 =	simm.s32 $0x4E200;
	[dreg:$0x1c] =	wrdreg s14  }
.LBB2_1:
0x3c: {  	[dreg:$0x9] =	wrdreg s20  }
0x3d: {  	s4 =	rddreg [dreg:$0x1d]  }
0x3e: {  	s12 =	rddreg [dreg:$0x1b];
	s4 =	sshrl.u32 s4, $0x3  }
0x3f: {  	[smem:$0x7E6] =	sst s4  }
0x40: {  	[spmem:s4], [sflag:s14] =	dma.local [hbm:s12], $0x140  }
0x41: {  	s13 =	sld [smem:$0x7F6];
	_ =	sdelay $0x1  }
0x42: {  	s4 =	rddreg [dreg:$0xa]  }
0x43: {  	[spmem:s13], [sflag:s14] =	dma.local [hbm:s4], $0x140  }
0x44: {  	s4 =	rddreg [dreg:$0x1e]  }
0x45: {  	s4 =	sshrl.u32 s4, $0x3  }
0x46: {  	[smem:$0x7E7] =	sst s4  }
0x47: {  	[spmem:s4], [sflag:s14] =	dma.local [hbm:s12], $0x140  }
0x48: {  	s20 =	sld [smem:$0x7F7];
	_ =	sdelay $0x1  }
0x49: {  	s4 =	rddreg [dreg:$0xb]  }
0x4a: {  	[spmem:s20], [sflag:s14] =	dma.local [hbm:s4], $0x140  }
0x4b: {  	s4 =	rddreg [dreg:$0x1f]  }
0x4c: {  	s4 =	sshrl.u32 s4, $0x3  }
0x4d: {  	[smem:$0x7E8] =	sst s4  }
0x4e: {  	[spmem:s4], [sflag:s14] =	dma.local [hbm:s12], $0x140  }
0x4f: {  	s23 =	sld [smem:$0x7F8];
	_ =	sdelay $0x1  }
0x50: {  	s4 =	rddreg [dreg:$0xc]  }
0x51: {  	[spmem:s23], [sflag:s14] =	dma.local [hbm:s4], $0x140  }
0x52: {  	s4 =	sld [smem:$0x7EE];
	_ =	sdelay $0x2  }
0x53: {  	s4 =	sshrl.u32 s4, $0x3  }
0x54: {  	[smem:$0x7E9] =	sst s4  }
0x55: {  	[spmem:s4], [sflag:s14] =	dma.local [hbm:s12], $0x140  }
0x56: {  	s24 =	sld [smem:$0x7F9];
	_ =	sdelay $0x1  }
0x57: {  	s4 =	rddreg [dreg:$0xd]  }
0x58: {  	[spmem:s24], [sflag:s14] =	dma.local [hbm:s4], $0x140  }
0x59: {  	s4 =	sld [smem:$0x7EF];
	_ =	sdelay $0x2  }
0x5a: {  	s4 =	sshrl.u32 s4, $0x3  }
0x5b: {  	[smem:$0x7EA] =	sst s4  }
0x5c: {  	[spmem:s4], [sflag:s14] =	dma.local [hbm:s12], $0x140  }
0x5d: {  	s25 =	sld [smem:$0x7FA];
	_ =	sdelay $0x1  }
0x5e: {  	s4 =	rddreg [dreg:$0xe]  }
0x5f: {  	[spmem:s25], [sflag:s14] =	dma.local [hbm:s4], $0x140  }
0x60: {  	s4 =	sld [smem:$0x7F0];
	_ =	sdelay $0x2  }
0x61: {  	s4 =	sshrl.u32 s4, $0x3  }
0x62: {  	[smem:$0x7EB] =	sst s4  }
0x63: {  	[spmem:s4], [sflag:s14] =	dma.local [hbm:s12], $0x140  }
0x64: {  	s15 =	sld [smem:$0x7FB];
	_ =	sdelay $0x1  }
0x65: {  	s4 =	rddreg [dreg:$0xf]  }
0x66: {  	[spmem:s15], [sflag:s14] =	dma.local [hbm:s4], $0x140  }
0x67: {  	s4 =	sld [smem:$0x7F1];
	_ =	sdelay $0x2  }
0x68: {  	s4 =	sshrl.u32 s4, $0x3  }
0x69: {  	[smem:$0x7EC] =	sst s4  }
0x6a: {  	[spmem:s4], [sflag:s14] =	dma.local [hbm:s12], $0x140  }
0x6b: {  	s20 =	sld [smem:$0x7FC];
	_ =	sdelay $0x1  }
0x6c: {  	s4 =	rddreg [dreg:$0x10]  }
0x6d: {  	[spmem:s20], [sflag:s14] =	dma.local [hbm:s4], $0x140  }
0x6e: {  	s4 =	sld [smem:$0x7F2];
	_ =	sdelay $0x2  }
0x6f: {  	s4 =	sshrl.u32 @!p0 s4, $0x3  }
0x70: {  	[smem:$0x7ED] =	sst s4  }
0x71: {  	[spmem:s4], [sflag:s14] =	dma.local @!p0 [hbm:s12], $0x140  }
0x72: {  	s12 =	sld [smem:$0x7FD];
	_ =	sdelay $0x1  }
0x73: {  	s4 =	rddreg [dreg:$0x11]  }
0x74: {  	[spmem:s12], [sflag:s14] =	dma.local @!p0 [hbm:s4], $0x140  }
0x75: {  	s4 =	rddreg [dreg:$0x1a]  }
0x76: {  	s23 =	simm.s32 $0x4E30;
	s24 =	sld [smem:$0x7F3]  }
0x77: {  	[tilespmem:s23], [sflag:$0x1] =	stream.strided.gather [hbm4b:s4+s16], $0xA0, s17, s16, $0x38;
	[tilespmem:$0xD170] =	vst v63  }
0x78: {  	s25 =	simm.s32 $0x4ED0;
	s12 =	sld [smem:$0x7F4]  }
0x79: {  	[tilespmem:s25], [sflag:$0x2] =	stream.strided.gather [hbm4b:s24+s16], $0xA0, s17, s16, $0x38;
	[tilespmem:$0xD170] =	vst v63  }
0x7a: {  	s15 =	simm.s32 $0x4F70  }
0x7b: {  	[tilespmem:s15], [sflag:$0x3] =	stream.strided.gather [hbm4b:s12+s16], $0xA0, s17, s16, $0x38;
	[tilespmem:$0xD170] =	vst v63  }
0x7c: {  	_ =	swait.ge [sflag:s21], $0x140  }
0x7d: {  	[sflag:s21] =	ssyncset.done $0x0  }
0x7e: {  	[sflag:s21] =	ssyncadd.s32 $0xFFFFFEC0  }
0x7f: {  	_ =	swait.ge [sflag:s21], $0x140  }
0x80: {  	[sflag:s21] =	ssyncset.done $0x0  }
0x81: {  	[sflag:s21] =	ssyncadd.s32 $0xFFFFFEC0  }
0x82: {  	_ =	swait.ge [sflag:s21], $0x140  }
0x83: {  	[sflag:s21] =	ssyncset.done $0x0  }
0x84: {  	[sflag:s21] =	ssyncadd.s32 $0xFFFFFEC0  }
0x85: {  	_ =	swait.ge [sflag:s21], $0x140  }
0x86: {  	[sflag:s21] =	ssyncset.done $0x0  }
0x87: {  	[sflag:s21] =	ssyncadd.s32 $0xFFFFFEC0  }
0x88: {  	_ =	swait.ge [sflag:s21], $0x140  }
0x89: {  	[sflag:s21] =	ssyncset.done $0x0  }
0x8a: {  	[sflag:s21] =	ssyncadd.s32 $0xFFFFFEC0  }
0x8b: {  	_ =	swait.ge [sflag:s21], $0x140  }
0x8c: {  	[sflag:s21] =	ssyncset.done $0x0  }
0x8d: {  	[sflag:s21] =	ssyncadd.s32 $0xFFFFFEC0  }
0x8e: {  	_ =	swait.ge [sflag:s21], $0x140  }
0x8f: {  	[sflag:s21] =	ssyncset.done $0x0  }
0x90: {  	[sflag:s21] =	ssyncadd.s32 $0xFFFFFEC0  }
0x91: {  	_ =	swait.ge [sflag:s21], $0x140  }
0x92: {  	[sflag:s21] =	ssyncset.done $0x0  }
0x93: {  	[sflag:s21] =	ssyncadd.s32 $0xFFFFFEC0  }
0x94: {  	_ =	swait.ge [sflag:s21], $0x140  }
0x95: {  	[sflag:s21] =	ssyncset.done $0x0  }
0x96: {  	[sflag:s21] =	ssyncadd.s32 $0xFFFFFEC0  }
0x97: {  	_ =	swait.ge [sflag:s21], $0x140  }
0x98: {  	[sflag:s21] =	ssyncset.done $0x0  }
0x99: {  	[sflag:s21] =	ssyncadd.s32 $0xFFFFFEC0  }
0x9a: {  	_ =	swait.ge [sflag:s21], $0x140  }
0x9b: {  	[sflag:s21] =	ssyncset.done $0x0  }
0x9c: {  	[sflag:s21] =	ssyncadd.s32 $0xFFFFFEC0  }
0x9d: {  	_ =	swait.ge [sflag:s21], $0x140  }
0x9e: {  	[sflag:s21] =	ssyncset.done $0x0  }
0x9f: {  	[sflag:s21] =	ssyncadd.s32 $0xFFFFFEC0  }
0xa0: {  	_ =	swait.ge [sflag:s21], $0x140  }
0xa1: {  	[sflag:s21] =	ssyncset.done $0x0  }
0xa2: {  	[sflag:s21] =	ssyncadd.s32 $0xFFFFFEC0  }
0xa3: {  	_ =	swait.ge [sflag:s21], $0x140  }
0xa4: {  	[sflag:s21] =	ssyncset.done $0x0  }
0xa5: {  	s12 =	simm.s32 @!p0 $0x10;
	[sflag:s21] =	ssyncadd.s32 $0xFFFFFEC0  }
0xa6: {  	_ =	swait.ge @!p0 [sflag:s12], $0x140  }
0xa7: {  	[sflag:s12] =	ssyncset.done @!p0 $0x0  }
0xa8: {  	[sflag:s12] =	ssyncadd.s32 @!p0 $0xFFFFFEC0  }
0xa9: {  	_ =	swait.ge @!p0 [sflag:s12], $0x140  }
0xaa: {  	[sflag:s12] =	ssyncset.done @!p0 $0x0  }
0xab: {  	[sflag:s12] =	ssyncadd.s32 @!p0 $0xFFFFFEC0  }
0xac: {  	s20 =	simm.s32 $0x1;
	[bflag:$0x0] =	sbarrier.arrive $0xFFFF  }
0xad: {  	_ =	swait.ge [sflag:s20], $0xA0  }
0xae: {  	[sflag:s20] =	ssyncset.done $0x0  }
0xaf: {  	s4 =	simm.s32 $0x5150;
	s21 =	simm.s32 $0x2;
	[sflag:s20] =	ssyncadd.s32 $0xFFFFFF60  }
0xb0: {  	[tilespmem:s4], [sflag:$0x6] =	stream.indirect.gather [spmem:s3], $0x20, s23, s16, $0xb8;
	[tilespmem:$0xD170] =	vst v63  }
0xb1: {  	p1 =	por $0x1, $0x1;
	_ =	swait.ge [sflag:s21], $0xA0  }
0xb2: {  	p1 =	por p1, p1;
	[sflag:s21] =	ssyncset.done $0x0  }
0xb3: {  	s12 =	simm.s32 @!p1 $0xE;
	s20 =	simm.s32 $0x5B50;
	[sflag:s21] =	ssyncadd.s32 $0xFFFFFF60  }
0xb4: {  	[tilespmem:s20], [sflag:$0x7] =	stream.indirect.gather [spmem:s3], $0x20, s25, s16, $0xb8;
	[tilespmem:$0xD170] =	vst v63  }
0xb5: {  	_ =	swait.ge @!p1 [sflag:s12], $0xA00  }
0xb6: {  	s23 =	sadd.s32 $0x0, s22;
	[sflag:s12] =	ssyncset.done @!p1 $0x0  }
0xb7: {  	s24 =	sadd.s32 $0x1E, s23;
	[sflag:s12] =	ssyncadd.s32 @!p1 $0xFFFFF600  }
0xb8: {  	[tilespmem:s30], [sflag:$0x4] =	stream.strided.gather [hbm4b:s24+s16], $0xA0, s17, s16, $0x38;
	[tilespmem:$0xD170] =	vst v63  }
0xb9: {  	_ =	swait.ge [sflag:s31], $0xA0  }
0xba: {  	[sflag:s31] =	ssyncset.done $0x0  }
0xbb: {  	[sflag:s31] =	ssyncadd.s32 $0xFFFFFF60  }
0xbc: {  	[tilespmem:s0], [sflag:$0x8] =	stream.indirect.gather [spmem:s3], $0x20, s15, s16, $0xb8;
	[tilespmem:$0xD170] =	vst v63  }
0xbd: {  	_ =	swait.ge [sflag:s1], $0xA00  }
0xbe: {  	[sflag:s1] =	ssyncset.done $0x0  }
0xbf: {  	s14 =	simm.s32 @!p1 $0xF;
	s25 =	rddreg [dreg:$0x4];
	[sflag:s1] =	ssyncadd.s32 $0xFFFFF600  }
0xc0: {  	[spmem:s2] =	stream.indirect.scatter.add.f32 [tilespmem:s4], [sflag:$0xB], $0x20, s25, s16, $0xb8;
	[tilespmem:$0xD170] =	vst v63  }
0xc1: {  	_ =	swait.ge @!p1 [sflag:s14], $0xA00  }
0xc2: {  	[sflag:s14] =	ssyncset.done @!p1 $0x0  }
0xc3: {  	s15 =	sadd.s32 $0x28, s23;
	[sflag:s14] =	ssyncadd.s32 @!p1 $0xFFFFF600  }
0xc4: {  	[tilespmem:s5], [sflag:$0x5] =	stream.strided.gather [hbm4b:s15+s16], $0xA0, s17, s16, $0x38;
	[tilespmem:$0xD170] =	vst v63  }
0xc5: {  	_ =	swait.ge [sflag:s6], $0xA0  }
0xc6: {  	[sflag:s6] =	ssyncset.done $0x0  }
0xc7: {  	s21 =	rddreg [dreg:$0x5];
	[sflag:s6] =	ssyncadd.s32 $0xFFFFFF60  }
0xc8: {  	[tilespmem:s21], [sflag:$0x9] =	stream.indirect.gather [spmem:s3], $0x20, s30, s16, $0xb8;
	[tilespmem:$0xD170] =	vst v63  }
0xc9: {  	_ =	swait.ge [sflag:s7], $0xA00  }
0xca: {  	[sflag:s7] =	ssyncset.done $0x0  }
0xcb: {  	p1 =	por $0x0, $0x0;
	s23 =	rddreg [dreg:$0x6];
	[sflag:s7] =	ssyncadd.s32 $0xFFFFF600  }
0xcc: {  	[spmem:s2] =	stream.indirect.scatter.add.f32 [tilespmem:s20], [sflag:$0xC], $0x20, s23, s16, $0xb8;
	[tilespmem:$0xD170] =	vst v63  }
0xcd: {  	s12 =	sadd.s32 @!p1 $0x0, s22;
	_ =	swait.ge [sflag:s8], $0xA00  }
0xce: {  	s13 =	simm.s32 @!p1 $0x50;
	s15 =	simm.s32 @!p1 $0x4E200;
	[sflag:s8] =	ssyncset.done $0x0  }
0xcf: {  	s25 =	simm.s32 @!p1 $0x4E30;
	s14 =	sadd.s32 @!p1 $0x32, s12;
	[sflag:s8] =	ssyncadd.s32 $0xFFFFF600  }
0xd0: {  	[tilespmem:s25], [sflag:$0x1] =	stream.strided.gather @!p1 [hbm4b:s14+s13], $0xA0, s15, s13, $0x38;
	[tilespmem:$0xD170] =	vst v63  }
0xd1: {  	_ =	swait.ge [sflag:s9], $0xA0  }
0xd2: {  	[sflag:s9] =	ssyncset.done $0x0  }
0xd3: {  	[sflag:s9] =	ssyncadd.s32 $0xFFFFFF60  }
0xd4: {  	[tilespmem:s18], [sflag:$0xA] =	stream.indirect.gather [spmem:s3], $0x20, s5, s16, $0xb8;
	[tilespmem:$0xD170] =	vst v63  }
0xd5: {  	_ =	swait.ge [sflag:s10], $0xA00  }
0xd6: {  	[sflag:s10] =	ssyncset.done $0x0  }
0xd7: {  	s24 =	rddreg [dreg:$0x7];
	[sflag:s10] =	ssyncadd.s32 $0xFFFFF600  }
0xd8: {  	[spmem:s2] =	stream.indirect.scatter.add.f32 [tilespmem:s0], [sflag:$0xD], $0x20, s24, s16, $0xb8;
	[tilespmem:$0xD170] =	vst v63  }
0xd9: {  	_ =	swait.ge [sflag:s19], $0xA00  }
0xda: {  	[sflag:s19] =	ssyncset.done $0x0  }
0xdb: {  	s14 =	simm.s32 @p1 $0x9;
	[sflag:s19] =	ssyncadd.s32 $0xFFFFF600  }
0xdc: {  	_ =	swait.ge @p1 [sflag:s14], $0xA00  }
0xdd: {  	s28 =	simm.s32 @p1 $0x6F50;
	[sflag:s14] =	ssyncset.done @p1 $0x0  }
0xde: {  	s4 =	simm.s32 @p1 $0x50;
	[sflag:s14] =	ssyncadd.s32 @p1 $0xFFFFF600;
	s14 =	simm.s32 @p1 $0x5060  }
0xdf: {  	[spmem:s2] =	stream.indirect.scatter.add.f32 @p1 [tilespmem:s28], [sflag:$0xE], $0x20, s14, s4, $0xb8;
	[tilespmem:$0xD170] =	vst v63  }
0xe0: {  	s4 =	simm.s32 @p1 $0xD  }
0xe1: {  	_ =	swait.ge @p1 [sflag:s4], $0xA00  }
0xe2: {  	[sflag:s4] =	ssyncset.done @p1 $0x0  }
0xe3: {  	s14 =	sadd.s32 @!p1 $0x3C, s12;
	[sflag:s4] =	ssyncadd.s32 @p1 $0xFFFFF600;
	s4 =	simm.s32 @!p1 $0x4ED0  }
0xe4: {  	[tilespmem:s4], [sflag:$0x2] =	stream.strided.gather @!p1 [hbm4b:s14+s13], $0xA0, s15, s13, $0x38;
	[tilespmem:$0xD170] =	vst v63  }
0xe5: {  	s14 =	simm.s32 @!p1 $0x1  }
0xe6: {  	_ =	swait.ge @!p1 [sflag:s14], $0xA0  }
0xe7: {  	[sflag:s14] =	ssyncset.done @!p1 $0x0  }
0xe8: {  	[sflag:s14] =	ssyncadd.s32 @!p1 $0xFFFFFF60;
	s14 =	simm.s32 @!p1 $0x5150  }
0xe9: {  	[tilespmem:s14], [sflag:$0x6] =	stream.indirect.gather @!p1 [spmem:s3], $0x20, s25, s13, $0xb8;
	[tilespmem:$0xD170] =	vst v63  }
0xea: {  	s14 =	simm.s32 @!p1 $0x9  }
0xeb: {  	_ =	swait.ge @!p1 [sflag:s14], $0xA00  }
0xec: {  	[sflag:s14] =	ssyncset.done @!p1 $0x0  }
0xed: {  	s25 =	simm.s32 @!p1 $0x5060;
	[sflag:s14] =	ssyncadd.s32 @!p1 $0xFFFFF600;
	s14 =	simm.s32 @!p1 $0x6F50  }
0xee: {  	[spmem:s2] =	stream.indirect.scatter.add.f32 @!p1 [tilespmem:s14], [sflag:$0xE], $0x20, s25, s13, $0xb8;
	[tilespmem:$0xD170] =	vst v63  }
0xef: {  	s14 =	simm.s32 @!p1 $0xD  }
0xf0: {  	_ =	swait.ge @!p1 [sflag:s14], $0xA00  }
0xf1: {  	[sflag:s14] =	ssyncset.done @!p1 $0x0  }
0xf2: {  	s12 =	sadd.s32 @!p1 $0x46, s12;
	[sflag:s14] =	ssyncadd.s32 @!p1 $0xFFFFF600;
	s14 =	simm.s32 @!p1 $0x4F70  }
0xf3: {  	[tilespmem:s14], [sflag:$0x3] =	stream.strided.gather @!p1 [hbm4b:s12+s13], $0xA0, s15, s13, $0x38;
	[tilespmem:$0xD170] =	vst v63  }
0xf4: {  	s12 =	simm.s32 @!p1 $0x2  }
0xf5: {  	_ =	swait.ge @!p1 [sflag:s12], $0xA0  }
0xf6: {  	[sflag:s12] =	ssyncset.done @!p1 $0x0  }
0xf7: {  	[sflag:s12] =	ssyncadd.s32 @!p1 $0xFFFFFF60;
	s12 =	simm.s32 @!p1 $0x5B50  }
0xf8: {  	[tilespmem:s12], [sflag:$0x7] =	stream.indirect.gather @!p1 [spmem:s3], $0x20, s4, s13, $0xb8;
	[tilespmem:$0xD170] =	vst v63  }
0xf9: {  	p6 =	por $0x0, $0x0;
	_ =	swait.ge [sflag:s11], $0xA00  }
0xfa: {  	s28 =	simm.s32 $0x64;
	s25 =	simm.s32 $0x32;
	[sflag:s11] =	ssyncset.done $0x0  }
0xfb: {  	p1 =	por p6, p6;
	s12 =	rddreg [dreg:$0x8];
	[sflag:s11] =	ssyncadd.s32 $0xFFFFF600  }
.LBB2_2:
0xfc: {  	s4 =	simm.s32 @!p1 $0xE  }
0xfd: {  	[spmem:s2] =	stream.indirect.scatter.add.f32 [tilespmem:s18], [sflag:$0xF], $0x20, s12, s16, $0xb8;
	[tilespmem:$0xD170] =	vst v63  }
0xfe: {  	_ =	swait.ge @!p1 [sflag:s4], $0xA00  }
0xff: {  	s21 =	sadd.s32 s25, s22;
	[sflag:s4] =	ssyncset.done @!p1 $0x0  }
0x100: {  	s23 =	sadd.s32 $0x1E, s21;
	[sflag:s4] =	ssyncadd.s32 @!p1 $0xFFFFF600  }
0x101: {  	[tilespmem:s30], [sflag:$0x4] =	stream.strided.gather [hbm4b:s23+s16], $0xA0, s17, s16, $0x38;
	[tilespmem:$0xD170] =	vst v63  }
0x102: {  	_ =	swait.ge [sflag:s31], $0xA0  }
0x103: {  	[sflag:s31] =	ssyncset.done $0x0  }
0x104: {  	[sflag:s31] =	ssyncadd.s32 $0xFFFFFF60  }
0x105: {  	[tilespmem:s0], [sflag:$0x8] =	stream.indirect.gather [spmem:s3], $0x20, s26, s16, $0xb8;
	[tilespmem:$0xD170] =	vst v63  }
0x106: {  	_ =	swait.ge [sflag:s1], $0xA00  }
0x107: {  	[sflag:s1] =	ssyncset.done $0x0  }
0x108: {  	s13 =	simm.s32 @!p1 $0xF;
	s24 =	rddreg [dreg:$0x4];
	[sflag:s1] =	ssyncadd.s32 $0xFFFFF600  }
0x109: {  	[spmem:s2] =	stream.indirect.scatter.add.f32 [tilespmem:s29], [sflag:$0xB], $0x20, s24, s16, $0xb8;
	[tilespmem:$0xD170] =	vst v63  }
0x10a: {  	_ =	swait.ge @!p1 [sflag:s13], $0xA00  }
0x10b: {  	[sflag:s13] =	ssyncset.done @!p1 $0x0  }
0x10c: {  	s12 =	sadd.s32 $0x28, s21;
	[sflag:s13] =	ssyncadd.s32 @!p1 $0xFFFFF600  }
0x10d: {  	[tilespmem:s5], [sflag:$0x5] =	stream.strided.gather [hbm4b:s12+s16], $0xA0, s17, s16, $0x38;
	[tilespmem:$0xD170] =	vst v63  }
0x10e: {  	_ =	swait.ge [sflag:s6], $0xA0  }
0x10f: {  	[sflag:s6] =	ssyncset.done $0x0  }
0x110: {  	s13 =	rddreg [dreg:$0x5];
	[sflag:s6] =	ssyncadd.s32 $0xFFFFFF60  }
0x111: {  	[tilespmem:s13], [sflag:$0x9] =	stream.indirect.gather [spmem:s3], $0x20, s30, s16, $0xb8;
	[tilespmem:$0xD170] =	vst v63  }
0x112: {  	p3 =	seq.s32 s28, $0x0;
	_ =	swait.ge [sflag:s7], $0xA00  }
0x113: {  	s20 =	simm.s32 $0x5B50;
	p1 =	por p3, p3;
	[sflag:s7] =	ssyncset.done $0x0  }
0x114: {  	p3 =	seq.s32 s25, $0x4B0;
	s15 =	rddreg [dreg:$0x6];
	[sflag:s7] =	ssyncadd.s32 $0xFFFFF600  }
0x115: {  	[spmem:s2] =	stream.indirect.scatter.add.f32 [tilespmem:s20], [sflag:$0xC], $0x20, s15, s16, $0xb8;
	[tilespmem:$0xD170] =	vst v63  }
0x116: {  	s4 =	sadd.s32 @!p3 s25, s22;
	_ =	swait.ge [sflag:s8], $0xA00  }
0x117: {  	s12 =	simm.s32 @!p3 $0x50;
	s23 =	simm.s32 @!p3 $0x4E30;
	[sflag:s8] =	ssyncset.done $0x0  }
0x118: {  	s25 =	sadd.s32 @!p3 $0x32, s4;
	s13 =	simm.s32 @!p3 $0x4E200;
	[sflag:s8] =	ssyncadd.s32 $0xFFFFF600  }
0x119: {  	[tilespmem:s23], [sflag:$0x1] =	stream.strided.gather @!p3 [hbm4b:s25+s12], $0xA0, s13, s12, $0x38;
	[tilespmem:$0xD170] =	vst v63  }
0x11a: {  	_ =	swait.ge [sflag:s9], $0xA0  }
0x11b: {  	[sflag:s9] =	ssyncset.done $0x0  }
0x11c: {  	[sflag:s9] =	ssyncadd.s32 $0xFFFFFF60  }
0x11d: {  	[tilespmem:s18], [sflag:$0xA] =	stream.indirect.gather [spmem:s3], $0x20, s5, s16, $0xb8;
	[tilespmem:$0xD170] =	vst v63  }
0x11e: {  	_ =	swait.ge [sflag:s10], $0xA00  }
0x11f: {  	[sflag:s10] =	ssyncset.done $0x0  }
0x120: {  	s21 =	rddreg [dreg:$0x7];
	[sflag:s10] =	ssyncadd.s32 $0xFFFFF600  }
0x121: {  	[spmem:s2] =	stream.indirect.scatter.add.f32 [tilespmem:s0], [sflag:$0xD], $0x20, s21, s16, $0xb8;
	[tilespmem:$0xD170] =	vst v63  }
0x122: {  	_ =	swait.ge [sflag:s19], $0xA00  }
0x123: {  	s24 =	sadd.s32 @!p3 $0x3C, s4;
	[sflag:s19] =	ssyncset.done $0x0  }
0x124: {  	s15 =	sadd.s32 @!p3 $0x46, s4;
	s4 =	simm.s32 @p3 $0x9;
	[sflag:s19] =	ssyncadd.s32 $0xFFFFF600  }
0x125: {  	s14 =	smov.u32 s28;
	s20 =	simm.s32 @p3 $0x5060;
	_ =	swait.ge @p3 [sflag:s4], $0xA00  }
0x126: {  	s25 =	smov.u32 s14;
	s14 =	simm.s32 @p3 $0x6F50;
	[sflag:s4] =	ssyncset.done @p3 $0x0  }
0x127: {  	s21 =	simm.s32 @p3 $0x50;
	[sflag:s4] =	ssyncadd.s32 @p3 $0xFFFFF600;
	s4 =	simm.s32 @p3 $0xD  }
0x128: {  	[spmem:s2] =	stream.indirect.scatter.add.f32 @p3 [tilespmem:s14], [sflag:$0xE], $0x20, s20, s21, $0xb8;
	[tilespmem:$0xD170] =	vst v63  }
0x129: {  	_ =	swait.ge @p3 [sflag:s4], $0xA00  }
0x12a: {  	[sflag:s4] =	ssyncset.done @p3 $0x0  }
0x12b: {  	s14 =	simm.s32 @!p3 $0x4ED0;
	[sflag:s4] =	ssyncadd.s32 @p3 $0xFFFFF600;
	s4 =	simm.s32 @!p3 $0x1  }
0x12c: {  	[tilespmem:s14], [sflag:$0x2] =	stream.strided.gather @!p3 [hbm4b:s24+s12], $0xA0, s13, s12, $0x38;
	[tilespmem:$0xD170] =	vst v63  }
0x12d: {  	_ =	swait.ge @!p3 [sflag:s4], $0xA0  }
0x12e: {  	[sflag:s4] =	ssyncset.done @!p3 $0x0  }
0x12f: {  	s20 =	simm.s32 @!p3 $0x5150;
	[sflag:s4] =	ssyncadd.s32 @!p3 $0xFFFFFF60;
	s4 =	simm.s32 @!p3 $0x9  }
0x130: {  	[tilespmem:s20], [sflag:$0x6] =	stream.indirect.gather @!p3 [spmem:s3], $0x20, s23, s12, $0xb8;
	[tilespmem:$0xD170] =	vst v63  }
0x131: {  	_ =	swait.ge @!p3 [sflag:s4], $0xA00  }
0x132: {  	s21 =	simm.s32 @!p3 $0x6F50;
	[sflag:s4] =	ssyncset.done @!p3 $0x0  }
0x133: {  	s20 =	simm.s32 @!p3 $0x5060;
	[sflag:s4] =	ssyncadd.s32 @!p3 $0xFFFFF600;
	s4 =	simm.s32 @!p3 $0xD  }
0x134: {  	[spmem:s2] =	stream.indirect.scatter.add.f32 @!p3 [tilespmem:s21], [sflag:$0xE], $0x20, s20, s12, $0xb8;
	[tilespmem:$0xD170] =	vst v63  }
0x135: {  	_ =	swait.ge @!p3 [sflag:s4], $0xA00  }
0x136: {  	[sflag:s4] =	ssyncset.done @!p3 $0x0  }
0x137: {  	s20 =	simm.s32 @!p3 $0x4F70;
	[sflag:s4] =	ssyncadd.s32 @!p3 $0xFFFFF600;
	s4 =	simm.s32 @!p3 $0x2  }
0x138: {  	[tilespmem:s20], [sflag:$0x3] =	stream.strided.gather @!p3 [hbm4b:s15+s12], $0xA0, s13, s12, $0x38;
	[tilespmem:$0xD170] =	vst v63  }
0x139: {  	s28 =	sadd.s32 $0x32, s28;
	_ =	swait.ge @!p3 [sflag:s4], $0xA0  }
0x13a: {  	p2 =	sne.s32 s28, $0x4E2;
	[sflag:s4] =	ssyncset.done @!p3 $0x0  }
.Ltmp0:
0x13b: {  	s13 =	simm.s32 @!p3 $0x5B50;
	[sflag:s4] =	ssyncadd.s32 @!p3 $0xFFFFFF60;
	(pc) =	sbr.rel @p2 .LBB2_2-.Ltmp0, $4  }
0x13c: {  	[tilespmem:s13], [sflag:$0x7] =	stream.indirect.gather @!p3 [spmem:s3], $0x20, s14, s12, $0xb8;
	[tilespmem:$0xD170] =	vst v63  }
0x13d: {  	_ =	swait.ge [sflag:s11], $0xA00  }
0x13e: {  	[sflag:s11] =	ssyncset.done $0x0  }
0x13f: {  	s12 =	rddreg [dreg:$0x8];
	[sflag:s11] =	ssyncadd.s32 $0xFFFFF600  }
0x140: {  	s4 =	simm.s32 @!p1 $0xE  }
0x141: {  	[spmem:s2] =	stream.indirect.scatter.add.f32 [tilespmem:s18], [sflag:$0xF], $0x20, s12, s16, $0xb8;
	[tilespmem:$0xD170] =	vst v63  }
0x142: {  	_ =	swait.ge @!p1 [sflag:s4], $0xA00  }
0x143: {  	s28 =	sadd.s32 s25, s22;
	[sflag:s4] =	ssyncset.done @!p1 $0x0  }
0x144: {  	s14 =	sadd.s32 $0x1E, s28;
	[sflag:s4] =	ssyncadd.s32 @!p1 $0xFFFFF600  }
0x145: {  	[tilespmem:s30], [sflag:$0x4] =	stream.strided.gather [hbm4b:s14+s16], $0xA0, s17, s16, $0x38;
	[tilespmem:$0xD170] =	vst v63  }
0x146: {  	_ =	swait.ge [sflag:s31], $0xA0  }
0x147: {  	[sflag:s31] =	ssyncset.done $0x0  }
0x148: {  	[sflag:s31] =	ssyncadd.s32 $0xFFFFFF60  }
0x149: {  	[tilespmem:s0], [sflag:$0x8] =	stream.indirect.gather [spmem:s3], $0x20, s26, s16, $0xb8;
	[tilespmem:$0xD170] =	vst v63  }
0x14a: {  	_ =	swait.ge [sflag:s1], $0xA00  }
0x14b: {  	[sflag:s1] =	ssyncset.done $0x0  }
0x14c: {  	s13 =	simm.s32 @!p1 $0xF;
	s15 =	rddreg [dreg:$0x4];
	[sflag:s1] =	ssyncadd.s32 $0xFFFFF600  }
0x14d: {  	[spmem:s2] =	stream.indirect.scatter.add.f32 [tilespmem:s29], [sflag:$0xB], $0x20, s15, s16, $0xb8;
	[tilespmem:$0xD170] =	vst v63  }
0x14e: {  	_ =	swait.ge @!p1 [sflag:s13], $0xA00  }
0x14f: {  	[sflag:s13] =	ssyncset.done @!p1 $0x0  }
0x150: {  	s20 =	sadd.s32 $0x28, s28;
	[sflag:s13] =	ssyncadd.s32 @!p1 $0xFFFFF600  }
0x151: {  	[tilespmem:s5], [sflag:$0x5] =	stream.strided.gather [hbm4b:s20+s16], $0xA0, s17, s16, $0x38;
	[tilespmem:$0xD170] =	vst v63  }
0x152: {  	_ =	swait.ge [sflag:s6], $0xA0  }
0x153: {  	[sflag:s6] =	ssyncset.done $0x0  }
0x154: {  	s21 =	rddreg [dreg:$0x5];
	[sflag:s6] =	ssyncadd.s32 $0xFFFFFF60  }
0x155: {  	[tilespmem:s21], [sflag:$0x9] =	stream.indirect.gather [spmem:s3], $0x20, s30, s16, $0xb8;
	[tilespmem:$0xD170] =	vst v63  }
0x156: {  	_ =	swait.ge [sflag:s7], $0xA00  }
0x157: {  	s24 =	simm.s32 $0x5B50;
	[sflag:s7] =	ssyncset.done $0x0  }
0x158: {  	p1 =	seq.s32 s25, $0x4B0;
	s23 =	rddreg [dreg:$0x6];
	[sflag:s7] =	ssyncadd.s32 $0xFFFFF600  }
0x159: {  	[spmem:s2] =	stream.indirect.scatter.add.f32 [tilespmem:s24], [sflag:$0xC], $0x20, s23, s16, $0xb8;
	[tilespmem:$0xD170] =	vst v63  }
0x15a: {  	s4 =	sadd.s32 @!p1 s25, s22;
	_ =	swait.ge [sflag:s8], $0xA00  }
0x15b: {  	s12 =	simm.s32 @!p1 $0x50;
	s14 =	simm.s32 @!p1 $0x4E200;
	[sflag:s8] =	ssyncset.done $0x0  }
0x15c: {  	s15 =	simm.s32 @!p1 $0x4E30;
	s13 =	sadd.s32 @!p1 $0x32, s4;
	[sflag:s8] =	ssyncadd.s32 $0xFFFFF600  }
0x15d: {  	[tilespmem:s15], [sflag:$0x1] =	stream.strided.gather @!p1 [hbm4b:s13+s12], $0xA0, s14, s12, $0x38;
	[tilespmem:$0xD170] =	vst v63  }
0x15e: {  	_ =	swait.ge [sflag:s9], $0xA0  }
0x15f: {  	[sflag:s9] =	ssyncset.done $0x0  }
0x160: {  	[sflag:s9] =	ssyncadd.s32 $0xFFFFFF60  }
0x161: {  	[tilespmem:s18], [sflag:$0xA] =	stream.indirect.gather [spmem:s3], $0x20, s5, s16, $0xb8;
	[tilespmem:$0xD170] =	vst v63  }
0x162: {  	_ =	swait.ge [sflag:s10], $0xA00  }
0x163: {  	[sflag:s10] =	ssyncset.done $0x0  }
0x164: {  	s28 =	rddreg [dreg:$0x7];
	[sflag:s10] =	ssyncadd.s32 $0xFFFFF600  }
0x165: {  	[spmem:s2] =	stream.indirect.scatter.add.f32 [tilespmem:s0], [sflag:$0xD], $0x20, s28, s16, $0xb8;
	[tilespmem:$0xD170] =	vst v63  }
0x166: {  	_ =	swait.ge [sflag:s19], $0xA00  }
0x167: {  	[sflag:s19] =	ssyncset.done $0x0  }
0x168: {  	s13 =	simm.s32 @p1 $0x9;
	[sflag:s19] =	ssyncadd.s32 $0xFFFFF600  }
0x169: {  	_ =	swait.ge @p1 [sflag:s13], $0xA00  }
0x16a: {  	s20 =	simm.s32 @p1 $0x6F50;
	[sflag:s13] =	ssyncset.done @p1 $0x0  }
0x16b: {  	s21 =	simm.s32 @p1 $0x50;
	[sflag:s13] =	ssyncadd.s32 @p1 $0xFFFFF600;
	s13 =	simm.s32 @p1 $0x5060  }
0x16c: {  	[spmem:s2] =	stream.indirect.scatter.add.f32 @p1 [tilespmem:s20], [sflag:$0xE], $0x20, s13, s21, $0xb8;
	[tilespmem:$0xD170] =	vst v63  }
0x16d: {  	s13 =	simm.s32 @p1 $0xD  }
0x16e: {  	_ =	swait.ge @p1 [sflag:s13], $0xA00  }
0x16f: {  	[sflag:s13] =	ssyncset.done @p1 $0x0  }
0x170: {  	s20 =	sadd.s32 @!p1 $0x3C, s4;
	[sflag:s13] =	ssyncadd.s32 @p1 $0xFFFFF600;
	s13 =	simm.s32 @!p1 $0x4ED0  }
0x171: {  	[tilespmem:s13], [sflag:$0x2] =	stream.strided.gather @!p1 [hbm4b:s20+s12], $0xA0, s14, s12, $0x38;
	[tilespmem:$0xD170] =	vst v63  }
0x172: {  	s20 =	simm.s32 @!p1 $0x1  }
0x173: {  	_ =	swait.ge @!p1 [sflag:s20], $0xA0  }
0x174: {  	[sflag:s20] =	ssyncset.done @!p1 $0x0  }
0x175: {  	[sflag:s20] =	ssyncadd.s32 @!p1 $0xFFFFFF60;
	s20 =	simm.s32 @!p1 $0x5150  }
0x176: {  	[tilespmem:s20], [sflag:$0x6] =	stream.indirect.gather @!p1 [spmem:s3], $0x20, s15, s12, $0xb8;
	[tilespmem:$0xD170] =	vst v63  }
0x177: {  	s15 =	simm.s32 @!p1 $0x9  }
0x178: {  	_ =	swait.ge @!p1 [sflag:s15], $0xA00  }
0x179: {  	[sflag:s15] =	ssyncset.done @!p1 $0x0  }
0x17a: {  	s20 =	simm.s32 @!p1 $0x5060;
	[sflag:s15] =	ssyncadd.s32 @!p1 $0xFFFFF600;
	s15 =	simm.s32 @!p1 $0x6F50  }
0x17b: {  	[spmem:s2] =	stream.indirect.scatter.add.f32 @!p1 [tilespmem:s15], [sflag:$0xE], $0x20, s20, s12, $0xb8;
	[tilespmem:$0xD170] =	vst v63  }
0x17c: {  	s15 =	simm.s32 @!p1 $0xD  }
0x17d: {  	_ =	swait.ge @!p1 [sflag:s15], $0xA00  }
0x17e: {  	[sflag:s15] =	ssyncset.done @!p1 $0x0  }
0x17f: {  	s4 =	sadd.s32 @!p1 $0x46, s4;
	[sflag:s15] =	ssyncadd.s32 @!p1 $0xFFFFF600;
	s15 =	simm.s32 @!p1 $0x4F70  }
0x180: {  	[tilespmem:s15], [sflag:$0x3] =	stream.strided.gather @!p1 [hbm4b:s4+s12], $0xA0, s14, s12, $0x38;
	[tilespmem:$0xD170] =	vst v63  }
0x181: {  	s4 =	simm.s32 @!p1 $0x2  }
0x182: {  	_ =	swait.ge @!p1 [sflag:s4], $0xA0  }
0x183: {  	[sflag:s4] =	ssyncset.done @!p1 $0x0  }
0x184: {  	[sflag:s4] =	ssyncadd.s32 @!p1 $0xFFFFFF60;
	s4 =	simm.s32 @!p1 $0x5B50  }
0x185: {  	[tilespmem:s4], [sflag:$0x7] =	stream.indirect.gather @!p1 [spmem:s3], $0x20, s13, s12, $0xb8;
	[tilespmem:$0xD170] =	vst v63  }
0x186: {  	_ =	swait.ge [sflag:s11], $0xA00  }
0x187: {  	[sflag:s11] =	ssyncset.done $0x0  }
0x188: {  	s20 =	simm.s32 $0xE;
	s15 =	rddreg [dreg:$0x8];
	[sflag:s11] =	ssyncadd.s32 $0xFFFFF600  }
0x189: {  	[spmem:s2] =	stream.indirect.scatter.add.f32 [tilespmem:s18], [sflag:$0xF], $0x20, s15, s16, $0xb8;
	[tilespmem:$0xD170] =	vst v63  }
0x18a: {  	_ =	swait.ge [sflag:s20], $0xA00  }
0x18b: {  	[sflag:s20] =	ssyncset.done $0x0  }
0x18c: {  	s21 =	simm.s32 $0xF;
	[sflag:s20] =	ssyncadd.s32 $0xFFFFF600  }
0x18d: {  	_ =	swait.ge [sflag:s21], $0xA00  }
0x18e: {  	[sflag:s21] =	ssyncset.done $0x0  }
0x18f: {  	[sflag:s21] =	ssyncadd.s32 $0xFFFFF600  }
0x190: {  	[bflag:$0x0] =	sbarrier.arrive $0xFFFF  }
0x191: {  	s24 =	sld [smem:$0x7E6]  }
0x192: {  	s23 =	rddreg [dreg:$0x12]  }
0x193: {  	s14 =	rddreg [dreg:$0x1c]  }
0x194: {  	[hbm:s23], [sflag:s14] =	dma.local [spmem:s24], $0x140  }
0x195: {  	s12 =	sld [smem:$0x7E7];
	_ =	sdelay $0x1  }
0x196: {  	s4 =	rddreg [dreg:$0x13]  }
0x197: {  	[hbm:s4], [sflag:s14] =	dma.local [spmem:s12], $0x140  }
0x198: {  	s12 =	sld [smem:$0x7E8];
	_ =	sdelay $0x1  }
0x199: {  	s4 =	rddreg [dreg:$0x14]  }
0x19a: {  	[hbm:s4], [sflag:s14] =	dma.local [spmem:s12], $0x140  }
0x19b: {  	s12 =	sld [smem:$0x7E9];
	_ =	sdelay $0x1  }
0x19c: {  	s4 =	rddreg [dreg:$0x15]  }
0x19d: {  	[hbm:s4], [sflag:s14] =	dma.local [spmem:s12], $0x140  }
0x19e: {  	s12 =	sld [smem:$0x7EA];
	_ =	sdelay $0x1  }
0x19f: {  	s4 =	rddreg [dreg:$0x16]  }
0x1a0: {  	[hbm:s4], [sflag:s14] =	dma.local [spmem:s12], $0x140  }
0x1a1: {  	s12 =	sld [smem:$0x7EB];
	_ =	sdelay $0x1  }
0x1a2: {  	s4 =	rddreg [dreg:$0x17]  }
0x1a3: {  	[hbm:s4], [sflag:s14] =	dma.local [spmem:s12], $0x140  }
0x1a4: {  	s12 =	sld [smem:$0x7EC];
	_ =	sdelay $0x1  }
0x1a5: {  	s4 =	rddreg [dreg:$0x18]  }
0x1a6: {  	[hbm:s4], [sflag:s14] =	dma.local [spmem:s12], $0x140  }
0x1a7: {  	s12 =	sld [smem:$0x7ED];
	_ =	sdelay $0x1  }
0x1a8: {  	s21 =	simm.s32 $0x10;
	s4 =	rddreg [dreg:$0x19]  }
0x1a9: {  	[hbm:s4], [sflag:s14] =	dma.local @!p0 [spmem:s12], $0x140  }
0x1aa: {  	_ =	swait.ge [sflag:s21], $0x140  }
0x1ab: {  	[sflag:s21] =	ssyncset.done $0x0  }
0x1ac: {  	[sflag:s21] =	ssyncadd.s32 $0xFFFFFEC0  }
0x1ad: {  	_ =	swait.ge [sflag:s21], $0x140  }
0x1ae: {  	[sflag:s21] =	ssyncset.done $0x0  }
0x1af: {  	[sflag:s21] =	ssyncadd.s32 $0xFFFFFEC0  }
0x1b0: {  	_ =	swait.ge [sflag:s21], $0x140  }
0x1b1: {  	[sflag:s21] =	ssyncset.done $0x0  }
0x1b2: {  	[sflag:s21] =	ssyncadd.s32 $0xFFFFFEC0  }
0x1b3: {  	_ =	swait.ge [sflag:s21], $0x140  }
0x1b4: {  	[sflag:s21] =	ssyncset.done $0x0  }
0x1b5: {  	[sflag:s21] =	ssyncadd.s32 $0xFFFFFEC0  }
0x1b6: {  	_ =	swait.ge [sflag:s21], $0x140  }
0x1b7: {  	[sflag:s21] =	ssyncset.done $0x0  }
0x1b8: {  	[sflag:s21] =	ssyncadd.s32 $0xFFFFFEC0  }
0x1b9: {  	_ =	swait.ge [sflag:s21], $0x140  }
0x1ba: {  	[sflag:s21] =	ssyncset.done $0x0  }
0x1bb: {  	[sflag:s21] =	ssyncadd.s32 $0xFFFFFEC0  }
0x1bc: {  	_ =	swait.ge [sflag:s21], $0x140  }
0x1bd: {  	[sflag:s21] =	ssyncset.done $0x0  }
0x1be: {  	s4 =	simm.s32 @!p0 $0x10;
	[sflag:s21] =	ssyncadd.s32 $0xFFFFFEC0  }
0x1bf: {  	_ =	swait.ge @!p0 [sflag:s4], $0x140  }
0x1c0: {  	s28 =	sld [smem:$0x7F5]  }
0x1c1: {  	s25 =	rddreg [dreg:$0x9]  }
0x1c2: {  	s20 =	sadd.s32 $0x1, s25  }
0x1c3: {  	p1 =	sne.s32 s20, s28  }
.Ltmp1:
0x1c4: {  	_ = 	snop;
	(pc) =	sbr.rel @p1 .LBB2_1-.Ltmp1, $3  }
0x1c5: {  	_ =	sdelay $0x1  }
0x1c6: {  	[sflag:s4] =	ssyncset.done @!p0 $0x0  }
0x1c7: {  	[sflag:s4] =	ssyncadd.s32 @!p0 $0xFFFFFEC0  }
0x1c8: {  	_ =	sfence.sel $0x180000  }
0x1c9: {  	[bflag:$0x0] =	sbarrier.arrive $0xFFFF  }
0x1ca: {  	_ =	strace $0x9000004A  }
0x1cb: {  	s0 =	stileid.u32;
	[bflag:$0x2] =	sbarrier.arrive $0xFFFF  }
0x1cc: {  	p0 =	sne.s32 s0, $0x0;
	s0 =	rddreg [dreg:$0x3]  }
0x1cd: {  	s0 =	sadd.s32 @!p0 $0x100000, s0  }
0x1ce: {  	[sflag:s0] =	ssyncadd.tile.s32 @!p0 $0x1;
	_ =	shalt  }
.Lfunc_end2:
_tile_overlayer_lowered:
.L_overlay_start_2:
0x1cf: {  	(tag) =	ssettag $0x2  }
0x1d0: {  	s0 =	rddreg [dreg:$0x0];
	s2 =	stileid.u32  }
0x1d1: {  	s1 =	rddreg [dreg:$0x1];
	p0 =	sne.s32 s2, $0x0  }
0x1d2: {  	s3 =	rddreg [dreg:$0x2];
	[bflag:$0x3] =	sbarrier.arrive $0xFFFF;
	s2 =	simm.s32 @!p0 $0x1C11  }
0x1d3: {  	[timem:s3], [sflag:s2] =	dma.local @!p0 [hbm:s0], s1  }
0x1d4: {  	s0 =	simm.s32 @!p0 $0x11  }
0x1d5: {  	_ =	swait.ge @!p0 [sflag:s0], s1  }
0x1d6: {  	s1 =	ssub.s32 @!p0 $0x0, s1;
	[sflag:s0] =	ssyncset.done @!p0 $0x0  }
0x1d7: {  	[sflag:s0] =	ssyncadd.s32 @!p0 s1  }
0x1d8: {  	[bflag:$0x3] =	sbarrier.arrive $0xFFFF  }
0x1d9: {  	_ =	shalt  }

// kernel: kernel.7.cloned.1.call-start
scs
__scs_entry_jumppad:
0x0: {  	(pc) =	sbr.rel $0x88, $3  }
0x1: {  	(tag) =	ssettag $0x0;
	lr =	simm.s32 $0x1  }
0x2: {  	[smem:$0x3F8E] =	sst lr;
	_ =	strace $0xD0000000  }
0x3: {  	_ = 	snop  }
0x4: {  	_ = 	snop  }
0x5: {  	_ = 	snop  }
0x6: {  	_ = 	snop  }
0x7: {  	_ = 	snop  }
__scs_overlays_trampoline_lowered:
0x8: {  	[smem:$0x3F9D] =	sst s0  }
0x9: {  	[smem:$0x3F9E] =	sst s1  }
0xa: {  	[smem:$0x3F9F] =	sst s2  }
0xb: {  	[smem:$0x3FA0] =	sst s3  }
0xc: {  	[smem:$0x3FA1] =	sst s4  }
0xd: {  	[smem:$0x3FA2] =	sst s5  }
0xe: {  	[smem:$0x3FA3] =	sst s6  }
0xf: {  	[smem:$0x3FA4] =	sst s7  }
0x10: {  	[smem:$0x3FA5] =	sst s8  }
0x11: {  	[smem:$0x3FA6] =	sst s9;
	s0 =	simm.s32 @!p0 $0x0  }
0x12: {  	s1 =	sld [smem:$0x3F8C];
	s0 =	simm.s32 @p0 $0x1  }
0x13: {  	[smem:$0x3FA7] =	sst s0;
	s0 =	simm.s32 @!p1 $0x0  }
0x14: {  	s2 =	sld [smem:$0x3F8B];
	s0 =	simm.s32 @p1 $0x1  }
0x15: {  	[smem:$0x3FA8] =	sst s0;
	s0 =	simm.s32 @!p2 $0x0  }
0x16: {  	s3 =	sld [smem:$0x3FDB];
	s0 =	simm.s32 @p2 $0x1  }
0x17: {  	s4 =	simm.s32 $0x1BF5;
	[smem:$0x3FAA] =	sst s0  }
0x18: {  	s0 =	sld [smem:$0x3F8D];
	_ =	swait.ge [sflag:s4], $0x0  }
0x19: {  	s7 =	sld [smem:$0x3F8E]  }
0x1a: {  	s8 =	sadd.s32 $0xFFFFE003, lr  }
0x1b: {  	s9 =	sadd.s32 $0xFFFFFEF7, lr;
	s5 =	simm.s32 $0xFFFFFFFF;
	p2 =	slt.u32 s8, $0xFFFFF086  }
0x1c: {  	p1 =	slt.u32 s9, $0xF7A;
	s5 =	simm.s32 @!p2 $0x0  }
0x1d: {  	s5 =	simm.s32 @p1 $0x1;
	p0 =	seq.s32 s7, s2  }
0x1e: {  	s7 =	smul.u32 @!p0 $0xF7A, s2;
	p2 =	seq.s32 @!p0 s5, $0x0  }
0x1f: {  	s9 =	smul.u32 $0xF7A, s1;
	s8 =	simm.s32 @!p0 $0x1BF5;
	p2 =	por !p2, p0  }
0x20: {  	[sflag:s8] =	ssyncset.s32 @!p0 $0xFFFFF086;
	s6 =	sadd.s32 @!p0 s3, s7;
	s7 =	simm.s32 @!p0 $0x108  }
0x21: {  	s3 =	sadd.s32 s3, s9;
	s6 =	sadd.s32 @!p0 $0x88, s6;
	s7 =	simm.s32 @p2 $0x1082  }
0x22: {  	[simem:s7], [sflag:s8] =	dma.local @!p0 [hbm:s6], $0xF7A  }
0x23: {  	s9 =	sor.u32 $0xD0000000, s2;
	s6 =	simm.s32 $0x108;
	_ =	swait.ge @!p0 [sflag:s8], $0x0  }
0x24: {  	s3 =	sadd.s32 $0x88, s3;
	s6 =	simm.s32 @!p1 $0x1082;
	[sflag:s4] =	ssyncset.s32 $0xFFFFF086  }
0x25: {  	[simem:s6], [sflag:s4] =	dma.local [hbm:s3], $0xF7A  }
0x26: {  	[smem:$0x3F8E] =	sst s1;
	(tag) =	ssettag s2;
	_ =	strace s9  }
0x27: {  	s1 =	sld [smem:$0x3F9E]  }
0x28: {  	s2 =	sld [smem:$0x3F9F]  }
0x29: {  	s4 =	sld [smem:$0x3FA1]  }
0x2a: {  	p0 =	seq.s32 s5, $0x0;
	s5 =	sld [smem:$0x3FA2]  }
0x2b: {  	s6 =	sld [smem:$0x3FA3]  }
0x2c: {  	s7 =	sld [smem:$0x3FA4]  }
0x2d: {  	s3 =	simm.s32 $0x108;
	s8 =	sld [smem:$0x3FA5]  }
0x2e: {  	s3 =	simm.s32 @!p0 $0x1082;
	s9 =	sld [smem:$0x3FA6]  }
0x2f: {  	lr =	sadd.s32 s0, s3;
	s0 =	sld [smem:$0x3F9D]  }
0x30: {  	s3 =	sld [smem:$0x3FA0]  }
0x31: {  	[smem:$0x3FA9] =	sst s10  }
0x32: {  	s10 =	sld [smem:$0x3FA7];
	_ =	sdelay $0x3  }
0x33: {  	p0 =	seq.s32 s10, $0x1;
	s10 =	sld [smem:$0x3FA9];
	_ =	sdelay $0x3  }
0x34: {  	[smem:$0x3FA9] =	sst s10  }
0x35: {  	s10 =	sld [smem:$0x3FA8];
	_ =	sdelay $0x3  }
0x36: {  	p1 =	seq.s32 s10, $0x1;
	s10 =	sld [smem:$0x3FA9];
	_ =	sdelay $0x3  }
0x37: {  	[smem:$0x3FA9] =	sst s10  }
0x38: {  	s10 =	sld [smem:$0x3FAA]  }
0x39: {  	_ = 	snop;
	(pc) =	sbr.ind lr, $3  }
0x3a: {  	_ = 	snop  }
0x3b: {  	_ = 	snop  }
0x3c: {  	p2 =	seq.s32 s10, $0x1;
	s10 =	sld [smem:$0x3FA9]  }
0x3d: {  	_ =	shalt  }
0x3e: {  	_ =	shalt  }
0x3f: {  	_ =	shalt  }
0x40: {  	_ =	shalt  }
0x41: {  	_ =	shalt  }
0x42: {  	_ =	shalt  }
0x43: {  	_ =	shalt  }
0x44: {  	_ =	shalt  }
0x45: {  	_ =	shalt  }
0x46: {  	_ =	shalt  }
0x47: {  	_ =	shalt  }
0x48: {  	_ =	shalt  }
0x49: {  	_ =	shalt  }
0x4a: {  	_ =	shalt  }
0x4b: {  	_ =	shalt  }
0x4c: {  	_ =	shalt  }
0x4d: {  	_ =	shalt  }
0x4e: {  	_ =	shalt  }
0x4f: {  	_ =	shalt  }
0x50: {  	_ =	shalt  }
0x51: {  	_ =	shalt  }
0x52: {  	_ =	shalt  }
0x53: {  	_ =	shalt  }
0x54: {  	_ =	shalt  }
0x55: {  	_ =	shalt  }
0x56: {  	_ =	shalt  }
0x57: {  	_ =	shalt  }
0x58: {  	_ =	shalt  }
0x59: {  	_ =	shalt  }
0x5a: {  	_ =	shalt  }
0x5b: {  	_ =	shalt  }
0x5c: {  	_ =	shalt  }
0x5d: {  	_ =	shalt  }
0x5e: {  	_ =	shalt  }
0x5f: {  	_ =	shalt  }
0x60: {  	_ =	shalt  }
0x61: {  	_ =	shalt  }
0x62: {  	_ =	shalt  }
0x63: {  	_ =	shalt  }
0x64: {  	_ =	shalt  }
0x65: {  	_ =	shalt  }
0x66: {  	_ =	shalt  }
0x67: {  	_ =	shalt  }
0x68: {  	_ =	shalt  }
0x69: {  	_ =	shalt  }
0x6a: {  	_ =	shalt  }
0x6b: {  	_ =	shalt  }
0x6c: {  	_ =	shalt  }
0x6d: {  	_ =	shalt  }
0x6e: {  	_ =	shalt  }
0x6f: {  	_ =	shalt  }
0x70: {  	_ =	shalt  }
0x71: {  	_ =	shalt  }
0x72: {  	_ =	shalt  }
0x73: {  	_ =	shalt  }
0x74: {  	_ =	shalt  }
0x75: {  	_ =	shalt  }
0x76: {  	_ =	shalt  }
0x77: {  	_ =	shalt  }
0x78: {  	_ =	shalt  }
0x79: {  	_ =	shalt  }
0x7a: {  	_ =	shalt  }
0x7b: {  	_ =	shalt  }
0x7c: {  	_ =	shalt  }
0x7d: {  	_ =	shalt  }
0x7e: {  	_ =	shalt  }
0x7f: {  	_ =	shalt  }
0x80: {  	_ =	shalt  }
0x81: {  	_ =	shalt  }
0x82: {  	_ =	shalt  }
0x83: {  	_ =	shalt  }
0x84: {  	_ =	shalt  }
0x85: {  	_ =	shalt  }
0x86: {  	_ =	shalt  }
0x87: {  	_ =	shalt  }
.Lfunc_end0:
.L_simem_size_0:
called_computation_lowered:
.L_overlay_start_0:
0x88: {  	s2 =	sld [smem:$0x3FD9]  }
0x89: {  	s3 =	sld [smem:$0x3FFE];
	_ =	sdelay $0x1  }
0x8a: {  	s1 =	srdreg.scid  }
0x8b: {  	s0 =	sand.u32 $0x1, s1  }
0x8c: {  	s16 =	sshll.u32 s0, $0xA;
	s2 =	sadd.s32 s3, s2  }
0x8d: {  	s2 =	sadd.s32 s2, s16  }
0x8e: {  	[smem:$0x3FB5] =	sst s2  }
0x8f: {  	_ = 	snop  }
0x90: {  	(tm) =	ssettm $0x1  }
0x91: {  	s17 =	sld [smem:$0x3FFB];
	_ =	sdelay $0x3  }
0x92: {  	_ =	strace s17  }
0x93: {  	s2 =	sld [smem:$0x3FFC];
	_ =	sdelay $0x3  }
0x94: {  	_ =	strace s2  }
0x95: {  	s2 =	sld [smem:$0x3FFD];
	_ =	sdelay $0x3  }
0x96: {  	_ =	strace s2  }
0x97: {  	_ =	strace $0x8FFFFFFF  }
0x98: {  	s18 =	sld [smem:$0x3FDB];
	_ =	sdelay $0x1  }
0x99: {  	s19 =	simm.s32 $_scs_section_size  }
0x9a: {  	s4 =	simm.s32 $_size__tile_overlayer_lowered;
	s5 =	simm.s32 $_tile_overlayer_lowered  }
0x9b: {  	s22 =	simm.s32 $0x1BFF;
	s21 =	sshll.u32 s5, $0x1;
	s2 =	sadd.s32 s19, s18  }
0x9c: {  	s6 =	simm.s32 $0x0;
	s20 =	sshll.u32 s4, $0x1;
	s4 =	sadd.s32 s21, s2  }
0x9d: {  	[timem:s6], [sflag:s22] =	dma.local [hbm:s4], s20  }
0x9e: {  	_ =	swait.ge [sflag:s22], s20  }
0x9f: {  	s3 =	ssub.s32 $0x0, s20;
	[sflag:s22] =	ssyncset.done $0x0  }
0xa0: {  	[sflag:s22] =	ssyncadd.s32 s3;
	_ =	sdelay $0x1  }
0xa1: {  	s23 =	simm.s32 $0x1B8B  }
0xa2: {  	_ =	swait.ge [sflag:s23], $0x1  }
0xa3: {  	[sflag:s23] =	ssyncset.done $0x0  }
0xa4: {  	s25 =	simm.s32 $0x1B8E;
	s24 =	sld [smem:$0x3FFE];
	[sflag:s23] =	ssyncadd.s32 $0xFFFFFFFF  }
0xa5: {  	s26 =	simm.s32 $execute0_lowered;
	[smem:$0x3FD2] =	sst s25  }
0xa6: {  	s4 =	sshll.u32 s26, $0x1;
	_ =	strace $0x80000046;
	[dreg:$0x1] =	wrdreg $0xFFFFFFFF  }
0xa7: {  	s28 =	simm.s32 $_size_execute0_lowered;
	s2 =	sadd.s32 s2, s4;
	[dreg:$0x0] =	wrdreg $0x0  }
0xa8: {  	s4 =	sshll.u32 s28, $0x1;
	[dreg:$0x2] =	wrdreg s2  }
0xa9: {  	[dreg:$0x3] =	wrdreg s4  }
0xaa: {  	[dreg:$0x4] =	wrdreg $0xC0  }
0xab: {  	_ =	task [dreg:s6], $0x5FFFF  }
0xac: {  	[dreg:$0x1] =	wrdreg $0xFFFFFFFF  }
0xad: {  	[dreg:$0x0] =	wrdreg $0x60  }
0xae: {  	[dreg:$0x2] =	wrdreg s24  }
0xaf: {  	[dreg:$0x3] =	wrdreg $0x0  }
0xb0: {  	[dreg:$0x4] =	wrdreg $0x9  }
0xb1: {  	_ =	task.clear_ibuf [dreg:s6], $0x5FFFF;
	_ =	strace $0x90000046  }
0xb2: {  	s29 =	simm.s32 $0x9;
	_ =	strace $0x80000048  }
0xb3: {  	_ =	swait.ge [sflag:s29], $0x1  }
0xb4: {  	[sflag:s29] =	ssyncadd.s32 $0xFFFFFFFF  }
0xb5: {  	_ =	strace $0x90000048  }
0xb6: {  	_ =	sfence  }
0xb7: {  	s30 =	sld [smem:$0x0];
	_ =	sdelay $0x2  }
0xb8: {  	s31 =	sshll.u32 s1, $0xD;
	s1 =	sshrl.u32 s1, $0x2  }
0xb9: {  	s3 =	sand.u32 $0x4000, s31;
	s1 =	sadd.s32 s1, s30  }
0xba: {  	s0 =	sor.u32 s3, s0;
	s1 =	sshll.u32 s1, $0x11  }
0xbb: {  	s0 =	sor.u32 s1, s0  }
0xbc: {  	s0 =	sadd.s32 $0x8F2B, s0  }
0xbd: {  	[sflag:s0] =	ssyncadd.remote.s32 $0x1  }
0xbe: {  	_ =	sfence.sel $0xFFFF  }
0xbf: {  	[dreg:$0x0] =	wrdreg $0xFFFFFFFF;
	(pc) =	sbr.abs _section_cstart, $3  }
0xc0: {  	[dreg:$0x1] =	wrdreg $0xFFFFFFFF  }
0xc1: {  	_ =	task.clear_ibuf [dreg:s6], $0x2FFFF;
	_ =	strace $0x9FFFFFFF  }
0xc2: {  	(tm) =	ssettm $0x7FFFFFFF  }
0xc3: {  	_ =	shalt  }
tec
execute0_lowered:
.L_overlay_start_1:
0x0: {  	(tag) =	ssettag $0x1  }
0x1: {  	s7 =	rddreg [dreg:$0x0]  }
0x2: {  	s2 =	rddreg [dreg:$0x1];
	s4 =	simm.s32 $0x0  }
0x3: {  	s0 =	srdreg.scid;
	s3 =	stileid.u32;
	s1 =	simm.s32 $0x0  }
0x4: {  	s28 =	simm.s32 $0x7;
	s29 =	simm.s32 $0xB;
	[dreg:$0x8] =	wrdreg s1  }
0x5: {  	s30 =	simm.s32 $0x5;
	s31 =	simm.s32 $0x8;
	[smem:$0x7FF] =	sst s4  }
0x6: {  	s13 =	sand.u32 $0x1, s0;
	s4 =	sshll.u32 s3, $0x1;
	s1 =	smul.u32 $0x2080, s3  }
0x7: {  	s14 =	sadd.s32 $0x36600, s7;
	s19 =	sor.u32 $0x10, s3;
	s20 =	smul.u32 $0xFDE80, s13  }
0x8: {  	s21 =	sor.u32 $0x20, s3;
	s8 =	sor.u32 s13, s4;
	s4 =	smul.u32 $0x2080, s19  }
0x9: {  	s16 =	sor.u32 $0x30, s3;
	s5 =	ssub.s32 $0x2, s13;
	s13 =	smul.u32 $0x4E2, s13  }
0xa: {  	s17 =	sor.u32 $0x40, s3;
	s11 =	sor.u32 $0x50, s3;
	s19 =	smul.u32 $0x8200, s19  }
0xb: {  	s10 =	sor.u32 $0x60, s3;
	p0 =	sgt.u32 s3, $0xC;
	s15 =	smul.u32 $0x4E2, s8  }
0xc: {  	_ =	strace $0x80000047;
	s6 =	sshrl.u32 s5, $0x1;
	s22 =	smul.u32 $0x2710, s8  }
0xd: {  	s0 =	ssub.s32 s5, s6;
	s6 =	sadd.s32 s1, s20;
	s5 =	smul.u32 $0x2080, s21  }
0xe: {  	s12 =	sadd.s32 s20, s4;
	s21 =	smul.u32 $0x8200, s21;
	s19 =	sshrl.u32 s19, $0x2  }
0xf: {  	s1 =	sadd.s32 s1, s2;
	s4 =	sadd.s32 s4, s2;
	s9 =	sshrl.u32 s6, $0x3  }
0x10: {  	s6 =	smul.u32 $0x2080, s16;
	s12 =	sshrl.u32 s12, $0x3;
	s19 =	sadd.s32 s19, s2  }
0x11: {  	s0 =	smax.u32 s0, $0x1;
	s9 =	sadd.s32 s14, s9;
	s8 =	sadd.s32 s14, s12  }
0x12: {  	s18 =	sadd.s32 s20, s5;
	s5 =	sadd.s32 s5, s2;
	[dreg:$0x9] =	wrdreg s9  }
0x13: {  	[dreg:$0xa] =	wrdreg s8;
	s24 =	sshrl.u32 s18, $0x3;
	s8 =	smul.u32 $0x2080, s17  }
0x14: {  	s23 =	sadd.s32 s20, s6;
	s17 =	smul.u32 $0x8200, s17;
	s12 =	sadd.s32 s14, s24  }
0x15: {  	s9 =	sshrl.u32 s23, $0x3;
	[dreg:$0xb] =	wrdreg s12;
	s12 =	smul.u32 $0x2080, s10  }
0x16: {  	s23 =	sor.u32 $0x70, s3;
	s9 =	sadd.s32 s14, s9;
	s10 =	smul.u32 $0x8200, s10  }
0x17: {  	s18 =	sadd.s32 s20, s8;
	[dreg:$0xc] =	wrdreg s9;
	s9 =	smul.u32 $0x2080, s11  }
0x18: {  	[dreg:$0x16] =	wrdreg s0;
	s24 =	sshrl.u32 s18, $0x3;
	s18 =	smul.u32 $0x2080, s23  }
0x19: {  	s6 =	sadd.s32 s6, s2;
	s17 =	sshrl.u32 s17, $0x2;
	s11 =	smul.u32 $0x8200, s11  }
0x1a: {  	s8 =	sadd.s32 s8, s2;
	s23 =	smul.u32 $0x8200, s23;
	s17 =	sadd.s32 s17, s2  }
0x1b: {  	s24 =	sadd.s32 s14, s24;
	s26 =	sadd.s32 s20, s12;
	s10 =	sshrl.u32 s10, $0x2  }
0x1c: {  	s12 =	sadd.s32 s12, s2;
	s25 =	sadd.s32 s20, s9;
	[dreg:$0xd] =	wrdreg s24  }
0x1d: {  	s20 =	sadd.s32 s20, s18;
	s11 =	sshrl.u32 s11, $0x2;
	s10 =	sadd.s32 s10, s2  }
0x1e: {  	s23 =	sshrl.u32 s23, $0x2;
	s9 =	sadd.s32 s9, s2;
	s25 =	sshrl.u32 s25, $0x3  }
0x1f: {  	s18 =	sadd.s32 s18, s2;
	s23 =	sadd.s32 s23, s2;
	s24 =	sadd.s32 s14, s25  }
0x20: {  	s25 =	sshrl.u32 s26, $0x3;
	s26 =	simm.s32 $0xFE70;
	[dreg:$0xe] =	wrdreg s24  }
0x21: {  	s20 =	sshrl.u32 s20, $0x3;
	s0 =	sshrl.u32 @!p0 s23, $0x3;
	[dreg:$0x3] =	wrdreg s26  }
0x22: {  	s11 =	sadd.s32 s11, s2;
	s23 =	sshrl.u32 s6, $0x3;
	[dreg:$0x1e] =	wrdreg s0  }
0x23: {  	s24 =	sadd.s32 s14, s25;
	s14 =	sadd.s32 s14, s20;
	[smem:$0x7F9] =	sst s23  }
0x24: {  	s20 =	sadd.s32 $0x2A00, s7;
	s25 =	smul.u32 $0x9C4, s3;
	[dreg:$0xf] =	wrdreg s24  }
0x25: {  	s26 =	simm.s32 $0x162C0;
	s0 =	sshrl.u32 @!p0 s18, $0x3;
	[dreg:$0x10] =	wrdreg s14  }
0x26: {  	s23 =	simm.s32 $0x14240;
	s15 =	sadd.s32 s20, s15;
	[dreg:$0x4] =	wrdreg s26  }
0x27: {  	s24 =	sshrl.u32 s22, $0x3;
	s26 =	smul.u32 $0x8200, s3;
	[smem:$0x7FD] =	sst s0  }
0x28: {  	[dreg:$0x11] =	wrdreg s15;
	s22 =	sadd.s32 s20, s24;
	s24 =	simm.s32 $0xFF10  }
0x29: {  	s14 =	sadd.s32 s25, s20;
	s25 =	simm.s32 $0xFFB0;
	[dreg:$0x5] =	wrdreg s24  }
0x2a: {  	s0 =	simm.s32 $0xA;
	s15 =	simm.s32 $0x100F0;
	[dreg:$0x6] =	wrdreg s25  }
0x2b: {  	s13 =	sadd.s32 s13, s14;
	[dreg:$0x7] =	wrdreg s15;
	s14 =	sadd.s32 $0x16400, s7  }
0x2c: {  	s7 =	sadd.s32 $0x36000, s7;
	s20 =	sshrl.u32 s26, $0x2;
	s24 =	smul.u32 $0x8200, s16  }
0x2d: {  	s25 =	sshll.u32 s3, $0x6;
	s26 =	sadd.s32 $0xA, s22;
	[dreg:$0x12] =	wrdreg s7  }
0x2e: {  	s16 =	sshrl.u32 s17, $0x3;
	s17 =	sshrl.u32 s11, $0x3;
	[dreg:$0x14] =	wrdreg s26  }
0x2f: {  	s11 =	simm.s32 $0x10;
	s7 =	sadd.s32 s20, s2;
	[dreg:$0x1b] =	wrdreg s16  }
0x30: {  	s15 =	sor.u32 $0x1C10, s25;
	s26 =	sshrl.u32 s19, $0x3;
	[dreg:$0x1c] =	wrdreg s17  }
0x31: {  	s20 =	sshrl.u32 s21, $0x2;
	s19 =	sshrl.u32 s10, $0x3;
	[dreg:$0x18] =	wrdreg s26  }
0x32: {  	s10 =	simm.s32 $0xC;
	s17 =	simm.s32 $0xFF60;
	[dreg:$0x1d] =	wrdreg s19  }
0x33: {  	s21 =	sshrl.u32 s24, $0x2;
	s24 =	sadd.s32 $0x14, s22;
	[dreg:$0x13] =	wrdreg s15  }
0x34: {  	s20 =	sadd.s32 s20, s2;
	s25 =	sshrl.u32 s7, $0x3;
	[dreg:$0x15] =	wrdreg s24  }
0x35: {  	s22 =	sshrl.u32 s5, $0x3;
	s26 =	sshrl.u32 s12, $0x3;
	[dreg:$0x17] =	wrdreg s25  }
0x36: {  	s19 =	simm.s32 $0x10140;
	s21 =	sadd.s32 s21, s2;
	[smem:$0x7F8] =	sst s22  }
0x37: {  	s3 =	sshrl.u32 s20, $0x3;
	s20 =	sshrl.u32 s1, $0x3;
	[smem:$0x7FC] =	sst s26  }
0x38: {  	s24 =	sshrl.u32 s8, $0x3;
	s25 =	sshrl.u32 s9, $0x3;
	[dreg:$0x19] =	wrdreg s3  }
0x39: {  	s8 =	simm.s32 $0x4E200;
	s22 =	simm.s32 $0x3;
	[dreg:$0x1f] =	wrdreg s20  }
0x3a: {  	s26 =	simm.s32 $0x4;
	s9 =	simm.s32 $0x18340;
	[smem:$0x7FA] =	sst s24  }
0x3b: {  	s7 =	sshrl.u32 s21, $0x3;
	s21 =	sshrl.u32 s4, $0x3;
	[smem:$0x7FB] =	sst s25  }
0x3c: {  	s24 =	simm.s32 $0x6;
	s25 =	simm.s32 $0x100A0;
	[dreg:$0x1a] =	wrdreg s7  }
0x3d: {  	[smem:$0x7F7] =	sst s21;
	s7 =	simm.s32 $0x50;
	s21 =	simm.s32 $0x10000  }
.LBB2_1:
0x3e: {  	s1 =	rddreg [dreg:$0x12]  }
0x3f: {  	s3 =	rddreg [dreg:$0x17]  }
0x40: {  	[spmem:s3], [sflag:s15] =	dma.local [hbm:s1], $0x410  }
0x41: {  	s3 =	rddreg [dreg:$0x18]  }
0x42: {  	[spmem:s3], [sflag:s15] =	dma.local [hbm:s1], $0x410  }
0x43: {  	s3 =	rddreg [dreg:$0x19]  }
0x44: {  	[spmem:s3], [sflag:s15] =	dma.local [hbm:s1], $0x410  }
0x45: {  	s3 =	rddreg [dreg:$0x1a]  }
0x46: {  	[spmem:s3], [sflag:s15] =	dma.local [hbm:s1], $0x410  }
0x47: {  	s3 =	rddreg [dreg:$0x1b]  }
0x48: {  	[spmem:s3], [sflag:s15] =	dma.local [hbm:s1], $0x410  }
0x49: {  	s3 =	rddreg [dreg:$0x1c]  }
0x4a: {  	[spmem:s3], [sflag:s15] =	dma.local [hbm:s1], $0x410  }
0x4b: {  	s3 =	rddreg [dreg:$0x1d]  }
0x4c: {  	[spmem:s3], [sflag:s15] =	dma.local [hbm:s1], $0x410  }
0x4d: {  	s3 =	rddreg [dreg:$0x1e]  }
0x4e: {  	[spmem:s3], [sflag:s15] =	dma.local @!p0 [hbm:s1], $0x410  }
0x4f: {  	s20 =	simm.s32 $0xFE20;
	s1 =	rddreg [dreg:$0x11]  }
0x50: {  	[tilespmem:s20], [sflag:$0x1] =	stream.strided.gather [hbm4b:s1+s7], $0xA0, s8, s7, $0x38;
	[tilespmem:$0x1A3C0] =	vst v63  }
0x51: {  	s4 =	simm.s32 $0xFEC0;
	s12 =	rddreg [dreg:$0x14]  }
0x52: {  	[tilespmem:s4], [sflag:$0x2] =	stream.strided.gather [hbm4b:s12+s7], $0xA0, s8, s7, $0x38;
	[tilespmem:$0x1A3C0] =	vst v63  }
0x53: {  	s5 =	simm.s32 $0xFF60;
	s16 =	simm.s32 $0x1;
	s15 =	rddreg [dreg:$0x15]  }
0x54: {  	[tilespmem:s5], [sflag:$0x3] =	stream.strided.gather [hbm4b:s15+s7], $0xA0, s8, s7, $0x38;
	[tilespmem:$0x1A3C0] =	vst v63  }
0x55: {  	_ =	swait.ge [sflag:s16], $0xA0  }
0x56: {  	[sflag:s16] =	ssyncset.done $0x0  }
0x57: {  	s6 =	simm.s32 $0x10140;
	s18 =	simm.s32 $0x2;
	[sflag:s16] =	ssyncadd.s32 $0xFFFFFF60  }
0x58: {  	[tilespmem:s6], [sflag:$0x6] =	stream.indirect.gather [hbm4b:s14+s7], $0x68, s20, s7, $0xb8;
	[tilespmem:$0x1A3C0] =	vst v63  }
0x59: {  	_ =	swait.ge [sflag:s18], $0xA0  }
0x5a: {  	[sflag:s18] =	ssyncset.done $0x0  }
0x5b: {  	s3 =	simm.s32 $0x121C0;
	[sflag:s18] =	ssyncadd.s32 $0xFFFFFF60  }
0x5c: {  	[tilespmem:s3], [sflag:$0x7] =	stream.indirect.gather [hbm4b:s14+s7], $0x68, s4, s7, $0xb8;
	[tilespmem:$0x1A3C0] =	vst v63  }
0x5d: {  	_ =	swait.ge [sflag:s11], $0x410  }
0x5e: {  	[sflag:s11] =	ssyncset.done $0x0  }
0x5f: {  	[sflag:s11] =	ssyncadd.s32 $0xFFFFFBF0  }
0x60: {  	_ =	swait.ge [sflag:s11], $0x410  }
0x61: {  	[sflag:s11] =	ssyncset.done $0x0  }
0x62: {  	[sflag:s11] =	ssyncadd.s32 $0xFFFFFBF0  }
0x63: {  	_ =	swait.ge [sflag:s11], $0x410  }
0x64: {  	[sflag:s11] =	ssyncset.done $0x0  }
0x65: {  	[sflag:s11] =	ssyncadd.s32 $0xFFFFFBF0  }
0x66: {  	_ =	swait.ge [sflag:s11], $0x410  }
0x67: {  	[sflag:s11] =	ssyncset.done $0x0  }
0x68: {  	[sflag:s11] =	ssyncadd.s32 $0xFFFFFBF0  }
0x69: {  	_ =	swait.ge [sflag:s11], $0x410  }
0x6a: {  	[sflag:s11] =	ssyncset.done $0x0  }
0x6b: {  	[sflag:s11] =	ssyncadd.s32 $0xFFFFFBF0  }
0x6c: {  	_ =	swait.ge [sflag:s11], $0x410  }
0x6d: {  	[sflag:s11] =	ssyncset.done $0x0  }
0x6e: {  	[sflag:s11] =	ssyncadd.s32 $0xFFFFFBF0  }
0x6f: {  	_ =	swait.ge [sflag:s11], $0x410  }
0x70: {  	[sflag:s11] =	ssyncset.done $0x0  }
0x71: {  	s1 =	simm.s32 @!p0 $0x10;
	[sflag:s11] =	ssyncadd.s32 $0xFFFFFBF0  }
0x72: {  	_ =	swait.ge @!p0 [sflag:s1], $0x410  }
0x73: {  	p1 =	por $0x1, $0x1;
	[sflag:s1] =	ssyncset.done @!p0 $0x0  }
0x74: {  	p1 =	por p1, p1;
	[sflag:s1] =	ssyncadd.s32 @!p0 $0xFFFFFBF0  }
0x75: {  	s1 =	simm.s32 @!p1 $0xE;
	[bflag:$0x0] =	sbarrier.arrive $0xFFFF  }
0x76: {  	_ =	swait.ge @!p1 [sflag:s1], $0x2080  }
0x77: {  	s20 =	sadd.s32 $0x0, s13;
	[sflag:s1] =	ssyncset.done @!p1 $0x0  }
0x78: {  	s11 =	sadd.s32 $0x1E, s20;
	[sflag:s1] =	ssyncadd.s32 @!p1 $0xFFFFDF80  }
0x79: {  	[tilespmem:s21], [sflag:$0x4] =	stream.strided.gather [hbm4b:s11+s7], $0xA0, s8, s7, $0x38;
	[tilespmem:$0x1A3C0] =	vst v63  }
0x7a: {  	_ =	swait.ge [sflag:s22], $0xA0  }
0x7b: {  	[sflag:s22] =	ssyncset.done $0x0  }
0x7c: {  	[sflag:s22] =	ssyncadd.s32 $0xFFFFFF60  }
0x7d: {  	[tilespmem:s23], [sflag:$0x8] =	stream.indirect.gather [hbm4b:s14+s7], $0x68, s5, s7, $0xb8;
	[tilespmem:$0x1A3C0] =	vst v63  }
0x7e: {  	_ =	swait.ge [sflag:s24], $0x2080  }
0x7f: {  	[sflag:s24] =	ssyncset.done $0x0  }
0x80: {  	s5 =	simm.s32 @!p1 $0xF;
	s12 =	rddreg [dreg:$0x3];
	[sflag:s24] =	ssyncadd.s32 $0xFFFFDF80  }
0x81: {  	[spmem:s2] =	stream.indirect.scatter.add.f32 [tilespmem:s6], [sflag:$0xB], $0x68, s12, s7, $0xb8;
	[tilespmem:$0x1A3C0] =	vst v63  }
0x82: {  	_ =	swait.ge @!p1 [sflag:s5], $0x2080  }
0x83: {  	[sflag:s5] =	ssyncset.done @!p1 $0x0  }
0x84: {  	s15 =	sadd.s32 $0x28, s20;
	[sflag:s5] =	ssyncadd.s32 @!p1 $0xFFFFDF80  }
0x85: {  	[tilespmem:s25], [sflag:$0x5] =	stream.strided.gather [hbm4b:s15+s7], $0xA0, s8, s7, $0x38;
	[tilespmem:$0x1A3C0] =	vst v63  }
0x86: {  	_ =	swait.ge [sflag:s26], $0xA0  }
0x87: {  	[sflag:s26] =	ssyncset.done $0x0  }
0x88: {  	s16 =	rddreg [dreg:$0x4];
	[sflag:s26] =	ssyncadd.s32 $0xFFFFFF60  }
0x89: {  	[tilespmem:s16], [sflag:$0x9] =	stream.indirect.gather [hbm4b:s14+s7], $0x68, s21, s7, $0xb8;
	[tilespmem:$0x1A3C0] =	vst v63  }
0x8a: {  	_ =	swait.ge [sflag:s28], $0x2080  }
0x8b: {  	[sflag:s28] =	ssyncset.done $0x0  }
0x8c: {  	p1 =	por $0x0, $0x0;
	s18 =	rddreg [dreg:$0x5];
	[sflag:s28] =	ssyncadd.s32 $0xFFFFDF80  }
0x8d: {  	[spmem:s2] =	stream.indirect.scatter.add.f32 [tilespmem:s3], [sflag:$0xC], $0x68, s18, s7, $0xb8;
	[tilespmem:$0x1A3C0] =	vst v63  }
0x8e: {  	s1 =	sadd.s32 @!p1 $0x0, s13;
	_ =	swait.ge [sflag:s29], $0x2080  }
0x8f: {  	s4 =	simm.s32 @!p1 $0x50;
	s6 =	simm.s32 @!p1 $0x4E200;
	[sflag:s29] =	ssyncset.done $0x0  }
0x90: {  	s12 =	simm.s32 @!p1 $0xFE20;
	s5 =	sadd.s32 @!p1 $0x32, s1;
	[sflag:s29] =	ssyncadd.s32 $0xFFFFDF80  }
0x91: {  	[tilespmem:s12], [sflag:$0x1] =	stream.strided.gather @!p1 [hbm4b:s5+s4], $0xA0, s6, s4, $0x38;
	[tilespmem:$0x1A3C0] =	vst v63  }
0x92: {  	_ =	swait.ge [sflag:s30], $0xA0  }
0x93: {  	[sflag:s30] =	ssyncset.done $0x0  }
0x94: {  	[sflag:s30] =	ssyncadd.s32 $0xFFFFFF60  }
0x95: {  	[tilespmem:s9], [sflag:$0xA] =	stream.indirect.gather [hbm4b:s14+s7], $0x68, s25, s7, $0xb8;
	[tilespmem:$0x1A3C0] =	vst v63  }
0x96: {  	_ =	swait.ge [sflag:s31], $0x2080  }
0x97: {  	[sflag:s31] =	ssyncset.done $0x0  }
0x98: {  	s20 =	rddreg [dreg:$0x6];
	[sflag:s31] =	ssyncadd.s32 $0xFFFFDF80  }
0x99: {  	[spmem:s2] =	stream.indirect.scatter.add.f32 [tilespmem:s23], [sflag:$0xD], $0x68, s20, s7, $0xb8;
	[tilespmem:$0x1A3C0] =	vst v63  }
0x9a: {  	_ =	swait.ge [sflag:s10], $0x2080  }
0x9b: {  	[sflag:s10] =	ssyncset.done $0x0  }
0x9c: {  	s5 =	simm.s32 @p1 $0x9;
	[sflag:s10] =	ssyncadd.s32 $0xFFFFDF80  }
0x9d: {  	_ =	swait.ge @p1 [sflag:s5], $0x2080  }
0x9e: {  	s18 =	simm.s32 @p1 $0x162C0;
	[sflag:s5] =	ssyncset.done @p1 $0x0  }
0x9f: {  	s3 =	simm.s32 @p1 $0x50;
	[sflag:s5] =	ssyncadd.s32 @p1 $0xFFFFDF80;
	s5 =	simm.s32 @p1 $0x10050  }
0xa0: {  	[spmem:s2] =	stream.indirect.scatter.add.f32 @p1 [tilespmem:s18], [sflag:$0xE], $0x68, s5, s3, $0xb8;
	[tilespmem:$0x1A3C0] =	vst v63  }
0xa1: {  	s3 =	simm.s32 @p1 $0xD  }
0xa2: {  	_ =	swait.ge @p1 [sflag:s3], $0x2080  }
0xa3: {  	[sflag:s3] =	ssyncset.done @p1 $0x0  }
0xa4: {  	s5 =	sadd.s32 @!p1 $0x3C, s1;
	[sflag:s3] =	ssyncadd.s32 @p1 $0xFFFFDF80;
	s3 =	simm.s32 @!p1 $0xFEC0  }
0xa5: {  	[tilespmem:s3], [sflag:$0x2] =	stream.strided.gather @!p1 [hbm4b:s5+s4], $0xA0, s6, s4, $0x38;
	[tilespmem:$0x1A3C0] =	vst v63  }
0xa6: {  	s5 =	simm.s32 @!p1 $0x1  }
0xa7: {  	_ =	swait.ge @!p1 [sflag:s5], $0xA0  }
0xa8: {  	[sflag:s5] =	ssyncset.done @!p1 $0x0  }
0xa9: {  	[sflag:s5] =	ssyncadd.s32 @!p1 $0xFFFFFF60;
	s5 =	simm.s32 @!p1 $0x10140  }
0xaa: {  	[tilespmem:s5], [sflag:$0x6] =	stream.indirect.gather @!p1 [hbm4b:s14+s4], $0x68, s12, s4, $0xb8;
	[tilespmem:$0x1A3C0] =	vst v63  }
0xab: {  	s5 =	simm.s32 @!p1 $0x9  }
0xac: {  	_ =	swait.ge @!p1 [sflag:s5], $0x2080  }
0xad: {  	[sflag:s5] =	ssyncset.done @!p1 $0x0  }
0xae: {  	s12 =	simm.s32 @!p1 $0x10050;
	[sflag:s5] =	ssyncadd.s32 @!p1 $0xFFFFDF80;
	s5 =	simm.s32 @!p1 $0x162C0  }
0xaf: {  	[spmem:s2] =	stream.indirect.scatter.add.f32 @!p1 [tilespmem:s5], [sflag:$0xE], $0x68, s12, s4, $0xb8;
	[tilespmem:$0x1A3C0] =	vst v63  }
0xb0: {  	s5 =	simm.s32 @!p1 $0xD  }
0xb1: {  	_ =	swait.ge @!p1 [sflag:s5], $0x2080  }
0xb2: {  	[sflag:s5] =	ssyncset.done @!p1 $0x0  }
0xb3: {  	s1 =	sadd.s32 @!p1 $0x46, s1;
	[sflag:s5] =	ssyncadd.s32 @!p1 $0xFFFFDF80;
	s5 =	simm.s32 @!p1 $0xFF60  }
0xb4: {  	[tilespmem:s5], [sflag:$0x3] =	stream.strided.gather @!p1 [hbm4b:s1+s4], $0xA0, s6, s4, $0x38;
	[tilespmem:$0x1A3C0] =	vst v63  }
0xb5: {  	s1 =	simm.s32 @!p1 $0x2  }
0xb6: {  	_ =	swait.ge @!p1 [sflag:s1], $0xA0  }
0xb7: {  	[sflag:s1] =	ssyncset.done @!p1 $0x0  }
0xb8: {  	[sflag:s1] =	ssyncadd.s32 @!p1 $0xFFFFFF60;
	s1 =	simm.s32 @!p1 $0x121C0  }
0xb9: {  	[tilespmem:s1], [sflag:$0x7] =	stream.indirect.gather @!p1 [hbm4b:s14+s4], $0x68, s3, s4, $0xb8;
	[tilespmem:$0x1A3C0] =	vst v63  }
0xba: {  	p6 =	por $0x0, $0x0;
	_ =	swait.ge [sflag:s0], $0x2080  }
0xbb: {  	s5 =	simm.s32 $0x32;
	s6 =	simm.s32 $0x64;
	[sflag:s0] =	ssyncset.done $0x0  }
0xbc: {  	p1 =	por p6, p6;
	s4 =	rddreg [dreg:$0x7];
	[sflag:s0] =	ssyncadd.s32 $0xFFFFDF80  }
.LBB2_2:
0xbd: {  	s3 =	simm.s32 @!p1 $0xE  }
0xbe: {  	[spmem:s2] =	stream.indirect.scatter.add.f32 [tilespmem:s9], [sflag:$0xF], $0x68, s4, s7, $0xb8;
	[tilespmem:$0x1A3C0] =	vst v63  }
0xbf: {  	_ =	swait.ge @!p1 [sflag:s3], $0x2080  }
0xc0: {  	s18 =	sadd.s32 s5, s13;
	[sflag:s3] =	ssyncset.done @!p1 $0x0  }
0xc1: {  	s20 =	sadd.s32 $0x1E, s18;
	[sflag:s3] =	ssyncadd.s32 @!p1 $0xFFFFDF80  }
0xc2: {  	[tilespmem:s21], [sflag:$0x4] =	stream.strided.gather [hbm4b:s20+s7], $0xA0, s8, s7, $0x38;
	[tilespmem:$0x1A3C0] =	vst v63  }
0xc3: {  	_ =	swait.ge [sflag:s22], $0xA0  }
0xc4: {  	[sflag:s22] =	ssyncset.done $0x0  }
0xc5: {  	[sflag:s22] =	ssyncadd.s32 $0xFFFFFF60  }
0xc6: {  	[tilespmem:s23], [sflag:$0x8] =	stream.indirect.gather [hbm4b:s14+s7], $0x68, s17, s7, $0xb8;
	[tilespmem:$0x1A3C0] =	vst v63  }
0xc7: {  	_ =	swait.ge [sflag:s24], $0x2080  }
0xc8: {  	[sflag:s24] =	ssyncset.done $0x0  }
0xc9: {  	s12 =	simm.s32 @!p1 $0xF;
	s11 =	rddreg [dreg:$0x3];
	[sflag:s24] =	ssyncadd.s32 $0xFFFFDF80  }
0xca: {  	[spmem:s2] =	stream.indirect.scatter.add.f32 [tilespmem:s19], [sflag:$0xB], $0x68, s11, s7, $0xb8;
	[tilespmem:$0x1A3C0] =	vst v63  }
0xcb: {  	_ =	swait.ge @!p1 [sflag:s12], $0x2080  }
0xcc: {  	[sflag:s12] =	ssyncset.done @!p1 $0x0  }
0xcd: {  	[sflag:s12] =	ssyncadd.s32 @!p1 $0xFFFFDF80;
	s12 =	sadd.s32 $0x28, s18  }
0xce: {  	[tilespmem:s25], [sflag:$0x5] =	stream.strided.gather [hbm4b:s12+s7], $0xA0, s8, s7, $0x38;
	[tilespmem:$0x1A3C0] =	vst v63  }
0xcf: {  	_ =	swait.ge [sflag:s26], $0xA0  }
0xd0: {  	[sflag:s26] =	ssyncset.done $0x0  }
0xd1: {  	s15 =	rddreg [dreg:$0x4];
	[sflag:s26] =	ssyncadd.s32 $0xFFFFFF60  }
0xd2: {  	[tilespmem:s15], [sflag:$0x9] =	stream.indirect.gather [hbm4b:s14+s7], $0x68, s21, s7, $0xb8;
	[tilespmem:$0x1A3C0] =	vst v63  }
0xd3: {  	p3 =	seq.s32 s6, $0x0;
	_ =	swait.ge [sflag:s28], $0x2080  }
0xd4: {  	p1 =	por p3, p3;
	s18 =	simm.s32 $0x121C0;
	[sflag:s28] =	ssyncset.done $0x0  }
0xd5: {  	p3 =	seq.s32 s5, $0x4B0;
	s16 =	rddreg [dreg:$0x5];
	[sflag:s28] =	ssyncadd.s32 $0xFFFFDF80  }
0xd6: {  	[spmem:s2] =	stream.indirect.scatter.add.f32 [tilespmem:s18], [sflag:$0xC], $0x68, s16, s7, $0xb8;
	[tilespmem:$0x1A3C0] =	vst v63  }
0xd7: {  	s3 =	sadd.s32 @!p3 s5, s13;
	_ =	swait.ge [sflag:s29], $0x2080  }
0xd8: {  	s12 =	simm.s32 @!p3 $0x50;
	s5 =	sadd.s32 @!p3 $0x32, s3;
	[sflag:s29] =	ssyncset.done $0x0  }
0xd9: {  	s15 =	simm.s32 @!p3 $0xFE20;
	s18 =	simm.s32 @!p3 $0x4E200;
	[sflag:s29] =	ssyncadd.s32 $0xFFFFDF80  }
0xda: {  	[tilespmem:s15], [sflag:$0x1] =	stream.strided.gather @!p3 [hbm4b:s5+s12], $0xA0, s18, s12, $0x38;
	[tilespmem:$0x1A3C0] =	vst v63  }
0xdb: {  	_ =	swait.ge [sflag:s30], $0xA0  }
0xdc: {  	[sflag:s30] =	ssyncset.done $0x0  }
0xdd: {  	[sflag:s30] =	ssyncadd.s32 $0xFFFFFF60  }
0xde: {  	[tilespmem:s9], [sflag:$0xA] =	stream.indirect.gather [hbm4b:s14+s7], $0x68, s25, s7, $0xb8;
	[tilespmem:$0x1A3C0] =	vst v63  }
0xdf: {  	_ =	swait.ge [sflag:s31], $0x2080  }
0xe0: {  	[sflag:s31] =	ssyncset.done $0x0  }
0xe1: {  	s20 =	rddreg [dreg:$0x6];
	[sflag:s31] =	ssyncadd.s32 $0xFFFFDF80  }
0xe2: {  	[spmem:s2] =	stream.indirect.scatter.add.f32 [tilespmem:s23], [sflag:$0xD], $0x68, s20, s7, $0xb8;
	[tilespmem:$0x1A3C0] =	vst v63  }
0xe3: {  	_ =	swait.ge [sflag:s10], $0x2080  }
0xe4: {  	s1 =	smov.u32 s6;
	[sflag:s10] =	ssyncset.done $0x0  }
0xe5: {  	s5 =	smov.u32 s1;
	s1 =	simm.s32 @p3 $0x9;
	[sflag:s10] =	ssyncadd.s32 $0xFFFFDF80  }
0xe6: {  	s11 =	simm.s32 @p3 $0x10050;
	s4 =	sadd.s32 @!p3 $0x46, s3;
	_ =	swait.ge @p3 [sflag:s1], $0x2080  }
0xe7: {  	s16 =	sadd.s32 @!p3 $0x3C, s3;
	s3 =	simm.s32 @p3 $0x162C0;
	[sflag:s1] =	ssyncset.done @p3 $0x0  }
0xe8: {  	s20 =	simm.s32 @p3 $0x50;
	[sflag:s1] =	ssyncadd.s32 @p3 $0xFFFFDF80;
	s1 =	simm.s32 @p3 $0xD  }
0xe9: {  	[spmem:s2] =	stream.indirect.scatter.add.f32 @p3 [tilespmem:s3], [sflag:$0xE], $0x68, s11, s20, $0xb8;
	[tilespmem:$0x1A3C0] =	vst v63  }
0xea: {  	_ =	swait.ge @p3 [sflag:s1], $0x2080  }
0xeb: {  	[sflag:s1] =	ssyncset.done @p3 $0x0  }
0xec: {  	s3 =	simm.s32 @!p3 $0xFEC0;
	[sflag:s1] =	ssyncadd.s32 @p3 $0xFFFFDF80;
	s1 =	simm.s32 @!p3 $0x1  }
0xed: {  	[tilespmem:s3], [sflag:$0x2] =	stream.strided.gather @!p3 [hbm4b:s16+s12], $0xA0, s18, s12, $0x38;
	[tilespmem:$0x1A3C0] =	vst v63  }
0xee: {  	_ =	swait.ge @!p3 [sflag:s1], $0xA0  }
0xef: {  	[sflag:s1] =	ssyncset.done @!p3 $0x0  }
0xf0: {  	s11 =	simm.s32 @!p3 $0x10140;
	[sflag:s1] =	ssyncadd.s32 @!p3 $0xFFFFFF60;
	s1 =	simm.s32 @!p3 $0x9  }
0xf1: {  	[tilespmem:s11], [sflag:$0x6] =	stream.indirect.gather @!p3 [hbm4b:s14+s12], $0x68, s15, s12, $0xb8;
	[tilespmem:$0x1A3C0] =	vst v63  }
0xf2: {  	_ =	swait.ge @!p3 [sflag:s1], $0x2080  }
0xf3: {  	s11 =	simm.s32 @!p3 $0x10050;
	[sflag:s1] =	ssyncset.done @!p3 $0x0  }
0xf4: {  	s15 =	simm.s32 @!p3 $0x162C0;
	[sflag:s1] =	ssyncadd.s32 @!p3 $0xFFFFDF80;
	s1 =	simm.s32 @!p3 $0xD  }
0xf5: {  	[spmem:s2] =	stream.indirect.scatter.add.f32 @!p3 [tilespmem:s15], [sflag:$0xE], $0x68, s11, s12, $0xb8;
	[tilespmem:$0x1A3C0] =	vst v63  }
0xf6: {  	_ =	swait.ge @!p3 [sflag:s1], $0x2080  }
0xf7: {  	[sflag:s1] =	ssyncset.done @!p3 $0x0  }
0xf8: {  	s11 =	simm.s32 @!p3 $0xFF60;
	[sflag:s1] =	ssyncadd.s32 @!p3 $0xFFFFDF80;
	s1 =	simm.s32 @!p3 $0x2  }
0xf9: {  	[tilespmem:s11], [sflag:$0x3] =	stream.strided.gather @!p3 [hbm4b:s4+s12], $0xA0, s18, s12, $0x38;
	[tilespmem:$0x1A3C0] =	vst v63  }
0xfa: {  	s6 =	sadd.s32 $0x32, s6;
	_ =	swait.ge @!p3 [sflag:s1], $0xA0  }
0xfb: {  	p2 =	sne.s32 s6, $0x4E2;
	[sflag:s1] =	ssyncset.done @!p3 $0x0  }
.Ltmp0:
0xfc: {  	s4 =	simm.s32 @!p3 $0x121C0;
	[sflag:s1] =	ssyncadd.s32 @!p3 $0xFFFFFF60;
	(pc) =	sbr.rel @p2 .LBB2_2-.Ltmp0, $4  }
0xfd: {  	[tilespmem:s4], [sflag:$0x7] =	stream.indirect.gather @!p3 [hbm4b:s14+s12], $0x68, s3, s12, $0xb8;
	[tilespmem:$0x1A3C0] =	vst v63  }
0xfe: {  	_ =	swait.ge [sflag:s0], $0x2080  }
0xff: {  	[sflag:s0] =	ssyncset.done $0x0  }
0x100: {  	s4 =	rddreg [dreg:$0x7];
	[sflag:s0] =	ssyncadd.s32 $0xFFFFDF80  }
0x101: {  	s1 =	simm.s32 @!p1 $0xE  }
0x102: {  	[spmem:s2] =	stream.indirect.scatter.add.f32 [tilespmem:s9], [sflag:$0xF], $0x68, s4, s7, $0xb8;
	[tilespmem:$0x1A3C0] =	vst v63  }
0x103: {  	_ =	swait.ge @!p1 [sflag:s1], $0x2080  }
0x104: {  	s3 =	sadd.s32 s5, s13;
	[sflag:s1] =	ssyncset.done @!p1 $0x0  }
0x105: {  	s6 =	sadd.s32 $0x1E, s3;
	[sflag:s1] =	ssyncadd.s32 @!p1 $0xFFFFDF80  }
0x106: {  	[tilespmem:s21], [sflag:$0x4] =	stream.strided.gather [hbm4b:s6+s7], $0xA0, s8, s7, $0x38;
	[tilespmem:$0x1A3C0] =	vst v63  }
0x107: {  	_ =	swait.ge [sflag:s22], $0xA0  }
0x108: {  	[sflag:s22] =	ssyncset.done $0x0  }
0x109: {  	[sflag:s22] =	ssyncadd.s32 $0xFFFFFF60  }
0x10a: {  	[tilespmem:s23], [sflag:$0x8] =	stream.indirect.gather [hbm4b:s14+s7], $0x68, s17, s7, $0xb8;
	[tilespmem:$0x1A3C0] =	vst v63  }
0x10b: {  	_ =	swait.ge [sflag:s24], $0x2080  }
0x10c: {  	[sflag:s24] =	ssyncset.done $0x0  }
0x10d: {  	s4 =	simm.s32 @!p1 $0xF;
	s11 =	rddreg [dreg:$0x3];
	[sflag:s24] =	ssyncadd.s32 $0xFFFFDF80  }
0x10e: {  	[spmem:s2] =	stream.indirect.scatter.add.f32 [tilespmem:s19], [sflag:$0xB], $0x68, s11, s7, $0xb8;
	[tilespmem:$0x1A3C0] =	vst v63  }
0x10f: {  	_ =	swait.ge @!p1 [sflag:s4], $0x2080  }
0x110: {  	[sflag:s4] =	ssyncset.done @!p1 $0x0  }
0x111: {  	s12 =	sadd.s32 $0x28, s3;
	[sflag:s4] =	ssyncadd.s32 @!p1 $0xFFFFDF80  }
0x112: {  	[tilespmem:s25], [sflag:$0x5] =	stream.strided.gather [hbm4b:s12+s7], $0xA0, s8, s7, $0x38;
	[tilespmem:$0x1A3C0] =	vst v63  }
0x113: {  	_ =	swait.ge [sflag:s26], $0xA0  }
0x114: {  	[sflag:s26] =	ssyncset.done $0x0  }
0x115: {  	s15 =	rddreg [dreg:$0x4];
	[sflag:s26] =	ssyncadd.s32 $0xFFFFFF60  }
0x116: {  	[tilespmem:s15], [sflag:$0x9] =	stream.indirect.gather [hbm4b:s14+s7], $0x68, s21, s7, $0xb8;
	[tilespmem:$0x1A3C0] =	vst v63  }
0x117: {  	_ =	swait.ge [sflag:s28], $0x2080  }
0x118: {  	s18 =	simm.s32 $0x121C0;
	[sflag:s28] =	ssyncset.done $0x0  }
0x119: {  	p1 =	seq.s32 s5, $0x4B0;
	s16 =	rddreg [dreg:$0x5];
	[sflag:s28] =	ssyncadd.s32 $0xFFFFDF80  }
0x11a: {  	[spmem:s2] =	stream.indirect.scatter.add.f32 [tilespmem:s18], [sflag:$0xC], $0x68, s16, s7, $0xb8;
	[tilespmem:$0x1A3C0] =	vst v63  }
0x11b: {  	s1 =	sadd.s32 @!p1 s5, s13;
	_ =	swait.ge [sflag:s29], $0x2080  }
0x11c: {  	s3 =	simm.s32 @!p1 $0x50;
	s5 =	simm.s32 @!p1 $0x4E200;
	[sflag:s29] =	ssyncset.done $0x0  }
0x11d: {  	s6 =	simm.s32 @!p1 $0xFE20;
	s4 =	sadd.s32 @!p1 $0x32, s1;
	[sflag:s29] =	ssyncadd.s32 $0xFFFFDF80  }
0x11e: {  	[tilespmem:s6], [sflag:$0x1] =	stream.strided.gather @!p1 [hbm4b:s4+s3], $0xA0, s5, s3, $0x38;
	[tilespmem:$0x1A3C0] =	vst v63  }
0x11f: {  	_ =	swait.ge [sflag:s30], $0xA0  }
0x120: {  	[sflag:s30] =	ssyncset.done $0x0  }
0x121: {  	[sflag:s30] =	ssyncadd.s32 $0xFFFFFF60  }
0x122: {  	[tilespmem:s9], [sflag:$0xA] =	stream.indirect.gather [hbm4b:s14+s7], $0x68, s25, s7, $0xb8;
	[tilespmem:$0x1A3C0] =	vst v63  }
0x123: {  	_ =	swait.ge [sflag:s31], $0x2080  }
0x124: {  	[sflag:s31] =	ssyncset.done $0x0  }
0x125: {  	s20 =	rddreg [dreg:$0x6];
	[sflag:s31] =	ssyncadd.s32 $0xFFFFDF80  }
0x126: {  	[spmem:s2] =	stream.indirect.scatter.add.f32 [tilespmem:s23], [sflag:$0xD], $0x68, s20, s7, $0xb8;
	[tilespmem:$0x1A3C0] =	vst v63  }
0x127: {  	_ =	swait.ge [sflag:s10], $0x2080  }
0x128: {  	[sflag:s10] =	ssyncset.done $0x0  }
0x129: {  	s4 =	simm.s32 @p1 $0x9;
	[sflag:s10] =	ssyncadd.s32 $0xFFFFDF80  }
0x12a: {  	_ =	swait.ge @p1 [sflag:s4], $0x2080  }
0x12b: {  	s11 =	simm.s32 @p1 $0x162C0;
	[sflag:s4] =	ssyncset.done @p1 $0x0  }
0x12c: {  	s12 =	simm.s32 @p1 $0x50;
	[sflag:s4] =	ssyncadd.s32 @p1 $0xFFFFDF80;
	s4 =	simm.s32 @p1 $0x10050  }
0x12d: {  	[spmem:s2] =	stream.indirect.scatter.add.f32 @p1 [tilespmem:s11], [sflag:$0xE], $0x68, s4, s12, $0xb8;
	[tilespmem:$0x1A3C0] =	vst v63  }
0x12e: {  	s4 =	simm.s32 @p1 $0xD  }
0x12f: {  	_ =	swait.ge @p1 [sflag:s4], $0x2080  }
0x130: {  	[sflag:s4] =	ssyncset.done @p1 $0x0  }
0x131: {  	s11 =	sadd.s32 @!p1 $0x3C, s1;
	[sflag:s4] =	ssyncadd.s32 @p1 $0xFFFFDF80;
	s4 =	simm.s32 @!p1 $0xFEC0  }
0x132: {  	[tilespmem:s4], [sflag:$0x2] =	stream.strided.gather @!p1 [hbm4b:s11+s3], $0xA0, s5, s3, $0x38;
	[tilespmem:$0x1A3C0] =	vst v63  }
0x133: {  	s11 =	simm.s32 @!p1 $0x1  }
0x134: {  	_ =	swait.ge @!p1 [sflag:s11], $0xA0  }
0x135: {  	[sflag:s11] =	ssyncset.done @!p1 $0x0  }
0x136: {  	[sflag:s11] =	ssyncadd.s32 @!p1 $0xFFFFFF60;
	s11 =	simm.s32 @!p1 $0x10140  }
0x137: {  	[tilespmem:s11], [sflag:$0x6] =	stream.indirect.gather @!p1 [hbm4b:s14+s3], $0x68, s6, s3, $0xb8;
	[tilespmem:$0x1A3C0] =	vst v63  }
0x138: {  	s6 =	simm.s32 @!p1 $0x9  }
0x139: {  	_ =	swait.ge @!p1 [sflag:s6], $0x2080  }
0x13a: {  	[sflag:s6] =	ssyncset.done @!p1 $0x0  }
0x13b: {  	s11 =	simm.s32 @!p1 $0x10050;
	[sflag:s6] =	ssyncadd.s32 @!p1 $0xFFFFDF80;
	s6 =	simm.s32 @!p1 $0x162C0  }
0x13c: {  	[spmem:s2] =	stream.indirect.scatter.add.f32 @!p1 [tilespmem:s6], [sflag:$0xE], $0x68, s11, s3, $0xb8;
	[tilespmem:$0x1A3C0] =	vst v63  }
0x13d: {  	s6 =	simm.s32 @!p1 $0xD  }
0x13e: {  	_ =	swait.ge @!p1 [sflag:s6], $0x2080  }
0x13f: {  	[sflag:s6] =	ssyncset.done @!p1 $0x0  }
0x140: {  	s1 =	sadd.s32 @!p1 $0x46, s1;
	[sflag:s6] =	ssyncadd.s32 @!p1 $0xFFFFDF80;
	s6 =	simm.s32 @!p1 $0xFF60  }
0x141: {  	[tilespmem:s6], [sflag:$0x3] =	stream.strided.gather @!p1 [hbm4b:s1+s3], $0xA0, s5, s3, $0x38;
	[tilespmem:$0x1A3C0] =	vst v63  }
0x142: {  	s1 =	simm.s32 @!p1 $0x2  }
0x143: {  	_ =	swait.ge @!p1 [sflag:s1], $0xA0  }
0x144: {  	[sflag:s1] =	ssyncset.done @!p1 $0x0  }
0x145: {  	[sflag:s1] =	ssyncadd.s32 @!p1 $0xFFFFFF60;
	s1 =	simm.s32 @!p1 $0x121C0  }
0x146: {  	[tilespmem:s1], [sflag:$0x7] =	stream.indirect.gather @!p1 [hbm4b:s14+s3], $0x68, s4, s3, $0xb8;
	[tilespmem:$0x1A3C0] =	vst v63  }
0x147: {  	_ =	swait.ge [sflag:s0], $0x2080  }
0x148: {  	[sflag:s0] =	ssyncset.done $0x0  }
0x149: {  	s6 =	simm.s32 $0xE;
	s5 =	rddreg [dreg:$0x7];
	[sflag:s0] =	ssyncadd.s32 $0xFFFFDF80  }
0x14a: {  	[spmem:s2] =	stream.indirect.scatter.add.f32 [tilespmem:s9], [sflag:$0xF], $0x68, s5, s7, $0xb8;
	[tilespmem:$0x1A3C0] =	vst v63  }
0x14b: {  	_ =	swait.ge [sflag:s6], $0x2080  }
0x14c: {  	[sflag:s6] =	ssyncset.done $0x0  }
0x14d: {  	s11 =	simm.s32 $0xF;
	[sflag:s6] =	ssyncadd.s32 $0xFFFFDF80  }
0x14e: {  	_ =	swait.ge [sflag:s11], $0x2080  }
0x14f: {  	[sflag:s11] =	ssyncset.done $0x0  }
0x150: {  	[sflag:s11] =	ssyncadd.s32 $0xFFFFDF80  }
0x151: {  	[bflag:$0x0] =	sbarrier.arrive $0xFFFF  }
0x152: {  	s12 =	rddreg [dreg:$0x9]  }
0x153: {  	s15 =	rddreg [dreg:$0x13]  }
0x154: {  	s16 =	rddreg [dreg:$0x1f]  }
0x155: {  	[hbm:s12], [sflag:s15] =	dma.local [spmem:s16], $0x410  }
0x156: {  	s3 =	sld [smem:$0x7F7];
	_ =	sdelay $0x1  }
0x157: {  	s1 =	rddreg [dreg:$0xa]  }
0x158: {  	[hbm:s1], [sflag:s15] =	dma.local [spmem:s3], $0x410  }
0x159: {  	s3 =	sld [smem:$0x7F8];
	_ =	sdelay $0x1  }
0x15a: {  	s1 =	rddreg [dreg:$0xb]  }
0x15b: {  	[hbm:s1], [sflag:s15] =	dma.local [spmem:s3], $0x410  }
0x15c: {  	s3 =	sld [smem:$0x7F9];
	_ =	sdelay $0x1  }
0x15d: {  	s1 =	rddreg [dreg:$0xc]  }
0x15e: {  	[hbm:s1], [sflag:s15] =	dma.local [spmem:s3], $0x410  }
0x15f: {  	s3 =	sld [smem:$0x7FA];
	_ =	sdelay $0x1  }
0x160: {  	s1 =	rddreg [dreg:$0xd]  }
0x161: {  	[hbm:s1], [sflag:s15] =	dma.local [spmem:s3], $0x410  }
0x162: {  	s3 =	sld [smem:$0x7FB];
	_ =	sdelay $0x1  }
0x163: {  	s1 =	rddreg [dreg:$0xe]  }
0x164: {  	[hbm:s1], [sflag:s15] =	dma.local [spmem:s3], $0x410  }
0x165: {  	s3 =	sld [smem:$0x7FC];
	_ =	sdelay $0x1  }
0x166: {  	s1 =	rddreg [dreg:$0xf]  }
0x167: {  	[hbm:s1], [sflag:s15] =	dma.local [spmem:s3], $0x410  }
0x168: {  	s3 =	sld [smem:$0x7FD];
	_ =	sdelay $0x1  }
0x169: {  	s11 =	simm.s32 $0x10;
	s1 =	rddreg [dreg:$0x10]  }
0x16a: {  	[hbm:s1], [sflag:s15] =	dma.local @!p0 [spmem:s3], $0x410  }
0x16b: {  	_ =	swait.ge [sflag:s11], $0x410  }
0x16c: {  	[sflag:s11] =	ssyncset.done $0x0  }
0x16d: {  	[sflag:s11] =	ssyncadd.s32 $0xFFFFFBF0  }
0x16e: {  	_ =	swait.ge [sflag:s11], $0x410  }
0x16f: {  	[sflag:s11] =	ssyncset.done $0x0  }
0x170: {  	[sflag:s11] =	ssyncadd.s32 $0xFFFFFBF0  }
0x171: {  	_ =	swait.ge [sflag:s11], $0x410  }
0x172: {  	[sflag:s11] =	ssyncset.done $0x0  }
0x173: {  	[sflag:s11] =	ssyncadd.s32 $0xFFFFFBF0  }
0x174: {  	_ =	swait.ge [sflag:s11], $0x410  }
0x175: {  	[sflag:s11] =	ssyncset.done $0x0  }
0x176: {  	[sflag:s11] =	ssyncadd.s32 $0xFFFFFBF0  }
0x177: {  	_ =	swait.ge [sflag:s11], $0x410  }
0x178: {  	[sflag:s11] =	ssyncset.done $0x0  }
0x179: {  	[sflag:s11] =	ssyncadd.s32 $0xFFFFFBF0  }
0x17a: {  	_ =	swait.ge [sflag:s11], $0x410  }
0x17b: {  	[sflag:s11] =	ssyncset.done $0x0  }
0x17c: {  	[sflag:s11] =	ssyncadd.s32 $0xFFFFFBF0  }
0x17d: {  	_ =	swait.ge [sflag:s11], $0x410  }
0x17e: {  	[sflag:s11] =	ssyncset.done $0x0  }
0x17f: {  	s1 =	simm.s32 @!p0 $0x10;
	[sflag:s11] =	ssyncadd.s32 $0xFFFFFBF0  }
0x180: {  	_ =	swait.ge @!p0 [sflag:s1], $0x410  }
0x181: {  	s18 =	rddreg [dreg:$0x8]  }
0x182: {  	s20 =	rddreg [dreg:$0x16];
	s3 =	sadd.s32 $0x1, s18  }
0x183: {  	p1 =	sne.s32 s3, s20  }
.Ltmp1:
0x184: {  	_ = 	snop;
	(pc) =	sbr.rel @p1 .LBB2_1-.Ltmp1, $3  }
0x185: {  	_ =	sdelay $0x1  }
0x186: {  	[sflag:s1] =	ssyncset.done @!p0 $0x0  }
0x187: {  	[sflag:s1] =	ssyncadd.s32 @!p0 $0xFFFFFBF0;
	[dreg:$0x8] =	wrdreg s3  }
0x188: {  	_ =	sfence.sel $0x180000  }
0x189: {  	[bflag:$0x0] =	sbarrier.arrive $0xFFFF  }
0x18a: {  	_ =	strace $0x90000047  }
0x18b: {  	s0 =	stileid.u32;
	[bflag:$0x2] =	sbarrier.arrive $0xFFFF  }
0x18c: {  	p0 =	sne.s32 s0, $0x0;
	s0 =	rddreg [dreg:$0x2]  }
0x18d: {  	s0 =	sadd.s32 @!p0 $0x100000, s0  }
0x18e: {  	[sflag:s0] =	ssyncadd.tile.s32 @!p0 $0x1;
	_ =	shalt  }
.Lfunc_end2:
_tile_overlayer_lowered:
.L_overlay_start_2:
0x18f: {  	(tag) =	ssettag $0x2  }
0x190: {  	s0 =	rddreg [dreg:$0x0];
	s2 =	stileid.u32  }
0x191: {  	s1 =	rddreg [dreg:$0x1];
	p0 =	sne.s32 s2, $0x0  }
0x192: {  	s3 =	rddreg [dreg:$0x2];
	[bflag:$0x3] =	sbarrier.arrive $0xFFFF;
	s2 =	simm.s32 @!p0 $0x1C11  }
0x193: {  	[timem:s3], [sflag:s2] =	dma.local @!p0 [hbm:s0], s1  }
0x194: {  	s0 =	simm.s32 @!p0 $0x11  }
0x195: {  	_ =	swait.ge @!p0 [sflag:s0], s1  }
0x196: {  	s1 =	ssub.s32 @!p0 $0x0, s1;
	[sflag:s0] =	ssyncset.done @!p0 $0x0  }
0x197: {  	[sflag:s0] =	ssyncadd.s32 @!p0 s1  }
0x198: {  	[bflag:$0x3] =	sbarrier.arrive $0xFFFF  }
0x199: {  	_ =	shalt  }

</sc_bundles>
